<compile_context>
chip_gen: v7x
topology: tpu7x:2x2x1
jax: 0.10.2.dev20260603
libtpu: 0.0.44.dev20260713+nightly
codegen_flags: <defaults>
</compile_context>

<pallas_src>
import functools

import jax
import jax.numpy as jnp
from jax import lax
from jax.experimental import pallas as pl
from jax.experimental.pallas import tpu as pltpu
from jax.experimental.pallas import tpu_sc as plsc

NE = 16
NT = 4096
NA = 2 * NT
BLK = 256
NBMAX = NA // BLK + NE
CAP = NBMAX * BLK
CHUNK = 512
NCHUNK = NA // CHUNK
NC, NS = 2, 16
NW = NC * NS
TPW = NT // NW
TB = 1024
RPC = 64
NDCH = TPW // RPC
DP = 512
TPC = 16
NCCH = TPW // TPC


def _routing_body(x_ref, wr_ref, br_ref, xp_ref, s0_ref, s1_ref, w_ref,
                  bexp_ref, probs_ref, oh_ref, call_ref, p_ref):
    t = pl.program_id(0)
    xb = x_ref[...]

    def b16top(v):
        tt = lax.bitcast_convert_type(v, jnp.int32)
        r = tt + 0x7FFF + (lax.shift_right_logical(tt, 16) & 1)
        return r & jnp.int32(-65536)

    xp_ref[...] = (
        lax.shift_right_logical(b16top(xb[:, :DP]), 16) | b16top(xb[:, DP:])
    )
    logits = (
        jnp.dot(xb, wr_ref[...], preferred_element_type=jnp.float32)
        + br_ref[...]
    )
    m = jnp.max(logits, axis=-1, keepdims=True)
    ex = jnp.exp(logits - m)
    probs_ref[pl.ds(t * TB, TB), :] = ex / jnp.sum(ex, axis=-1, keepdims=True)

    @pl.when(t == NT // TB - 1)
    def _routing_tail():
        probs = probs_ref[...]
        lane = lax.broadcasted_iota(jnp.int32, probs.shape, 1)
        m1 = jnp.max(probs, axis=-1, keepdims=True)
        a1 = jnp.min(jnp.where(probs == m1, lane, NE), axis=-1, keepdims=True)
        rest = jnp.where(lane == a1, -jnp.inf, probs)
        m2 = jnp.max(rest, axis=-1, keepdims=True)
        a2 = jnp.min(jnp.where(rest == m2, lane, NE), axis=-1, keepdims=True)
        w_ref[:, 0:1] = m1
        w_ref[:, 1:2] = m2
        oh_ref[0:NT] = (lane == a1).astype(jnp.float32)
        oh_ref[NT:NA] = (lane == a2).astype(jnp.float32)

        r_i = lax.broadcasted_iota(jnp.int32, (CHUNK, CHUNK), 0)
        c_i = lax.broadcasted_iota(jnp.int32, (CHUNK, CHUNK), 1)
        tri = (r_i >= c_i).astype(jnp.float32)

        def chunk_cumsum(c, _):
            oc = oh_ref[pl.ds(c * CHUNK, CHUNK), :]
            cc = jnp.dot(tri, oc, preferred_element_type=jnp.float32)
            call_ref[pl.ds(c * CHUNK, CHUNK), :] = cc
            p_ref[pl.ds(c, 1), :] = cc[CHUNK - 1 : CHUNK, :]
            return 0

        lax.fori_loop(0, NCHUNK, chunk_cumsum, 0)

        rn = lax.broadcasted_iota(jnp.int32, (NCHUNK, NCHUNK), 0)
        cn = lax.broadcasted_iota(jnp.int32, (NCHUNK, NCHUNK), 1)
        trin = (rn > cn).astype(jnp.float32)
        totals = p_ref[...]
        pref = jnp.dot(trin, totals, preferred_element_type=jnp.float32)
        counts = pref[NCHUNK - 1 : NCHUNK, :] + totals[NCHUNK - 1 : NCHUNK, :]

        nb = jnp.floor((counts + (BLK - 1)) * (1.0 / BLK))
        le = lax.broadcasted_iota(jnp.int32, (NE, NE), 0)
        lf = lax.broadcasted_iota(jnp.int32, (NE, NE), 1)
        u_excl = (le < lf).astype(jnp.float32)
        u_incl = (le <= lf).astype(jnp.float32)
        start_rows = BLK * jnp.dot(nb, u_excl, preferred_element_type=jnp.float32)
        cum_incl = jnp.dot(nb, u_incl, preferred_element_type=jnp.float32)
        total_blocks = cum_incl[0:1, NE - 1 : NE]
        bi = lax.broadcasted_iota(jnp.int32, (NBMAX, NE), 0).astype(jnp.float32)
        bexp = jnp.sum((cum_incl <= bi).astype(jnp.float32), axis=-1, keepdims=True)
        act = bi[:, 0:1] < total_blocks
        bexp_ref[...] = jnp.where(act, bexp, NE - 1.0).astype(jnp.int32)

        p_ref[...] = pref

        def chunk_slot(c, _):
            oc = oh_ref[pl.ds(c * CHUNK, CHUNK), :]
            r_incl = call_ref[pl.ds(c * CHUNK, CHUNK), :] + p_ref[pl.ds(c, 1), :]
            r_excl = r_incl - oc
            slot = jnp.sum((start_rows + r_excl) * oc, axis=-1, keepdims=True)
            half = c < (NCHUNK // 2)
            slot_i = slot.astype(jnp.int32)

            @pl.when(half)
            def _():
                s0_ref[pl.ds(c * CHUNK, CHUNK), :] = slot_i

            @pl.when(jnp.logical_not(half))
            def _():
                s1_ref[pl.ds(c * CHUNK - NT, CHUNK), :] = slot_i

            return 0

        lax.fori_loop(0, NCHUNK, chunk_slot, 0)


def _routing(x, Wr, br):
    n, d = x.shape
    return pl.pallas_call(
        _routing_body,
        grid=(n // TB,),
        in_specs=[
            pl.BlockSpec((TB, d), lambda t: (t, 0)),
            pl.BlockSpec((d, NE), lambda t: (0, 0)),
            pl.BlockSpec((1, NE), lambda t: (0, 0)),
        ],
        out_specs=[
            pl.BlockSpec((TB, DP), lambda t: (t, 0)),
            pl.BlockSpec((NT, 1), lambda t: (0, 0)),
            pl.BlockSpec((NT, 1), lambda t: (0, 0)),
            pl.BlockSpec((NT, 2), lambda t: (0, 0)),
            pl.BlockSpec((NBMAX, 1), lambda t: (0, 0)),
        ],
        out_shape=[
            jax.ShapeDtypeStruct((NT, DP), jnp.int32),
            jax.ShapeDtypeStruct((NT, 1), jnp.int32),
            jax.ShapeDtypeStruct((NT, 1), jnp.int32),
            jax.ShapeDtypeStruct((NT, 2), jnp.float32),
            jax.ShapeDtypeStruct((NBMAX, 1), jnp.int32),
        ],
        scratch_shapes=[
            pltpu.VMEM((NT, NE), jnp.float32),
            pltpu.VMEM((NA, NE), jnp.float32),
            pltpu.VMEM((NA, NE), jnp.float32),
            pltpu.VMEM((NCHUNK, NE), jnp.float32),
        ],
        compiler_params=pltpu.CompilerParams(dimension_semantics=("arbitrary",)),
    )(x, Wr, br.reshape(1, NE))


def _dispatch_body(
    x_hbm, s0_hbm, s1_hbm, xs_hbm,
    rows_a, rows_b, i0_s, i1_s, sem_ld, sem_st,
):
    wid = lax.axis_index("s") * NC + lax.axis_index("c")
    bufs = (rows_a, rows_b)
    pltpu.sync_copy(s0_hbm.at[wid], i0_s)
    pltpu.sync_copy(s1_hbm.at[wid], i1_s)

    base0 = wid * TPW
    ld = pltpu.async_copy(x_hbm.at[pl.ds(base0, RPC)], rows_a, sem_ld)
    for ch in range(NDCH):
        cur = bufs[ch % 2]
        ld.wait()
        if ch + 1 < NDCH:
            ld = pltpu.async_copy(
                x_hbm.at[pl.ds(base0 + (ch + 1) * RPC, RPC)], bufs[(ch + 1) % 2],
                sem_ld,
            )
        h0 = pltpu.async_copy(cur, xs_hbm.at[i0_s.at[ch]], sem_st)
        h1 = pltpu.async_copy(cur, xs_hbm.at[i1_s.at[ch]], sem_st)
        h0.wait()
        h1.wait()


def _dispatch(xp, s0_3d, s1_3d):
    d = xp.shape[1]
    mesh = plsc.VectorSubcoreMesh(
        core_axis_name="c", subcore_axis_name="s", num_cores=NC, num_subcores=NS
    )
    f = functools.partial(
        pl.kernel,
        out_type=jax.ShapeDtypeStruct((CAP, d), jnp.int32),
        mesh=mesh,
        scratch_types=[
            pltpu.VMEM((RPC, d), jnp.int32),
            pltpu.VMEM((RPC, d), jnp.int32),
            pltpu.VMEM((NDCH, RPC), jnp.int32),
            pltpu.VMEM((NDCH, RPC), jnp.int32),
            pltpu.SemaphoreType.DMA,
            pltpu.SemaphoreType.DMA,
        ],
    )(_dispatch_body)
    return f(xp, s0_3d, s1_3d)


def _gmm_body(bexp_smem, x_ref, we_ref, be_ref, y_ref):
    del bexp_smem
    xw = x_ref[...]
    xlo = lax.bitcast_convert_type(lax.shift_left(xw, 16), jnp.float32)
    xhi = lax.bitcast_convert_type(xw & jnp.int32(-65536), jnp.float32)
    we = we_ref[0]
    y = jnp.dot(xlo, we[:DP, :], preferred_element_type=jnp.float32)
    y += jnp.dot(xhi, we[DP:, :], preferred_element_type=jnp.float32)
    y_ref[...] = jnp.maximum(y + be_ref[0], 0.0)


def _gmm(block_expert, xs, We, be):
    ne, d, u = We.shape
    grid_spec = pltpu.PrefetchScalarGridSpec(
        num_scalar_prefetch=1,
        grid=(NBMAX,),
        in_specs=[
            pl.BlockSpec((BLK, DP), lambda b, bexp: (b, 0)),
            pl.BlockSpec((1, d, u), lambda b, bexp: (bexp[b], 0, 0)),
            pl.BlockSpec((1, 1, u), lambda b, bexp: (bexp[b], 0, 0)),
        ],
        out_specs=pl.BlockSpec((BLK, u), lambda b, bexp: (b, 0)),
    )
    return pl.pallas_call(
        _gmm_body,
        grid_spec=grid_spec,
        out_shape=jax.ShapeDtypeStruct((CAP, u), jnp.float32),
        compiler_params=pltpu.CompilerParams(dimension_semantics=("arbitrary",)),
    )(block_expert, xs, We, be.reshape(ne, 1, u))


def _combine_body(
    y_hbm, s0_hbm, s1_hbm, w0_hbm, w1_hbm, out_hbm,
    r0_a, r1_a, o_a, r0_b, r1_b, o_b, i0_all, i1_all, w0_all, w1_all,
    sem_a, sem_b, sem_o,
):
    wid = lax.axis_index("s") * NC + lax.axis_index("c")
    r0s = (r0_a, r0_b)
    r1s = (r1_a, r1_b)
    os_ = (o_a, o_b)
    sems = (sem_a, sem_b)
    pltpu.sync_copy(s0_hbm.at[wid], i0_all)
    pltpu.sync_copy(s1_hbm.at[wid], i1_all)
    pltpu.sync_copy(w0_hbm.at[wid], w0_all)
    pltpu.sync_copy(w1_hbm.at[wid], w1_all)

    def issue(ch):
        k = ch % 2
        idx0 = i0_all[pl.ds(ch * TPC, TPC)]
        idx1 = i1_all[pl.ds(ch * TPC, TPC)]
        g0 = pltpu.async_copy(y_hbm.at[idx0], r0s[k], sems[k])
        g1 = pltpu.async_copy(y_hbm.at[idx1], r1s[k], sems[k])
        return (g0, g1)

    pend = issue(0)
    st = None
    for ch in range(NCCH):
        k = ch % 2
        pend[0].wait()
        pend[1].wait()
        if ch + 1 < NCCH:
            pend = issue(ch + 1)
        if st is not None:
            st.wait()
        r0, r1, o = r0s[k], r1s[k], os_[k]
        wv0 = w0_all[pl.ds(ch * TPC, TPC)]
        wv1 = w1_all[pl.ds(ch * TPC, TPC)]

        def tok(i, _):
            i_vec = lax.broadcast_in_dim(i, (16,), ())
            wa = wv0.at[i_vec].get(mode="promise_in_bounds")
            wb = wv1.at[i_vec].get(mode="promise_in_bounds")

            def vec(v, _):
                sl = pl.ds(v * 16, 16)
                o[i, sl] = wa * r0[i, sl] + wb * r1[i, sl]
                return 0

            lax.fori_loop(0, 1024 // 16, vec, 0, unroll=8)
            return 0

        lax.fori_loop(0, TPC, tok, 0)
        base = wid * TPW + ch * TPC
        st = pltpu.async_copy(o, out_hbm.at[pl.ds(base, TPC)], sem_o)
    st.wait()


def _combine(y, s0_2d, s1_2d, w0_2d, w1_2d):
    u = y.shape[1]
    mesh = plsc.VectorSubcoreMesh(
        core_axis_name="c", subcore_axis_name="s", num_cores=NC, num_subcores=NS
    )
    f = functools.partial(
        pl.kernel,
        out_type=jax.ShapeDtypeStruct((NT, u), jnp.float32),
        mesh=mesh,
        scratch_types=[
            pltpu.VMEM((TPC, u), jnp.float32),
            pltpu.VMEM((TPC, u), jnp.float32),
            pltpu.VMEM((TPC, u), jnp.float32),
            pltpu.VMEM((TPC, u), jnp.float32),
            pltpu.VMEM((TPC, u), jnp.float32),
            pltpu.VMEM((TPC, u), jnp.float32),
            pltpu.VMEM((TPW,), jnp.int32),
            pltpu.VMEM((TPW,), jnp.int32),
            pltpu.VMEM((TPW,), jnp.float32),
            pltpu.VMEM((TPW,), jnp.float32),
            pltpu.SemaphoreType.DMA,
            pltpu.SemaphoreType.DMA,
            pltpu.SemaphoreType.DMA,
        ],
    )(_combine_body)
    return f(y, s0_2d, s1_2d, w0_2d, w1_2d)


def kernel(inputs, Wr, br, We, be):
    xp, s0c, s1c, w, bexpc = _routing(inputs, Wr, br)
    s0 = s0c.reshape(NT)
    s1 = s1c.reshape(NT)
    xs = _dispatch(xp, s0.reshape(NW, NDCH, RPC), s1.reshape(NW, NDCH, RPC))
    y = _gmm(bexpc[:, 0], xs, We, be)
    return _combine(
        y,
        s0.reshape(NW, TPW),
        s1.reshape(NW, TPW),
        w[:, 0].reshape(NW, TPW),
        w[:, 1].reshape(NW, TPW),
    )

# --- scband reference (transcript-rebuilt; emitter-appended) ---
"""Pipeline reference for scband-mo-eblock-11922829213940 (READ-ONLY COPY).

The authoritative reference and input builder live on the scoring server;
editing this copy changes nothing except your own understanding.
"""

import jax, jax.numpy as jnp
import numpy as np

NUM_EXPERTS = 16
TOP_K = 2
D_MODEL = 1024
EXPERT_UNITS = 1024
N_TOKENS = 4096


def setup_inputs(seed: int = 0) -> dict:
    key = jax.random.key(seed)
    k0, k1, k2 = jax.random.split(key, 3)
    inputs = jax.random.normal(k0, (N_TOKENS, D_MODEL), dtype=jnp.float32)
    Wr = jax.random.normal(k1, (D_MODEL, NUM_EXPERTS), dtype=jnp.float32) * 0.02
    br = jnp.zeros((NUM_EXPERTS,), dtype=jnp.float32)
    We = jax.random.normal(k2, (NUM_EXPERTS, D_MODEL, EXPERT_UNITS), dtype=jnp.float32) * 0.02
    be = jnp.zeros((NUM_EXPERTS, EXPERT_UNITS), dtype=jnp.float32)
    return {"inputs": inputs, "Wr": Wr, "br": br, "We": We, "be": be}


def reference(inputs, Wr, br, We, be):
    # 1) router logits + softmax probs
    router_logits = inputs @ Wr + br
    router_probs = jax.nn.softmax(router_logits, axis=-1)
    # 2) top-k expert selection per token
    top_k_values, top_k_indices = jax.lax.top_k(router_probs, TOP_K)
    # 3) apply every expert densely, mask+weight, accumulate (faithful to TF loop)
    batch_size = inputs.shape[0]
    combined_output = jnp.zeros((batch_size, EXPERT_UNITS), dtype=inputs.dtype)
    for i in range(NUM_EXPERTS):
        expert_mask = jnp.sum((top_k_indices == i).astype(inputs.dtype), axis=1)
        prob_i = router_probs[:, i]
        expert_out = jax.nn.relu(inputs @ We[i] + be[i])
        weighted_out = prob_i[:, None] * expert_out
        weighted_out = weighted_out * expert_mask[:, None]
        combined_output = combined_output + weighted_out
    return combined_output

if __name__ == "__main__":
    import jax
    _d = setup_inputs()
    print(jax.jit(kernel)(*tuple(_d.values())))

</pallas_src>

<mosaic_0001>
#map = affine_map<(d0, d1) -> (0, 0)>
module attributes {stable_mosaic.version = 14 : i64} {
  func.func @_combine_body(%arg0: i32, %arg1: i32, %arg2: memref<12288x1024xf32, #tpu.memory_space<hbm>>, %arg3: memref<32x128xi32, #tpu.memory_space<hbm>>, %arg4: memref<32x128xi32, #tpu.memory_space<hbm>>, %arg5: memref<32x128xf32, #tpu.memory_space<hbm>>, %arg6: memref<32x128xf32, #tpu.memory_space<hbm>>, %arg7: memref<4096x1024xf32, #tpu.memory_space<hbm>>, %arg8: memref<16x1024xf32, #tpu.memory_space<vmem>>, %arg9: memref<16x1024xf32, #tpu.memory_space<vmem>>, %arg10: memref<16x1024xf32, #tpu.memory_space<vmem>>, %arg11: memref<16x1024xf32, #tpu.memory_space<vmem>>, %arg12: memref<16x1024xf32, #tpu.memory_space<vmem>>, %arg13: memref<16x1024xf32, #tpu.memory_space<vmem>>, %arg14: memref<128xi32, #tpu.memory_space<vmem>>, %arg15: memref<128xi32, #tpu.memory_space<vmem>>, %arg16: memref<128xf32, #tpu.memory_space<vmem>>, %arg17: memref<128xf32, #tpu.memory_space<vmem>>, %arg18: memref<!tpu.dma_semaphore, #tpu.memory_space<semaphore_mem>>, %arg19: memref<!tpu.dma_semaphore, #tpu.memory_space<semaphore_mem>>, %arg20: memref<!tpu.dma_semaphore, #tpu.memory_space<semaphore_mem>>) attributes {dimension_semantics = [#tpu.dimension_semantics<core_parallel>, #tpu.dimension_semantics<subcore_parallel>], iteration_bounds = array<i64: 2, 16>, scalar_prefetch = 0 : i64, scratch_operands = 13 : i64, tpu.core_type = #tpu.core_type<sc_vector_subcore>, window_params = [{transform_indices = #map}, {transform_indices = #map}, {transform_indices = #map}, {transform_indices = #map}, {transform_indices = #map}, {transform_indices = #map}]} {
    %mul3A = arith.constant 2 : i32
    %mul3A_0 = arith.muli %arg1, %mul3A : i32
    %add3A = arith.addi %mul3A_0, %arg0 : i32
    "tpu.region"() ({
      %run_scoped3A = tpu.sem_alloc : memref<!tpu.dma_semaphore, #tpu.memory_space<semaphore_mem>>
      %dma_start3A_341 = arith.constant 0 : i32
      %dma_start3A_342 = tpu.memref_slice %arg3[%add3A, %dma_start3A_341] : memref<32x128xi32, #tpu.memory_space<hbm>> -> memref<1x128xi32, #tpu.memory_space<hbm>>
      %dma_start3A_343 = tpu.memref_squeeze %dma_start3A_342 : memref<1x128xi32, #tpu.memory_space<hbm>> -> memref<128xi32, #tpu.memory_space<hbm>>
      %dma_start3A_344 = arith.constant 0 : i32
      %dma_start3A_345 = tpu.memref_slice %arg3[%add3A, %dma_start3A_344] : memref<32x128xi32, #tpu.memory_space<hbm>> -> memref<1x128xi32, #tpu.memory_space<hbm>>
      %dma_start3A_346 = tpu.memref_squeeze %dma_start3A_345 : memref<1x128xi32, #tpu.memory_space<hbm>> -> memref<128xi32, #tpu.memory_space<hbm>>
      tpu.enqueue_dma source(%dma_start3A_346 : memref<128xi32, #tpu.memory_space<hbm>>) target(%arg14 : memref<128xi32, #tpu.memory_space<vmem>>) target_semaphore(%run_scoped3A : memref<!tpu.dma_semaphore, #tpu.memory_space<semaphore_mem>>)
      %dma_wait3A_347 = arith.constant 0 : i32
      %dma_wait3A_348 = tpu.memref_slice %arg3[%add3A, %dma_wait3A_347] : memref<32x128xi32, #tpu.memory_space<hbm>> -> memref<1x128xi32, #tpu.memory_space<hbm>>
      %dma_wait3A_349 = tpu.memref_squeeze %dma_wait3A_348 : memref<1x128xi32, #tpu.memory_space<hbm>> -> memref<128xi32, #tpu.memory_space<hbm>>
      %dma_wait3A_350 = arith.constant 0 : i32
      %dma_wait3A_351 = tpu.memref_slice %arg3[%add3A, %dma_wait3A_350] : memref<32x128xi32, #tpu.memory_space<hbm>> -> memref<1x128xi32, #tpu.memory_space<hbm>>
      %dma_wait3A_352 = tpu.memref_squeeze %dma_wait3A_351 : memref<1x128xi32, #tpu.memory_space<hbm>> -> memref<128xi32, #tpu.memory_space<hbm>>
      tpu.wait_dma2 semaphore(%run_scoped3A : memref<!tpu.dma_semaphore, #tpu.memory_space<semaphore_mem>>) src(%dma_wait3A_352 : memref<128xi32, #tpu.memory_space<hbm>>) dst(%arg14 : memref<128xi32, #tpu.memory_space<vmem>>)
      tpu.yield
    }) : () -> ()
    "tpu.region"() ({
      %run_scoped3A = tpu.sem_alloc : memref<!tpu.dma_semaphore, #tpu.memory_space<semaphore_mem>>
      %dma_start3A_341 = arith.constant 0 : i32
      %dma_start3A_342 = tpu.memref_slice %arg4[%add3A, %dma_start3A_341] : memref<32x128xi32, #tpu.memory_space<hbm>> -> memref<1x128xi32, #tpu.memory_space<hbm>>
      %dma_start3A_343 = tpu.memref_squeeze %dma_start3A_342 : memref<1x128xi32, #tpu.memory_space<hbm>> -> memref<128xi32, #tpu.memory_space<hbm>>
      %dma_start3A_344 = arith.constant 0 : i32
      %dma_start3A_345 = tpu.memref_slice %arg4[%add3A, %dma_start3A_344] : memref<32x128xi32, #tpu.memory_space<hbm>> -> memref<1x128xi32, #tpu.memory_space<hbm>>
      %dma_start3A_346 = tpu.memref_squeeze %dma_start3A_345 : memref<1x128xi32, #tpu.memory_space<hbm>> -> memref<128xi32, #tpu.memory_space<hbm>>
      tpu.enqueue_dma source(%dma_start3A_346 : memref<128xi32, #tpu.memory_space<hbm>>) target(%arg15 : memref<128xi32, #tpu.memory_space<vmem>>) target_semaphore(%run_scoped3A : memref<!tpu.dma_semaphore, #tpu.memory_space<semaphore_mem>>)
      %dma_wait3A_347 = arith.constant 0 : i32
      %dma_wait3A_348 = tpu.memref_slice %arg4[%add3A, %dma_wait3A_347] : memref<32x128xi32, #tpu.memory_space<hbm>> -> memref<1x128xi32, #tpu.memory_space<hbm>>
      %dma_wait3A_349 = tpu.memref_squeeze %dma_wait3A_348 : memref<1x128xi32, #tpu.memory_space<hbm>> -> memref<128xi32, #tpu.memory_space<hbm>>
      %dma_wait3A_350 = arith.constant 0 : i32
      %dma_wait3A_351 = tpu.memref_slice %arg4[%add3A, %dma_wait3A_350] : memref<32x128xi32, #tpu.memory_space<hbm>> -> memref<1x128xi32, #tpu.memory_space<hbm>>
      %dma_wait3A_352 = tpu.memref_squeeze %dma_wait3A_351 : memref<1x128xi32, #tpu.memory_space<hbm>> -> memref<128xi32, #tpu.memory_space<hbm>>
      tpu.wait_dma2 semaphore(%run_scoped3A : memref<!tpu.dma_semaphore, #tpu.memory_space<semaphore_mem>>) src(%dma_wait3A_352 : memref<128xi32, #tpu.memory_space<hbm>>) dst(%arg15 : memref<128xi32, #tpu.memory_space<vmem>>)
      tpu.yield
    }) : () -> ()
    "tpu.region"() ({
      %run_scoped3A = tpu.sem_alloc : memref<!tpu.dma_semaphore, #tpu.memory_space<semaphore_mem>>
      %dma_start3A_341 = arith.constant 0 : i32
      %dma_start3A_342 = tpu.memref_slice %arg5[%add3A, %dma_start3A_341] : memref<32x128xf32, #tpu.memory_space<hbm>> -> memref<1x128xf32, #tpu.memory_space<hbm>>
      %dma_start3A_343 = tpu.memref_squeeze %dma_start3A_342 : memref<1x128xf32, #tpu.memory_space<hbm>> -> memref<128xf32, #tpu.memory_space<hbm>>
      %dma_start3A_344 = arith.constant 0 : i32
      %dma_start3A_345 = tpu.memref_slice %arg5[%add3A, %dma_start3A_344] : memref<32x128xf32, #tpu.memory_space<hbm>> -> memref<1x128xf32, #tpu.memory_space<hbm>>
      %dma_start3A_346 = tpu.memref_squeeze %dma_start3A_345 : memref<1x128xf32, #tpu.memory_space<hbm>> -> memref<128xf32, #tpu.memory_space<hbm>>
      tpu.enqueue_dma source(%dma_start3A_346 : memref<128xf32, #tpu.memory_space<hbm>>) target(%arg16 : memref<128xf32, #tpu.memory_space<vmem>>) target_semaphore(%run_scoped3A : memref<!tpu.dma_semaphore, #tpu.memory_space<semaphore_mem>>)
      %dma_wait3A_347 = arith.constant 0 : i32
      %dma_wait3A_348 = tpu.memref_slice %arg5[%add3A, %dma_wait3A_347] : memref<32x128xf32, #tpu.memory_space<hbm>> -> memref<1x128xf32, #tpu.memory_space<hbm>>
      %dma_wait3A_349 = tpu.memref_squeeze %dma_wait3A_348 : memref<1x128xf32, #tpu.memory_space<hbm>> -> memref<128xf32, #tpu.memory_space<hbm>>
      %dma_wait3A_350 = arith.constant 0 : i32
      %dma_wait3A_351 = tpu.memref_slice %arg5[%add3A, %dma_wait3A_350] : memref<32x128xf32, #tpu.memory_space<hbm>> -> memref<1x128xf32, #tpu.memory_space<hbm>>
      %dma_wait3A_352 = tpu.memref_squeeze %dma_wait3A_351 : memref<1x128xf32, #tpu.memory_space<hbm>> -> memref<128xf32, #tpu.memory_space<hbm>>
      tpu.wait_dma2 semaphore(%run_scoped3A : memref<!tpu.dma_semaphore, #tpu.memory_space<semaphore_mem>>) src(%dma_wait3A_352 : memref<128xf32, #tpu.memory_space<hbm>>) dst(%arg16 : memref<128xf32, #tpu.memory_space<vmem>>)
      tpu.yield
    }) : () -> ()
    "tpu.region"() ({
      %run_scoped3A = tpu.sem_alloc : memref<!tpu.dma_semaphore, #tpu.memory_space<semaphore_mem>>
      %dma_start3A_341 = arith.constant 0 : i32
      %dma_start3A_342 = tpu.memref_slice %arg6[%add3A, %dma_start3A_341] : memref<32x128xf32, #tpu.memory_space<hbm>> -> memref<1x128xf32, #tpu.memory_space<hbm>>
      %dma_start3A_343 = tpu.memref_squeeze %dma_start3A_342 : memref<1x128xf32, #tpu.memory_space<hbm>> -> memref<128xf32, #tpu.memory_space<hbm>>
      %dma_start3A_344 = arith.constant 0 : i32
      %dma_start3A_345 = tpu.memref_slice %arg6[%add3A, %dma_start3A_344] : memref<32x128xf32, #tpu.memory_space<hbm>> -> memref<1x128xf32, #tpu.memory_space<hbm>>
      %dma_start3A_346 = tpu.memref_squeeze %dma_start3A_345 : memref<1x128xf32, #tpu.memory_space<hbm>> -> memref<128xf32, #tpu.memory_space<hbm>>
      tpu.enqueue_dma source(%dma_start3A_346 : memref<128xf32, #tpu.memory_space<hbm>>) target(%arg17 : memref<128xf32, #tpu.memory_space<vmem>>) target_semaphore(%run_scoped3A : memref<!tpu.dma_semaphore, #tpu.memory_space<semaphore_mem>>)
      %dma_wait3A_347 = arith.constant 0 : i32
      %dma_wait3A_348 = tpu.memref_slice %arg6[%add3A, %dma_wait3A_347] : memref<32x128xf32, #tpu.memory_space<hbm>> -> memref<1x128xf32, #tpu.memory_space<hbm>>
      %dma_wait3A_349 = tpu.memref_squeeze %dma_wait3A_348 : memref<1x128xf32, #tpu.memory_space<hbm>> -> memref<128xf32, #tpu.memory_space<hbm>>
      %dma_wait3A_350 = arith.constant 0 : i32
      %dma_wait3A_351 = tpu.memref_slice %arg6[%add3A, %dma_wait3A_350] : memref<32x128xf32, #tpu.memory_space<hbm>> -> memref<1x128xf32, #tpu.memory_space<hbm>>
      %dma_wait3A_352 = tpu.memref_squeeze %dma_wait3A_351 : memref<1x128xf32, #tpu.memory_space<hbm>> -> memref<128xf32, #tpu.memory_space<hbm>>
      tpu.wait_dma2 semaphore(%run_scoped3A : memref<!tpu.dma_semaphore, #tpu.memory_space<semaphore_mem>>) src(%dma_wait3A_352 : memref<128xf32, #tpu.memory_space<hbm>>) dst(%arg17 : memref<128xf32, #tpu.memory_space<vmem>>)
      tpu.yield
    }) : () -> ()
    %get3A = arith.constant 0 : index
    %get3A_1 = tpu.vector_load %arg14[%get3A] {strides = array<i32>} : memref<128xi32, #tpu.memory_space<vmem>>, vector<16xi32>,
    %get3A_2 = vector.shape_cast %get3A_1 : vector<16xi32> to vector<16xi32>
    %get3A_3 = arith.constant 0 : index
    %get3A_4 = tpu.vector_load %arg15[%get3A_3] {strides = array<i32>} : memref<128xi32, #tpu.memory_space<vmem>>, vector<16xi32>,
    %get3A_5 = vector.shape_cast %get3A_4 : vector<16xi32> to vector<16xi32>
    %dma_start3A = arith.constant 0 : i32
    %dma_start3A_6 = arith.constant 0 : i32
    %dma_start3A_7 = tpu.memref_slice %arg2[%dma_start3A, %dma_start3A_6] : memref<12288x1024xf32, #tpu.memory_space<hbm>> -> memref<12288x1024xf32, #tpu.memory_space<hbm>>
    tpu.enqueue_indirect_dma source(%dma_start3A_7 : memref<12288x1024xf32, #tpu.memory_space<hbm>>) target(%arg8 : memref<16x1024xf32, #tpu.memory_space<vmem>>) offsets(%get3A_2 : vector<16xi32>) semaphore(%arg18 : memref<!tpu.dma_semaphore, #tpu.memory_space<semaphore_mem>>)
    %dma_start3A_8 = arith.constant 0 : i32
    %dma_start3A_9 = arith.constant 0 : i32
    %dma_start3A_10 = tpu.memref_slice %arg2[%dma_start3A_8, %dma_start3A_9] : memref<12288x1024xf32, #tpu.memory_space<hbm>> -> memref<12288x1024xf32, #tpu.memory_space<hbm>>
    tpu.enqueue_indirect_dma source(%dma_start3A_10 : memref<12288x1024xf32, #tpu.memory_space<hbm>>) target(%arg9 : memref<16x1024xf32, #tpu.memory_space<vmem>>) offsets(%get3A_5 : vector<16xi32>) semaphore(%arg18 : memref<!tpu.dma_semaphore, #tpu.memory_space<semaphore_mem>>)
    %dma_wait3A = arith.constant 0 : i32
    %dma_wait3A_11 = arith.constant 0 : i32
    %dma_wait3A_12 = tpu.memref_slice %arg2[%dma_wait3A, %dma_wait3A_11] : memref<12288x1024xf32, #tpu.memory_space<hbm>> -> memref<12288x1024xf32, #tpu.memory_space<hbm>>
    tpu.wait_indirect_dma semaphore(%arg18 : memref<!tpu.dma_semaphore, #tpu.memory_space<semaphore_mem>>) src(%dma_wait3A_12 : memref<12288x1024xf32, #tpu.memory_space<hbm>>) dst(%arg8 : memref<16x1024xf32, #tpu.memory_space<vmem>>)
    %dma_wait3A_13 = arith.constant 0 : i32
    %dma_wait3A_14 = arith.constant 0 : i32
    %dma_wait3A_15 = tpu.memref_slice %arg2[%dma_wait3A_13, %dma_wait3A_14] : memref<12288x1024xf32, #tpu.memory_space<hbm>> -> memref<12288x1024xf32, #tpu.memory_space<hbm>>
    tpu.wait_indirect_dma semaphore(%arg18 : memref<!tpu.dma_semaphore, #tpu.memory_space<semaphore_mem>>) src(%dma_wait3A_15 : memref<12288x1024xf32, #tpu.memory_space<hbm>>) dst(%arg9 : memref<16x1024xf32, #tpu.memory_space<vmem>>)
    %get3A_16 = arith.constant 16 : index
    %get3A_17 = tpu.vector_load %arg14[%get3A_16] {strides = array<i32>} : memref<128xi32, #tpu.memory_space<vmem>>, vector<16xi32>,
    %get3A_18 = vector.shape_cast %get3A_17 : vector<16xi32> to vector<16xi32>
    %get3A_19 = arith.constant 16 : index
    %get3A_20 = tpu.vector_load %arg15[%get3A_19] {strides = array<i32>} : memref<128xi32, #tpu.memory_space<vmem>>, vector<16xi32>,
    %get3A_21 = vector.shape_cast %get3A_20 : vector<16xi32> to vector<16xi32>
    %dma_start3A_22 = arith.constant 0 : i32
    %dma_start3A_23 = arith.constant 0 : i32
    %dma_start3A_24 = tpu.memref_slice %arg2[%dma_start3A_22, %dma_start3A_23] : memref<12288x1024xf32, #tpu.memory_space<hbm>> -> memref<12288x1024xf32, #tpu.memory_space<hbm>>
    tpu.enqueue_indirect_dma source(%dma_start3A_24 : memref<12288x1024xf32, #tpu.memory_space<hbm>>) target(%arg11 : memref<16x1024xf32, #tpu.memory_space<vmem>>) offsets(%get3A_18 : vector<16xi32>) semaphore(%arg19 : memref<!tpu.dma_semaphore, #tpu.memory_space<semaphore_mem>>)
    %dma_start3A_25 = arith.constant 0 : i32
    %dma_start3A_26 = arith.constant 0 : i32
    %dma_start3A_27 = tpu.memref_slice %arg2[%dma_start3A_25, %dma_start3A_26] : memref<12288x1024xf32, #tpu.memory_space<hbm>> -> memref<12288x1024xf32, #tpu.memory_space<hbm>>
    tpu.enqueue_indirect_dma source(%dma_start3A_27 : memref<12288x1024xf32, #tpu.memory_space<hbm>>) target(%arg12 : memref<16x1024xf32, #tpu.memory_space<vmem>>) offsets(%get3A_21 : vector<16xi32>) semaphore(%arg19 : memref<!tpu.dma_semaphore, #tpu.memory_space<semaphore_mem>>)
    %get3A_28 = arith.constant 0 : index
    %get3A_29 = tpu.vector_load %arg16[%get3A_28] {strides = array<i32>} : memref<128xf32, #tpu.memory_space<vmem>>, vector<16xf32>,
    %get3A_30 = vector.shape_cast %get3A_29 : vector<16xf32> to vector<16xf32>
    %get3A_31 = arith.constant 0 : index
    %get3A_32 = tpu.vector_load %arg17[%get3A_31] {strides = array<i32>} : memref<128xf32, #tpu.memory_space<vmem>>, vector<16xf32>,
    %get3A_33 = vector.shape_cast %get3A_32 : vector<16xf32> to vector<16xf32>
    %scan3A = arith.constant 0 : i32
    %scan3A_34 = arith.constant 0 : i32
    %scan3A_35 = arith.constant 16 : i32
    %scan3A_36 = arith.addi %scan3A_34, %scan3A_35 : i32
    %scan3A_37 = arith.constant 1 : i32
    %scan3A_38 = scf.for %scan3A_341 = %scan3A_34 to %scan3A_36 step %scan3A_37 iter_args(%scan3A_342 = %scan3A) -> (i32)  : i32 {
      %broadcast_in_dim3A = vector.broadcast %scan3A_341 : i32 to vector<16xi32>
      %lt3A = arith.constant 0 : i32
      %lt3A_343 = vector.broadcast %lt3A : i32 to vector<16xi32>
      %lt3A_344 = arith.cmpi slt, %broadcast_in_dim3A, %lt3A_343 : vector<16xi32>
      %add3A_345 = arith.constant 16 : i32
      %add3A_346 = vector.broadcast %add3A_345 : i32 to vector<16xi32>
      %add3A_347 = arith.addi %broadcast_in_dim3A, %add3A_346 : vector<16xi32>
      %select_n3A = arith.select %lt3A_344, %add3A_347, %broadcast_in_dim3A : vector<16xi1>, vector<16xi32>
      %broadcast_in_dim3A_348 = vector.shape_cast %select_n3A : vector<16xi32> to vector<16x1xi32>
      %gather3A = vector.shape_cast %broadcast_in_dim3A_348 : vector<16x1xi32> to vector<16xi32>
      %gather3A_349 = tpu.dynamic_gather %get3A_30[%gather3A] in [0] : vector<16xf32>, vector<16xi32> -> vector<16xf32>
      %lt3A_350 = arith.constant 0 : i32
      %lt3A_351 = vector.broadcast %lt3A_350 : i32 to vector<16xi32>
      %lt3A_352 = arith.cmpi slt, %broadcast_in_dim3A, %lt3A_351 : vector<16xi32>
      %add3A_353 = arith.constant 16 : i32
      %add3A_354 = vector.broadcast %add3A_353 : i32 to vector<16xi32>
      %add3A_355 = arith.addi %broadcast_in_dim3A, %add3A_354 : vector<16xi32>
      %select_n3A_356 = arith.select %lt3A_352, %add3A_355, %broadcast_in_dim3A : vector<16xi1>, vector<16xi32>
      %broadcast_in_dim3A_357 = vector.shape_cast %select_n3A_356 : vector<16xi32> to vector<16x1xi32>
      %gather3A_358 = vector.shape_cast %broadcast_in_dim3A_357 : vector<16x1xi32> to vector<16xi32>
      %gather3A_359 = tpu.dynamic_gather %get3A_33[%gather3A_358] in [0] : vector<16xf32>, vector<16xi32> -> vector<16xf32>
      %scan3A_360 = arith.constant 0 : i32
      %scan3A_361 = arith.constant 0 : i32
      %scan3A_362 = arith.constant 64 : i32
      %scan3A_363 = arith.addi %scan3A_361, %scan3A_362 : i32
      %scan3A_364 = arith.constant 8 : i32
      %scan3A_365 = scf.for %scan3A_368 = %scan3A_361 to %scan3A_363 step %scan3A_364 iter_args(%scan3A_369 = %scan3A_360) -> (i32)  : i32 {
        %mul3A_370 = arith.constant 16 : i32
        %mul3A_371 = arith.muli %scan3A_368, %mul3A_370 : i32
        %get3A_372 = arith.index_cast %scan3A_341 : i32 to index
        %get3A_373 = arith.index_cast %mul3A_371 : i32 to index
        %get3A_374 = tpu.vector_load %arg8[%get3A_372, %get3A_373] {strides = array<i32>} : memref<16x1024xf32, #tpu.memory_space<vmem>>, vector<1x16xf32>,
        %get3A_375 = vector.shape_cast %get3A_374 : vector<1x16xf32> to vector<16xf32>
        %mul3A_376 = arith.mulf %gather3A_349, %get3A_375 : vector<16xf32>
        %get3A_377 = arith.index_cast %scan3A_341 : i32 to index
        %get3A_378 = arith.index_cast %mul3A_371 : i32 to index
        %get3A_379 = tpu.vector_load %arg9[%get3A_377, %get3A_378] {strides = array<i32>} : memref<16x1024xf32, #tpu.memory_space<vmem>>, vector<1x16xf32>,
        %get3A_380 = vector.shape_cast %get3A_379 : vector<1x16xf32> to vector<16xf32>
        %mul3A_381 = arith.mulf %gather3A_359, %get3A_380 : vector<16xf32>
        %add3A_382 = arith.addf %mul3A_376, %mul3A_381 : vector<16xf32>
        %swap3A = arith.index_cast %scan3A_341 : i32 to index
        %swap3A_383 = arith.index_cast %mul3A_371 : i32 to index
        %swap3A_384 = tpu.vector_load %arg10[%swap3A, %swap3A_383] {strides = array<i32>} : memref<16x1024xf32, #tpu.memory_space<vmem>>, vector<1x16xf32>,
        %swap3A_385 = vector.shape_cast %swap3A_384 : vector<1x16xf32> to vector<16xf32>
        %swap3A_386 = vector.shape_cast %add3A_382 : vector<16xf32> to vector<1x16xf32>
        tpu.vector_store %arg10[%swap3A, %swap3A_383], %swap3A_386 {strides = array<i32>} : memref<16x1024xf32, #tpu.memory_space<vmem>>, vector<1x16xf32>,
        %scan3A_387 = arith.constant 0 : i32
        %scan3A_388 = arith.constant 1 : i32
        %scan3A_389 = arith.addi %scan3A_368, %scan3A_388 : i32
        %mul3A_390 = arith.constant 16 : i32
        %mul3A_391 = arith.muli %scan3A_389, %mul3A_390 : i32
        %get3A_392 = arith.index_cast %scan3A_341 : i32 to index
        %get3A_393 = arith.index_cast %mul3A_391 : i32 to index
        %get3A_394 = tpu.vector_load %arg8[%get3A_392, %get3A_393] {strides = array<i32>} : memref<16x1024xf32, #tpu.memory_space<vmem>>, vector<1x16xf32>,
        %get3A_395 = vector.shape_cast %get3A_394 : vector<1x16xf32> to vector<16xf32>
        %mul3A_396 = arith.mulf %gather3A_349, %get3A_395 : vector<16xf32>
        %get3A_397 = arith.index_cast %scan3A_341 : i32 to index
        %get3A_398 = arith.index_cast %mul3A_391 : i32 to index
        %get3A_399 = tpu.vector_load %arg9[%get3A_397, %get3A_398] {strides = array<i32>} : memref<16x1024xf32, #tpu.memory_space<vmem>>, vector<1x16xf32>,
        %get3A_400 = vector.shape_cast %get3A_399 : vector<1x16xf32> to vector<16xf32>
        %mul3A_401 = arith.mulf %gather3A_359, %get3A_400 : vector<16xf32>
        %add3A_402 = arith.addf %mul3A_396, %mul3A_401 : vector<16xf32>
        %swap3A_403 = arith.index_cast %scan3A_341 : i32 to index
        %swap3A_404 = arith.index_cast %mul3A_391 : i32 to index
        %swap3A_405 = tpu.vector_load %arg10[%swap3A_403, %swap3A_404] {strides = array<i32>} : memref<16x1024xf32, #tpu.memory_space<vmem>>, vector<1x16xf32>,
        %swap3A_406 = vector.shape_cast %swap3A_405 : vector<1x16xf32> to vector<16xf32>
        %swap3A_407 = vector.shape_cast %add3A_402 : vector<16xf32> to vector<1x16xf32>
        tpu.vector_store %arg10[%swap3A_403, %swap3A_404], %swap3A_407 {strides = array<i32>} : memref<16x1024xf32, #tpu.memory_space<vmem>>, vector<1x16xf32>,
        %scan3A_408 = arith.constant 0 : i32
        %scan3A_409 = arith.constant 2 : i32
        %scan3A_410 = arith.addi %scan3A_368, %scan3A_409 : i32
        %mul3A_411 = arith.constant 16 : i32
        %mul3A_412 = arith.muli %scan3A_410, %mul3A_411 : i32
        %get3A_413 = arith.index_cast %scan3A_341 : i32 to index
        %get3A_414 = arith.index_cast %mul3A_412 : i32 to index
        %get3A_415 = tpu.vector_load %arg8[%get3A_413, %get3A_414] {strides = array<i32>} : memref<16x1024xf32, #tpu.memory_space<vmem>>, vector<1x16xf32>,
        %get3A_416 = vector.shape_cast %get3A_415 : vector<1x16xf32> to vector<16xf32>
        %mul3A_417 = arith.mulf %gather3A_349, %get3A_416 : vector<16xf32>
        %get3A_418 = arith.index_cast %scan3A_341 : i32 to index
        %get3A_419 = arith.index_cast %mul3A_412 : i32 to index
        %get3A_420 = tpu.vector_load %arg9[%get3A_418, %get3A_419] {strides = array<i32>} : memref<16x1024xf32, #tpu.memory_space<vmem>>, vector<1x16xf32>,
        %get3A_421 = vector.shape_cast %get3A_420 : vector<1x16xf32> to vector<16xf32>
        %mul3A_422 = arith.mulf %gather3A_359, %get3A_421 : vector<16xf32>
        %add3A_423 = arith.addf %mul3A_417, %mul3A_422 : vector<16xf32>
        %swap3A_424 = arith.index_cast %scan3A_341 : i32 to index
        %swap3A_425 = arith.index_cast %mul3A_412 : i32 to index
        %swap3A_426 = tpu.vector_load %arg10[%swap3A_424, %swap3A_425] {strides = array<i32>} : memref<16x1024xf32, #tpu.memory_space<vmem>>, vector<1x16xf32>,
        %swap3A_427 = vector.shape_cast %swap3A_426 : vector<1x16xf32> to vector<16xf32>
        %swap3A_428 = vector.shape_cast %add3A_423 : vector<16xf32> to vector<1x16xf32>
        tpu.vector_store %arg10[%swap3A_424, %swap3A_425], %swap3A_428 {strides = array<i32>} : memref<16x1024xf32, #tpu.memory_space<vmem>>, vector<1x16xf32>,
        %scan3A_429 = arith.constant 0 : i32
        %scan3A_430 = arith.constant 3 : i32
        %scan3A_431 = arith.addi %scan3A_368, %scan3A_430 : i32
        %mul3A_432 = arith.constant 16 : i32
        %mul3A_433 = arith.muli %scan3A_431, %mul3A_432 : i32
        %get3A_434 = arith.index_cast %scan3A_341 : i32 to index
        %get3A_435 = arith.index_cast %mul3A_433 : i32 to index
        %get3A_436 = tpu.vector_load %arg8[%get3A_434, %get3A_435] {strides = array<i32>} : memref<16x1024xf32, #tpu.memory_space<vmem>>, vector<1x16xf32>,
        %get3A_437 = vector.shape_cast %get3A_436 : vector<1x16xf32> to vector<16xf32>
        %mul3A_438 = arith.mulf %gather3A_349, %get3A_437 : vector<16xf32>
        %get3A_439 = arith.index_cast %scan3A_341 : i32 to index
        %get3A_440 = arith.index_cast %mul3A_433 : i32 to index
        %get3A_441 = tpu.vector_load %arg9[%get3A_439, %get3A_440] {strides = array<i32>} : memref<16x1024xf32, #tpu.memory_space<vmem>>, vector<1x16xf32>,
        %get3A_442 = vector.shape_cast %get3A_441 : vector<1x16xf32> to vector<16xf32>
        %mul3A_443 = arith.mulf %gather3A_359, %get3A_442 : vector<16xf32>
        %add3A_444 = arith.addf %mul3A_438, %mul3A_443 : vector<16xf32>
        %swap3A_445 = arith.index_cast %scan3A_341 : i32 to index
        %swap3A_446 = arith.index_cast %mul3A_433 : i32 to index
        %swap3A_447 = tpu.vector_load %arg10[%swap3A_445, %swap3A_446] {strides = array<i32>} : memref<16x1024xf32, #tpu.memory_space<vmem>>, vector<1x16xf32>,
        %swap3A_448 = vector.shape_cast %swap3A_447 : vector<1x16xf32> to vector<16xf32>
        %swap3A_449 = vector.shape_cast %add3A_444 : vector<16xf32> to vector<1x16xf32>
        tpu.vector_store %arg10[%swap3A_445, %swap3A_446], %swap3A_449 {strides = array<i32>} : memref<16x1024xf32, #tpu.memory_space<vmem>>, vector<1x16xf32>,
        %scan3A_450 = arith.constant 0 : i32
        %scan3A_451 = arith.constant 4 : i32
        %scan3A_452 = arith.addi %scan3A_368, %scan3A_451 : i32
        %mul3A_453 = arith.constant 16 : i32
        %mul3A_454 = arith.muli %scan3A_452, %mul3A_453 : i32
        %get3A_455 = arith.index_cast %scan3A_341 : i32 to index
        %get3A_456 = arith.index_cast %mul3A_454 : i32 to index
        %get3A_457 = tpu.vector_load %arg8[%get3A_455, %get3A_456] {strides = array<i32>} : memref<16x1024xf32, #tpu.memory_space<vmem>>, vector<1x16xf32>,
        %get3A_458 = vector.shape_cast %get3A_457 : vector<1x16xf32> to vector<16xf32>
        %mul3A_459 = arith.mulf %gather3A_349, %get3A_458 : vector<16xf32>
        %get3A_460 = arith.index_cast %scan3A_341 : i32 to index
        %get3A_461 = arith.index_cast %mul3A_454 : i32 to index
        %get3A_462 = tpu.vector_load %arg9[%get3A_460, %get3A_461] {strides = array<i32>} : memref<16x1024xf32, #tpu.memory_space<vmem>>, vector<1x16xf32>,
        %get3A_463 = vector.shape_cast %get3A_462 : vector<1x16xf32> to vector<16xf32>
        %mul3A_464 = arith.mulf %gather3A_359, %get3A_463 : vector<16xf32>
        %add3A_465 = arith.addf %mul3A_459, %mul3A_464 : vector<16xf32>
        %swap3A_466 = arith.index_cast %scan3A_341 : i32 to index
        %swap3A_467 = arith.index_cast %mul3A_454 : i32 to index
        %swap3A_468 = tpu.vector_load %arg10[%swap3A_466, %swap3A_467] {strides = array<i32>} : memref<16x1024xf32, #tpu.memory_space<vmem>>, vector<1x16xf32>,
        %swap3A_469 = vector.shape_cast %swap3A_468 : vector<1x16xf32> to vector<16xf32>
        %swap3A_470 = vector.shape_cast %add3A_465 : vector<16xf32> to vector<1x16xf32>
        tpu.vector_store %arg10[%swap3A_466, %swap3A_467], %swap3A_470 {strides = array<i32>} : memref<16x1024xf32, #tpu.memory_space<vmem>>, vector<1x16xf32>,
        %scan3A_471 = arith.constant 0 : i32
        %scan3A_472 = arith.constant 5 : i32
        %scan3A_473 = arith.addi %scan3A_368, %scan3A_472 : i32
        %mul3A_474 = arith.constant 16 : i32
        %mul3A_475 = arith.muli %scan3A_473, %mul3A_474 : i32
        %get3A_476 = arith.index_cast %scan3A_341 : i32 to index
        %get3A_477 = arith.index_cast %mul3A_475 : i32 to index
        %get3A_478 = tpu.vector_load %arg8[%get3A_476, %get3A_477] {strides = array<i32>} : memref<16x1024xf32, #tpu.memory_space<vmem>>, vector<1x16xf32>,
        %get3A_479 = vector.shape_cast %get3A_478 : vector<1x16xf32> to vector<16xf32>
        %mul3A_480 = arith.mulf %gather3A_349, %get3A_479 : vector<16xf32>
        %get3A_481 = arith.index_cast %scan3A_341 : i32 to index
        %get3A_482 = arith.index_cast %mul3A_475 : i32 to index
        %get3A_483 = tpu.vector_load %arg9[%get3A_481, %get3A_482] {strides = array<i32>} : memref<16x1024xf32, #tpu.memory_space<vmem>>, vector<1x16xf32>,
        %get3A_484 = vector.shape_cast %get3A_483 : vector<1x16xf32> to vector<16xf32>
        %mul3A_485 = arith.mulf %gather3A_359, %get3A_484 : vector<16xf32>
        %add3A_486 = arith.addf %mul3A_480, %mul3A_485 : vector<16xf32>
        %swap3A_487 = arith.index_cast %scan3A_341 : i32 to index
        %swap3A_488 = arith.index_cast %mul3A_475 : i32 to index
        %swap3A_489 = tpu.vector_load %arg10[%swap3A_487, %swap3A_488] {strides = array<i32>} : memref<16x1024xf32, #tpu.memory_space<vmem>>, vector<1x16xf32>,
        %swap3A_490 = vector.shape_cast %swap3A_489 : vector<1x16xf32> to vector<16xf32>
        %swap3A_491 = vector.shape_cast %add3A_486 : vector<16xf32> to vector<1x16xf32>
        tpu.vector_store %arg10[%swap3A_487, %swap3A_488], %swap3A_491 {strides = array<i32>} : memref<16x1024xf32, #tpu.memory_space<vmem>>, vector<1x16xf32>,
        %scan3A_492 = arith.constant 0 : i32
        %scan3A_493 = arith.constant 6 : i32
        %scan3A_494 = arith.addi %scan3A_368, %scan3A_493 : i32
        %mul3A_495 = arith.constant 16 : i32
        %mul3A_496 = arith.muli %scan3A_494, %mul3A_495 : i32
        %get3A_497 = arith.index_cast %scan3A_341 : i32 to index
        %get3A_498 = arith.index_cast %mul3A_496 : i32 to index
        %get3A_499 = tpu.vector_load %arg8[%get3A_497, %get3A_498] {strides = array<i32>} : memref<16x1024xf32, #tpu.memory_space<vmem>>, vector<1x16xf32>,
        %get3A_500 = vector.shape_cast %get3A_499 : vector<1x16xf32> to vector<16xf32>
        %mul3A_501 = arith.mulf %gather3A_349, %get3A_500 : vector<16xf32>
        %get3A_502 = arith.index_cast %scan3A_341 : i32 to index
        %get3A_503 = arith.index_cast %mul3A_496 : i32 to index
        %get3A_504 = tpu.vector_load %arg9[%get3A_502, %get3A_503] {strides = array<i32>} : memref<16x1024xf32, #tpu.memory_space<vmem>>, vector<1x16xf32>,
        %get3A_505 = vector.shape_cast %get3A_504 : vector<1x16xf32> to vector<16xf32>
        %mul3A_506 = arith.mulf %gather3A_359, %get3A_505 : vector<16xf32>
        %add3A_507 = arith.addf %mul3A_501, %mul3A_506 : vector<16xf32>
        %swap3A_508 = arith.index_cast %scan3A_341 : i32 to index
        %swap3A_509 = arith.index_cast %mul3A_496 : i32 to index
        %swap3A_510 = tpu.vector_load %arg10[%swap3A_508, %swap3A_509] {strides = array<i32>} : memref<16x1024xf32, #tpu.memory_space<vmem>>, vector<1x16xf32>,
        %swap3A_511 = vector.shape_cast %swap3A_510 : vector<1x16xf32> to vector<16xf32>
        %swap3A_512 = vector.shape_cast %add3A_507 : vector<16xf32> to vector<1x16xf32>
        tpu.vector_store %arg10[%swap3A_508, %swap3A_509], %swap3A_512 {strides = array<i32>} : memref<16x1024xf32, #tpu.memory_space<vmem>>, vector<1x16xf32>,
        %scan3A_513 = arith.constant 0 : i32
        %scan3A_514 = arith.constant 7 : i32
        %scan3A_515 = arith.addi %scan3A_368, %scan3A_514 : i32
        %mul3A_516 = arith.constant 16 : i32
        %mul3A_517 = arith.muli %scan3A_515, %mul3A_516 : i32
        %get3A_518 = arith.index_cast %scan3A_341 : i32 to index
        %get3A_519 = arith.index_cast %mul3A_517 : i32 to index
        %get3A_520 = tpu.vector_load %arg8[%get3A_518, %get3A_519] {strides = array<i32>} : memref<16x1024xf32, #tpu.memory_space<vmem>>, vector<1x16xf32>,
        %get3A_521 = vector.shape_cast %get3A_520 : vector<1x16xf32> to vector<16xf32>
        %mul3A_522 = arith.mulf %gather3A_349, %get3A_521 : vector<16xf32>
        %get3A_523 = arith.index_cast %scan3A_341 : i32 to index
        %get3A_524 = arith.index_cast %mul3A_517 : i32 to index
        %get3A_525 = tpu.vector_load %arg9[%get3A_523, %get3A_524] {strides = array<i32>} : memref<16x1024xf32, #tpu.memory_space<vmem>>, vector<1x16xf32>,
        %get3A_526 = vector.shape_cast %get3A_525 : vector<1x16xf32> to vector<16xf32>
        %mul3A_527 = arith.mulf %gather3A_359, %get3A_526 : vector<16xf32>
        %add3A_528 = arith.addf %mul3A_522, %mul3A_527 : vector<16xf32>
        %swap3A_529 = arith.index_cast %scan3A_341 : i32 to index
        %swap3A_530 = arith.index_cast %mul3A_517 : i32 to index
        %swap3A_531 = tpu.vector_load %arg10[%swap3A_529, %swap3A_530] {strides = array<i32>} : memref<16x1024xf32, #tpu.memory_space<vmem>>, vector<1x16xf32>,
        %swap3A_532 = vector.shape_cast %swap3A_531 : vector<1x16xf32> to vector<16xf32>
        %swap3A_533 = vector.shape_cast %add3A_528 : vector<16xf32> to vector<1x16xf32>
        tpu.vector_store %arg10[%swap3A_529, %swap3A_530], %swap3A_533 {strides = array<i32>} : memref<16x1024xf32, #tpu.memory_space<vmem>>, vector<1x16xf32>,
        %scan3A_534 = arith.constant 0 : i32
        scf.yield %scan3A_534 : i32
      }
      %scan3A_366 = arith.constant 64 : i32
      %scan3A_367 = arith.constant 0 : i32
      scf.yield %scan3A_367 : i32
    }
    %scan3A_39 = arith.constant 16 : i32
    %mul3A_40 = arith.constant 128 : i32
    %mul3A_41 = arith.muli %add3A, %mul3A_40 : i32
    %add3A_42 = arith.constant 0 : i32
    %add3A_43 = arith.addi %mul3A_41, %add3A_42 : i32
    %dma_start3A_44 = arith.constant 0 : i32
    %dma_start3A_45 = tpu.memref_slice %arg7[%add3A_43, %dma_start3A_44] : memref<4096x1024xf32, #tpu.memory_space<hbm>> -> memref<16x1024xf32, #tpu.memory_space<hbm>>
    %dma_start3A_46 = arith.constant 0 : i32
    %dma_start3A_47 = tpu.memref_slice %arg7[%add3A_43, %dma_start3A_46] : memref<4096x1024xf32, #tpu.memory_space<hbm>> -> memref<16x1024xf32, #tpu.memory_space<hbm>>
    tpu.enqueue_dma source(%arg10 : memref<16x1024xf32, #tpu.memory_space<vmem>>) target(%dma_start3A_47 : memref<16x1024xf32, #tpu.memory_space<hbm>>) target_semaphore(%arg20 : memref<!tpu.dma_semaphore, #tpu.memory_space<semaphore_mem>>)
    %dma_wait3A_48 = arith.constant 0 : i32
    %dma_wait3A_49 = arith.constant 0 : i32
    %dma_wait3A_50 = tpu.memref_slice %arg2[%dma_wait3A_48, %dma_wait3A_49] : memref<12288x1024xf32, #tpu.memory_space<hbm>> -> memref<12288x1024xf32, #tpu.memory_space<hbm>>
    tpu.wait_indirect_dma semaphore(%arg19 : memref<!tpu.dma_semaphore, #tpu.memory_space<semaphore_mem>>) src(%dma_wait3A_50 : memref<12288x1024xf32, #tpu.memory_space<hbm>>) dst(%arg11 : memref<16x1024xf32, #tpu.memory_space<vmem>>)
    %dma_wait3A_51 = arith.constant 0 : i32
    %dma_wait3A_52 = arith.constant 0 : i32
    %dma_wait3A_53 = tpu.memref_slice %arg2[%dma_wait3A_51, %dma_wait3A_52] : memref<12288x1024xf32, #tpu.memory_space<hbm>> -> memref<12288x1024xf32, #tpu.memory_space<hbm>>
    tpu.wait_indirect_dma semaphore(%arg19 : memref<!tpu.dma_semaphore, #tpu.memory_space<semaphore_mem>>) src(%dma_wait3A_53 : memref<12288x1024xf32, #tpu.memory_space<hbm>>) dst(%arg12 : memref<16x1024xf32, #tpu.memory_space<vmem>>)
    %get3A_54 = arith.constant 32 : index
    %get3A_55 = tpu.vector_load %arg14[%get3A_54] {strides = array<i32>} : memref<128xi32, #tpu.memory_space<vmem>>, vector<16xi32>,
    %get3A_56 = vector.shape_cast %get3A_55 : vector<16xi32> to vector<16xi32>
    %get3A_57 = arith.constant 32 : index
    %get3A_58 = tpu.vector_load %arg15[%get3A_57] {strides = array<i32>} : memref<128xi32, #tpu.memory_space<vmem>>, vector<16xi32>,
    %get3A_59 = vector.shape_cast %get3A_58 : vector<16xi32> to vector<16xi32>
    %dma_start3A_60 = arith.constant 0 : i32
    %dma_start3A_61 = arith.constant 0 : i32
    %dma_start3A_62 = tpu.memref_slice %arg2[%dma_start3A_60, %dma_start3A_61] : memref<12288x1024xf32, #tpu.memory_space<hbm>> -> memref<12288x1024xf32, #tpu.memory_space<hbm>>
    tpu.enqueue_indirect_dma source(%dma_start3A_62 : memref<12288x1024xf32, #tpu.memory_space<hbm>>) target(%arg8 : memref<16x1024xf32, #tpu.memory_space<vmem>>) offsets(%get3A_56 : vector<16xi32>) semaphore(%arg18 : memref<!tpu.dma_semaphore, #tpu.memory_space<semaphore_mem>>)
    %dma_start3A_63 = arith.constant 0 : i32
    %dma_start3A_64 = arith.constant 0 : i32
    %dma_start3A_65 = tpu.memref_slice %arg2[%dma_start3A_63, %dma_start3A_64] : memref<12288x1024xf32, #tpu.memory_space<hbm>> -> memref<12288x1024xf32, #tpu.memory_space<hbm>>
    tpu.enqueue_indirect_dma source(%dma_start3A_65 : memref<12288x1024xf32, #tpu.memory_space<hbm>>) target(%arg9 : memref<16x1024xf32, #tpu.memory_space<vmem>>) offsets(%get3A_59 : vector<16xi32>) semaphore(%arg18 : memref<!tpu.dma_semaphore, #tpu.memory_space<semaphore_mem>>)
    %dma_wait3A_66 = arith.constant 0 : i32
    %dma_wait3A_67 = tpu.memref_slice %arg7[%add3A_43, %dma_wait3A_66] : memref<4096x1024xf32, #tpu.memory_space<hbm>> -> memref<16x1024xf32, #tpu.memory_space<hbm>>
    %dma_wait3A_68 = arith.constant 0 : i32
    %dma_wait3A_69 = tpu.memref_slice %arg7[%add3A_43, %dma_wait3A_68] : memref<4096x1024xf32, #tpu.memory_space<hbm>> -> memref<16x1024xf32, #tpu.memory_space<hbm>>
    tpu.wait_dma2 semaphore(%arg20 : memref<!tpu.dma_semaphore, #tpu.memory_space<semaphore_mem>>) src(%arg10 : memref<16x1024xf32, #tpu.memory_space<vmem>>) dst(%dma_wait3A_69 : memref<16x1024xf32, #tpu.memory_space<hbm>>)
    %get3A_70 = arith.constant 16 : index
    %get3A_71 = tpu.vector_load %arg16[%get3A_70] {strides = array<i32>} : memref<128xf32, #tpu.memory_space<vmem>>, vector<16xf32>,
    %get3A_72 = vector.shape_cast %get3A_71 : vector<16xf32> to vector<16xf32>
    %get3A_73 = arith.constant 16 : index
    %get3A_74 = tpu.vector_load %arg17[%get3A_73] {strides = array<i32>} : memref<128xf32, #tpu.memory_space<vmem>>, vector<16xf32>,
    %get3A_75 = vector.shape_cast %get3A_74 : vector<16xf32> to vector<16xf32>
    %scan3A_76 = arith.constant 0 : i32
    %scan3A_77 = arith.constant 0 : i32
    %scan3A_78 = arith.constant 16 : i32
    %scan3A_79 = arith.addi %scan3A_77, %scan3A_78 : i32
    %scan3A_80 = arith.constant 1 : i32
    %scan3A_81 = scf.for %scan3A_341 = %scan3A_77 to %scan3A_79 step %scan3A_80 iter_args(%scan3A_342 = %scan3A_76) -> (i32)  : i32 {
      %broadcast_in_dim3A = vector.broadcast %scan3A_341 : i32 to vector<16xi32>
      %lt3A = arith.constant 0 : i32
      %lt3A_343 = vector.broadcast %lt3A : i32 to vector<16xi32>
      %lt3A_344 = arith.cmpi slt, %broadcast_in_dim3A, %lt3A_343 : vector<16xi32>
      %add3A_345 = arith.constant 16 : i32
      %add3A_346 = vector.broadcast %add3A_345 : i32 to vector<16xi32>
      %add3A_347 = arith.addi %broadcast_in_dim3A, %add3A_346 : vector<16xi32>
      %select_n3A = arith.select %lt3A_344, %add3A_347, %broadcast_in_dim3A : vector<16xi1>, vector<16xi32>
      %broadcast_in_dim3A_348 = vector.shape_cast %select_n3A : vector<16xi32> to vector<16x1xi32>
      %gather3A = vector.shape_cast %broadcast_in_dim3A_348 : vector<16x1xi32> to vector<16xi32>
      %gather3A_349 = tpu.dynamic_gather %get3A_72[%gather3A] in [0] : vector<16xf32>, vector<16xi32> -> vector<16xf32>
      %lt3A_350 = arith.constant 0 : i32
      %lt3A_351 = vector.broadcast %lt3A_350 : i32 to vector<16xi32>
      %lt3A_352 = arith.cmpi slt, %broadcast_in_dim3A, %lt3A_351 : vector<16xi32>
      %add3A_353 = arith.constant 16 : i32
      %add3A_354 = vector.broadcast %add3A_353 : i32 to vector<16xi32>
      %add3A_355 = arith.addi %broadcast_in_dim3A, %add3A_354 : vector<16xi32>
      %select_n3A_356 = arith.select %lt3A_352, %add3A_355, %broadcast_in_dim3A : vector<16xi1>, vector<16xi32>
      %broadcast_in_dim3A_357 = vector.shape_cast %select_n3A_356 : vector<16xi32> to vector<16x1xi32>
      %gather3A_358 = vector.shape_cast %broadcast_in_dim3A_357 : vector<16x1xi32> to vector<16xi32>
      %gather3A_359 = tpu.dynamic_gather %get3A_75[%gather3A_358] in [0] : vector<16xf32>, vector<16xi32> -> vector<16xf32>
      %scan3A_360 = arith.constant 0 : i32
      %scan3A_361 = arith.constant 0 : i32
      %scan3A_362 = arith.constant 64 : i32
      %scan3A_363 = arith.addi %scan3A_361, %scan3A_362 : i32
      %scan3A_364 = arith.constant 8 : i32
      %scan3A_365 = scf.for %scan3A_368 = %scan3A_361 to %scan3A_363 step %scan3A_364 iter_args(%scan3A_369 = %scan3A_360) -> (i32)  : i32 {
        %mul3A_370 = arith.constant 16 : i32
        %mul3A_371 = arith.muli %scan3A_368, %mul3A_370 : i32
        %get3A_372 = arith.index_cast %scan3A_341 : i32 to index
        %get3A_373 = arith.index_cast %mul3A_371 : i32 to index
        %get3A_374 = tpu.vector_load %arg11[%get3A_372, %get3A_373] {strides = array<i32>} : memref<16x1024xf32, #tpu.memory_space<vmem>>, vector<1x16xf32>,
        %get3A_375 = vector.shape_cast %get3A_374 : vector<1x16xf32> to vector<16xf32>
        %mul3A_376 = arith.mulf %gather3A_349, %get3A_375 : vector<16xf32>
        %get3A_377 = arith.index_cast %scan3A_341 : i32 to index
        %get3A_378 = arith.index_cast %mul3A_371 : i32 to index
        %get3A_379 = tpu.vector_load %arg12[%get3A_377, %get3A_378] {strides = array<i32>} : memref<16x1024xf32, #tpu.memory_space<vmem>>, vector<1x16xf32>,
        %get3A_380 = vector.shape_cast %get3A_379 : vector<1x16xf32> to vector<16xf32>
        %mul3A_381 = arith.mulf %gather3A_359, %get3A_380 : vector<16xf32>
        %add3A_382 = arith.addf %mul3A_376, %mul3A_381 : vector<16xf32>
        %swap3A = arith.index_cast %scan3A_341 : i32 to index
        %swap3A_383 = arith.index_cast %mul3A_371 : i32 to index
        %swap3A_384 = tpu.vector_load %arg13[%swap3A, %swap3A_383] {strides = array<i32>} : memref<16x1024xf32, #tpu.memory_space<vmem>>, vector<1x16xf32>,
        %swap3A_385 = vector.shape_cast %swap3A_384 : vector<1x16xf32> to vector<16xf32>
        %swap3A_386 = vector.shape_cast %add3A_382 : vector<16xf32> to vector<1x16xf32>
        tpu.vector_store %arg13[%swap3A, %swap3A_383], %swap3A_386 {strides = array<i32>} : memref<16x1024xf32, #tpu.memory_space<vmem>>, vector<1x16xf32>,
        %scan3A_387 = arith.constant 0 : i32
        %scan3A_388 = arith.constant 1 : i32
        %scan3A_389 = arith.addi %scan3A_368, %scan3A_388 : i32
        %mul3A_390 = arith.constant 16 : i32
        %mul3A_391 = arith.muli %scan3A_389, %mul3A_390 : i32
        %get3A_392 = arith.index_cast %scan3A_341 : i32 to index
        %get3A_393 = arith.index_cast %mul3A_391 : i32 to index
        %get3A_394 = tpu.vector_load %arg11[%get3A_392, %get3A_393] {strides = array<i32>} : memref<16x1024xf32, #tpu.memory_space<vmem>>, vector<1x16xf32>,
        %get3A_395 = vector.shape_cast %get3A_394 : vector<1x16xf32> to vector<16xf32>
        %mul3A_396 = arith.mulf %gather3A_349, %get3A_395 : vector<16xf32>
        %get3A_397 = arith.index_cast %scan3A_341 : i32 to index
        %get3A_398 = arith.index_cast %mul3A_391 : i32 to index
        %get3A_399 = tpu.vector_load %arg12[%get3A_397, %get3A_398] {strides = array<i32>} : memref<16x1024xf32, #tpu.memory_space<vmem>>, vector<1x16xf32>,
        %get3A_400 = vector.shape_cast %get3A_399 : vector<1x16xf32> to vector<16xf32>
        %mul3A_401 = arith.mulf %gather3A_359, %get3A_400 : vector<16xf32>
        %add3A_402 = arith.addf %mul3A_396, %mul3A_401 : vector<16xf32>
        %swap3A_403 = arith.index_cast %scan3A_341 : i32 to index
        %swap3A_404 = arith.index_cast %mul3A_391 : i32 to index
        %swap3A_405 = tpu.vector_load %arg13[%swap3A_403, %swap3A_404] {strides = array<i32>} : memref<16x1024xf32, #tpu.memory_space<vmem>>, vector<1x16xf32>,
        %swap3A_406 = vector.shape_cast %swap3A_405 : vector<1x16xf32> to vector<16xf32>
        %swap3A_407 = vector.shape_cast %add3A_402 : vector<16xf32> to vector<1x16xf32>
        tpu.vector_store %arg13[%swap3A_403, %swap3A_404], %swap3A_407 {strides = array<i32>} : memref<16x1024xf32, #tpu.memory_space<vmem>>, vector<1x16xf32>,
        %scan3A_408 = arith.constant 0 : i32
        %scan3A_409 = arith.constant 2 : i32
        %scan3A_410 = arith.addi %scan3A_368, %scan3A_409 : i32
        %mul3A_411 = arith.constant 16 : i32
        %mul3A_412 = arith.muli %scan3A_410, %mul3A_411 : i32
        %get3A_413 = arith.index_cast %scan3A_341 : i32 to index
        %get3A_414 = arith.index_cast %mul3A_412 : i32 to index
        %get3A_415 = tpu.vector_load %arg11[%get3A_413, %get3A_414] {strides = array<i32>} : memref<16x1024xf32, #tpu.memory_space<vmem>>, vector<1x16xf32>,
        %get3A_416 = vector.shape_cast %get3A_415 : vector<1x16xf32> to vector<16xf32>
        %mul3A_417 = arith.mulf %gather3A_349, %get3A_416 : vector<16xf32>
        %get3A_418 = arith.index_cast %scan3A_341 : i32 to index
        %get3A_419 = arith.index_cast %mul3A_412 : i32 to index
        %get3A_420 = tpu.vector_load %arg12[%get3A_418, %get3A_419] {strides = array<i32>} : memref<16x1024xf32, #tpu.memory_space<vmem>>, vector<1x16xf32>,
        %get3A_421 = vector.shape_cast %get3A_420 : vector<1x16xf32> to vector<16xf32>
        %mul3A_422 = arith.mulf %gather3A_359, %get3A_421 : vector<16xf32>
        %add3A_423 = arith.addf %mul3A_417, %mul3A_422 : vector<16xf32>
        %swap3A_424 = arith.index_cast %scan3A_341 : i32 to index
        %swap3A_425 = arith.index_cast %mul3A_412 : i32 to index
        %swap3A_426 = tpu.vector_load %arg13[%swap3A_424, %swap3A_425] {strides = array<i32>} : memref<16x1024xf32, #tpu.memory_space<vmem>>, vector<1x16xf32>,
        %swap3A_427 = vector.shape_cast %swap3A_426 : vector<1x16xf32> to vector<16xf32>
        %swap3A_428 = vector.shape_cast %add3A_423 : vector<16xf32> to vector<1x16xf32>
        tpu.vector_store %arg13[%swap3A_424, %swap3A_425], %swap3A_428 {strides = array<i32>} : memref<16x1024xf32, #tpu.memory_space<vmem>>, vector<1x16xf32>,
        %scan3A_429 = arith.constant 0 : i32
        %scan3A_430 = arith.constant 3 : i32
        %scan3A_431 = arith.addi %scan3A_368, %scan3A_430 : i32
        %mul3A_432 = arith.constant 16 : i32
        %mul3A_433 = arith.muli %scan3A_431, %mul3A_432 : i32
        %get3A_434 = arith.index_cast %scan3A_341 : i32 to index
        %get3A_435 = arith.index_cast %mul3A_433 : i32 to index
        %get3A_436 = tpu.vector_load %arg11[%get3A_434, %get3A_435] {strides = array<i32>} : memref<16x1024xf32, #tpu.memory_space<vmem>>, vector<1x16xf32>,
        %get3A_437 = vector.shape_cast %get3A_436 : vector<1x16xf32> to vector<16xf32>
        %mul3A_438 = arith.mulf %gather3A_349, %get3A_437 : vector<16xf32>
        %get3A_439 = arith.index_cast %scan3A_341 : i32 to index
        %get3A_440 = arith.index_cast %mul3A_433 : i32 to index
        %get3A_441 = tpu.vector_load %arg12[%get3A_439, %get3A_440] {strides = array<i32>} : memref<16x1024xf32, #tpu.memory_space<vmem>>, vector<1x16xf32>,
        %get3A_442 = vector.shape_cast %get3A_441 : vector<1x16xf32> to vector<16xf32>
        %mul3A_443 = arith.mulf %gather3A_359, %get3A_442 : vector<16xf32>
        %add3A_444 = arith.addf %mul3A_438, %mul3A_443 : vector<16xf32>
        %swap3A_445 = arith.index_cast %scan3A_341 : i32 to index
        %swap3A_446 = arith.index_cast %mul3A_433 : i32 to index
        %swap3A_447 = tpu.vector_load %arg13[%swap3A_445, %swap3A_446] {strides = array<i32>} : memref<16x1024xf32, #tpu.memory_space<vmem>>, vector<1x16xf32>,
        %swap3A_448 = vector.shape_cast %swap3A_447 : vector<1x16xf32> to vector<16xf32>
        %swap3A_449 = vector.shape_cast %add3A_444 : vector<16xf32> to vector<1x16xf32>
        tpu.vector_store %arg13[%swap3A_445, %swap3A_446], %swap3A_449 {strides = array<i32>} : memref<16x1024xf32, #tpu.memory_space<vmem>>, vector<1x16xf32>,
        %scan3A_450 = arith.constant 0 : i32
        %scan3A_451 = arith.constant 4 : i32
        %scan3A_452 = arith.addi %scan3A_368, %scan3A_451 : i32
        %mul3A_453 = arith.constant 16 : i32
        %mul3A_454 = arith.muli %scan3A_452, %mul3A_453 : i32
        %get3A_455 = arith.index_cast %scan3A_341 : i32 to index
        %get3A_456 = arith.index_cast %mul3A_454 : i32 to index
        %get3A_457 = tpu.vector_load %arg11[%get3A_455, %get3A_456] {strides = array<i32>} : memref<16x1024xf32, #tpu.memory_space<vmem>>, vector<1x16xf32>,
        %get3A_458 = vector.shape_cast %get3A_457 : vector<1x16xf32> to vector<16xf32>
        %mul3A_459 = arith.mulf %gather3A_349, %get3A_458 : vector<16xf32>
        %get3A_460 = arith.index_cast %scan3A_341 : i32 to index
        %get3A_461 = arith.index_cast %mul3A_454 : i32 to index
        %get3A_462 = tpu.vector_load %arg12[%get3A_460, %get3A_461] {strides = array<i32>} : memref<16x1024xf32, #tpu.memory_space<vmem>>, vector<1x16xf32>,
        %get3A_463 = vector.shape_cast %get3A_462 : vector<1x16xf32> to vector<16xf32>
        %mul3A_464 = arith.mulf %gather3A_359, %get3A_463 : vector<16xf32>
        %add3A_465 = arith.addf %mul3A_459, %mul3A_464 : vector<16xf32>
        %swap3A_466 = arith.index_cast %scan3A_341 : i32 to index
        %swap3A_467 = arith.index_cast %mul3A_454 : i32 to index
        %swap3A_468 = tpu.vector_load %arg13[%swap3A_466, %swap3A_467] {strides = array<i32>} : memref<16x1024xf32, #tpu.memory_space<vmem>>, vector<1x16xf32>,
        %swap3A_469 = vector.shape_cast %swap3A_468 : vector<1x16xf32> to vector<16xf32>
        %swap3A_470 = vector.shape_cast %add3A_465 : vector<16xf32> to vector<1x16xf32>
        tpu.vector_store %arg13[%swap3A_466, %swap3A_467], %swap3A_470 {strides = array<i32>} : memref<16x1024xf32, #tpu.memory_space<vmem>>, vector<1x16xf32>,
        %scan3A_471 = arith.constant 0 : i32
        %scan3A_472 = arith.constant 5 : i32
        %scan3A_473 = arith.addi %scan3A_368, %scan3A_472 : i32
        %mul3A_474 = arith.constant 16 : i32
        %mul3A_475 = arith.muli %scan3A_473, %mul3A_474 : i32
        %get3A_476 = arith.index_cast %scan3A_341 : i32 to index
        %get3A_477 = arith.index_cast %mul3A_475 : i32 to index
        %get3A_478 = tpu.vector_load %arg11[%get3A_476, %get3A_477] {strides = array<i32>} : memref<16x1024xf32, #tpu.memory_space<vmem>>, vector<1x16xf32>,
        %get3A_479 = vector.shape_cast %get3A_478 : vector<1x16xf32> to vector<16xf32>
        %mul3A_480 = arith.mulf %gather3A_349, %get3A_479 : vector<16xf32>
        %get3A_481 = arith.index_cast %scan3A_341 : i32 to index
        %get3A_482 = arith.index_cast %mul3A_475 : i32 to index
        %get3A_483 = tpu.vector_load %arg12[%get3A_481, %get3A_482] {strides = array<i32>} : memref<16x1024xf32, #tpu.memory_space<vmem>>, vector<1x16xf32>,
        %get3A_484 = vector.shape_cast %get3A_483 : vector<1x16xf32> to vector<16xf32>
        %mul3A_485 = arith.mulf %gather3A_359, %get3A_484 : vector<16xf32>
        %add3A_486 = arith.addf %mul3A_480, %mul3A_485 : vector<16xf32>
        %swap3A_487 = arith.index_cast %scan3A_341 : i32 to index
        %swap3A_488 = arith.index_cast %mul3A_475 : i32 to index
        %swap3A_489 = tpu.vector_load %arg13[%swap3A_487, %swap3A_488] {strides = array<i32>} : memref<16x1024xf32, #tpu.memory_space<vmem>>, vector<1x16xf32>,
        %swap3A_490 = vector.shape_cast %swap3A_489 : vector<1x16xf32> to vector<16xf32>
        %swap3A_491 = vector.shape_cast %add3A_486 : vector<16xf32> to vector<1x16xf32>
        tpu.vector_store %arg13[%swap3A_487, %swap3A_488], %swap3A_491 {strides = array<i32>} : memref<16x1024xf32, #tpu.memory_space<vmem>>, vector<1x16xf32>,
        %scan3A_492 = arith.constant 0 : i32
        %scan3A_493 = arith.constant 6 : i32
        %scan3A_494 = arith.addi %scan3A_368, %scan3A_493 : i32
        %mul3A_495 = arith.constant 16 : i32
        %mul3A_496 = arith.muli %scan3A_494, %mul3A_495 : i32
        %get3A_497 = arith.index_cast %scan3A_341 : i32 to index
        %get3A_498 = arith.index_cast %mul3A_496 : i32 to index
        %get3A_499 = tpu.vector_load %arg11[%get3A_497, %get3A_498] {strides = array<i32>} : memref<16x1024xf32, #tpu.memory_space<vmem>>, vector<1x16xf32>,
        %get3A_500 = vector.shape_cast %get3A_499 : vector<1x16xf32> to vector<16xf32>
        %mul3A_501 = arith.mulf %gather3A_349, %get3A_500 : vector<16xf32>
        %get3A_502 = arith.index_cast %scan3A_341 : i32 to index
        %get3A_503 = arith.index_cast %mul3A_496 : i32 to index
        %get3A_504 = tpu.vector_load %arg12[%get3A_502, %get3A_503] {strides = array<i32>} : memref<16x1024xf32, #tpu.memory_space<vmem>>, vector<1x16xf32>,
        %get3A_505 = vector.shape_cast %get3A_504 : vector<1x16xf32> to vector<16xf32>
        %mul3A_506 = arith.mulf %gather3A_359, %get3A_505 : vector<16xf32>
        %add3A_507 = arith.addf %mul3A_501, %mul3A_506 : vector<16xf32>
        %swap3A_508 = arith.index_cast %scan3A_341 : i32 to index
        %swap3A_509 = arith.index_cast %mul3A_496 : i32 to index
        %swap3A_510 = tpu.vector_load %arg13[%swap3A_508, %swap3A_509] {strides = array<i32>} : memref<16x1024xf32, #tpu.memory_space<vmem>>, vector<1x16xf32>,
        %swap3A_511 = vector.shape_cast %swap3A_510 : vector<1x16xf32> to vector<16xf32>
        %swap3A_512 = vector.shape_cast %add3A_507 : vector<16xf32> to vector<1x16xf32>
        tpu.vector_store %arg13[%swap3A_508, %swap3A_509], %swap3A_512 {strides = array<i32>} : memref<16x1024xf32, #tpu.memory_space<vmem>>, vector<1x16xf32>,
        %scan3A_513 = arith.constant 0 : i32
        %scan3A_514 = arith.constant 7 : i32
        %scan3A_515 = arith.addi %scan3A_368, %scan3A_514 : i32
        %mul3A_516 = arith.constant 16 : i32
        %mul3A_517 = arith.muli %scan3A_515, %mul3A_516 : i32
        %get3A_518 = arith.index_cast %scan3A_341 : i32 to index
        %get3A_519 = arith.index_cast %mul3A_517 : i32 to index
        %get3A_520 = tpu.vector_load %arg11[%get3A_518, %get3A_519] {strides = array<i32>} : memref<16x1024xf32, #tpu.memory_space<vmem>>, vector<1x16xf32>,
        %get3A_521 = vector.shape_cast %get3A_520 : vector<1x16xf32> to vector<16xf32>
        %mul3A_522 = arith.mulf %gather3A_349, %get3A_521 : vector<16xf32>
        %get3A_523 = arith.index_cast %scan3A_341 : i32 to index
        %get3A_524 = arith.index_cast %mul3A_517 : i32 to index
        %get3A_525 = tpu.vector_load %arg12[%get3A_523, %get3A_524] {strides = array<i32>} : memref<16x1024xf32, #tpu.memory_space<vmem>>, vector<1x16xf32>,
        %get3A_526 = vector.shape_cast %get3A_525 : vector<1x16xf32> to vector<16xf32>
        %mul3A_527 = arith.mulf %gather3A_359, %get3A_526 : vector<16xf32>
        %add3A_528 = arith.addf %mul3A_522, %mul3A_527 : vector<16xf32>
        %swap3A_529 = arith.index_cast %scan3A_341 : i32 to index
        %swap3A_530 = arith.index_cast %mul3A_517 : i32 to index
        %swap3A_531 = tpu.vector_load %arg13[%swap3A_529, %swap3A_530] {strides = array<i32>} : memref<16x1024xf32, #tpu.memory_space<vmem>>, vector<1x16xf32>,
        %swap3A_532 = vector.shape_cast %swap3A_531 : vector<1x16xf32> to vector<16xf32>
        %swap3A_533 = vector.shape_cast %add3A_528 : vector<16xf32> to vector<1x16xf32>
        tpu.vector_store %arg13[%swap3A_529, %swap3A_530], %swap3A_533 {strides = array<i32>} : memref<16x1024xf32, #tpu.memory_space<vmem>>, vector<1x16xf32>,
        %scan3A_534 = arith.constant 0 : i32
        scf.yield %scan3A_534 : i32
      }
      %scan3A_366 = arith.constant 64 : i32
      %scan3A_367 = arith.constant 0 : i32
      scf.yield %scan3A_367 : i32
    }
    %scan3A_82 = arith.constant 16 : i32
    %mul3A_83 = arith.constant 128 : i32
    %mul3A_84 = arith.muli %add3A, %mul3A_83 : i32
    %add3A_85 = arith.constant 16 : i32
    %add3A_86 = arith.addi %mul3A_84, %add3A_85 : i32
    %dma_start3A_87 = arith.constant 0 : i32
    %dma_start3A_88 = tpu.memref_slice %arg7[%add3A_86, %dma_start3A_87] : memref<4096x1024xf32, #tpu.memory_space<hbm>> -> memref<16x1024xf32, #tpu.memory_space<hbm>>
    %dma_start3A_89 = arith.constant 0 : i32
    %dma_start3A_90 = tpu.memref_slice %arg7[%add3A_86, %dma_start3A_89] : memref<4096x1024xf32, #tpu.memory_space<hbm>> -> memref<16x1024xf32, #tpu.memory_space<hbm>>
    tpu.enqueue_dma source(%arg13 : memref<16x1024xf32, #tpu.memory_space<vmem>>) target(%dma_start3A_90 : memref<16x1024xf32, #tpu.memory_space<hbm>>) target_semaphore(%arg20 : memref<!tpu.dma_semaphore, #tpu.memory_space<semaphore_mem>>)
    %dma_wait3A_91 = arith.constant 0 : i32
    %dma_wait3A_92 = arith.constant 0 : i32
    %dma_wait3A_93 = tpu.memref_slice %arg2[%dma_wait3A_91, %dma_wait3A_92] : memref<12288x1024xf32, #tpu.memory_space<hbm>> -> memref<12288x1024xf32, #tpu.memory_space<hbm>>
    tpu.wait_indirect_dma semaphore(%arg18 : memref<!tpu.dma_semaphore, #tpu.memory_space<semaphore_mem>>) src(%dma_wait3A_93 : memref<12288x1024xf32, #tpu.memory_space<hbm>>) dst(%arg8 : memref<16x1024xf32, #tpu.memory_space<vmem>>)
    %dma_wait3A_94 = arith.constant 0 : i32
    %dma_wait3A_95 = arith.constant 0 : i32
    %dma_wait3A_96 = tpu.memref_slice %arg2[%dma_wait3A_94, %dma_wait3A_95] : memref<12288x1024xf32, #tpu.memory_space<hbm>> -> memref<12288x1024xf32, #tpu.memory_space<hbm>>
    tpu.wait_indirect_dma semaphore(%arg18 : memref<!tpu.dma_semaphore, #tpu.memory_space<semaphore_mem>>) src(%dma_wait3A_96 : memref<12288x1024xf32, #tpu.memory_space<hbm>>) dst(%arg9 : memref<16x1024xf32, #tpu.memory_space<vmem>>)
    %get3A_97 = arith.constant 48 : index
    %get3A_98 = tpu.vector_load %arg14[%get3A_97] {strides = array<i32>} : memref<128xi32, #tpu.memory_space<vmem>>, vector<16xi32>,
    %get3A_99 = vector.shape_cast %get3A_98 : vector<16xi32> to vector<16xi32>
    %get3A_100 = arith.constant 48 : index
    %get3A_101 = tpu.vector_load %arg15[%get3A_100] {strides = array<i32>} : memref<128xi32, #tpu.memory_space<vmem>>, vector<16xi32>,
    %get3A_102 = vector.shape_cast %get3A_101 : vector<16xi32> to vector<16xi32>
    %dma_start3A_103 = arith.constant 0 : i32
    %dma_start3A_104 = arith.constant 0 : i32
    %dma_start3A_105 = tpu.memref_slice %arg2[%dma_start3A_103, %dma_start3A_104] : memref<12288x1024xf32, #tpu.memory_space<hbm>> -> memref<12288x1024xf32, #tpu.memory_space<hbm>>
    tpu.enqueue_indirect_dma source(%dma_start3A_105 : memref<12288x1024xf32, #tpu.memory_space<hbm>>) target(%arg11 : memref<16x1024xf32, #tpu.memory_space<vmem>>) offsets(%get3A_99 : vector<16xi32>) semaphore(%arg19 : memref<!tpu.dma_semaphore, #tpu.memory_space<semaphore_mem>>)
    %dma_start3A_106 = arith.constant 0 : i32
    %dma_start3A_107 = arith.constant 0 : i32
    %dma_start3A_108 = tpu.memref_slice %arg2[%dma_start3A_106, %dma_start3A_107] : memref<12288x1024xf32, #tpu.memory_space<hbm>> -> memref<12288x1024xf32, #tpu.memory_space<hbm>>
    tpu.enqueue_indirect_dma source(%dma_start3A_108 : memref<12288x1024xf32, #tpu.memory_space<hbm>>) target(%arg12 : memref<16x1024xf32, #tpu.memory_space<vmem>>) offsets(%get3A_102 : vector<16xi32>) semaphore(%arg19 : memref<!tpu.dma_semaphore, #tpu.memory_space<semaphore_mem>>)
    %dma_wait3A_109 = arith.constant 0 : i32
    %dma_wait3A_110 = tpu.memref_slice %arg7[%add3A_86, %dma_wait3A_109] : memref<4096x1024xf32, #tpu.memory_space<hbm>> -> memref<16x1024xf32, #tpu.memory_space<hbm>>
    %dma_wait3A_111 = arith.constant 0 : i32
    %dma_wait3A_112 = tpu.memref_slice %arg7[%add3A_86, %dma_wait3A_111] : memref<4096x1024xf32, #tpu.memory_space<hbm>> -> memref<16x1024xf32, #tpu.memory_space<hbm>>
    tpu.wait_dma2 semaphore(%arg20 : memref<!tpu.dma_semaphore, #tpu.memory_space<semaphore_mem>>) src(%arg13 : memref<16x1024xf32, #tpu.memory_space<vmem>>) dst(%dma_wait3A_112 : memref<16x1024xf32, #tpu.memory_space<hbm>>)
    %get3A_113 = arith.constant 32 : index
    %get3A_114 = tpu.vector_load %arg16[%get3A_113] {strides = array<i32>} : memref<128xf32, #tpu.memory_space<vmem>>, vector<16xf32>,
    %get3A_115 = vector.shape_cast %get3A_114 : vector<16xf32> to vector<16xf32>
    %get3A_116 = arith.constant 32 : index
    %get3A_117 = tpu.vector_load %arg17[%get3A_116] {strides = array<i32>} : memref<128xf32, #tpu.memory_space<vmem>>, vector<16xf32>,
    %get3A_118 = vector.shape_cast %get3A_117 : vector<16xf32> to vector<16xf32>
    %scan3A_119 = arith.constant 0 : i32
    %scan3A_120 = arith.constant 0 : i32
    %scan3A_121 = arith.constant 16 : i32
    %scan3A_122 = arith.addi %scan3A_120, %scan3A_121 : i32
    %scan3A_123 = arith.constant 1 : i32
    %scan3A_124 = scf.for %scan3A_341 = %scan3A_120 to %scan3A_122 step %scan3A_123 iter_args(%scan3A_342 = %scan3A_119) -> (i32)  : i32 {
      %broadcast_in_dim3A = vector.broadcast %scan3A_341 : i32 to vector<16xi32>
      %lt3A = arith.constant 0 : i32
      %lt3A_343 = vector.broadcast %lt3A : i32 to vector<16xi32>
      %lt3A_344 = arith.cmpi slt, %broadcast_in_dim3A, %lt3A_343 : vector<16xi32>
      %add3A_345 = arith.constant 16 : i32
      %add3A_346 = vector.broadcast %add3A_345 : i32 to vector<16xi32>
      %add3A_347 = arith.addi %broadcast_in_dim3A, %add3A_346 : vector<16xi32>
      %select_n3A = arith.select %lt3A_344, %add3A_347, %broadcast_in_dim3A : vector<16xi1>, vector<16xi32>
      %broadcast_in_dim3A_348 = vector.shape_cast %select_n3A : vector<16xi32> to vector<16x1xi32>
      %gather3A = vector.shape_cast %broadcast_in_dim3A_348 : vector<16x1xi32> to vector<16xi32>
      %gather3A_349 = tpu.dynamic_gather %get3A_115[%gather3A] in [0] : vector<16xf32>, vector<16xi32> -> vector<16xf32>
      %lt3A_350 = arith.constant 0 : i32
      %lt3A_351 = vector.broadcast %lt3A_350 : i32 to vector<16xi32>
      %lt3A_352 = arith.cmpi slt, %broadcast_in_dim3A, %lt3A_351 : vector<16xi32>
      %add3A_353 = arith.constant 16 : i32
      %add3A_354 = vector.broadcast %add3A_353 : i32 to vector<16xi32>
      %add3A_355 = arith.addi %broadcast_in_dim3A, %add3A_354 : vector<16xi32>
      %select_n3A_356 = arith.select %lt3A_352, %add3A_355, %broadcast_in_dim3A : vector<16xi1>, vector<16xi32>
      %broadcast_in_dim3A_357 = vector.shape_cast %select_n3A_356 : vector<16xi32> to vector<16x1xi32>
      %gather3A_358 = vector.shape_cast %broadcast_in_dim3A_357 : vector<16x1xi32> to vector<16xi32>
      %gather3A_359 = tpu.dynamic_gather %get3A_118[%gather3A_358] in [0] : vector<16xf32>, vector<16xi32> -> vector<16xf32>
      %scan3A_360 = arith.constant 0 : i32
      %scan3A_361 = arith.constant 0 : i32
      %scan3A_362 = arith.constant 64 : i32
      %scan3A_363 = arith.addi %scan3A_361, %scan3A_362 : i32
      %scan3A_364 = arith.constant 8 : i32
      %scan3A_365 = scf.for %scan3A_368 = %scan3A_361 to %scan3A_363 step %scan3A_364 iter_args(%scan3A_369 = %scan3A_360) -> (i32)  : i32 {
        %mul3A_370 = arith.constant 16 : i32
        %mul3A_371 = arith.muli %scan3A_368, %mul3A_370 : i32
        %get3A_372 = arith.index_cast %scan3A_341 : i32 to index
        %get3A_373 = arith.index_cast %mul3A_371 : i32 to index
        %get3A_374 = tpu.vector_load %arg8[%get3A_372, %get3A_373] {strides = array<i32>} : memref<16x1024xf32, #tpu.memory_space<vmem>>, vector<1x16xf32>,
        %get3A_375 = vector.shape_cast %get3A_374 : vector<1x16xf32> to vector<16xf32>
        %mul3A_376 = arith.mulf %gather3A_349, %get3A_375 : vector<16xf32>
        %get3A_377 = arith.index_cast %scan3A_341 : i32 to index
        %get3A_378 = arith.index_cast %mul3A_371 : i32 to index
        %get3A_379 = tpu.vector_load %arg9[%get3A_377, %get3A_378] {strides = array<i32>} : memref<16x1024xf32, #tpu.memory_space<vmem>>, vector<1x16xf32>,
        %get3A_380 = vector.shape_cast %get3A_379 : vector<1x16xf32> to vector<16xf32>
        %mul3A_381 = arith.mulf %gather3A_359, %get3A_380 : vector<16xf32>
        %add3A_382 = arith.addf %mul3A_376, %mul3A_381 : vector<16xf32>
        %swap3A = arith.index_cast %scan3A_341 : i32 to index
        %swap3A_383 = arith.index_cast %mul3A_371 : i32 to index
        %swap3A_384 = tpu.vector_load %arg10[%swap3A, %swap3A_383] {strides = array<i32>} : memref<16x1024xf32, #tpu.memory_space<vmem>>, vector<1x16xf32>,
        %swap3A_385 = vector.shape_cast %swap3A_384 : vector<1x16xf32> to vector<16xf32>
        %swap3A_386 = vector.shape_cast %add3A_382 : vector<16xf32> to vector<1x16xf32>
        tpu.vector_store %arg10[%swap3A, %swap3A_383], %swap3A_386 {strides = array<i32>} : memref<16x1024xf32, #tpu.memory_space<vmem>>, vector<1x16xf32>,
        %scan3A_387 = arith.constant 0 : i32
        %scan3A_388 = arith.constant 1 : i32
        %scan3A_389 = arith.addi %scan3A_368, %scan3A_388 : i32
        %mul3A_390 = arith.constant 16 : i32
        %mul3A_391 = arith.muli %scan3A_389, %mul3A_390 : i32
        %get3A_392 = arith.index_cast %scan3A_341 : i32 to index
        %get3A_393 = arith.index_cast %mul3A_391 : i32 to index
        %get3A_394 = tpu.vector_load %arg8[%get3A_392, %get3A_393] {strides = array<i32>} : memref<16x1024xf32, #tpu.memory_space<vmem>>, vector<1x16xf32>,
        %get3A_395 = vector.shape_cast %get3A_394 : vector<1x16xf32> to vector<16xf32>
        %mul3A_396 = arith.mulf %gather3A_349, %get3A_395 : vector<16xf32>
        %get3A_397 = arith.index_cast %scan3A_341 : i32 to index
        %get3A_398 = arith.index_cast %mul3A_391 : i32 to index
        %get3A_399 = tpu.vector_load %arg9[%get3A_397, %get3A_398] {strides = array<i32>} : memref<16x1024xf32, #tpu.memory_space<vmem>>, vector<1x16xf32>,
        %get3A_400 = vector.shape_cast %get3A_399 : vector<1x16xf32> to vector<16xf32>
        %mul3A_401 = arith.mulf %gather3A_359, %get3A_400 : vector<16xf32>
        %add3A_402 = arith.addf %mul3A_396, %mul3A_401 : vector<16xf32>
        %swap3A_403 = arith.index_cast %scan3A_341 : i32 to index
        %swap3A_404 = arith.index_cast %mul3A_391 : i32 to index
        %swap3A_405 = tpu.vector_load %arg10[%swap3A_403, %swap3A_404] {strides = array<i32>} : memref<16x1024xf32, #tpu.memory_space<vmem>>, vector<1x16xf32>,
        %swap3A_406 = vector.shape_cast %swap3A_405 : vector<1x16xf32> to vector<16xf32>
        %swap3A_407 = vector.shape_cast %add3A_402 : vector<16xf32> to vector<1x16xf32>
        tpu.vector_store %arg10[%swap3A_403, %swap3A_404], %swap3A_407 {strides = array<i32>} : memref<16x1024xf32, #tpu.memory_space<vmem>>, vector<1x16xf32>,
        %scan3A_408 = arith.constant 0 : i32
        %scan3A_409 = arith.constant 2 : i32
        %scan3A_410 = arith.addi %scan3A_368, %scan3A_409 : i32
        %mul3A_411 = arith.constant 16 : i32
        %mul3A_412 = arith.muli %scan3A_410, %mul3A_411 : i32
        %get3A_413 = arith.index_cast %scan3A_341 : i32 to index
        %get3A_414 = arith.index_cast %mul3A_412 : i32 to index
        %get3A_415 = tpu.vector_load %arg8[%get3A_413, %get3A_414] {strides = array<i32>} : memref<16x1024xf32, #tpu.memory_space<vmem>>, vector<1x16xf32>,
        %get3A_416 = vector.shape_cast %get3A_415 : vector<1x16xf32> to vector<16xf32>
        %mul3A_417 = arith.mulf %gather3A_349, %get3A_416 : vector<16xf32>
        %get3A_418 = arith.index_cast %scan3A_341 : i32 to index
        %get3A_419 = arith.index_cast %mul3A_412 : i32 to index
        %get3A_420 = tpu.vector_load %arg9[%get3A_418, %get3A_419] {strides = array<i32>} : memref<16x1024xf32, #tpu.memory_space<vmem>>, vector<1x16xf32>,
        %get3A_421 = vector.shape_cast %get3A_420 : vector<1x16xf32> to vector<16xf32>
        %mul3A_422 = arith.mulf %gather3A_359, %get3A_421 : vector<16xf32>
        %add3A_423 = arith.addf %mul3A_417, %mul3A_422 : vector<16xf32>
        %swap3A_424 = arith.index_cast %scan3A_341 : i32 to index
        %swap3A_425 = arith.index_cast %mul3A_412 : i32 to index
        %swap3A_426 = tpu.vector_load %arg10[%swap3A_424, %swap3A_425] {strides = array<i32>} : memref<16x1024xf32, #tpu.memory_space<vmem>>, vector<1x16xf32>,
        %swap3A_427 = vector.shape_cast %swap3A_426 : vector<1x16xf32> to vector<16xf32>
        %swap3A_428 = vector.shape_cast %add3A_423 : vector<16xf32> to vector<1x16xf32>
        tpu.vector_store %arg10[%swap3A_424, %swap3A_425], %swap3A_428 {strides = array<i32>} : memref<16x1024xf32, #tpu.memory_space<vmem>>, vector<1x16xf32>,
        %scan3A_429 = arith.constant 0 : i32
        %scan3A_430 = arith.constant 3 : i32
        %scan3A_431 = arith.addi %scan3A_368, %scan3A_430 : i32
        %mul3A_432 = arith.constant 16 : i32
        %mul3A_433 = arith.muli %scan3A_431, %mul3A_432 : i32
        %get3A_434 = arith.index_cast %scan3A_341 : i32 to index
        %get3A_435 = arith.index_cast %mul3A_433 : i32 to index
        %get3A_436 = tpu.vector_load %arg8[%get3A_434, %get3A_435] {strides = array<i32>} : memref<16x1024xf32, #tpu.memory_space<vmem>>, vector<1x16xf32>,
        %get3A_437 = vector.shape_cast %get3A_436 : vector<1x16xf32> to vector<16xf32>
        %mul3A_438 = arith.mulf %gather3A_349, %get3A_437 : vector<16xf32>
        %get3A_439 = arith.index_cast %scan3A_341 : i32 to index
        %get3A_440 = arith.index_cast %mul3A_433 : i32 to index
        %get3A_441 = tpu.vector_load %arg9[%get3A_439, %get3A_440] {strides = array<i32>} : memref<16x1024xf32, #tpu.memory_space<vmem>>, vector<1x16xf32>,
        %get3A_442 = vector.shape_cast %get3A_441 : vector<1x16xf32> to vector<16xf32>
        %mul3A_443 = arith.mulf %gather3A_359, %get3A_442 : vector<16xf32>
        %add3A_444 = arith.addf %mul3A_438, %mul3A_443 : vector<16xf32>
        %swap3A_445 = arith.index_cast %scan3A_341 : i32 to index
        %swap3A_446 = arith.index_cast %mul3A_433 : i32 to index
        %swap3A_447 = tpu.vector_load %arg10[%swap3A_445, %swap3A_446] {strides = array<i32>} : memref<16x1024xf32, #tpu.memory_space<vmem>>, vector<1x16xf32>,
        %swap3A_448 = vector.shape_cast %swap3A_447 : vector<1x16xf32> to vector<16xf32>
        %swap3A_449 = vector.shape_cast %add3A_444 : vector<16xf32> to vector<1x16xf32>
        tpu.vector_store %arg10[%swap3A_445, %swap3A_446], %swap3A_449 {strides = array<i32>} : memref<16x1024xf32, #tpu.memory_space<vmem>>, vector<1x16xf32>,
        %scan3A_450 = arith.constant 0 : i32
        %scan3A_451 = arith.constant 4 : i32
        %scan3A_452 = arith.addi %scan3A_368, %scan3A_451 : i32
        %mul3A_453 = arith.constant 16 : i32
        %mul3A_454 = arith.muli %scan3A_452, %mul3A_453 : i32
        %get3A_455 = arith.index_cast %scan3A_341 : i32 to index
        %get3A_456 = arith.index_cast %mul3A_454 : i32 to index
        %get3A_457 = tpu.vector_load %arg8[%get3A_455, %get3A_456] {strides = array<i32>} : memref<16x1024xf32, #tpu.memory_space<vmem>>, vector<1x16xf32>,
        %get3A_458 = vector.shape_cast %get3A_457 : vector<1x16xf32> to vector<16xf32>
        %mul3A_459 = arith.mulf %gather3A_349, %get3A_458 : vector<16xf32>
        %get3A_460 = arith.index_cast %scan3A_341 : i32 to index
        %get3A_461 = arith.index_cast %mul3A_454 : i32 to index
        %get3A_462 = tpu.vector_load %arg9[%get3A_460, %get3A_461] {strides = array<i32>} : memref<16x1024xf32, #tpu.memory_space<vmem>>, vector<1x16xf32>,
        %get3A_463 = vector.shape_cast %get3A_462 : vector<1x16xf32> to vector<16xf32>
        %mul3A_464 = arith.mulf %gather3A_359, %get3A_463 : vector<16xf32>
        %add3A_465 = arith.addf %mul3A_459, %mul3A_464 : vector<16xf32>
        %swap3A_466 = arith.index_cast %scan3A_341 : i32 to index
        %swap3A_467 = arith.index_cast %mul3A_454 : i32 to index
        %swap3A_468 = tpu.vector_load %arg10[%swap3A_466, %swap3A_467] {strides = array<i32>} : memref<16x1024xf32, #tpu.memory_space<vmem>>, vector<1x16xf32>,
        %swap3A_469 = vector.shape_cast %swap3A_468 : vector<1x16xf32> to vector<16xf32>
        %swap3A_470 = vector.shape_cast %add3A_465 : vector<16xf32> to vector<1x16xf32>
        tpu.vector_store %arg10[%swap3A_466, %swap3A_467], %swap3A_470 {strides = array<i32>} : memref<16x1024xf32, #tpu.memory_space<vmem>>, vector<1x16xf32>,
        %scan3A_471 = arith.constant 0 : i32
        %scan3A_472 = arith.constant 5 : i32
        %scan3A_473 = arith.addi %scan3A_368, %scan3A_472 : i32
        %mul3A_474 = arith.constant 16 : i32
        %mul3A_475 = arith.muli %scan3A_473, %mul3A_474 : i32
        %get3A_476 = arith.index_cast %scan3A_341 : i32 to index
        %get3A_477 = arith.index_cast %mul3A_475 : i32 to index
        %get3A_478 = tpu.vector_load %arg8[%get3A_476, %get3A_477] {strides = array<i32>} : memref<16x1024xf32, #tpu.memory_space<vmem>>, vector<1x16xf32>,
        %get3A_479 = vector.shape_cast %get3A_478 : vector<1x16xf32> to vector<16xf32>
        %mul3A_480 = arith.mulf %gather3A_349, %get3A_479 : vector<16xf32>
        %get3A_481 = arith.index_cast %scan3A_341 : i32 to index
        %get3A_482 = arith.index_cast %mul3A_475 : i32 to index
        %get3A_483 = tpu.vector_load %arg9[%get3A_481, %get3A_482] {strides = array<i32>} : memref<16x1024xf32, #tpu.memory_space<vmem>>, vector<1x16xf32>,
        %get3A_484 = vector.shape_cast %get3A_483 : vector<1x16xf32> to vector<16xf32>
        %mul3A_485 = arith.mulf %gather3A_359, %get3A_484 : vector<16xf32>
        %add3A_486 = arith.addf %mul3A_480, %mul3A_485 : vector<16xf32>
        %swap3A_487 = arith.index_cast %scan3A_341 : i32 to index
        %swap3A_488 = arith.index_cast %mul3A_475 : i32 to index
        %swap3A_489 = tpu.vector_load %arg10[%swap3A_487, %swap3A_488] {strides = array<i32>} : memref<16x1024xf32, #tpu.memory_space<vmem>>, vector<1x16xf32>,
        %swap3A_490 = vector.shape_cast %swap3A_489 : vector<1x16xf32> to vector<16xf32>
        %swap3A_491 = vector.shape_cast %add3A_486 : vector<16xf32> to vector<1x16xf32>
        tpu.vector_store %arg10[%swap3A_487, %swap3A_488], %swap3A_491 {strides = array<i32>} : memref<16x1024xf32, #tpu.memory_space<vmem>>, vector<1x16xf32>,
        %scan3A_492 = arith.constant 0 : i32
        %scan3A_493 = arith.constant 6 : i32
        %scan3A_494 = arith.addi %scan3A_368, %scan3A_493 : i32
        %mul3A_495 = arith.constant 16 : i32
        %mul3A_496 = arith.muli %scan3A_494, %mul3A_495 : i32
        %get3A_497 = arith.index_cast %scan3A_341 : i32 to index
        %get3A_498 = arith.index_cast %mul3A_496 : i32 to index
        %get3A_499 = tpu.vector_load %arg8[%get3A_497, %get3A_498] {strides = array<i32>} : memref<16x1024xf32, #tpu.memory_space<vmem>>, vector<1x16xf32>,
        %get3A_500 = vector.shape_cast %get3A_499 : vector<1x16xf32> to vector<16xf32>
        %mul3A_501 = arith.mulf %gather3A_349, %get3A_500 : vector<16xf32>
        %get3A_502 = arith.index_cast %scan3A_341 : i32 to index
        %get3A_503 = arith.index_cast %mul3A_496 : i32 to index
        %get3A_504 = tpu.vector_load %arg9[%get3A_502, %get3A_503] {strides = array<i32>} : memref<16x1024xf32, #tpu.memory_space<vmem>>, vector<1x16xf32>,
        %get3A_505 = vector.shape_cast %get3A_504 : vector<1x16xf32> to vector<16xf32>
        %mul3A_506 = arith.mulf %gather3A_359, %get3A_505 : vector<16xf32>
        %add3A_507 = arith.addf %mul3A_501, %mul3A_506 : vector<16xf32>
        %swap3A_508 = arith.index_cast %scan3A_341 : i32 to index
        %swap3A_509 = arith.index_cast %mul3A_496 : i32 to index
        %swap3A_510 = tpu.vector_load %arg10[%swap3A_508, %swap3A_509] {strides = array<i32>} : memref<16x1024xf32, #tpu.memory_space<vmem>>, vector<1x16xf32>,
        %swap3A_511 = vector.shape_cast %swap3A_510 : vector<1x16xf32> to vector<16xf32>
        %swap3A_512 = vector.shape_cast %add3A_507 : vector<16xf32> to vector<1x16xf32>
        tpu.vector_store %arg10[%swap3A_508, %swap3A_509], %swap3A_512 {strides = array<i32>} : memref<16x1024xf32, #tpu.memory_space<vmem>>, vector<1x16xf32>,
        %scan3A_513 = arith.constant 0 : i32
        %scan3A_514 = arith.constant 7 : i32
        %scan3A_515 = arith.addi %scan3A_368, %scan3A_514 : i32
        %mul3A_516 = arith.constant 16 : i32
        %mul3A_517 = arith.muli %scan3A_515, %mul3A_516 : i32
        %get3A_518 = arith.index_cast %scan3A_341 : i32 to index
        %get3A_519 = arith.index_cast %mul3A_517 : i32 to index
        %get3A_520 = tpu.vector_load %arg8[%get3A_518, %get3A_519] {strides = array<i32>} : memref<16x1024xf32, #tpu.memory_space<vmem>>, vector<1x16xf32>,
        %get3A_521 = vector.shape_cast %get3A_520 : vector<1x16xf32> to vector<16xf32>
        %mul3A_522 = arith.mulf %gather3A_349, %get3A_521 : vector<16xf32>
        %get3A_523 = arith.index_cast %scan3A_341 : i32 to index
        %get3A_524 = arith.index_cast %mul3A_517 : i32 to index
        %get3A_525 = tpu.vector_load %arg9[%get3A_523, %get3A_524] {strides = array<i32>} : memref<16x1024xf32, #tpu.memory_space<vmem>>, vector<1x16xf32>,
        %get3A_526 = vector.shape_cast %get3A_525 : vector<1x16xf32> to vector<16xf32>
        %mul3A_527 = arith.mulf %gather3A_359, %get3A_526 : vector<16xf32>
        %add3A_528 = arith.addf %mul3A_522, %mul3A_527 : vector<16xf32>
        %swap3A_529 = arith.index_cast %scan3A_341 : i32 to index
        %swap3A_530 = arith.index_cast %mul3A_517 : i32 to index
        %swap3A_531 = tpu.vector_load %arg10[%swap3A_529, %swap3A_530] {strides = array<i32>} : memref<16x1024xf32, #tpu.memory_space<vmem>>, vector<1x16xf32>,
        %swap3A_532 = vector.shape_cast %swap3A_531 : vector<1x16xf32> to vector<16xf32>
        %swap3A_533 = vector.shape_cast %add3A_528 : vector<16xf32> to vector<1x16xf32>
        tpu.vector_store %arg10[%swap3A_529, %swap3A_530], %swap3A_533 {strides = array<i32>} : memref<16x1024xf32, #tpu.memory_space<vmem>>, vector<1x16xf32>,
        %scan3A_534 = arith.constant 0 : i32
        scf.yield %scan3A_534 : i32
      }
      %scan3A_366 = arith.constant 64 : i32
      %scan3A_367 = arith.constant 0 : i32
      scf.yield %scan3A_367 : i32
    }
    %scan3A_125 = arith.constant 16 : i32
    %mul3A_126 = arith.constant 128 : i32
    %mul3A_127 = arith.muli %add3A, %mul3A_126 : i32
    %add3A_128 = arith.constant 32 : i32
    %add3A_129 = arith.addi %mul3A_127, %add3A_128 : i32
    %dma_start3A_130 = arith.constant 0 : i32
    %dma_start3A_131 = tpu.memref_slice %arg7[%add3A_129, %dma_start3A_130] : memref<4096x1024xf32, #tpu.memory_space<hbm>> -> memref<16x1024xf32, #tpu.memory_space<hbm>>
    %dma_start3A_132 = arith.constant 0 : i32
    %dma_start3A_133 = tpu.memref_slice %arg7[%add3A_129, %dma_start3A_132] : memref<4096x1024xf32, #tpu.memory_space<hbm>> -> memref<16x1024xf32, #tpu.memory_space<hbm>>
    tpu.enqueue_dma source(%arg10 : memref<16x1024xf32, #tpu.memory_space<vmem>>) target(%dma_start3A_133 : memref<16x1024xf32, #tpu.memory_space<hbm>>) target_semaphore(%arg20 : memref<!tpu.dma_semaphore, #tpu.memory_space<semaphore_mem>>)
    %dma_wait3A_134 = arith.constant 0 : i32
    %dma_wait3A_135 = arith.constant 0 : i32
    %dma_wait3A_136 = tpu.memref_slice %arg2[%dma_wait3A_134, %dma_wait3A_135] : memref<12288x1024xf32, #tpu.memory_space<hbm>> -> memref<12288x1024xf32, #tpu.memory_space<hbm>>
    tpu.wait_indirect_dma semaphore(%arg19 : memref<!tpu.dma_semaphore, #tpu.memory_space<semaphore_mem>>) src(%dma_wait3A_136 : memref<12288x1024xf32, #tpu.memory_space<hbm>>) dst(%arg11 : memref<16x1024xf32, #tpu.memory_space<vmem>>)
    %dma_wait3A_137 = arith.constant 0 : i32
    %dma_wait3A_138 = arith.constant 0 : i32
    %dma_wait3A_139 = tpu.memref_slice %arg2[%dma_wait3A_137, %dma_wait3A_138] : memref<12288x1024xf32, #tpu.memory_space<hbm>> -> memref<12288x1024xf32, #tpu.memory_space<hbm>>
    tpu.wait_indirect_dma semaphore(%arg19 : memref<!tpu.dma_semaphore, #tpu.memory_space<semaphore_mem>>) src(%dma_wait3A_139 : memref<12288x1024xf32, #tpu.memory_space<hbm>>) dst(%arg12 : memref<16x1024xf32, #tpu.memory_space<vmem>>)
    %get3A_140 = arith.constant 64 : index
    %get3A_141 = tpu.vector_load %arg14[%get3A_140] {strides = array<i32>} : memref<128xi32, #tpu.memory_space<vmem>>, vector<16xi32>,
    %get3A_142 = vector.shape_cast %get3A_141 : vector<16xi32> to vector<16xi32>
    %get3A_143 = arith.constant 64 : index
    %get3A_144 = tpu.vector_load %arg15[%get3A_143] {strides = array<i32>} : memref<128xi32, #tpu.memory_space<vmem>>, vector<16xi32>,
    %get3A_145 = vector.shape_cast %get3A_144 : vector<16xi32> to vector<16xi32>
    %dma_start3A_146 = arith.constant 0 : i32
    %dma_start3A_147 = arith.constant 0 : i32
    %dma_start3A_148 = tpu.memref_slice %arg2[%dma_start3A_146, %dma_start3A_147] : memref<12288x1024xf32, #tpu.memory_space<hbm>> -> memref<12288x1024xf32, #tpu.memory_space<hbm>>
    tpu.enqueue_indirect_dma source(%dma_start3A_148 : memref<12288x1024xf32, #tpu.memory_space<hbm>>) target(%arg8 : memref<16x1024xf32, #tpu.memory_space<vmem>>) offsets(%get3A_142 : vector<16xi32>) semaphore(%arg18 : memref<!tpu.dma_semaphore, #tpu.memory_space<semaphore_mem>>)
    %dma_start3A_149 = arith.constant 0 : i32
    %dma_start3A_150 = arith.constant 0 : i32
    %dma_start3A_151 = tpu.memref_slice %arg2[%dma_start3A_149, %dma_start3A_150] : memref<12288x1024xf32, #tpu.memory_space<hbm>> -> memref<12288x1024xf32, #tpu.memory_space<hbm>>
    tpu.enqueue_indirect_dma source(%dma_start3A_151 : memref<12288x1024xf32, #tpu.memory_space<hbm>>) target(%arg9 : memref<16x1024xf32, #tpu.memory_space<vmem>>) offsets(%get3A_145 : vector<16xi32>) semaphore(%arg18 : memref<!tpu.dma_semaphore, #tpu.memory_space<semaphore_mem>>)
    %dma_wait3A_152 = arith.constant 0 : i32
    %dma_wait3A_153 = tpu.memref_slice %arg7[%add3A_129, %dma_wait3A_152] : memref<4096x1024xf32, #tpu.memory_space<hbm>> -> memref<16x1024xf32, #tpu.memory_space<hbm>>
    %dma_wait3A_154 = arith.constant 0 : i32
    %dma_wait3A_155 = tpu.memref_slice %arg7[%add3A_129, %dma_wait3A_154] : memref<4096x1024xf32, #tpu.memory_space<hbm>> -> memref<16x1024xf32, #tpu.memory_space<hbm>>
    tpu.wait_dma2 semaphore(%arg20 : memref<!tpu.dma_semaphore, #tpu.memory_space<semaphore_mem>>) src(%arg10 : memref<16x1024xf32, #tpu.memory_space<vmem>>) dst(%dma_wait3A_155 : memref<16x1024xf32, #tpu.memory_space<hbm>>)
    %get3A_156 = arith.constant 48 : index
    %get3A_157 = tpu.vector_load %arg16[%get3A_156] {strides = array<i32>} : memref<128xf32, #tpu.memory_space<vmem>>, vector<16xf32>,
    %get3A_158 = vector.shape_cast %get3A_157 : vector<16xf32> to vector<16xf32>
    %get3A_159 = arith.constant 48 : index
    %get3A_160 = tpu.vector_load %arg17[%get3A_159] {strides = array<i32>} : memref<128xf32, #tpu.memory_space<vmem>>, vector<16xf32>,
    %get3A_161 = vector.shape_cast %get3A_160 : vector<16xf32> to vector<16xf32>
    %scan3A_162 = arith.constant 0 : i32
    %scan3A_163 = arith.constant 0 : i32
    %scan3A_164 = arith.constant 16 : i32
    %scan3A_165 = arith.addi %scan3A_163, %scan3A_164 : i32
    %scan3A_166 = arith.constant 1 : i32
    %scan3A_167 = scf.for %scan3A_341 = %scan3A_163 to %scan3A_165 step %scan3A_166 iter_args(%scan3A_342 = %scan3A_162) -> (i32)  : i32 {
      %broadcast_in_dim3A = vector.broadcast %scan3A_341 : i32 to vector<16xi32>
      %lt3A = arith.constant 0 : i32
      %lt3A_343 = vector.broadcast %lt3A : i32 to vector<16xi32>
      %lt3A_344 = arith.cmpi slt, %broadcast_in_dim3A, %lt3A_343 : vector<16xi32>
      %add3A_345 = arith.constant 16 : i32
      %add3A_346 = vector.broadcast %add3A_345 : i32 to vector<16xi32>
      %add3A_347 = arith.addi %broadcast_in_dim3A, %add3A_346 : vector<16xi32>
      %select_n3A = arith.select %lt3A_344, %add3A_347, %broadcast_in_dim3A : vector<16xi1>, vector<16xi32>
      %broadcast_in_dim3A_348 = vector.shape_cast %select_n3A : vector<16xi32> to vector<16x1xi32>
      %gather3A = vector.shape_cast %broadcast_in_dim3A_348 : vector<16x1xi32> to vector<16xi32>
      %gather3A_349 = tpu.dynamic_gather %get3A_158[%gather3A] in [0] : vector<16xf32>, vector<16xi32> -> vector<16xf32>
      %lt3A_350 = arith.constant 0 : i32
      %lt3A_351 = vector.broadcast %lt3A_350 : i32 to vector<16xi32>
      %lt3A_352 = arith.cmpi slt, %broadcast_in_dim3A, %lt3A_351 : vector<16xi32>
      %add3A_353 = arith.constant 16 : i32
      %add3A_354 = vector.broadcast %add3A_353 : i32 to vector<16xi32>
      %add3A_355 = arith.addi %broadcast_in_dim3A, %add3A_354 : vector<16xi32>
      %select_n3A_356 = arith.select %lt3A_352, %add3A_355, %broadcast_in_dim3A : vector<16xi1>, vector<16xi32>
      %broadcast_in_dim3A_357 = vector.shape_cast %select_n3A_356 : vector<16xi32> to vector<16x1xi32>
      %gather3A_358 = vector.shape_cast %broadcast_in_dim3A_357 : vector<16x1xi32> to vector<16xi32>
      %gather3A_359 = tpu.dynamic_gather %get3A_161[%gather3A_358] in [0] : vector<16xf32>, vector<16xi32> -> vector<16xf32>
      %scan3A_360 = arith.constant 0 : i32
      %scan3A_361 = arith.constant 0 : i32
      %scan3A_362 = arith.constant 64 : i32
      %scan3A_363 = arith.addi %scan3A_361, %scan3A_362 : i32
      %scan3A_364 = arith.constant 8 : i32
      %scan3A_365 = scf.for %scan3A_368 = %scan3A_361 to %scan3A_363 step %scan3A_364 iter_args(%scan3A_369 = %scan3A_360) -> (i32)  : i32 {
        %mul3A_370 = arith.constant 16 : i32
        %mul3A_371 = arith.muli %scan3A_368, %mul3A_370 : i32
        %get3A_372 = arith.index_cast %scan3A_341 : i32 to index
        %get3A_373 = arith.index_cast %mul3A_371 : i32 to index
        %get3A_374 = tpu.vector_load %arg11[%get3A_372, %get3A_373] {strides = array<i32>} : memref<16x1024xf32, #tpu.memory_space<vmem>>, vector<1x16xf32>,
        %get3A_375 = vector.shape_cast %get3A_374 : vector<1x16xf32> to vector<16xf32>
        %mul3A_376 = arith.mulf %gather3A_349, %get3A_375 : vector<16xf32>
        %get3A_377 = arith.index_cast %scan3A_341 : i32 to index
        %get3A_378 = arith.index_cast %mul3A_371 : i32 to index
        %get3A_379 = tpu.vector_load %arg12[%get3A_377, %get3A_378] {strides = array<i32>} : memref<16x1024xf32, #tpu.memory_space<vmem>>, vector<1x16xf32>,
        %get3A_380 = vector.shape_cast %get3A_379 : vector<1x16xf32> to vector<16xf32>
        %mul3A_381 = arith.mulf %gather3A_359, %get3A_380 : vector<16xf32>
        %add3A_382 = arith.addf %mul3A_376, %mul3A_381 : vector<16xf32>
        %swap3A = arith.index_cast %scan3A_341 : i32 to index
        %swap3A_383 = arith.index_cast %mul3A_371 : i32 to index
        %swap3A_384 = tpu.vector_load %arg13[%swap3A, %swap3A_383] {strides = array<i32>} : memref<16x1024xf32, #tpu.memory_space<vmem>>, vector<1x16xf32>,
        %swap3A_385 = vector.shape_cast %swap3A_384 : vector<1x16xf32> to vector<16xf32>
        %swap3A_386 = vector.shape_cast %add3A_382 : vector<16xf32> to vector<1x16xf32>
        tpu.vector_store %arg13[%swap3A, %swap3A_383], %swap3A_386 {strides = array<i32>} : memref<16x1024xf32, #tpu.memory_space<vmem>>, vector<1x16xf32>,
        %scan3A_387 = arith.constant 0 : i32
        %scan3A_388 = arith.constant 1 : i32
        %scan3A_389 = arith.addi %scan3A_368, %scan3A_388 : i32
        %mul3A_390 = arith.constant 16 : i32
        %mul3A_391 = arith.muli %scan3A_389, %mul3A_390 : i32
        %get3A_392 = arith.index_cast %scan3A_341 : i32 to index
        %get3A_393 = arith.index_cast %mul3A_391 : i32 to index
        %get3A_394 = tpu.vector_load %arg11[%get3A_392, %get3A_393] {strides = array<i32>} : memref<16x1024xf32, #tpu.memory_space<vmem>>, vector<1x16xf32>,
        %get3A_395 = vector.shape_cast %get3A_394 : vector<1x16xf32> to vector<16xf32>
        %mul3A_396 = arith.mulf %gather3A_349, %get3A_395 : vector<16xf32>
        %get3A_397 = arith.index_cast %scan3A_341 : i32 to index
        %get3A_398 = arith.index_cast %mul3A_391 : i32 to index
        %get3A_399 = tpu.vector_load %arg12[%get3A_397, %get3A_398] {strides = array<i32>} : memref<16x1024xf32, #tpu.memory_space<vmem>>, vector<1x16xf32>,
        %get3A_400 = vector.shape_cast %get3A_399 : vector<1x16xf32> to vector<16xf32>
        %mul3A_401 = arith.mulf %gather3A_359, %get3A_400 : vector<16xf32>
        %add3A_402 = arith.addf %mul3A_396, %mul3A_401 : vector<16xf32>
        %swap3A_403 = arith.index_cast %scan3A_341 : i32 to index
        %swap3A_404 = arith.index_cast %mul3A_391 : i32 to index
        %swap3A_405 = tpu.vector_load %arg13[%swap3A_403, %swap3A_404] {strides = array<i32>} : memref<16x1024xf32, #tpu.memory_space<vmem>>, vector<1x16xf32>,
        %swap3A_406 = vector.shape_cast %swap3A_405 : vector<1x16xf32> to vector<16xf32>
        %swap3A_407 = vector.shape_cast %add3A_402 : vector<16xf32> to vector<1x16xf32>
        tpu.vector_store %arg13[%swap3A_403, %swap3A_404], %swap3A_407 {strides = array<i32>} : memref<16x1024xf32, #tpu.memory_space<vmem>>, vector<1x16xf32>,
        %scan3A_408 = arith.constant 0 : i32
        %scan3A_409 = arith.constant 2 : i32
        %scan3A_410 = arith.addi %scan3A_368, %scan3A_409 : i32
        %mul3A_411 = arith.constant 16 : i32
        %mul3A_412 = arith.muli %scan3A_410, %mul3A_411 : i32
        %get3A_413 = arith.index_cast %scan3A_341 : i32 to index
        %get3A_414 = arith.index_cast %mul3A_412 : i32 to index
        %get3A_415 = tpu.vector_load %arg11[%get3A_413, %get3A_414] {strides = array<i32>} : memref<16x1024xf32, #tpu.memory_space<vmem>>, vector<1x16xf32>,
        %get3A_416 = vector.shape_cast %get3A_415 : vector<1x16xf32> to vector<16xf32>
        %mul3A_417 = arith.mulf %gather3A_349, %get3A_416 : vector<16xf32>
        %get3A_418 = arith.index_cast %scan3A_341 : i32 to index
        %get3A_419 = arith.index_cast %mul3A_412 : i32 to index
        %get3A_420 = tpu.vector_load %arg12[%get3A_418, %get3A_419] {strides = array<i32>} : memref<16x1024xf32, #tpu.memory_space<vmem>>, vector<1x16xf32>,
        %get3A_421 = vector.shape_cast %get3A_420 : vector<1x16xf32> to vector<16xf32>
        %mul3A_422 = arith.mulf %gather3A_359, %get3A_421 : vector<16xf32>
        %add3A_423 = arith.addf %mul3A_417, %mul3A_422 : vector<16xf32>
        %swap3A_424 = arith.index_cast %scan3A_341 : i32 to index
        %swap3A_425 = arith.index_cast %mul3A_412 : i32 to index
        %swap3A_426 = tpu.vector_load %arg13[%swap3A_424, %swap3A_425] {strides = array<i32>} : memref<16x1024xf32, #tpu.memory_space<vmem>>, vector<1x16xf32>,
        %swap3A_427 = vector.shape_cast %swap3A_426 : vector<1x16xf32> to vector<16xf32>
        %swap3A_428 = vector.shape_cast %add3A_423 : vector<16xf32> to vector<1x16xf32>
        tpu.vector_store %arg13[%swap3A_424, %swap3A_425], %swap3A_428 {strides = array<i32>} : memref<16x1024xf32, #tpu.memory_space<vmem>>, vector<1x16xf32>,
        %scan3A_429 = arith.constant 0 : i32
        %scan3A_430 = arith.constant 3 : i32
        %scan3A_431 = arith.addi %scan3A_368, %scan3A_430 : i32
        %mul3A_432 = arith.constant 16 : i32
        %mul3A_433 = arith.muli %scan3A_431, %mul3A_432 : i32
        %get3A_434 = arith.index_cast %scan3A_341 : i32 to index
        %get3A_435 = arith.index_cast %mul3A_433 : i32 to index
        %get3A_436 = tpu.vector_load %arg11[%get3A_434, %get3A_435] {strides = array<i32>} : memref<16x1024xf32, #tpu.memory_space<vmem>>, vector<1x16xf32>,
        %get3A_437 = vector.shape_cast %get3A_436 : vector<1x16xf32> to vector<16xf32>
        %mul3A_438 = arith.mulf %gather3A_349, %get3A_437 : vector<16xf32>
        %get3A_439 = arith.index_cast %scan3A_341 : i32 to index
        %get3A_440 = arith.index_cast %mul3A_433 : i32 to index
        %get3A_441 = tpu.vector_load %arg12[%get3A_439, %get3A_440] {strides = array<i32>} : memref<16x1024xf32, #tpu.memory_space<vmem>>, vector<1x16xf32>,
        %get3A_442 = vector.shape_cast %get3A_441 : vector<1x16xf32> to vector<16xf32>
        %mul3A_443 = arith.mulf %gather3A_359, %get3A_442 : vector<16xf32>
        %add3A_444 = arith.addf %mul3A_438, %mul3A_443 : vector<16xf32>
        %swap3A_445 = arith.index_cast %scan3A_341 : i32 to index
        %swap3A_446 = arith.index_cast %mul3A_433 : i32 to index
        %swap3A_447 = tpu.vector_load %arg13[%swap3A_445, %swap3A_446] {strides = array<i32>} : memref<16x1024xf32, #tpu.memory_space<vmem>>, vector<1x16xf32>,
        %swap3A_448 = vector.shape_cast %swap3A_447 : vector<1x16xf32> to vector<16xf32>
        %swap3A_449 = vector.shape_cast %add3A_444 : vector<16xf32> to vector<1x16xf32>
        tpu.vector_store %arg13[%swap3A_445, %swap3A_446], %swap3A_449 {strides = array<i32>} : memref<16x1024xf32, #tpu.memory_space<vmem>>, vector<1x16xf32>,
        %scan3A_450 = arith.constant 0 : i32
        %scan3A_451 = arith.constant 4 : i32
        %scan3A_452 = arith.addi %scan3A_368, %scan3A_451 : i32
        %mul3A_453 = arith.constant 16 : i32
        %mul3A_454 = arith.muli %scan3A_452, %mul3A_453 : i32
        %get3A_455 = arith.index_cast %scan3A_341 : i32 to index
        %get3A_456 = arith.index_cast %mul3A_454 : i32 to index
        %get3A_457 = tpu.vector_load %arg11[%get3A_455, %get3A_456] {strides = array<i32>} : memref<16x1024xf32, #tpu.memory_space<vmem>>, vector<1x16xf32>,
        %get3A_458 = vector.shape_cast %get3A_457 : vector<1x16xf32> to vector<16xf32>
        %mul3A_459 = arith.mulf %gather3A_349, %get3A_458 : vector<16xf32>
        %get3A_460 = arith.index_cast %scan3A_341 : i32 to index
        %get3A_461 = arith.index_cast %mul3A_454 : i32 to index
        %get3A_462 = tpu.vector_load %arg12[%get3A_460, %get3A_461] {strides = array<i32>} : memref<16x1024xf32, #tpu.memory_space<vmem>>, vector<1x16xf32>,
        %get3A_463 = vector.shape_cast %get3A_462 : vector<1x16xf32> to vector<16xf32>
        %mul3A_464 = arith.mulf %gather3A_359, %get3A_463 : vector<16xf32>
        %add3A_465 = arith.addf %mul3A_459, %mul3A_464 : vector<16xf32>
        %swap3A_466 = arith.index_cast %scan3A_341 : i32 to index
        %swap3A_467 = arith.index_cast %mul3A_454 : i32 to index
        %swap3A_468 = tpu.vector_load %arg13[%swap3A_466, %swap3A_467] {strides = array<i32>} : memref<16x1024xf32, #tpu.memory_space<vmem>>, vector<1x16xf32>,
        %swap3A_469 = vector.shape_cast %swap3A_468 : vector<1x16xf32> to vector<16xf32>
        %swap3A_470 = vector.shape_cast %add3A_465 : vector<16xf32> to vector<1x16xf32>
        tpu.vector_store %arg13[%swap3A_466, %swap3A_467], %swap3A_470 {strides = array<i32>} : memref<16x1024xf32, #tpu.memory_space<vmem>>, vector<1x16xf32>,
        %scan3A_471 = arith.constant 0 : i32
        %scan3A_472 = arith.constant 5 : i32
        %scan3A_473 = arith.addi %scan3A_368, %scan3A_472 : i32
        %mul3A_474 = arith.constant 16 : i32
        %mul3A_475 = arith.muli %scan3A_473, %mul3A_474 : i32
        %get3A_476 = arith.index_cast %scan3A_341 : i32 to index
        %get3A_477 = arith.index_cast %mul3A_475 : i32 to index
        %get3A_478 = tpu.vector_load %arg11[%get3A_476, %get3A_477] {strides = array<i32>} : memref<16x1024xf32, #tpu.memory_space<vmem>>, vector<1x16xf32>,
        %get3A_479 = vector.shape_cast %get3A_478 : vector<1x16xf32> to vector<16xf32>
        %mul3A_480 = arith.mulf %gather3A_349, %get3A_479 : vector<16xf32>
        %get3A_481 = arith.index_cast %scan3A_341 : i32 to index
        %get3A_482 = arith.index_cast %mul3A_475 : i32 to index
        %get3A_483 = tpu.vector_load %arg12[%get3A_481, %get3A_482] {strides = array<i32>} : memref<16x1024xf32, #tpu.memory_space<vmem>>, vector<1x16xf32>,
        %get3A_484 = vector.shape_cast %get3A_483 : vector<1x16xf32> to vector<16xf32>
        %mul3A_485 = arith.mulf %gather3A_359, %get3A_484 : vector<16xf32>
        %add3A_486 = arith.addf %mul3A_480, %mul3A_485 : vector<16xf32>
        %swap3A_487 = arith.index_cast %scan3A_341 : i32 to index
        %swap3A_488 = arith.index_cast %mul3A_475 : i32 to index
        %swap3A_489 = tpu.vector_load %arg13[%swap3A_487, %swap3A_488] {strides = array<i32>} : memref<16x1024xf32, #tpu.memory_space<vmem>>, vector<1x16xf32>,
        %swap3A_490 = vector.shape_cast %swap3A_489 : vector<1x16xf32> to vector<16xf32>
        %swap3A_491 = vector.shape_cast %add3A_486 : vector<16xf32> to vector<1x16xf32>
        tpu.vector_store %arg13[%swap3A_487, %swap3A_488], %swap3A_491 {strides = array<i32>} : memref<16x1024xf32, #tpu.memory_space<vmem>>, vector<1x16xf32>,
        %scan3A_492 = arith.constant 0 : i32
        %scan3A_493 = arith.constant 6 : i32
        %scan3A_494 = arith.addi %scan3A_368, %scan3A_493 : i32
        %mul3A_495 = arith.constant 16 : i32
        %mul3A_496 = arith.muli %scan3A_494, %mul3A_495 : i32
        %get3A_497 = arith.index_cast %scan3A_341 : i32 to index
        %get3A_498 = arith.index_cast %mul3A_496 : i32 to index
        %get3A_499 = tpu.vector_load %arg11[%get3A_497, %get3A_498] {strides = array<i32>} : memref<16x1024xf32, #tpu.memory_space<vmem>>, vector<1x16xf32>,
        %get3A_500 = vector.shape_cast %get3A_499 : vector<1x16xf32> to vector<16xf32>
        %mul3A_501 = arith.mulf %gather3A_349, %get3A_500 : vector<16xf32>
        %get3A_502 = arith.index_cast %scan3A_341 : i32 to index
        %get3A_503 = arith.index_cast %mul3A_496 : i32 to index
        %get3A_504 = tpu.vector_load %arg12[%get3A_502, %get3A_503] {strides = array<i32>} : memref<16x1024xf32, #tpu.memory_space<vmem>>, vector<1x16xf32>,
        %get3A_505 = vector.shape_cast %get3A_504 : vector<1x16xf32> to vector<16xf32>
        %mul3A_506 = arith.mulf %gather3A_359, %get3A_505 : vector<16xf32>
        %add3A_507 = arith.addf %mul3A_501, %mul3A_506 : vector<16xf32>
        %swap3A_508 = arith.index_cast %scan3A_341 : i32 to index
        %swap3A_509 = arith.index_cast %mul3A_496 : i32 to index
        %swap3A_510 = tpu.vector_load %arg13[%swap3A_508, %swap3A_509] {strides = array<i32>} : memref<16x1024xf32, #tpu.memory_space<vmem>>, vector<1x16xf32>,
        %swap3A_511 = vector.shape_cast %swap3A_510 : vector<1x16xf32> to vector<16xf32>
        %swap3A_512 = vector.shape_cast %add3A_507 : vector<16xf32> to vector<1x16xf32>
        tpu.vector_store %arg13[%swap3A_508, %swap3A_509], %swap3A_512 {strides = array<i32>} : memref<16x1024xf32, #tpu.memory_space<vmem>>, vector<1x16xf32>,
        %scan3A_513 = arith.constant 0 : i32
        %scan3A_514 = arith.constant 7 : i32
        %scan3A_515 = arith.addi %scan3A_368, %scan3A_514 : i32
        %mul3A_516 = arith.constant 16 : i32
        %mul3A_517 = arith.muli %scan3A_515, %mul3A_516 : i32
        %get3A_518 = arith.index_cast %scan3A_341 : i32 to index
        %get3A_519 = arith.index_cast %mul3A_517 : i32 to index
        %get3A_520 = tpu.vector_load %arg11[%get3A_518, %get3A_519] {strides = array<i32>} : memref<16x1024xf32, #tpu.memory_space<vmem>>, vector<1x16xf32>,
        %get3A_521 = vector.shape_cast %get3A_520 : vector<1x16xf32> to vector<16xf32>
        %mul3A_522 = arith.mulf %gather3A_349, %get3A_521 : vector<16xf32>
        %get3A_523 = arith.index_cast %scan3A_341 : i32 to index
        %get3A_524 = arith.index_cast %mul3A_517 : i32 to index
        %get3A_525 = tpu.vector_load %arg12[%get3A_523, %get3A_524] {strides = array<i32>} : memref<16x1024xf32, #tpu.memory_space<vmem>>, vector<1x16xf32>,
        %get3A_526 = vector.shape_cast %get3A_525 : vector<1x16xf32> to vector<16xf32>
        %mul3A_527 = arith.mulf %gather3A_359, %get3A_526 : vector<16xf32>
        %add3A_528 = arith.addf %mul3A_522, %mul3A_527 : vector<16xf32>
        %swap3A_529 = arith.index_cast %scan3A_341 : i32 to index
        %swap3A_530 = arith.index_cast %mul3A_517 : i32 to index
        %swap3A_531 = tpu.vector_load %arg13[%swap3A_529, %swap3A_530] {strides = array<i32>} : memref<16x1024xf32, #tpu.memory_space<vmem>>, vector<1x16xf32>,
        %swap3A_532 = vector.shape_cast %swap3A_531 : vector<1x16xf32> to vector<16xf32>
        %swap3A_533 = vector.shape_cast %add3A_528 : vector<16xf32> to vector<1x16xf32>
        tpu.vector_store %arg13[%swap3A_529, %swap3A_530], %swap3A_533 {strides = array<i32>} : memref<16x1024xf32, #tpu.memory_space<vmem>>, vector<1x16xf32>,
        %scan3A_534 = arith.constant 0 : i32
        scf.yield %scan3A_534 : i32
      }
      %scan3A_366 = arith.constant 64 : i32
      %scan3A_367 = arith.constant 0 : i32
      scf.yield %scan3A_367 : i32
    }
    %scan3A_168 = arith.constant 16 : i32
    %mul3A_169 = arith.constant 128 : i32
    %mul3A_170 = arith.muli %add3A, %mul3A_169 : i32
    %add3A_171 = arith.constant 48 : i32
    %add3A_172 = arith.addi %mul3A_170, %add3A_171 : i32
    %dma_start3A_173 = arith.constant 0 : i32
    %dma_start3A_174 = tpu.memref_slice %arg7[%add3A_172, %dma_start3A_173] : memref<4096x1024xf32, #tpu.memory_space<hbm>> -> memref<16x1024xf32, #tpu.memory_space<hbm>>
    %dma_start3A_175 = arith.constant 0 : i32
    %dma_start3A_176 = tpu.memref_slice %arg7[%add3A_172, %dma_start3A_175] : memref<4096x1024xf32, #tpu.memory_space<hbm>> -> memref<16x1024xf32, #tpu.memory_space<hbm>>
    tpu.enqueue_dma source(%arg13 : memref<16x1024xf32, #tpu.memory_space<vmem>>) target(%dma_start3A_176 : memref<16x1024xf32, #tpu.memory_space<hbm>>) target_semaphore(%arg20 : memref<!tpu.dma_semaphore, #tpu.memory_space<semaphore_mem>>)
    %dma_wait3A_177 = arith.constant 0 : i32
    %dma_wait3A_178 = arith.constant 0 : i32
    %dma_wait3A_179 = tpu.memref_slice %arg2[%dma_wait3A_177, %dma_wait3A_178] : memref<12288x1024xf32, #tpu.memory_space<hbm>> -> memref<12288x1024xf32, #tpu.memory_space<hbm>>
    tpu.wait_indirect_dma semaphore(%arg18 : memref<!tpu.dma_semaphore, #tpu.memory_space<semaphore_mem>>) src(%dma_wait3A_179 : memref<12288x1024xf32, #tpu.memory_space<hbm>>) dst(%arg8 : memref<16x1024xf32, #tpu.memory_space<vmem>>)
    %dma_wait3A_180 = arith.constant 0 : i32
    %dma_wait3A_181 = arith.constant 0 : i32
    %dma_wait3A_182 = tpu.memref_slice %arg2[%dma_wait3A_180, %dma_wait3A_181] : memref<12288x1024xf32, #tpu.memory_space<hbm>> -> memref<12288x1024xf32, #tpu.memory_space<hbm>>
    tpu.wait_indirect_dma semaphore(%arg18 : memref<!tpu.dma_semaphore, #tpu.memory_space<semaphore_mem>>) src(%dma_wait3A_182 : memref<12288x1024xf32, #tpu.memory_space<hbm>>) dst(%arg9 : memref<16x1024xf32, #tpu.memory_space<vmem>>)
    %get3A_183 = arith.constant 80 : index
    %get3A_184 = tpu.vector_load %arg14[%get3A_183] {strides = array<i32>} : memref<128xi32, #tpu.memory_space<vmem>>, vector<16xi32>,
    %get3A_185 = vector.shape_cast %get3A_184 : vector<16xi32> to vector<16xi32>
    %get3A_186 = arith.constant 80 : index
    %get3A_187 = tpu.vector_load %arg15[%get3A_186] {strides = array<i32>} : memref<128xi32, #tpu.memory_space<vmem>>, vector<16xi32>,
    %get3A_188 = vector.shape_cast %get3A_187 : vector<16xi32> to vector<16xi32>
    %dma_start3A_189 = arith.constant 0 : i32
    %dma_start3A_190 = arith.constant 0 : i32
    %dma_start3A_191 = tpu.memref_slice %arg2[%dma_start3A_189, %dma_start3A_190] : memref<12288x1024xf32, #tpu.memory_space<hbm>> -> memref<12288x1024xf32, #tpu.memory_space<hbm>>
    tpu.enqueue_indirect_dma source(%dma_start3A_191 : memref<12288x1024xf32, #tpu.memory_space<hbm>>) target(%arg11 : memref<16x1024xf32, #tpu.memory_space<vmem>>) offsets(%get3A_185 : vector<16xi32>) semaphore(%arg19 : memref<!tpu.dma_semaphore, #tpu.memory_space<semaphore_mem>>)
    %dma_start3A_192 = arith.constant 0 : i32
    %dma_start3A_193 = arith.constant 0 : i32
    %dma_start3A_194 = tpu.memref_slice %arg2[%dma_start3A_192, %dma_start3A_193] : memref<12288x1024xf32, #tpu.memory_space<hbm>> -> memref<12288x1024xf32, #tpu.memory_space<hbm>>
    tpu.enqueue_indirect_dma source(%dma_start3A_194 : memref<12288x1024xf32, #tpu.memory_space<hbm>>) target(%arg12 : memref<16x1024xf32, #tpu.memory_space<vmem>>) offsets(%get3A_188 : vector<16xi32>) semaphore(%arg19 : memref<!tpu.dma_semaphore, #tpu.memory_space<semaphore_mem>>)
    %dma_wait3A_195 = arith.constant 0 : i32
    %dma_wait3A_196 = tpu.memref_slice %arg7[%add3A_172, %dma_wait3A_195] : memref<4096x1024xf32, #tpu.memory_space<hbm>> -> memref<16x1024xf32, #tpu.memory_space<hbm>>
    %dma_wait3A_197 = arith.constant 0 : i32
    %dma_wait3A_198 = tpu.memref_slice %arg7[%add3A_172, %dma_wait3A_197] : memref<4096x1024xf32, #tpu.memory_space<hbm>> -> memref<16x1024xf32, #tpu.memory_space<hbm>>
    tpu.wait_dma2 semaphore(%arg20 : memref<!tpu.dma_semaphore, #tpu.memory_space<semaphore_mem>>) src(%arg13 : memref<16x1024xf32, #tpu.memory_space<vmem>>) dst(%dma_wait3A_198 : memref<16x1024xf32, #tpu.memory_space<hbm>>)
    %get3A_199 = arith.constant 64 : index
    %get3A_200 = tpu.vector_load %arg16[%get3A_199] {strides = array<i32>} : memref<128xf32, #tpu.memory_space<vmem>>, vector<16xf32>,
    %get3A_201 = vector.shape_cast %get3A_200 : vector<16xf32> to vector<16xf32>
    %get3A_202 = arith.constant 64 : index
    %get3A_203 = tpu.vector_load %arg17[%get3A_202] {strides = array<i32>} : memref<128xf32, #tpu.memory_space<vmem>>, vector<16xf32>,
    %get3A_204 = vector.shape_cast %get3A_203 : vector<16xf32> to vector<16xf32>
    %scan3A_205 = arith.constant 0 : i32
    %scan3A_206 = arith.constant 0 : i32
    %scan3A_207 = arith.constant 16 : i32
    %scan3A_208 = arith.addi %scan3A_206, %scan3A_207 : i32
    %scan3A_209 = arith.constant 1 : i32
    %scan3A_210 = scf.for %scan3A_341 = %scan3A_206 to %scan3A_208 step %scan3A_209 iter_args(%scan3A_342 = %scan3A_205) -> (i32)  : i32 {
      %broadcast_in_dim3A = vector.broadcast %scan3A_341 : i32 to vector<16xi32>
      %lt3A = arith.constant 0 : i32
      %lt3A_343 = vector.broadcast %lt3A : i32 to vector<16xi32>
      %lt3A_344 = arith.cmpi slt, %broadcast_in_dim3A, %lt3A_343 : vector<16xi32>
      %add3A_345 = arith.constant 16 : i32
      %add3A_346 = vector.broadcast %add3A_345 : i32 to vector<16xi32>
      %add3A_347 = arith.addi %broadcast_in_dim3A, %add3A_346 : vector<16xi32>
      %select_n3A = arith.select %lt3A_344, %add3A_347, %broadcast_in_dim3A : vector<16xi1>, vector<16xi32>
      %broadcast_in_dim3A_348 = vector.shape_cast %select_n3A : vector<16xi32> to vector<16x1xi32>
      %gather3A = vector.shape_cast %broadcast_in_dim3A_348 : vector<16x1xi32> to vector<16xi32>
      %gather3A_349 = tpu.dynamic_gather %get3A_201[%gather3A] in [0] : vector<16xf32>, vector<16xi32> -> vector<16xf32>
      %lt3A_350 = arith.constant 0 : i32
      %lt3A_351 = vector.broadcast %lt3A_350 : i32 to vector<16xi32>
      %lt3A_352 = arith.cmpi slt, %broadcast_in_dim3A, %lt3A_351 : vector<16xi32>
      %add3A_353 = arith.constant 16 : i32
      %add3A_354 = vector.broadcast %add3A_353 : i32 to vector<16xi32>
      %add3A_355 = arith.addi %broadcast_in_dim3A, %add3A_354 : vector<16xi32>
      %select_n3A_356 = arith.select %lt3A_352, %add3A_355, %broadcast_in_dim3A : vector<16xi1>, vector<16xi32>
      %broadcast_in_dim3A_357 = vector.shape_cast %select_n3A_356 : vector<16xi32> to vector<16x1xi32>
      %gather3A_358 = vector.shape_cast %broadcast_in_dim3A_357 : vector<16x1xi32> to vector<16xi32>
      %gather3A_359 = tpu.dynamic_gather %get3A_204[%gather3A_358] in [0] : vector<16xf32>, vector<16xi32> -> vector<16xf32>
      %scan3A_360 = arith.constant 0 : i32
      %scan3A_361 = arith.constant 0 : i32
      %scan3A_362 = arith.constant 64 : i32
      %scan3A_363 = arith.addi %scan3A_361, %scan3A_362 : i32
      %scan3A_364 = arith.constant 8 : i32
      %scan3A_365 = scf.for %scan3A_368 = %scan3A_361 to %scan3A_363 step %scan3A_364 iter_args(%scan3A_369 = %scan3A_360) -> (i32)  : i32 {
        %mul3A_370 = arith.constant 16 : i32
        %mul3A_371 = arith.muli %scan3A_368, %mul3A_370 : i32
        %get3A_372 = arith.index_cast %scan3A_341 : i32 to index
        %get3A_373 = arith.index_cast %mul3A_371 : i32 to index
        %get3A_374 = tpu.vector_load %arg8[%get3A_372, %get3A_373] {strides = array<i32>} : memref<16x1024xf32, #tpu.memory_space<vmem>>, vector<1x16xf32>,
        %get3A_375 = vector.shape_cast %get3A_374 : vector<1x16xf32> to vector<16xf32>
        %mul3A_376 = arith.mulf %gather3A_349, %get3A_375 : vector<16xf32>
        %get3A_377 = arith.index_cast %scan3A_341 : i32 to index
        %get3A_378 = arith.index_cast %mul3A_371 : i32 to index
        %get3A_379 = tpu.vector_load %arg9[%get3A_377, %get3A_378] {strides = array<i32>} : memref<16x1024xf32, #tpu.memory_space<vmem>>, vector<1x16xf32>,
        %get3A_380 = vector.shape_cast %get3A_379 : vector<1x16xf32> to vector<16xf32>
        %mul3A_381 = arith.mulf %gather3A_359, %get3A_380 : vector<16xf32>
        %add3A_382 = arith.addf %mul3A_376, %mul3A_381 : vector<16xf32>
        %swap3A = arith.index_cast %scan3A_341 : i32 to index
        %swap3A_383 = arith.index_cast %mul3A_371 : i32 to index
        %swap3A_384 = tpu.vector_load %arg10[%swap3A, %swap3A_383] {strides = array<i32>} : memref<16x1024xf32, #tpu.memory_space<vmem>>, vector<1x16xf32>,
        %swap3A_385 = vector.shape_cast %swap3A_384 : vector<1x16xf32> to vector<16xf32>
        %swap3A_386 = vector.shape_cast %add3A_382 : vector<16xf32> to vector<1x16xf32>
        tpu.vector_store %arg10[%swap3A, %swap3A_383], %swap3A_386 {strides = array<i32>} : memref<16x1024xf32, #tpu.memory_space<vmem>>, vector<1x16xf32>,
        %scan3A_387 = arith.constant 0 : i32
        %scan3A_388 = arith.constant 1 : i32
        %scan3A_389 = arith.addi %scan3A_368, %scan3A_388 : i32
        %mul3A_390 = arith.constant 16 : i32
        %mul3A_391 = arith.muli %scan3A_389, %mul3A_390 : i32
        %get3A_392 = arith.index_cast %scan3A_341 : i32 to index
        %get3A_393 = arith.index_cast %mul3A_391 : i32 to index
        %get3A_394 = tpu.vector_load %arg8[%get3A_392, %get3A_393] {strides = array<i32>} : memref<16x1024xf32, #tpu.memory_space<vmem>>, vector<1x16xf32>,
        %get3A_395 = vector.shape_cast %get3A_394 : vector<1x16xf32> to vector<16xf32>
        %mul3A_396 = arith.mulf %gather3A_349, %get3A_395 : vector<16xf32>
        %get3A_397 = arith.index_cast %scan3A_341 : i32 to index
        %get3A_398 = arith.index_cast %mul3A_391 : i32 to index
        %get3A_399 = tpu.vector_load %arg9[%get3A_397, %get3A_398] {strides = array<i32>} : memref<16x1024xf32, #tpu.memory_space<vmem>>, vector<1x16xf32>,
        %get3A_400 = vector.shape_cast %get3A_399 : vector<1x16xf32> to vector<16xf32>
        %mul3A_401 = arith.mulf %gather3A_359, %get3A_400 : vector<16xf32>
        %add3A_402 = arith.addf %mul3A_396, %mul3A_401 : vector<16xf32>
        %swap3A_403 = arith.index_cast %scan3A_341 : i32 to index
        %swap3A_404 = arith.index_cast %mul3A_391 : i32 to index
        %swap3A_405 = tpu.vector_load %arg10[%swap3A_403, %swap3A_404] {strides = array<i32>} : memref<16x1024xf32, #tpu.memory_space<vmem>>, vector<1x16xf32>,
        %swap3A_406 = vector.shape_cast %swap3A_405 : vector<1x16xf32> to vector<16xf32>
        %swap3A_407 = vector.shape_cast %add3A_402 : vector<16xf32> to vector<1x16xf32>
        tpu.vector_store %arg10[%swap3A_403, %swap3A_404], %swap3A_407 {strides = array<i32>} : memref<16x1024xf32, #tpu.memory_space<vmem>>, vector<1x16xf32>,
        %scan3A_408 = arith.constant 0 : i32
        %scan3A_409 = arith.constant 2 : i32
        %scan3A_410 = arith.addi %scan3A_368, %scan3A_409 : i32
        %mul3A_411 = arith.constant 16 : i32
        %mul3A_412 = arith.muli %scan3A_410, %mul3A_411 : i32
        %get3A_413 = arith.index_cast %scan3A_341 : i32 to index
        %get3A_414 = arith.index_cast %mul3A_412 : i32 to index
        %get3A_415 = tpu.vector_load %arg8[%get3A_413, %get3A_414] {strides = array<i32>} : memref<16x1024xf32, #tpu.memory_space<vmem>>, vector<1x16xf32>,
        %get3A_416 = vector.shape_cast %get3A_415 : vector<1x16xf32> to vector<16xf32>
        %mul3A_417 = arith.mulf %gather3A_349, %get3A_416 : vector<16xf32>
        %get3A_418 = arith.index_cast %scan3A_341 : i32 to index
        %get3A_419 = arith.index_cast %mul3A_412 : i32 to index
        %get3A_420 = tpu.vector_load %arg9[%get3A_418, %get3A_419] {strides = array<i32>} : memref<16x1024xf32, #tpu.memory_space<vmem>>, vector<1x16xf32>,
        %get3A_421 = vector.shape_cast %get3A_420 : vector<1x16xf32> to vector<16xf32>
        %mul3A_422 = arith.mulf %gather3A_359, %get3A_421 : vector<16xf32>
        %add3A_423 = arith.addf %mul3A_417, %mul3A_422 : vector<16xf32>
        %swap3A_424 = arith.index_cast %scan3A_341 : i32 to index
        %swap3A_425 = arith.index_cast %mul3A_412 : i32 to index
        %swap3A_426 = tpu.vector_load %arg10[%swap3A_424, %swap3A_425] {strides = array<i32>} : memref<16x1024xf32, #tpu.memory_space<vmem>>, vector<1x16xf32>,
        %swap3A_427 = vector.shape_cast %swap3A_426 : vector<1x16xf32> to vector<16xf32>
        %swap3A_428 = vector.shape_cast %add3A_423 : vector<16xf32> to vector<1x16xf32>
        tpu.vector_store %arg10[%swap3A_424, %swap3A_425], %swap3A_428 {strides = array<i32>} : memref<16x1024xf32, #tpu.memory_space<vmem>>, vector<1x16xf32>,
        %scan3A_429 = arith.constant 0 : i32
        %scan3A_430 = arith.constant 3 : i32
        %scan3A_431 = arith.addi %scan3A_368, %scan3A_430 : i32
        %mul3A_432 = arith.constant 16 : i32
        %mul3A_433 = arith.muli %scan3A_431, %mul3A_432 : i32
        %get3A_434 = arith.index_cast %scan3A_341 : i32 to index
        %get3A_435 = arith.index_cast %mul3A_433 : i32 to index
        %get3A_436 = tpu.vector_load %arg8[%get3A_434, %get3A_435] {strides = array<i32>} : memref<16x1024xf32, #tpu.memory_space<vmem>>, vector<1x16xf32>,
        %get3A_437 = vector.shape_cast %get3A_436 : vector<1x16xf32> to vector<16xf32>
        %mul3A_438 = arith.mulf %gather3A_349, %get3A_437 : vector<16xf32>
        %get3A_439 = arith.index_cast %scan3A_341 : i32 to index
        %get3A_440 = arith.index_cast %mul3A_433 : i32 to index
        %get3A_441 = tpu.vector_load %arg9[%get3A_439, %get3A_440] {strides = array<i32>} : memref<16x1024xf32, #tpu.memory_space<vmem>>, vector<1x16xf32>,
        %get3A_442 = vector.shape_cast %get3A_441 : vector<1x16xf32> to vector<16xf32>
        %mul3A_443 = arith.mulf %gather3A_359, %get3A_442 : vector<16xf32>
        %add3A_444 = arith.addf %mul3A_438, %mul3A_443 : vector<16xf32>
        %swap3A_445 = arith.index_cast %scan3A_341 : i32 to index
        %swap3A_446 = arith.index_cast %mul3A_433 : i32 to index
        %swap3A_447 = tpu.vector_load %arg10[%swap3A_445, %swap3A_446] {strides = array<i32>} : memref<16x1024xf32, #tpu.memory_space<vmem>>, vector<1x16xf32>,
        %swap3A_448 = vector.shape_cast %swap3A_447 : vector<1x16xf32> to vector<16xf32>
        %swap3A_449 = vector.shape_cast %add3A_444 : vector<16xf32> to vector<1x16xf32>
        tpu.vector_store %arg10[%swap3A_445, %swap3A_446], %swap3A_449 {strides = array<i32>} : memref<16x1024xf32, #tpu.memory_space<vmem>>, vector<1x16xf32>,
        %scan3A_450 = arith.constant 0 : i32
        %scan3A_451 = arith.constant 4 : i32
        %scan3A_452 = arith.addi %scan3A_368, %scan3A_451 : i32
        %mul3A_453 = arith.constant 16 : i32
        %mul3A_454 = arith.muli %scan3A_452, %mul3A_453 : i32
        %get3A_455 = arith.index_cast %scan3A_341 : i32 to index
        %get3A_456 = arith.index_cast %mul3A_454 : i32 to index
        %get3A_457 = tpu.vector_load %arg8[%get3A_455, %get3A_456] {strides = array<i32>} : memref<16x1024xf32, #tpu.memory_space<vmem>>, vector<1x16xf32>,
        %get3A_458 = vector.shape_cast %get3A_457 : vector<1x16xf32> to vector<16xf32>
        %mul3A_459 = arith.mulf %gather3A_349, %get3A_458 : vector<16xf32>
        %get3A_460 = arith.index_cast %scan3A_341 : i32 to index
        %get3A_461 = arith.index_cast %mul3A_454 : i32 to index
        %get3A_462 = tpu.vector_load %arg9[%get3A_460, %get3A_461] {strides = array<i32>} : memref<16x1024xf32, #tpu.memory_space<vmem>>, vector<1x16xf32>,
        %get3A_463 = vector.shape_cast %get3A_462 : vector<1x16xf32> to vector<16xf32>
        %mul3A_464 = arith.mulf %gather3A_359, %get3A_463 : vector<16xf32>
        %add3A_465 = arith.addf %mul3A_459, %mul3A_464 : vector<16xf32>
        %swap3A_466 = arith.index_cast %scan3A_341 : i32 to index
        %swap3A_467 = arith.index_cast %mul3A_454 : i32 to index
        %swap3A_468 = tpu.vector_load %arg10[%swap3A_466, %swap3A_467] {strides = array<i32>} : memref<16x1024xf32, #tpu.memory_space<vmem>>, vector<1x16xf32>,
        %swap3A_469 = vector.shape_cast %swap3A_468 : vector<1x16xf32> to vector<16xf32>
        %swap3A_470 = vector.shape_cast %add3A_465 : vector<16xf32> to vector<1x16xf32>
        tpu.vector_store %arg10[%swap3A_466, %swap3A_467], %swap3A_470 {strides = array<i32>} : memref<16x1024xf32, #tpu.memory_space<vmem>>, vector<1x16xf32>,
        %scan3A_471 = arith.constant 0 : i32
        %scan3A_472 = arith.constant 5 : i32
        %scan3A_473 = arith.addi %scan3A_368, %scan3A_472 : i32
        %mul3A_474 = arith.constant 16 : i32
        %mul3A_475 = arith.muli %scan3A_473, %mul3A_474 : i32
        %get3A_476 = arith.index_cast %scan3A_341 : i32 to index
        %get3A_477 = arith.index_cast %mul3A_475 : i32 to index
        %get3A_478 = tpu.vector_load %arg8[%get3A_476, %get3A_477] {strides = array<i32>} : memref<16x1024xf32, #tpu.memory_space<vmem>>, vector<1x16xf32>,
        %get3A_479 = vector.shape_cast %get3A_478 : vector<1x16xf32> to vector<16xf32>
        %mul3A_480 = arith.mulf %gather3A_349, %get3A_479 : vector<16xf32>
        %get3A_481 = arith.index_cast %scan3A_341 : i32 to index
        %get3A_482 = arith.index_cast %mul3A_475 : i32 to index
        %get3A_483 = tpu.vector_load %arg9[%get3A_481, %get3A_482] {strides = array<i32>} : memref<16x1024xf32, #tpu.memory_space<vmem>>, vector<1x16xf32>,
        %get3A_484 = vector.shape_cast %get3A_483 : vector<1x16xf32> to vector<16xf32>
        %mul3A_485 = arith.mulf %gather3A_359, %get3A_484 : vector<16xf32>
        %add3A_486 = arith.addf %mul3A_480, %mul3A_485 : vector<16xf32>
        %swap3A_487 = arith.index_cast %scan3A_341 : i32 to index
        %swap3A_488 = arith.index_cast %mul3A_475 : i32 to index
        %swap3A_489 = tpu.vector_load %arg10[%swap3A_487, %swap3A_488] {strides = array<i32>} : memref<16x1024xf32, #tpu.memory_space<vmem>>, vector<1x16xf32>,
        %swap3A_490 = vector.shape_cast %swap3A_489 : vector<1x16xf32> to vector<16xf32>
        %swap3A_491 = vector.shape_cast %add3A_486 : vector<16xf32> to vector<1x16xf32>
        tpu.vector_store %arg10[%swap3A_487, %swap3A_488], %swap3A_491 {strides = array<i32>} : memref<16x1024xf32, #tpu.memory_space<vmem>>, vector<1x16xf32>,
        %scan3A_492 = arith.constant 0 : i32
        %scan3A_493 = arith.constant 6 : i32
        %scan3A_494 = arith.addi %scan3A_368, %scan3A_493 : i32
        %mul3A_495 = arith.constant 16 : i32
        %mul3A_496 = arith.muli %scan3A_494, %mul3A_495 : i32
        %get3A_497 = arith.index_cast %scan3A_341 : i32 to index
        %get3A_498 = arith.index_cast %mul3A_496 : i32 to index
        %get3A_499 = tpu.vector_load %arg8[%get3A_497, %get3A_498] {strides = array<i32>} : memref<16x1024xf32, #tpu.memory_space<vmem>>, vector<1x16xf32>,
        %get3A_500 = vector.shape_cast %get3A_499 : vector<1x16xf32> to vector<16xf32>
        %mul3A_501 = arith.mulf %gather3A_349, %get3A_500 : vector<16xf32>
        %get3A_502 = arith.index_cast %scan3A_341 : i32 to index
        %get3A_503 = arith.index_cast %mul3A_496 : i32 to index
        %get3A_504 = tpu.vector_load %arg9[%get3A_502, %get3A_503] {strides = array<i32>} : memref<16x1024xf32, #tpu.memory_space<vmem>>, vector<1x16xf32>,
        %get3A_505 = vector.shape_cast %get3A_504 : vector<1x16xf32> to vector<16xf32>
        %mul3A_506 = arith.mulf %gather3A_359, %get3A_505 : vector<16xf32>
        %add3A_507 = arith.addf %mul3A_501, %mul3A_506 : vector<16xf32>
        %swap3A_508 = arith.index_cast %scan3A_341 : i32 to index
        %swap3A_509 = arith.index_cast %mul3A_496 : i32 to index
        %swap3A_510 = tpu.vector_load %arg10[%swap3A_508, %swap3A_509] {strides = array<i32>} : memref<16x1024xf32, #tpu.memory_space<vmem>>, vector<1x16xf32>,
        %swap3A_511 = vector.shape_cast %swap3A_510 : vector<1x16xf32> to vector<16xf32>
        %swap3A_512 = vector.shape_cast %add3A_507 : vector<16xf32> to vector<1x16xf32>
        tpu.vector_store %arg10[%swap3A_508, %swap3A_509], %swap3A_512 {strides = array<i32>} : memref<16x1024xf32, #tpu.memory_space<vmem>>, vector<1x16xf32>,
        %scan3A_513 = arith.constant 0 : i32
        %scan3A_514 = arith.constant 7 : i32
        %scan3A_515 = arith.addi %scan3A_368, %scan3A_514 : i32
        %mul3A_516 = arith.constant 16 : i32
        %mul3A_517 = arith.muli %scan3A_515, %mul3A_516 : i32
        %get3A_518 = arith.index_cast %scan3A_341 : i32 to index
        %get3A_519 = arith.index_cast %mul3A_517 : i32 to index
        %get3A_520 = tpu.vector_load %arg8[%get3A_518, %get3A_519] {strides = array<i32>} : memref<16x1024xf32, #tpu.memory_space<vmem>>, vector<1x16xf32>,
        %get3A_521 = vector.shape_cast %get3A_520 : vector<1x16xf32> to vector<16xf32>
        %mul3A_522 = arith.mulf %gather3A_349, %get3A_521 : vector<16xf32>
        %get3A_523 = arith.index_cast %scan3A_341 : i32 to index
        %get3A_524 = arith.index_cast %mul3A_517 : i32 to index
        %get3A_525 = tpu.vector_load %arg9[%get3A_523, %get3A_524] {strides = array<i32>} : memref<16x1024xf32, #tpu.memory_space<vmem>>, vector<1x16xf32>,
        %get3A_526 = vector.shape_cast %get3A_525 : vector<1x16xf32> to vector<16xf32>
        %mul3A_527 = arith.mulf %gather3A_359, %get3A_526 : vector<16xf32>
        %add3A_528 = arith.addf %mul3A_522, %mul3A_527 : vector<16xf32>
        %swap3A_529 = arith.index_cast %scan3A_341 : i32 to index
        %swap3A_530 = arith.index_cast %mul3A_517 : i32 to index
        %swap3A_531 = tpu.vector_load %arg10[%swap3A_529, %swap3A_530] {strides = array<i32>} : memref<16x1024xf32, #tpu.memory_space<vmem>>, vector<1x16xf32>,
        %swap3A_532 = vector.shape_cast %swap3A_531 : vector<1x16xf32> to vector<16xf32>
        %swap3A_533 = vector.shape_cast %add3A_528 : vector<16xf32> to vector<1x16xf32>
        tpu.vector_store %arg10[%swap3A_529, %swap3A_530], %swap3A_533 {strides = array<i32>} : memref<16x1024xf32, #tpu.memory_space<vmem>>, vector<1x16xf32>,
        %scan3A_534 = arith.constant 0 : i32
        scf.yield %scan3A_534 : i32
      }
      %scan3A_366 = arith.constant 64 : i32
      %scan3A_367 = arith.constant 0 : i32
      scf.yield %scan3A_367 : i32
    }
    %scan3A_211 = arith.constant 16 : i32
    %mul3A_212 = arith.constant 128 : i32
    %mul3A_213 = arith.muli %add3A, %mul3A_212 : i32
    %add3A_214 = arith.constant 64 : i32
    %add3A_215 = arith.addi %mul3A_213, %add3A_214 : i32
    %dma_start3A_216 = arith.constant 0 : i32
    %dma_start3A_217 = tpu.memref_slice %arg7[%add3A_215, %dma_start3A_216] : memref<4096x1024xf32, #tpu.memory_space<hbm>> -> memref<16x1024xf32, #tpu.memory_space<hbm>>
    %dma_start3A_218 = arith.constant 0 : i32
    %dma_start3A_219 = tpu.memref_slice %arg7[%add3A_215, %dma_start3A_218] : memref<4096x1024xf32, #tpu.memory_space<hbm>> -> memref<16x1024xf32, #tpu.memory_space<hbm>>
    tpu.enqueue_dma source(%arg10 : memref<16x1024xf32, #tpu.memory_space<vmem>>) target(%dma_start3A_219 : memref<16x1024xf32, #tpu.memory_space<hbm>>) target_semaphore(%arg20 : memref<!tpu.dma_semaphore, #tpu.memory_space<semaphore_mem>>)
    %dma_wait3A_220 = arith.constant 0 : i32
    %dma_wait3A_221 = arith.constant 0 : i32
    %dma_wait3A_222 = tpu.memref_slice %arg2[%dma_wait3A_220, %dma_wait3A_221] : memref<12288x1024xf32, #tpu.memory_space<hbm>> -> memref<12288x1024xf32, #tpu.memory_space<hbm>>
    tpu.wait_indirect_dma semaphore(%arg19 : memref<!tpu.dma_semaphore, #tpu.memory_space<semaphore_mem>>) src(%dma_wait3A_222 : memref<12288x1024xf32, #tpu.memory_space<hbm>>) dst(%arg11 : memref<16x1024xf32, #tpu.memory_space<vmem>>)
    %dma_wait3A_223 = arith.constant 0 : i32
    %dma_wait3A_224 = arith.constant 0 : i32
    %dma_wait3A_225 = tpu.memref_slice %arg2[%dma_wait3A_223, %dma_wait3A_224] : memref<12288x1024xf32, #tpu.memory_space<hbm>> -> memref<12288x1024xf32, #tpu.memory_space<hbm>>
    tpu.wait_indirect_dma semaphore(%arg19 : memref<!tpu.dma_semaphore, #tpu.memory_space<semaphore_mem>>) src(%dma_wait3A_225 : memref<12288x1024xf32, #tpu.memory_space<hbm>>) dst(%arg12 : memref<16x1024xf32, #tpu.memory_space<vmem>>)
    %get3A_226 = arith.constant 96 : index
    %get3A_227 = tpu.vector_load %arg14[%get3A_226] {strides = array<i32>} : memref<128xi32, #tpu.memory_space<vmem>>, vector<16xi32>,
    %get3A_228 = vector.shape_cast %get3A_227 : vector<16xi32> to vector<16xi32>
    %get3A_229 = arith.constant 96 : index
    %get3A_230 = tpu.vector_load %arg15[%get3A_229] {strides = array<i32>} : memref<128xi32, #tpu.memory_space<vmem>>, vector<16xi32>,
    %get3A_231 = vector.shape_cast %get3A_230 : vector<16xi32> to vector<16xi32>
    %dma_start3A_232 = arith.constant 0 : i32
    %dma_start3A_233 = arith.constant 0 : i32
    %dma_start3A_234 = tpu.memref_slice %arg2[%dma_start3A_232, %dma_start3A_233] : memref<12288x1024xf32, #tpu.memory_space<hbm>> -> memref<12288x1024xf32, #tpu.memory_space<hbm>>
    tpu.enqueue_indirect_dma source(%dma_start3A_234 : memref<12288x1024xf32, #tpu.memory_space<hbm>>) target(%arg8 : memref<16x1024xf32, #tpu.memory_space<vmem>>) offsets(%get3A_228 : vector<16xi32>) semaphore(%arg18 : memref<!tpu.dma_semaphore, #tpu.memory_space<semaphore_mem>>)
    %dma_start3A_235 = arith.constant 0 : i32
    %dma_start3A_236 = arith.constant 0 : i32
    %dma_start3A_237 = tpu.memref_slice %arg2[%dma_start3A_235, %dma_start3A_236] : memref<12288x1024xf32, #tpu.memory_space<hbm>> -> memref<12288x1024xf32, #tpu.memory_space<hbm>>
    tpu.enqueue_indirect_dma source(%dma_start3A_237 : memref<12288x1024xf32, #tpu.memory_space<hbm>>) target(%arg9 : memref<16x1024xf32, #tpu.memory_space<vmem>>) offsets(%get3A_231 : vector<16xi32>) semaphore(%arg18 : memref<!tpu.dma_semaphore, #tpu.memory_space<semaphore_mem>>)
    %dma_wait3A_238 = arith.constant 0 : i32
    %dma_wait3A_239 = tpu.memref_slice %arg7[%add3A_215, %dma_wait3A_238] : memref<4096x1024xf32, #tpu.memory_space<hbm>> -> memref<16x1024xf32, #tpu.memory_space<hbm>>
    %dma_wait3A_240 = arith.constant 0 : i32
    %dma_wait3A_241 = tpu.memref_slice %arg7[%add3A_215, %dma_wait3A_240] : memref<4096x1024xf32, #tpu.memory_space<hbm>> -> memref<16x1024xf32, #tpu.memory_space<hbm>>
    tpu.wait_dma2 semaphore(%arg20 : memref<!tpu.dma_semaphore, #tpu.memory_space<semaphore_mem>>) src(%arg10 : memref<16x1024xf32, #tpu.memory_space<vmem>>) dst(%dma_wait3A_241 : memref<16x1024xf32, #tpu.memory_space<hbm>>)
    %get3A_242 = arith.constant 80 : index
    %get3A_243 = tpu.vector_load %arg16[%get3A_242] {strides = array<i32>} : memref<128xf32, #tpu.memory_space<vmem>>, vector<16xf32>,
    %get3A_244 = vector.shape_cast %get3A_243 : vector<16xf32> to vector<16xf32>
    %get3A_245 = arith.constant 80 : index
    %get3A_246 = tpu.vector_load %arg17[%get3A_245] {strides = array<i32>} : memref<128xf32, #tpu.memory_space<vmem>>, vector<16xf32>,
    %get3A_247 = vector.shape_cast %get3A_246 : vector<16xf32> to vector<16xf32>
    %scan3A_248 = arith.constant 0 : i32
    %scan3A_249 = arith.constant 0 : i32
    %scan3A_250 = arith.constant 16 : i32
    %scan3A_251 = arith.addi %scan3A_249, %scan3A_250 : i32
    %scan3A_252 = arith.constant 1 : i32
    %scan3A_253 = scf.for %scan3A_341 = %scan3A_249 to %scan3A_251 step %scan3A_252 iter_args(%scan3A_342 = %scan3A_248) -> (i32)  : i32 {
      %broadcast_in_dim3A = vector.broadcast %scan3A_341 : i32 to vector<16xi32>
      %lt3A = arith.constant 0 : i32
      %lt3A_343 = vector.broadcast %lt3A : i32 to vector<16xi32>
      %lt3A_344 = arith.cmpi slt, %broadcast_in_dim3A, %lt3A_343 : vector<16xi32>
      %add3A_345 = arith.constant 16 : i32
      %add3A_346 = vector.broadcast %add3A_345 : i32 to vector<16xi32>
      %add3A_347 = arith.addi %broadcast_in_dim3A, %add3A_346 : vector<16xi32>
      %select_n3A = arith.select %lt3A_344, %add3A_347, %broadcast_in_dim3A : vector<16xi1>, vector<16xi32>
      %broadcast_in_dim3A_348 = vector.shape_cast %select_n3A : vector<16xi32> to vector<16x1xi32>
      %gather3A = vector.shape_cast %broadcast_in_dim3A_348 : vector<16x1xi32> to vector<16xi32>
      %gather3A_349 = tpu.dynamic_gather %get3A_244[%gather3A] in [0] : vector<16xf32>, vector<16xi32> -> vector<16xf32>
      %lt3A_350 = arith.constant 0 : i32
      %lt3A_351 = vector.broadcast %lt3A_350 : i32 to vector<16xi32>
      %lt3A_352 = arith.cmpi slt, %broadcast_in_dim3A, %lt3A_351 : vector<16xi32>
      %add3A_353 = arith.constant 16 : i32
      %add3A_354 = vector.broadcast %add3A_353 : i32 to vector<16xi32>
      %add3A_355 = arith.addi %broadcast_in_dim3A, %add3A_354 : vector<16xi32>
      %select_n3A_356 = arith.select %lt3A_352, %add3A_355, %broadcast_in_dim3A : vector<16xi1>, vector<16xi32>
      %broadcast_in_dim3A_357 = vector.shape_cast %select_n3A_356 : vector<16xi32> to vector<16x1xi32>
      %gather3A_358 = vector.shape_cast %broadcast_in_dim3A_357 : vector<16x1xi32> to vector<16xi32>
      %gather3A_359 = tpu.dynamic_gather %get3A_247[%gather3A_358] in [0] : vector<16xf32>, vector<16xi32> -> vector<16xf32>
      %scan3A_360 = arith.constant 0 : i32
      %scan3A_361 = arith.constant 0 : i32
      %scan3A_362 = arith.constant 64 : i32
      %scan3A_363 = arith.addi %scan3A_361, %scan3A_362 : i32
      %scan3A_364 = arith.constant 8 : i32
      %scan3A_365 = scf.for %scan3A_368 = %scan3A_361 to %scan3A_363 step %scan3A_364 iter_args(%scan3A_369 = %scan3A_360) -> (i32)  : i32 {
        %mul3A_370 = arith.constant 16 : i32
        %mul3A_371 = arith.muli %scan3A_368, %mul3A_370 : i32
        %get3A_372 = arith.index_cast %scan3A_341 : i32 to index
        %get3A_373 = arith.index_cast %mul3A_371 : i32 to index
        %get3A_374 = tpu.vector_load %arg11[%get3A_372, %get3A_373] {strides = array<i32>} : memref<16x1024xf32, #tpu.memory_space<vmem>>, vector<1x16xf32>,
        %get3A_375 = vector.shape_cast %get3A_374 : vector<1x16xf32> to vector<16xf32>
        %mul3A_376 = arith.mulf %gather3A_349, %get3A_375 : vector<16xf32>
        %get3A_377 = arith.index_cast %scan3A_341 : i32 to index
        %get3A_378 = arith.index_cast %mul3A_371 : i32 to index
        %get3A_379 = tpu.vector_load %arg12[%get3A_377, %get3A_378] {strides = array<i32>} : memref<16x1024xf32, #tpu.memory_space<vmem>>, vector<1x16xf32>,
        %get3A_380 = vector.shape_cast %get3A_379 : vector<1x16xf32> to vector<16xf32>
        %mul3A_381 = arith.mulf %gather3A_359, %get3A_380 : vector<16xf32>
        %add3A_382 = arith.addf %mul3A_376, %mul3A_381 : vector<16xf32>
        %swap3A = arith.index_cast %scan3A_341 : i32 to index
        %swap3A_383 = arith.index_cast %mul3A_371 : i32 to index
        %swap3A_384 = tpu.vector_load %arg13[%swap3A, %swap3A_383] {strides = array<i32>} : memref<16x1024xf32, #tpu.memory_space<vmem>>, vector<1x16xf32>,
        %swap3A_385 = vector.shape_cast %swap3A_384 : vector<1x16xf32> to vector<16xf32>
        %swap3A_386 = vector.shape_cast %add3A_382 : vector<16xf32> to vector<1x16xf32>
        tpu.vector_store %arg13[%swap3A, %swap3A_383], %swap3A_386 {strides = array<i32>} : memref<16x1024xf32, #tpu.memory_space<vmem>>, vector<1x16xf32>,
        %scan3A_387 = arith.constant 0 : i32
        %scan3A_388 = arith.constant 1 : i32
        %scan3A_389 = arith.addi %scan3A_368, %scan3A_388 : i32
        %mul3A_390 = arith.constant 16 : i32
        %mul3A_391 = arith.muli %scan3A_389, %mul3A_390 : i32
        %get3A_392 = arith.index_cast %scan3A_341 : i32 to index
        %get3A_393 = arith.index_cast %mul3A_391 : i32 to index
        %get3A_394 = tpu.vector_load %arg11[%get3A_392, %get3A_393] {strides = array<i32>} : memref<16x1024xf32, #tpu.memory_space<vmem>>, vector<1x16xf32>,
        %get3A_395 = vector.shape_cast %get3A_394 : vector<1x16xf32> to vector<16xf32>
        %mul3A_396 = arith.mulf %gather3A_349, %get3A_395 : vector<16xf32>
        %get3A_397 = arith.index_cast %scan3A_341 : i32 to index
        %get3A_398 = arith.index_cast %mul3A_391 : i32 to index
        %get3A_399 = tpu.vector_load %arg12[%get3A_397, %get3A_398] {strides = array<i32>} : memref<16x1024xf32, #tpu.memory_space<vmem>>, vector<1x16xf32>,
        %get3A_400 = vector.shape_cast %get3A_399 : vector<1x16xf32> to vector<16xf32>
        %mul3A_401 = arith.mulf %gather3A_359, %get3A_400 : vector<16xf32>
        %add3A_402 = arith.addf %mul3A_396, %mul3A_401 : vector<16xf32>
        %swap3A_403 = arith.index_cast %scan3A_341 : i32 to index
        %swap3A_404 = arith.index_cast %mul3A_391 : i32 to index
        %swap3A_405 = tpu.vector_load %arg13[%swap3A_403, %swap3A_404] {strides = array<i32>} : memref<16x1024xf32, #tpu.memory_space<vmem>>, vector<1x16xf32>,
        %swap3A_406 = vector.shape_cast %swap3A_405 : vector<1x16xf32> to vector<16xf32>
        %swap3A_407 = vector.shape_cast %add3A_402 : vector<16xf32> to vector<1x16xf32>
        tpu.vector_store %arg13[%swap3A_403, %swap3A_404], %swap3A_407 {strides = array<i32>} : memref<16x1024xf32, #tpu.memory_space<vmem>>, vector<1x16xf32>,
        %scan3A_408 = arith.constant 0 : i32
        %scan3A_409 = arith.constant 2 : i32
        %scan3A_410 = arith.addi %scan3A_368, %scan3A_409 : i32
        %mul3A_411 = arith.constant 16 : i32
        %mul3A_412 = arith.muli %scan3A_410, %mul3A_411 : i32
        %get3A_413 = arith.index_cast %scan3A_341 : i32 to index
        %get3A_414 = arith.index_cast %mul3A_412 : i32 to index
        %get3A_415 = tpu.vector_load %arg11[%get3A_413, %get3A_414] {strides = array<i32>} : memref<16x1024xf32, #tpu.memory_space<vmem>>, vector<1x16xf32>,
        %get3A_416 = vector.shape_cast %get3A_415 : vector<1x16xf32> to vector<16xf32>
        %mul3A_417 = arith.mulf %gather3A_349, %get3A_416 : vector<16xf32>
        %get3A_418 = arith.index_cast %scan3A_341 : i32 to index
        %get3A_419 = arith.index_cast %mul3A_412 : i32 to index
        %get3A_420 = tpu.vector_load %arg12[%get3A_418, %get3A_419] {strides = array<i32>} : memref<16x1024xf32, #tpu.memory_space<vmem>>, vector<1x16xf32>,
        %get3A_421 = vector.shape_cast %get3A_420 : vector<1x16xf32> to vector<16xf32>
        %mul3A_422 = arith.mulf %gather3A_359, %get3A_421 : vector<16xf32>
        %add3A_423 = arith.addf %mul3A_417, %mul3A_422 : vector<16xf32>
        %swap3A_424 = arith.index_cast %scan3A_341 : i32 to index
        %swap3A_425 = arith.index_cast %mul3A_412 : i32 to index
        %swap3A_426 = tpu.vector_load %arg13[%swap3A_424, %swap3A_425] {strides = array<i32>} : memref<16x1024xf32, #tpu.memory_space<vmem>>, vector<1x16xf32>,
        %swap3A_427 = vector.shape_cast %swap3A_426 : vector<1x16xf32> to vector<16xf32>
        %swap3A_428 = vector.shape_cast %add3A_423 : vector<16xf32> to vector<1x16xf32>
        tpu.vector_store %arg13[%swap3A_424, %swap3A_425], %swap3A_428 {strides = array<i32>} : memref<16x1024xf32, #tpu.memory_space<vmem>>, vector<1x16xf32>,
        %scan3A_429 = arith.constant 0 : i32
        %scan3A_430 = arith.constant 3 : i32
        %scan3A_431 = arith.addi %scan3A_368, %scan3A_430 : i32
        %mul3A_432 = arith.constant 16 : i32
        %mul3A_433 = arith.muli %scan3A_431, %mul3A_432 : i32
        %get3A_434 = arith.index_cast %scan3A_341 : i32 to index
        %get3A_435 = arith.index_cast %mul3A_433 : i32 to index
        %get3A_436 = tpu.vector_load %arg11[%get3A_434, %get3A_435] {strides = array<i32>} : memref<16x1024xf32, #tpu.memory_space<vmem>>, vector<1x16xf32>,
        %get3A_437 = vector.shape_cast %get3A_436 : vector<1x16xf32> to vector<16xf32>
        %mul3A_438 = arith.mulf %gather3A_349, %get3A_437 : vector<16xf32>
        %get3A_439 = arith.index_cast %scan3A_341 : i32 to index
        %get3A_440 = arith.index_cast %mul3A_433 : i32 to index
        %get3A_441 = tpu.vector_load %arg12[%get3A_439, %get3A_440] {strides = array<i32>} : memref<16x1024xf32, #tpu.memory_space<vmem>>, vector<1x16xf32>,
        %get3A_442 = vector.shape_cast %get3A_441 : vector<1x16xf32> to vector<16xf32>
        %mul3A_443 = arith.mulf %gather3A_359, %get3A_442 : vector<16xf32>
        %add3A_444 = arith.addf %mul3A_438, %mul3A_443 : vector<16xf32>
        %swap3A_445 = arith.index_cast %scan3A_341 : i32 to index
        %swap3A_446 = arith.index_cast %mul3A_433 : i32 to index
        %swap3A_447 = tpu.vector_load %arg13[%swap3A_445, %swap3A_446] {strides = array<i32>} : memref<16x1024xf32, #tpu.memory_space<vmem>>, vector<1x16xf32>,
        %swap3A_448 = vector.shape_cast %swap3A_447 : vector<1x16xf32> to vector<16xf32>
        %swap3A_449 = vector.shape_cast %add3A_444 : vector<16xf32> to vector<1x16xf32>
        tpu.vector_store %arg13[%swap3A_445, %swap3A_446], %swap3A_449 {strides = array<i32>} : memref<16x1024xf32, #tpu.memory_space<vmem>>, vector<1x16xf32>,
        %scan3A_450 = arith.constant 0 : i32
        %scan3A_451 = arith.constant 4 : i32
        %scan3A_452 = arith.addi %scan3A_368, %scan3A_451 : i32
        %mul3A_453 = arith.constant 16 : i32
        %mul3A_454 = arith.muli %scan3A_452, %mul3A_453 : i32
        %get3A_455 = arith.index_cast %scan3A_341 : i32 to index
        %get3A_456 = arith.index_cast %mul3A_454 : i32 to index
        %get3A_457 = tpu.vector_load %arg11[%get3A_455, %get3A_456] {strides = array<i32>} : memref<16x1024xf32, #tpu.memory_space<vmem>>, vector<1x16xf32>,
        %get3A_458 = vector.shape_cast %get3A_457 : vector<1x16xf32> to vector<16xf32>
        %mul3A_459 = arith.mulf %gather3A_349, %get3A_458 : vector<16xf32>
        %get3A_460 = arith.index_cast %scan3A_341 : i32 to index
        %get3A_461 = arith.index_cast %mul3A_454 : i32 to index
        %get3A_462 = tpu.vector_load %arg12[%get3A_460, %get3A_461] {strides = array<i32>} : memref<16x1024xf32, #tpu.memory_space<vmem>>, vector<1x16xf32>,
        %get3A_463 = vector.shape_cast %get3A_462 : vector<1x16xf32> to vector<16xf32>
        %mul3A_464 = arith.mulf %gather3A_359, %get3A_463 : vector<16xf32>
        %add3A_465 = arith.addf %mul3A_459, %mul3A_464 : vector<16xf32>
        %swap3A_466 = arith.index_cast %scan3A_341 : i32 to index
        %swap3A_467 = arith.index_cast %mul3A_454 : i32 to index
        %swap3A_468 = tpu.vector_load %arg13[%swap3A_466, %swap3A_467] {strides = array<i32>} : memref<16x1024xf32, #tpu.memory_space<vmem>>, vector<1x16xf32>,
        %swap3A_469 = vector.shape_cast %swap3A_468 : vector<1x16xf32> to vector<16xf32>
        %swap3A_470 = vector.shape_cast %add3A_465 : vector<16xf32> to vector<1x16xf32>
        tpu.vector_store %arg13[%swap3A_466, %swap3A_467], %swap3A_470 {strides = array<i32>} : memref<16x1024xf32, #tpu.memory_space<vmem>>, vector<1x16xf32>,
        %scan3A_471 = arith.constant 0 : i32
        %scan3A_472 = arith.constant 5 : i32
        %scan3A_473 = arith.addi %scan3A_368, %scan3A_472 : i32
        %mul3A_474 = arith.constant 16 : i32
        %mul3A_475 = arith.muli %scan3A_473, %mul3A_474 : i32
        %get3A_476 = arith.index_cast %scan3A_341 : i32 to index
        %get3A_477 = arith.index_cast %mul3A_475 : i32 to index
        %get3A_478 = tpu.vector_load %arg11[%get3A_476, %get3A_477] {strides = array<i32>} : memref<16x1024xf32, #tpu.memory_space<vmem>>, vector<1x16xf32>,
        %get3A_479 = vector.shape_cast %get3A_478 : vector<1x16xf32> to vector<16xf32>
        %mul3A_480 = arith.mulf %gather3A_349, %get3A_479 : vector<16xf32>
        %get3A_481 = arith.index_cast %scan3A_341 : i32 to index
        %get3A_482 = arith.index_cast %mul3A_475 : i32 to index
        %get3A_483 = tpu.vector_load %arg12[%get3A_481, %get3A_482] {strides = array<i32>} : memref<16x1024xf32, #tpu.memory_space<vmem>>, vector<1x16xf32>,
        %get3A_484 = vector.shape_cast %get3A_483 : vector<1x16xf32> to vector<16xf32>
        %mul3A_485 = arith.mulf %gather3A_359, %get3A_484 : vector<16xf32>
        %add3A_486 = arith.addf %mul3A_480, %mul3A_485 : vector<16xf32>
        %swap3A_487 = arith.index_cast %scan3A_341 : i32 to index
        %swap3A_488 = arith.index_cast %mul3A_475 : i32 to index
        %swap3A_489 = tpu.vector_load %arg13[%swap3A_487, %swap3A_488] {strides = array<i32>} : memref<16x1024xf32, #tpu.memory_space<vmem>>, vector<1x16xf32>,
        %swap3A_490 = vector.shape_cast %swap3A_489 : vector<1x16xf32> to vector<16xf32>
        %swap3A_491 = vector.shape_cast %add3A_486 : vector<16xf32> to vector<1x16xf32>
        tpu.vector_store %arg13[%swap3A_487, %swap3A_488], %swap3A_491 {strides = array<i32>} : memref<16x1024xf32, #tpu.memory_space<vmem>>, vector<1x16xf32>,
        %scan3A_492 = arith.constant 0 : i32
        %scan3A_493 = arith.constant 6 : i32
        %scan3A_494 = arith.addi %scan3A_368, %scan3A_493 : i32
        %mul3A_495 = arith.constant 16 : i32
        %mul3A_496 = arith.muli %scan3A_494, %mul3A_495 : i32
        %get3A_497 = arith.index_cast %scan3A_341 : i32 to index
        %get3A_498 = arith.index_cast %mul3A_496 : i32 to index
        %get3A_499 = tpu.vector_load %arg11[%get3A_497, %get3A_498] {strides = array<i32>} : memref<16x1024xf32, #tpu.memory_space<vmem>>, vector<1x16xf32>,
        %get3A_500 = vector.shape_cast %get3A_499 : vector<1x16xf32> to vector<16xf32>
        %mul3A_501 = arith.mulf %gather3A_349, %get3A_500 : vector<16xf32>
        %get3A_502 = arith.index_cast %scan3A_341 : i32 to index
        %get3A_503 = arith.index_cast %mul3A_496 : i32 to index
        %get3A_504 = tpu.vector_load %arg12[%get3A_502, %get3A_503] {strides = array<i32>} : memref<16x1024xf32, #tpu.memory_space<vmem>>, vector<1x16xf32>,
        %get3A_505 = vector.shape_cast %get3A_504 : vector<1x16xf32> to vector<16xf32>
        %mul3A_506 = arith.mulf %gather3A_359, %get3A_505 : vector<16xf32>
        %add3A_507 = arith.addf %mul3A_501, %mul3A_506 : vector<16xf32>
        %swap3A_508 = arith.index_cast %scan3A_341 : i32 to index
        %swap3A_509 = arith.index_cast %mul3A_496 : i32 to index
        %swap3A_510 = tpu.vector_load %arg13[%swap3A_508, %swap3A_509] {strides = array<i32>} : memref<16x1024xf32, #tpu.memory_space<vmem>>, vector<1x16xf32>,
        %swap3A_511 = vector.shape_cast %swap3A_510 : vector<1x16xf32> to vector<16xf32>
        %swap3A_512 = vector.shape_cast %add3A_507 : vector<16xf32> to vector<1x16xf32>
        tpu.vector_store %arg13[%swap3A_508, %swap3A_509], %swap3A_512 {strides = array<i32>} : memref<16x1024xf32, #tpu.memory_space<vmem>>, vector<1x16xf32>,
        %scan3A_513 = arith.constant 0 : i32
        %scan3A_514 = arith.constant 7 : i32
        %scan3A_515 = arith.addi %scan3A_368, %scan3A_514 : i32
        %mul3A_516 = arith.constant 16 : i32
        %mul3A_517 = arith.muli %scan3A_515, %mul3A_516 : i32
        %get3A_518 = arith.index_cast %scan3A_341 : i32 to index
        %get3A_519 = arith.index_cast %mul3A_517 : i32 to index
        %get3A_520 = tpu.vector_load %arg11[%get3A_518, %get3A_519] {strides = array<i32>} : memref<16x1024xf32, #tpu.memory_space<vmem>>, vector<1x16xf32>,
        %get3A_521 = vector.shape_cast %get3A_520 : vector<1x16xf32> to vector<16xf32>
        %mul3A_522 = arith.mulf %gather3A_349, %get3A_521 : vector<16xf32>
        %get3A_523 = arith.index_cast %scan3A_341 : i32 to index
        %get3A_524 = arith.index_cast %mul3A_517 : i32 to index
        %get3A_525 = tpu.vector_load %arg12[%get3A_523, %get3A_524] {strides = array<i32>} : memref<16x1024xf32, #tpu.memory_space<vmem>>, vector<1x16xf32>,
        %get3A_526 = vector.shape_cast %get3A_525 : vector<1x16xf32> to vector<16xf32>
        %mul3A_527 = arith.mulf %gather3A_359, %get3A_526 : vector<16xf32>
        %add3A_528 = arith.addf %mul3A_522, %mul3A_527 : vector<16xf32>
        %swap3A_529 = arith.index_cast %scan3A_341 : i32 to index
        %swap3A_530 = arith.index_cast %mul3A_517 : i32 to index
        %swap3A_531 = tpu.vector_load %arg13[%swap3A_529, %swap3A_530] {strides = array<i32>} : memref<16x1024xf32, #tpu.memory_space<vmem>>, vector<1x16xf32>,
        %swap3A_532 = vector.shape_cast %swap3A_531 : vector<1x16xf32> to vector<16xf32>
        %swap3A_533 = vector.shape_cast %add3A_528 : vector<16xf32> to vector<1x16xf32>
        tpu.vector_store %arg13[%swap3A_529, %swap3A_530], %swap3A_533 {strides = array<i32>} : memref<16x1024xf32, #tpu.memory_space<vmem>>, vector<1x16xf32>,
        %scan3A_534 = arith.constant 0 : i32
        scf.yield %scan3A_534 : i32
      }
      %scan3A_366 = arith.constant 64 : i32
      %scan3A_367 = arith.constant 0 : i32
      scf.yield %scan3A_367 : i32
    }
    %scan3A_254 = arith.constant 16 : i32
    %mul3A_255 = arith.constant 128 : i32
    %mul3A_256 = arith.muli %add3A, %mul3A_255 : i32
    %add3A_257 = arith.constant 80 : i32
    %add3A_258 = arith.addi %mul3A_256, %add3A_257 : i32
    %dma_start3A_259 = arith.constant 0 : i32
    %dma_start3A_260 = tpu.memref_slice %arg7[%add3A_258, %dma_start3A_259] : memref<4096x1024xf32, #tpu.memory_space<hbm>> -> memref<16x1024xf32, #tpu.memory_space<hbm>>
    %dma_start3A_261 = arith.constant 0 : i32
    %dma_start3A_262 = tpu.memref_slice %arg7[%add3A_258, %dma_start3A_261] : memref<4096x1024xf32, #tpu.memory_space<hbm>> -> memref<16x1024xf32, #tpu.memory_space<hbm>>
    tpu.enqueue_dma source(%arg13 : memref<16x1024xf32, #tpu.memory_space<vmem>>) target(%dma_start3A_262 : memref<16x1024xf32, #tpu.memory_space<hbm>>) target_semaphore(%arg20 : memref<!tpu.dma_semaphore, #tpu.memory_space<semaphore_mem>>)
    %dma_wait3A_263 = arith.constant 0 : i32
    %dma_wait3A_264 = arith.constant 0 : i32
    %dma_wait3A_265 = tpu.memref_slice %arg2[%dma_wait3A_263, %dma_wait3A_264] : memref<12288x1024xf32, #tpu.memory_space<hbm>> -> memref<12288x1024xf32, #tpu.memory_space<hbm>>
    tpu.wait_indirect_dma semaphore(%arg18 : memref<!tpu.dma_semaphore, #tpu.memory_space<semaphore_mem>>) src(%dma_wait3A_265 : memref<12288x1024xf32, #tpu.memory_space<hbm>>) dst(%arg8 : memref<16x1024xf32, #tpu.memory_space<vmem>>)
    %dma_wait3A_266 = arith.constant 0 : i32
    %dma_wait3A_267 = arith.constant 0 : i32
    %dma_wait3A_268 = tpu.memref_slice %arg2[%dma_wait3A_266, %dma_wait3A_267] : memref<12288x1024xf32, #tpu.memory_space<hbm>> -> memref<12288x1024xf32, #tpu.memory_space<hbm>>
    tpu.wait_indirect_dma semaphore(%arg18 : memref<!tpu.dma_semaphore, #tpu.memory_space<semaphore_mem>>) src(%dma_wait3A_268 : memref<12288x1024xf32, #tpu.memory_space<hbm>>) dst(%arg9 : memref<16x1024xf32, #tpu.memory_space<vmem>>)
    %get3A_269 = arith.constant 112 : index
    %get3A_270 = tpu.vector_load %arg14[%get3A_269] {strides = array<i32>} : memref<128xi32, #tpu.memory_space<vmem>>, vector<16xi32>,
    %get3A_271 = vector.shape_cast %get3A_270 : vector<16xi32> to vector<16xi32>
    %get3A_272 = arith.constant 112 : index
    %get3A_273 = tpu.vector_load %arg15[%get3A_272] {strides = array<i32>} : memref<128xi32, #tpu.memory_space<vmem>>, vector<16xi32>,
    %get3A_274 = vector.shape_cast %get3A_273 : vector<16xi32> to vector<16xi32>
    %dma_start3A_275 = arith.constant 0 : i32
    %dma_start3A_276 = arith.constant 0 : i32
    %dma_start3A_277 = tpu.memref_slice %arg2[%dma_start3A_275, %dma_start3A_276] : memref<12288x1024xf32, #tpu.memory_space<hbm>> -> memref<12288x1024xf32, #tpu.memory_space<hbm>>
    tpu.enqueue_indirect_dma source(%dma_start3A_277 : memref<12288x1024xf32, #tpu.memory_space<hbm>>) target(%arg11 : memref<16x1024xf32, #tpu.memory_space<vmem>>) offsets(%get3A_271 : vector<16xi32>) semaphore(%arg19 : memref<!tpu.dma_semaphore, #tpu.memory_space<semaphore_mem>>)
    %dma_start3A_278 = arith.constant 0 : i32
    %dma_start3A_279 = arith.constant 0 : i32
    %dma_start3A_280 = tpu.memref_slice %arg2[%dma_start3A_278, %dma_start3A_279] : memref<12288x1024xf32, #tpu.memory_space<hbm>> -> memref<12288x1024xf32, #tpu.memory_space<hbm>>
    tpu.enqueue_indirect_dma source(%dma_start3A_280 : memref<12288x1024xf32, #tpu.memory_space<hbm>>) target(%arg12 : memref<16x1024xf32, #tpu.memory_space<vmem>>) offsets(%get3A_274 : vector<16xi32>) semaphore(%arg19 : memref<!tpu.dma_semaphore, #tpu.memory_space<semaphore_mem>>)
    %dma_wait3A_281 = arith.constant 0 : i32
    %dma_wait3A_282 = tpu.memref_slice %arg7[%add3A_258, %dma_wait3A_281] : memref<4096x1024xf32, #tpu.memory_space<hbm>> -> memref<16x1024xf32, #tpu.memory_space<hbm>>
    %dma_wait3A_283 = arith.constant 0 : i32
    %dma_wait3A_284 = tpu.memref_slice %arg7[%add3A_258, %dma_wait3A_283] : memref<4096x1024xf32, #tpu.memory_space<hbm>> -> memref<16x1024xf32, #tpu.memory_space<hbm>>
    tpu.wait_dma2 semaphore(%arg20 : memref<!tpu.dma_semaphore, #tpu.memory_space<semaphore_mem>>) src(%arg13 : memref<16x1024xf32, #tpu.memory_space<vmem>>) dst(%dma_wait3A_284 : memref<16x1024xf32, #tpu.memory_space<hbm>>)
    %get3A_285 = arith.constant 96 : index
    %get3A_286 = tpu.vector_load %arg16[%get3A_285] {strides = array<i32>} : memref<128xf32, #tpu.memory_space<vmem>>, vector<16xf32>,
    %get3A_287 = vector.shape_cast %get3A_286 : vector<16xf32> to vector<16xf32>
    %get3A_288 = arith.constant 96 : index
    %get3A_289 = tpu.vector_load %arg17[%get3A_288] {strides = array<i32>} : memref<128xf32, #tpu.memory_space<vmem>>, vector<16xf32>,
    %get3A_290 = vector.shape_cast %get3A_289 : vector<16xf32> to vector<16xf32>
    %scan3A_291 = arith.constant 0 : i32
    %scan3A_292 = arith.constant 0 : i32
    %scan3A_293 = arith.constant 16 : i32
    %scan3A_294 = arith.addi %scan3A_292, %scan3A_293 : i32
    %scan3A_295 = arith.constant 1 : i32
    %scan3A_296 = scf.for %scan3A_341 = %scan3A_292 to %scan3A_294 step %scan3A_295 iter_args(%scan3A_342 = %scan3A_291) -> (i32)  : i32 {
      %broadcast_in_dim3A = vector.broadcast %scan3A_341 : i32 to vector<16xi32>
      %lt3A = arith.constant 0 : i32
      %lt3A_343 = vector.broadcast %lt3A : i32 to vector<16xi32>
      %lt3A_344 = arith.cmpi slt, %broadcast_in_dim3A, %lt3A_343 : vector<16xi32>
      %add3A_345 = arith.constant 16 : i32
      %add3A_346 = vector.broadcast %add3A_345 : i32 to vector<16xi32>
      %add3A_347 = arith.addi %broadcast_in_dim3A, %add3A_346 : vector<16xi32>
      %select_n3A = arith.select %lt3A_344, %add3A_347, %broadcast_in_dim3A : vector<16xi1>, vector<16xi32>
      %broadcast_in_dim3A_348 = vector.shape_cast %select_n3A : vector<16xi32> to vector<16x1xi32>
      %gather3A = vector.shape_cast %broadcast_in_dim3A_348 : vector<16x1xi32> to vector<16xi32>
      %gather3A_349 = tpu.dynamic_gather %get3A_287[%gather3A] in [0] : vector<16xf32>, vector<16xi32> -> vector<16xf32>
      %lt3A_350 = arith.constant 0 : i32
      %lt3A_351 = vector.broadcast %lt3A_350 : i32 to vector<16xi32>
      %lt3A_352 = arith.cmpi slt, %broadcast_in_dim3A, %lt3A_351 : vector<16xi32>
      %add3A_353 = arith.constant 16 : i32
      %add3A_354 = vector.broadcast %add3A_353 : i32 to vector<16xi32>
      %add3A_355 = arith.addi %broadcast_in_dim3A, %add3A_354 : vector<16xi32>
      %select_n3A_356 = arith.select %lt3A_352, %add3A_355, %broadcast_in_dim3A : vector<16xi1>, vector<16xi32>
      %broadcast_in_dim3A_357 = vector.shape_cast %select_n3A_356 : vector<16xi32> to vector<16x1xi32>
      %gather3A_358 = vector.shape_cast %broadcast_in_dim3A_357 : vector<16x1xi32> to vector<16xi32>
      %gather3A_359 = tpu.dynamic_gather %get3A_290[%gather3A_358] in [0] : vector<16xf32>, vector<16xi32> -> vector<16xf32>
      %scan3A_360 = arith.constant 0 : i32
      %scan3A_361 = arith.constant 0 : i32
      %scan3A_362 = arith.constant 64 : i32
      %scan3A_363 = arith.addi %scan3A_361, %scan3A_362 : i32
      %scan3A_364 = arith.constant 8 : i32
      %scan3A_365 = scf.for %scan3A_368 = %scan3A_361 to %scan3A_363 step %scan3A_364 iter_args(%scan3A_369 = %scan3A_360) -> (i32)  : i32 {
        %mul3A_370 = arith.constant 16 : i32
        %mul3A_371 = arith.muli %scan3A_368, %mul3A_370 : i32
        %get3A_372 = arith.index_cast %scan3A_341 : i32 to index
        %get3A_373 = arith.index_cast %mul3A_371 : i32 to index
        %get3A_374 = tpu.vector_load %arg8[%get3A_372, %get3A_373] {strides = array<i32>} : memref<16x1024xf32, #tpu.memory_space<vmem>>, vector<1x16xf32>,
        %get3A_375 = vector.shape_cast %get3A_374 : vector<1x16xf32> to vector<16xf32>
        %mul3A_376 = arith.mulf %gather3A_349, %get3A_375 : vector<16xf32>
        %get3A_377 = arith.index_cast %scan3A_341 : i32 to index
        %get3A_378 = arith.index_cast %mul3A_371 : i32 to index
        %get3A_379 = tpu.vector_load %arg9[%get3A_377, %get3A_378] {strides = array<i32>} : memref<16x1024xf32, #tpu.memory_space<vmem>>, vector<1x16xf32>,
        %get3A_380 = vector.shape_cast %get3A_379 : vector<1x16xf32> to vector<16xf32>
        %mul3A_381 = arith.mulf %gather3A_359, %get3A_380 : vector<16xf32>
        %add3A_382 = arith.addf %mul3A_376, %mul3A_381 : vector<16xf32>
        %swap3A = arith.index_cast %scan3A_341 : i32 to index
        %swap3A_383 = arith.index_cast %mul3A_371 : i32 to index
        %swap3A_384 = tpu.vector_load %arg10[%swap3A, %swap3A_383] {strides = array<i32>} : memref<16x1024xf32, #tpu.memory_space<vmem>>, vector<1x16xf32>,
        %swap3A_385 = vector.shape_cast %swap3A_384 : vector<1x16xf32> to vector<16xf32>
        %swap3A_386 = vector.shape_cast %add3A_382 : vector<16xf32> to vector<1x16xf32>
        tpu.vector_store %arg10[%swap3A, %swap3A_383], %swap3A_386 {strides = array<i32>} : memref<16x1024xf32, #tpu.memory_space<vmem>>, vector<1x16xf32>,
        %scan3A_387 = arith.constant 0 : i32
        %scan3A_388 = arith.constant 1 : i32
        %scan3A_389 = arith.addi %scan3A_368, %scan3A_388 : i32
        %mul3A_390 = arith.constant 16 : i32
        %mul3A_391 = arith.muli %scan3A_389, %mul3A_390 : i32
        %get3A_392 = arith.index_cast %scan3A_341 : i32 to index
        %get3A_393 = arith.index_cast %mul3A_391 : i32 to index
        %get3A_394 = tpu.vector_load %arg8[%get3A_392, %get3A_393] {strides = array<i32>} : memref<16x1024xf32, #tpu.memory_space<vmem>>, vector<1x16xf32>,
        %get3A_395 = vector.shape_cast %get3A_394 : vector<1x16xf32> to vector<16xf32>
        %mul3A_396 = arith.mulf %gather3A_349, %get3A_395 : vector<16xf32>
        %get3A_397 = arith.index_cast %scan3A_341 : i32 to index
        %get3A_398 = arith.index_cast %mul3A_391 : i32 to index
        %get3A_399 = tpu.vector_load %arg9[%get3A_397, %get3A_398] {strides = array<i32>} : memref<16x1024xf32, #tpu.memory_space<vmem>>, vector<1x16xf32>,
        %get3A_400 = vector.shape_cast %get3A_399 : vector<1x16xf32> to vector<16xf32>
        %mul3A_401 = arith.mulf %gather3A_359, %get3A_400 : vector<16xf32>
        %add3A_402 = arith.addf %mul3A_396, %mul3A_401 : vector<16xf32>
        %swap3A_403 = arith.index_cast %scan3A_341 : i32 to index
        %swap3A_404 = arith.index_cast %mul3A_391 : i32 to index
        %swap3A_405 = tpu.vector_load %arg10[%swap3A_403, %swap3A_404] {strides = array<i32>} : memref<16x1024xf32, #tpu.memory_space<vmem>>, vector<1x16xf32>,
        %swap3A_406 = vector.shape_cast %swap3A_405 : vector<1x16xf32> to vector<16xf32>
        %swap3A_407 = vector.shape_cast %add3A_402 : vector<16xf32> to vector<1x16xf32>
        tpu.vector_store %arg10[%swap3A_403, %swap3A_404], %swap3A_407 {strides = array<i32>} : memref<16x1024xf32, #tpu.memory_space<vmem>>, vector<1x16xf32>,
        %scan3A_408 = arith.constant 0 : i32
        %scan3A_409 = arith.constant 2 : i32
        %scan3A_410 = arith.addi %scan3A_368, %scan3A_409 : i32
        %mul3A_411 = arith.constant 16 : i32
        %mul3A_412 = arith.muli %scan3A_410, %mul3A_411 : i32
        %get3A_413 = arith.index_cast %scan3A_341 : i32 to index
        %get3A_414 = arith.index_cast %mul3A_412 : i32 to index
        %get3A_415 = tpu.vector_load %arg8[%get3A_413, %get3A_414] {strides = array<i32>} : memref<16x1024xf32, #tpu.memory_space<vmem>>, vector<1x16xf32>,
        %get3A_416 = vector.shape_cast %get3A_415 : vector<1x16xf32> to vector<16xf32>
        %mul3A_417 = arith.mulf %gather3A_349, %get3A_416 : vector<16xf32>
        %get3A_418 = arith.index_cast %scan3A_341 : i32 to index
        %get3A_419 = arith.index_cast %mul3A_412 : i32 to index
        %get3A_420 = tpu.vector_load %arg9[%get3A_418, %get3A_419] {strides = array<i32>} : memref<16x1024xf32, #tpu.memory_space<vmem>>, vector<1x16xf32>,
        %get3A_421 = vector.shape_cast %get3A_420 : vector<1x16xf32> to vector<16xf32>
        %mul3A_422 = arith.mulf %gather3A_359, %get3A_421 : vector<16xf32>
        %add3A_423 = arith.addf %mul3A_417, %mul3A_422 : vector<16xf32>
        %swap3A_424 = arith.index_cast %scan3A_341 : i32 to index
        %swap3A_425 = arith.index_cast %mul3A_412 : i32 to index
        %swap3A_426 = tpu.vector_load %arg10[%swap3A_424, %swap3A_425] {strides = array<i32>} : memref<16x1024xf32, #tpu.memory_space<vmem>>, vector<1x16xf32>,
        %swap3A_427 = vector.shape_cast %swap3A_426 : vector<1x16xf32> to vector<16xf32>
        %swap3A_428 = vector.shape_cast %add3A_423 : vector<16xf32> to vector<1x16xf32>
        tpu.vector_store %arg10[%swap3A_424, %swap3A_425], %swap3A_428 {strides = array<i32>} : memref<16x1024xf32, #tpu.memory_space<vmem>>, vector<1x16xf32>,
        %scan3A_429 = arith.constant 0 : i32
        %scan3A_430 = arith.constant 3 : i32
        %scan3A_431 = arith.addi %scan3A_368, %scan3A_430 : i32
        %mul3A_432 = arith.constant 16 : i32
        %mul3A_433 = arith.muli %scan3A_431, %mul3A_432 : i32
        %get3A_434 = arith.index_cast %scan3A_341 : i32 to index
        %get3A_435 = arith.index_cast %mul3A_433 : i32 to index
        %get3A_436 = tpu.vector_load %arg8[%get3A_434, %get3A_435] {strides = array<i32>} : memref<16x1024xf32, #tpu.memory_space<vmem>>, vector<1x16xf32>,
        %get3A_437 = vector.shape_cast %get3A_436 : vector<1x16xf32> to vector<16xf32>
        %mul3A_438 = arith.mulf %gather3A_349, %get3A_437 : vector<16xf32>
        %get3A_439 = arith.index_cast %scan3A_341 : i32 to index
        %get3A_440 = arith.index_cast %mul3A_433 : i32 to index
        %get3A_441 = tpu.vector_load %arg9[%get3A_439, %get3A_440] {strides = array<i32>} : memref<16x1024xf32, #tpu.memory_space<vmem>>, vector<1x16xf32>,
        %get3A_442 = vector.shape_cast %get3A_441 : vector<1x16xf32> to vector<16xf32>
        %mul3A_443 = arith.mulf %gather3A_359, %get3A_442 : vector<16xf32>
        %add3A_444 = arith.addf %mul3A_438, %mul3A_443 : vector<16xf32>
        %swap3A_445 = arith.index_cast %scan3A_341 : i32 to index
        %swap3A_446 = arith.index_cast %mul3A_433 : i32 to index
        %swap3A_447 = tpu.vector_load %arg10[%swap3A_445, %swap3A_446] {strides = array<i32>} : memref<16x1024xf32, #tpu.memory_space<vmem>>, vector<1x16xf32>,
        %swap3A_448 = vector.shape_cast %swap3A_447 : vector<1x16xf32> to vector<16xf32>
        %swap3A_449 = vector.shape_cast %add3A_444 : vector<16xf32> to vector<1x16xf32>
        tpu.vector_store %arg10[%swap3A_445, %swap3A_446], %swap3A_449 {strides = array<i32>} : memref<16x1024xf32, #tpu.memory_space<vmem>>, vector<1x16xf32>,
        %scan3A_450 = arith.constant 0 : i32
        %scan3A_451 = arith.constant 4 : i32
        %scan3A_452 = arith.addi %scan3A_368, %scan3A_451 : i32
        %mul3A_453 = arith.constant 16 : i32
        %mul3A_454 = arith.muli %scan3A_452, %mul3A_453 : i32
        %get3A_455 = arith.index_cast %scan3A_341 : i32 to index
        %get3A_456 = arith.index_cast %mul3A_454 : i32 to index
        %get3A_457 = tpu.vector_load %arg8[%get3A_455, %get3A_456] {strides = array<i32>} : memref<16x1024xf32, #tpu.memory_space<vmem>>, vector<1x16xf32>,
        %get3A_458 = vector.shape_cast %get3A_457 : vector<1x16xf32> to vector<16xf32>
        %mul3A_459 = arith.mulf %gather3A_349, %get3A_458 : vector<16xf32>
        %get3A_460 = arith.index_cast %scan3A_341 : i32 to index
        %get3A_461 = arith.index_cast %mul3A_454 : i32 to index
        %get3A_462 = tpu.vector_load %arg9[%get3A_460, %get3A_461] {strides = array<i32>} : memref<16x1024xf32, #tpu.memory_space<vmem>>, vector<1x16xf32>,
        %get3A_463 = vector.shape_cast %get3A_462 : vector<1x16xf32> to vector<16xf32>
        %mul3A_464 = arith.mulf %gather3A_359, %get3A_463 : vector<16xf32>
        %add3A_465 = arith.addf %mul3A_459, %mul3A_464 : vector<16xf32>
        %swap3A_466 = arith.index_cast %scan3A_341 : i32 to index
        %swap3A_467 = arith.index_cast %mul3A_454 : i32 to index
        %swap3A_468 = tpu.vector_load %arg10[%swap3A_466, %swap3A_467] {strides = array<i32>} : memref<16x1024xf32, #tpu.memory_space<vmem>>, vector<1x16xf32>,
        %swap3A_469 = vector.shape_cast %swap3A_468 : vector<1x16xf32> to vector<16xf32>
        %swap3A_470 = vector.shape_cast %add3A_465 : vector<16xf32> to vector<1x16xf32>
        tpu.vector_store %arg10[%swap3A_466, %swap3A_467], %swap3A_470 {strides = array<i32>} : memref<16x1024xf32, #tpu.memory_space<vmem>>, vector<1x16xf32>,
        %scan3A_471 = arith.constant 0 : i32
        %scan3A_472 = arith.constant 5 : i32
        %scan3A_473 = arith.addi %scan3A_368, %scan3A_472 : i32
        %mul3A_474 = arith.constant 16 : i32
        %mul3A_475 = arith.muli %scan3A_473, %mul3A_474 : i32
        %get3A_476 = arith.index_cast %scan3A_341 : i32 to index
        %get3A_477 = arith.index_cast %mul3A_475 : i32 to index
        %get3A_478 = tpu.vector_load %arg8[%get3A_476, %get3A_477] {strides = array<i32>} : memref<16x1024xf32, #tpu.memory_space<vmem>>, vector<1x16xf32>,
        %get3A_479 = vector.shape_cast %get3A_478 : vector<1x16xf32> to vector<16xf32>
        %mul3A_480 = arith.mulf %gather3A_349, %get3A_479 : vector<16xf32>
        %get3A_481 = arith.index_cast %scan3A_341 : i32 to index
        %get3A_482 = arith.index_cast %mul3A_475 : i32 to index
        %get3A_483 = tpu.vector_load %arg9[%get3A_481, %get3A_482] {strides = array<i32>} : memref<16x1024xf32, #tpu.memory_space<vmem>>, vector<1x16xf32>,
        %get3A_484 = vector.shape_cast %get3A_483 : vector<1x16xf32> to vector<16xf32>
        %mul3A_485 = arith.mulf %gather3A_359, %get3A_484 : vector<16xf32>
        %add3A_486 = arith.addf %mul3A_480, %mul3A_485 : vector<16xf32>
        %swap3A_487 = arith.index_cast %scan3A_341 : i32 to index
        %swap3A_488 = arith.index_cast %mul3A_475 : i32 to index
        %swap3A_489 = tpu.vector_load %arg10[%swap3A_487, %swap3A_488] {strides = array<i32>} : memref<16x1024xf32, #tpu.memory_space<vmem>>, vector<1x16xf32>,
        %swap3A_490 = vector.shape_cast %swap3A_489 : vector<1x16xf32> to vector<16xf32>
        %swap3A_491 = vector.shape_cast %add3A_486 : vector<16xf32> to vector<1x16xf32>
        tpu.vector_store %arg10[%swap3A_487, %swap3A_488], %swap3A_491 {strides = array<i32>} : memref<16x1024xf32, #tpu.memory_space<vmem>>, vector<1x16xf32>,
        %scan3A_492 = arith.constant 0 : i32
        %scan3A_493 = arith.constant 6 : i32
        %scan3A_494 = arith.addi %scan3A_368, %scan3A_493 : i32
        %mul3A_495 = arith.constant 16 : i32
        %mul3A_496 = arith.muli %scan3A_494, %mul3A_495 : i32
        %get3A_497 = arith.index_cast %scan3A_341 : i32 to index
        %get3A_498 = arith.index_cast %mul3A_496 : i32 to index
        %get3A_499 = tpu.vector_load %arg8[%get3A_497, %get3A_498] {strides = array<i32>} : memref<16x1024xf32, #tpu.memory_space<vmem>>, vector<1x16xf32>,
        %get3A_500 = vector.shape_cast %get3A_499 : vector<1x16xf32> to vector<16xf32>
        %mul3A_501 = arith.mulf %gather3A_349, %get3A_500 : vector<16xf32>
        %get3A_502 = arith.index_cast %scan3A_341 : i32 to index
        %get3A_503 = arith.index_cast %mul3A_496 : i32 to index
        %get3A_504 = tpu.vector_load %arg9[%get3A_502, %get3A_503] {strides = array<i32>} : memref<16x1024xf32, #tpu.memory_space<vmem>>, vector<1x16xf32>,
        %get3A_505 = vector.shape_cast %get3A_504 : vector<1x16xf32> to vector<16xf32>
        %mul3A_506 = arith.mulf %gather3A_359, %get3A_505 : vector<16xf32>
        %add3A_507 = arith.addf %mul3A_501, %mul3A_506 : vector<16xf32>
        %swap3A_508 = arith.index_cast %scan3A_341 : i32 to index
        %swap3A_509 = arith.index_cast %mul3A_496 : i32 to index
        %swap3A_510 = tpu.vector_load %arg10[%swap3A_508, %swap3A_509] {strides = array<i32>} : memref<16x1024xf32, #tpu.memory_space<vmem>>, vector<1x16xf32>,
        %swap3A_511 = vector.shape_cast %swap3A_510 : vector<1x16xf32> to vector<16xf32>
        %swap3A_512 = vector.shape_cast %add3A_507 : vector<16xf32> to vector<1x16xf32>
        tpu.vector_store %arg10[%swap3A_508, %swap3A_509], %swap3A_512 {strides = array<i32>} : memref<16x1024xf32, #tpu.memory_space<vmem>>, vector<1x16xf32>,
        %scan3A_513 = arith.constant 0 : i32
        %scan3A_514 = arith.constant 7 : i32
        %scan3A_515 = arith.addi %scan3A_368, %scan3A_514 : i32
        %mul3A_516 = arith.constant 16 : i32
        %mul3A_517 = arith.muli %scan3A_515, %mul3A_516 : i32
        %get3A_518 = arith.index_cast %scan3A_341 : i32 to index
        %get3A_519 = arith.index_cast %mul3A_517 : i32 to index
        %get3A_520 = tpu.vector_load %arg8[%get3A_518, %get3A_519] {strides = array<i32>} : memref<16x1024xf32, #tpu.memory_space<vmem>>, vector<1x16xf32>,
        %get3A_521 = vector.shape_cast %get3A_520 : vector<1x16xf32> to vector<16xf32>
        %mul3A_522 = arith.mulf %gather3A_349, %get3A_521 : vector<16xf32>
        %get3A_523 = arith.index_cast %scan3A_341 : i32 to index
        %get3A_524 = arith.index_cast %mul3A_517 : i32 to index
        %get3A_525 = tpu.vector_load %arg9[%get3A_523, %get3A_524] {strides = array<i32>} : memref<16x1024xf32, #tpu.memory_space<vmem>>, vector<1x16xf32>,
        %get3A_526 = vector.shape_cast %get3A_525 : vector<1x16xf32> to vector<16xf32>
        %mul3A_527 = arith.mulf %gather3A_359, %get3A_526 : vector<16xf32>
        %add3A_528 = arith.addf %mul3A_522, %mul3A_527 : vector<16xf32>
        %swap3A_529 = arith.index_cast %scan3A_341 : i32 to index
        %swap3A_530 = arith.index_cast %mul3A_517 : i32 to index
        %swap3A_531 = tpu.vector_load %arg10[%swap3A_529, %swap3A_530] {strides = array<i32>} : memref<16x1024xf32, #tpu.memory_space<vmem>>, vector<1x16xf32>,
        %swap3A_532 = vector.shape_cast %swap3A_531 : vector<1x16xf32> to vector<16xf32>
        %swap3A_533 = vector.shape_cast %add3A_528 : vector<16xf32> to vector<1x16xf32>
        tpu.vector_store %arg10[%swap3A_529, %swap3A_530], %swap3A_533 {strides = array<i32>} : memref<16x1024xf32, #tpu.memory_space<vmem>>, vector<1x16xf32>,
        %scan3A_534 = arith.constant 0 : i32
        scf.yield %scan3A_534 : i32
      }
      %scan3A_366 = arith.constant 64 : i32
      %scan3A_367 = arith.constant 0 : i32
      scf.yield %scan3A_367 : i32
    }
    %scan3A_297 = arith.constant 16 : i32
    %mul3A_298 = arith.constant 128 : i32
    %mul3A_299 = arith.muli %add3A, %mul3A_298 : i32
    %add3A_300 = arith.constant 96 : i32
    %add3A_301 = arith.addi %mul3A_299, %add3A_300 : i32
    %dma_start3A_302 = arith.constant 0 : i32
    %dma_start3A_303 = tpu.memref_slice %arg7[%add3A_301, %dma_start3A_302] : memref<4096x1024xf32, #tpu.memory_space<hbm>> -> memref<16x1024xf32, #tpu.memory_space<hbm>>
    %dma_start3A_304 = arith.constant 0 : i32
    %dma_start3A_305 = tpu.memref_slice %arg7[%add3A_301, %dma_start3A_304] : memref<4096x1024xf32, #tpu.memory_space<hbm>> -> memref<16x1024xf32, #tpu.memory_space<hbm>>
    tpu.enqueue_dma source(%arg10 : memref<16x1024xf32, #tpu.memory_space<vmem>>) target(%dma_start3A_305 : memref<16x1024xf32, #tpu.memory_space<hbm>>) target_semaphore(%arg20 : memref<!tpu.dma_semaphore, #tpu.memory_space<semaphore_mem>>)
    %dma_wait3A_306 = arith.constant 0 : i32
    %dma_wait3A_307 = arith.constant 0 : i32
    %dma_wait3A_308 = tpu.memref_slice %arg2[%dma_wait3A_306, %dma_wait3A_307] : memref<12288x1024xf32, #tpu.memory_space<hbm>> -> memref<12288x1024xf32, #tpu.memory_space<hbm>>
    tpu.wait_indirect_dma semaphore(%arg19 : memref<!tpu.dma_semaphore, #tpu.memory_space<semaphore_mem>>) src(%dma_wait3A_308 : memref<12288x1024xf32, #tpu.memory_space<hbm>>) dst(%arg11 : memref<16x1024xf32, #tpu.memory_space<vmem>>)
    %dma_wait3A_309 = arith.constant 0 : i32
    %dma_wait3A_310 = arith.constant 0 : i32
    %dma_wait3A_311 = tpu.memref_slice %arg2[%dma_wait3A_309, %dma_wait3A_310] : memref<12288x1024xf32, #tpu.memory_space<hbm>> -> memref<12288x1024xf32, #tpu.memory_space<hbm>>
    tpu.wait_indirect_dma semaphore(%arg19 : memref<!tpu.dma_semaphore, #tpu.memory_space<semaphore_mem>>) src(%dma_wait3A_311 : memref<12288x1024xf32, #tpu.memory_space<hbm>>) dst(%arg12 : memref<16x1024xf32, #tpu.memory_space<vmem>>)
    %dma_wait3A_312 = arith.constant 0 : i32
    %dma_wait3A_313 = tpu.memref_slice %arg7[%add3A_301, %dma_wait3A_312] : memref<4096x1024xf32, #tpu.memory_space<hbm>> -> memref<16x1024xf32, #tpu.memory_space<hbm>>
    %dma_wait3A_314 = arith.constant 0 : i32
    %dma_wait3A_315 = tpu.memref_slice %arg7[%add3A_301, %dma_wait3A_314] : memref<4096x1024xf32, #tpu.memory_space<hbm>> -> memref<16x1024xf32, #tpu.memory_space<hbm>>
    tpu.wait_dma2 semaphore(%arg20 : memref<!tpu.dma_semaphore, #tpu.memory_space<semaphore_mem>>) src(%arg10 : memref<16x1024xf32, #tpu.memory_space<vmem>>) dst(%dma_wait3A_315 : memref<16x1024xf32, #tpu.memory_space<hbm>>)
    %get3A_316 = arith.constant 112 : index
    %get3A_317 = tpu.vector_load %arg16[%get3A_316] {strides = array<i32>} : memref<128xf32, #tpu.memory_space<vmem>>, vector<16xf32>,
    %get3A_318 = vector.shape_cast %get3A_317 : vector<16xf32> to vector<16xf32>
    %get3A_319 = arith.constant 112 : index
    %get3A_320 = tpu.vector_load %arg17[%get3A_319] {strides = array<i32>} : memref<128xf32, #tpu.memory_space<vmem>>, vector<16xf32>,
    %get3A_321 = vector.shape_cast %get3A_320 : vector<16xf32> to vector<16xf32>
    %scan3A_322 = arith.constant 0 : i32
    %scan3A_323 = arith.constant 0 : i32
    %scan3A_324 = arith.constant 16 : i32
    %scan3A_325 = arith.addi %scan3A_323, %scan3A_324 : i32
    %scan3A_326 = arith.constant 1 : i32
    %scan3A_327 = scf.for %scan3A_341 = %scan3A_323 to %scan3A_325 step %scan3A_326 iter_args(%scan3A_342 = %scan3A_322) -> (i32)  : i32 {
      %broadcast_in_dim3A = vector.broadcast %scan3A_341 : i32 to vector<16xi32>
      %lt3A = arith.constant 0 : i32
      %lt3A_343 = vector.broadcast %lt3A : i32 to vector<16xi32>
      %lt3A_344 = arith.cmpi slt, %broadcast_in_dim3A, %lt3A_343 : vector<16xi32>
      %add3A_345 = arith.constant 16 : i32
      %add3A_346 = vector.broadcast %add3A_345 : i32 to vector<16xi32>
      %add3A_347 = arith.addi %broadcast_in_dim3A, %add3A_346 : vector<16xi32>
      %select_n3A = arith.select %lt3A_344, %add3A_347, %broadcast_in_dim3A : vector<16xi1>, vector<16xi32>
      %broadcast_in_dim3A_348 = vector.shape_cast %select_n3A : vector<16xi32> to vector<16x1xi32>
      %gather3A = vector.shape_cast %broadcast_in_dim3A_348 : vector<16x1xi32> to vector<16xi32>
      %gather3A_349 = tpu.dynamic_gather %get3A_318[%gather3A] in [0] : vector<16xf32>, vector<16xi32> -> vector<16xf32>
      %lt3A_350 = arith.constant 0 : i32
      %lt3A_351 = vector.broadcast %lt3A_350 : i32 to vector<16xi32>
      %lt3A_352 = arith.cmpi slt, %broadcast_in_dim3A, %lt3A_351 : vector<16xi32>
      %add3A_353 = arith.constant 16 : i32
      %add3A_354 = vector.broadcast %add3A_353 : i32 to vector<16xi32>
      %add3A_355 = arith.addi %broadcast_in_dim3A, %add3A_354 : vector<16xi32>
      %select_n3A_356 = arith.select %lt3A_352, %add3A_355, %broadcast_in_dim3A : vector<16xi1>, vector<16xi32>
      %broadcast_in_dim3A_357 = vector.shape_cast %select_n3A_356 : vector<16xi32> to vector<16x1xi32>
      %gather3A_358 = vector.shape_cast %broadcast_in_dim3A_357 : vector<16x1xi32> to vector<16xi32>
      %gather3A_359 = tpu.dynamic_gather %get3A_321[%gather3A_358] in [0] : vector<16xf32>, vector<16xi32> -> vector<16xf32>
      %scan3A_360 = arith.constant 0 : i32
      %scan3A_361 = arith.constant 0 : i32
      %scan3A_362 = arith.constant 64 : i32
      %scan3A_363 = arith.addi %scan3A_361, %scan3A_362 : i32
      %scan3A_364 = arith.constant 8 : i32
      %scan3A_365 = scf.for %scan3A_368 = %scan3A_361 to %scan3A_363 step %scan3A_364 iter_args(%scan3A_369 = %scan3A_360) -> (i32)  : i32 {
        %mul3A_370 = arith.constant 16 : i32
        %mul3A_371 = arith.muli %scan3A_368, %mul3A_370 : i32
        %get3A_372 = arith.index_cast %scan3A_341 : i32 to index
        %get3A_373 = arith.index_cast %mul3A_371 : i32 to index
        %get3A_374 = tpu.vector_load %arg11[%get3A_372, %get3A_373] {strides = array<i32>} : memref<16x1024xf32, #tpu.memory_space<vmem>>, vector<1x16xf32>,
        %get3A_375 = vector.shape_cast %get3A_374 : vector<1x16xf32> to vector<16xf32>
        %mul3A_376 = arith.mulf %gather3A_349, %get3A_375 : vector<16xf32>
        %get3A_377 = arith.index_cast %scan3A_341 : i32 to index
        %get3A_378 = arith.index_cast %mul3A_371 : i32 to index
        %get3A_379 = tpu.vector_load %arg12[%get3A_377, %get3A_378] {strides = array<i32>} : memref<16x1024xf32, #tpu.memory_space<vmem>>, vector<1x16xf32>,
        %get3A_380 = vector.shape_cast %get3A_379 : vector<1x16xf32> to vector<16xf32>
        %mul3A_381 = arith.mulf %gather3A_359, %get3A_380 : vector<16xf32>
        %add3A_382 = arith.addf %mul3A_376, %mul3A_381 : vector<16xf32>
        %swap3A = arith.index_cast %scan3A_341 : i32 to index
        %swap3A_383 = arith.index_cast %mul3A_371 : i32 to index
        %swap3A_384 = tpu.vector_load %arg13[%swap3A, %swap3A_383] {strides = array<i32>} : memref<16x1024xf32, #tpu.memory_space<vmem>>, vector<1x16xf32>,
        %swap3A_385 = vector.shape_cast %swap3A_384 : vector<1x16xf32> to vector<16xf32>
        %swap3A_386 = vector.shape_cast %add3A_382 : vector<16xf32> to vector<1x16xf32>
        tpu.vector_store %arg13[%swap3A, %swap3A_383], %swap3A_386 {strides = array<i32>} : memref<16x1024xf32, #tpu.memory_space<vmem>>, vector<1x16xf32>,
        %scan3A_387 = arith.constant 0 : i32
        %scan3A_388 = arith.constant 1 : i32
        %scan3A_389 = arith.addi %scan3A_368, %scan3A_388 : i32
        %mul3A_390 = arith.constant 16 : i32
        %mul3A_391 = arith.muli %scan3A_389, %mul3A_390 : i32
        %get3A_392 = arith.index_cast %scan3A_341 : i32 to index
        %get3A_393 = arith.index_cast %mul3A_391 : i32 to index
        %get3A_394 = tpu.vector_load %arg11[%get3A_392, %get3A_393] {strides = array<i32>} : memref<16x1024xf32, #tpu.memory_space<vmem>>, vector<1x16xf32>,
        %get3A_395 = vector.shape_cast %get3A_394 : vector<1x16xf32> to vector<16xf32>
        %mul3A_396 = arith.mulf %gather3A_349, %get3A_395 : vector<16xf32>
        %get3A_397 = arith.index_cast %scan3A_341 : i32 to index
        %get3A_398 = arith.index_cast %mul3A_391 : i32 to index
        %get3A_399 = tpu.vector_load %arg12[%get3A_397, %get3A_398] {strides = array<i32>} : memref<16x1024xf32, #tpu.memory_space<vmem>>, vector<1x16xf32>,
        %get3A_400 = vector.shape_cast %get3A_399 : vector<1x16xf32> to vector<16xf32>
        %mul3A_401 = arith.mulf %gather3A_359, %get3A_400 : vector<16xf32>
        %add3A_402 = arith.addf %mul3A_396, %mul3A_401 : vector<16xf32>
        %swap3A_403 = arith.index_cast %scan3A_341 : i32 to index
        %swap3A_404 = arith.index_cast %mul3A_391 : i32 to index
        %swap3A_405 = tpu.vector_load %arg13[%swap3A_403, %swap3A_404] {strides = array<i32>} : memref<16x1024xf32, #tpu.memory_space<vmem>>, vector<1x16xf32>,
        %swap3A_406 = vector.shape_cast %swap3A_405 : vector<1x16xf32> to vector<16xf32>
        %swap3A_407 = vector.shape_cast %add3A_402 : vector<16xf32> to vector<1x16xf32>
        tpu.vector_store %arg13[%swap3A_403, %swap3A_404], %swap3A_407 {strides = array<i32>} : memref<16x1024xf32, #tpu.memory_space<vmem>>, vector<1x16xf32>,
        %scan3A_408 = arith.constant 0 : i32
        %scan3A_409 = arith.constant 2 : i32
        %scan3A_410 = arith.addi %scan3A_368, %scan3A_409 : i32
        %mul3A_411 = arith.constant 16 : i32
        %mul3A_412 = arith.muli %scan3A_410, %mul3A_411 : i32
        %get3A_413 = arith.index_cast %scan3A_341 : i32 to index
        %get3A_414 = arith.index_cast %mul3A_412 : i32 to index
        %get3A_415 = tpu.vector_load %arg11[%get3A_413, %get3A_414] {strides = array<i32>} : memref<16x1024xf32, #tpu.memory_space<vmem>>, vector<1x16xf32>,
        %get3A_416 = vector.shape_cast %get3A_415 : vector<1x16xf32> to vector<16xf32>
        %mul3A_417 = arith.mulf %gather3A_349, %get3A_416 : vector<16xf32>
        %get3A_418 = arith.index_cast %scan3A_341 : i32 to index
        %get3A_419 = arith.index_cast %mul3A_412 : i32 to index
        %get3A_420 = tpu.vector_load %arg12[%get3A_418, %get3A_419] {strides = array<i32>} : memref<16x1024xf32, #tpu.memory_space<vmem>>, vector<1x16xf32>,
        %get3A_421 = vector.shape_cast %get3A_420 : vector<1x16xf32> to vector<16xf32>
        %mul3A_422 = arith.mulf %gather3A_359, %get3A_421 : vector<16xf32>
        %add3A_423 = arith.addf %mul3A_417, %mul3A_422 : vector<16xf32>
        %swap3A_424 = arith.index_cast %scan3A_341 : i32 to index
        %swap3A_425 = arith.index_cast %mul3A_412 : i32 to index
        %swap3A_426 = tpu.vector_load %arg13[%swap3A_424, %swap3A_425] {strides = array<i32>} : memref<16x1024xf32, #tpu.memory_space<vmem>>, vector<1x16xf32>,
        %swap3A_427 = vector.shape_cast %swap3A_426 : vector<1x16xf32> to vector<16xf32>
        %swap3A_428 = vector.shape_cast %add3A_423 : vector<16xf32> to vector<1x16xf32>
        tpu.vector_store %arg13[%swap3A_424, %swap3A_425], %swap3A_428 {strides = array<i32>} : memref<16x1024xf32, #tpu.memory_space<vmem>>, vector<1x16xf32>,
        %scan3A_429 = arith.constant 0 : i32
        %scan3A_430 = arith.constant 3 : i32
        %scan3A_431 = arith.addi %scan3A_368, %scan3A_430 : i32
        %mul3A_432 = arith.constant 16 : i32
        %mul3A_433 = arith.muli %scan3A_431, %mul3A_432 : i32
        %get3A_434 = arith.index_cast %scan3A_341 : i32 to index
        %get3A_435 = arith.index_cast %mul3A_433 : i32 to index
        %get3A_436 = tpu.vector_load %arg11[%get3A_434, %get3A_435] {strides = array<i32>} : memref<16x1024xf32, #tpu.memory_space<vmem>>, vector<1x16xf32>,
        %get3A_437 = vector.shape_cast %get3A_436 : vector<1x16xf32> to vector<16xf32>
        %mul3A_438 = arith.mulf %gather3A_349, %get3A_437 : vector<16xf32>
        %get3A_439 = arith.index_cast %scan3A_341 : i32 to index
        %get3A_440 = arith.index_cast %mul3A_433 : i32 to index
        %get3A_441 = tpu.vector_load %arg12[%get3A_439, %get3A_440] {strides = array<i32>} : memref<16x1024xf32, #tpu.memory_space<vmem>>, vector<1x16xf32>,
        %get3A_442 = vector.shape_cast %get3A_441 : vector<1x16xf32> to vector<16xf32>
        %mul3A_443 = arith.mulf %gather3A_359, %get3A_442 : vector<16xf32>
        %add3A_444 = arith.addf %mul3A_438, %mul3A_443 : vector<16xf32>
        %swap3A_445 = arith.index_cast %scan3A_341 : i32 to index
        %swap3A_446 = arith.index_cast %mul3A_433 : i32 to index
        %swap3A_447 = tpu.vector_load %arg13[%swap3A_445, %swap3A_446] {strides = array<i32>} : memref<16x1024xf32, #tpu.memory_space<vmem>>, vector<1x16xf32>,
        %swap3A_448 = vector.shape_cast %swap3A_447 : vector<1x16xf32> to vector<16xf32>
        %swap3A_449 = vector.shape_cast %add3A_444 : vector<16xf32> to vector<1x16xf32>
        tpu.vector_store %arg13[%swap3A_445, %swap3A_446], %swap3A_449 {strides = array<i32>} : memref<16x1024xf32, #tpu.memory_space<vmem>>, vector<1x16xf32>,
        %scan3A_450 = arith.constant 0 : i32
        %scan3A_451 = arith.constant 4 : i32
        %scan3A_452 = arith.addi %scan3A_368, %scan3A_451 : i32
        %mul3A_453 = arith.constant 16 : i32
        %mul3A_454 = arith.muli %scan3A_452, %mul3A_453 : i32
        %get3A_455 = arith.index_cast %scan3A_341 : i32 to index
        %get3A_456 = arith.index_cast %mul3A_454 : i32 to index
        %get3A_457 = tpu.vector_load %arg11[%get3A_455, %get3A_456] {strides = array<i32>} : memref<16x1024xf32, #tpu.memory_space<vmem>>, vector<1x16xf32>,
        %get3A_458 = vector.shape_cast %get3A_457 : vector<1x16xf32> to vector<16xf32>
        %mul3A_459 = arith.mulf %gather3A_349, %get3A_458 : vector<16xf32>
        %get3A_460 = arith.index_cast %scan3A_341 : i32 to index
        %get3A_461 = arith.index_cast %mul3A_454 : i32 to index
        %get3A_462 = tpu.vector_load %arg12[%get3A_460, %get3A_461] {strides = array<i32>} : memref<16x1024xf32, #tpu.memory_space<vmem>>, vector<1x16xf32>,
        %get3A_463 = vector.shape_cast %get3A_462 : vector<1x16xf32> to vector<16xf32>
        %mul3A_464 = arith.mulf %gather3A_359, %get3A_463 : vector<16xf32>
        %add3A_465 = arith.addf %mul3A_459, %mul3A_464 : vector<16xf32>
        %swap3A_466 = arith.index_cast %scan3A_341 : i32 to index
        %swap3A_467 = arith.index_cast %mul3A_454 : i32 to index
        %swap3A_468 = tpu.vector_load %arg13[%swap3A_466, %swap3A_467] {strides = array<i32>} : memref<16x1024xf32, #tpu.memory_space<vmem>>, vector<1x16xf32>,
        %swap3A_469 = vector.shape_cast %swap3A_468 : vector<1x16xf32> to vector<16xf32>
        %swap3A_470 = vector.shape_cast %add3A_465 : vector<16xf32> to vector<1x16xf32>
        tpu.vector_store %arg13[%swap3A_466, %swap3A_467], %swap3A_470 {strides = array<i32>} : memref<16x1024xf32, #tpu.memory_space<vmem>>, vector<1x16xf32>,
        %scan3A_471 = arith.constant 0 : i32
        %scan3A_472 = arith.constant 5 : i32
        %scan3A_473 = arith.addi %scan3A_368, %scan3A_472 : i32
        %mul3A_474 = arith.constant 16 : i32
        %mul3A_475 = arith.muli %scan3A_473, %mul3A_474 : i32
        %get3A_476 = arith.index_cast %scan3A_341 : i32 to index
        %get3A_477 = arith.index_cast %mul3A_475 : i32 to index
        %get3A_478 = tpu.vector_load %arg11[%get3A_476, %get3A_477] {strides = array<i32>} : memref<16x1024xf32, #tpu.memory_space<vmem>>, vector<1x16xf32>,
        %get3A_479 = vector.shape_cast %get3A_478 : vector<1x16xf32> to vector<16xf32>
        %mul3A_480 = arith.mulf %gather3A_349, %get3A_479 : vector<16xf32>
        %get3A_481 = arith.index_cast %scan3A_341 : i32 to index
        %get3A_482 = arith.index_cast %mul3A_475 : i32 to index
        %get3A_483 = tpu.vector_load %arg12[%get3A_481, %get3A_482] {strides = array<i32>} : memref<16x1024xf32, #tpu.memory_space<vmem>>, vector<1x16xf32>,
        %get3A_484 = vector.shape_cast %get3A_483 : vector<1x16xf32> to vector<16xf32>
        %mul3A_485 = arith.mulf %gather3A_359, %get3A_484 : vector<16xf32>
        %add3A_486 = arith.addf %mul3A_480, %mul3A_485 : vector<16xf32>
        %swap3A_487 = arith.index_cast %scan3A_341 : i32 to index
        %swap3A_488 = arith.index_cast %mul3A_475 : i32 to index
        %swap3A_489 = tpu.vector_load %arg13[%swap3A_487, %swap3A_488] {strides = array<i32>} : memref<16x1024xf32, #tpu.memory_space<vmem>>, vector<1x16xf32>,
        %swap3A_490 = vector.shape_cast %swap3A_489 : vector<1x16xf32> to vector<16xf32>
        %swap3A_491 = vector.shape_cast %add3A_486 : vector<16xf32> to vector<1x16xf32>
        tpu.vector_store %arg13[%swap3A_487, %swap3A_488], %swap3A_491 {strides = array<i32>} : memref<16x1024xf32, #tpu.memory_space<vmem>>, vector<1x16xf32>,
        %scan3A_492 = arith.constant 0 : i32
        %scan3A_493 = arith.constant 6 : i32
        %scan3A_494 = arith.addi %scan3A_368, %scan3A_493 : i32
        %mul3A_495 = arith.constant 16 : i32
        %mul3A_496 = arith.muli %scan3A_494, %mul3A_495 : i32
        %get3A_497 = arith.index_cast %scan3A_341 : i32 to index
        %get3A_498 = arith.index_cast %mul3A_496 : i32 to index
        %get3A_499 = tpu.vector_load %arg11[%get3A_497, %get3A_498] {strides = array<i32>} : memref<16x1024xf32, #tpu.memory_space<vmem>>, vector<1x16xf32>,
        %get3A_500 = vector.shape_cast %get3A_499 : vector<1x16xf32> to vector<16xf32>
        %mul3A_501 = arith.mulf %gather3A_349, %get3A_500 : vector<16xf32>
        %get3A_502 = arith.index_cast %scan3A_341 : i32 to index
        %get3A_503 = arith.index_cast %mul3A_496 : i32 to index
        %get3A_504 = tpu.vector_load %arg12[%get3A_502, %get3A_503] {strides = array<i32>} : memref<16x1024xf32, #tpu.memory_space<vmem>>, vector<1x16xf32>,
        %get3A_505 = vector.shape_cast %get3A_504 : vector<1x16xf32> to vector<16xf32>
        %mul3A_506 = arith.mulf %gather3A_359, %get3A_505 : vector<16xf32>
        %add3A_507 = arith.addf %mul3A_501, %mul3A_506 : vector<16xf32>
        %swap3A_508 = arith.index_cast %scan3A_341 : i32 to index
        %swap3A_509 = arith.index_cast %mul3A_496 : i32 to index
        %swap3A_510 = tpu.vector_load %arg13[%swap3A_508, %swap3A_509] {strides = array<i32>} : memref<16x1024xf32, #tpu.memory_space<vmem>>, vector<1x16xf32>,
        %swap3A_511 = vector.shape_cast %swap3A_510 : vector<1x16xf32> to vector<16xf32>
        %swap3A_512 = vector.shape_cast %add3A_507 : vector<16xf32> to vector<1x16xf32>
        tpu.vector_store %arg13[%swap3A_508, %swap3A_509], %swap3A_512 {strides = array<i32>} : memref<16x1024xf32, #tpu.memory_space<vmem>>, vector<1x16xf32>,
        %scan3A_513 = arith.constant 0 : i32
        %scan3A_514 = arith.constant 7 : i32
        %scan3A_515 = arith.addi %scan3A_368, %scan3A_514 : i32
        %mul3A_516 = arith.constant 16 : i32
        %mul3A_517 = arith.muli %scan3A_515, %mul3A_516 : i32
        %get3A_518 = arith.index_cast %scan3A_341 : i32 to index
        %get3A_519 = arith.index_cast %mul3A_517 : i32 to index
        %get3A_520 = tpu.vector_load %arg11[%get3A_518, %get3A_519] {strides = array<i32>} : memref<16x1024xf32, #tpu.memory_space<vmem>>, vector<1x16xf32>,
        %get3A_521 = vector.shape_cast %get3A_520 : vector<1x16xf32> to vector<16xf32>
        %mul3A_522 = arith.mulf %gather3A_349, %get3A_521 : vector<16xf32>
        %get3A_523 = arith.index_cast %scan3A_341 : i32 to index
        %get3A_524 = arith.index_cast %mul3A_517 : i32 to index
        %get3A_525 = tpu.vector_load %arg12[%get3A_523, %get3A_524] {strides = array<i32>} : memref<16x1024xf32, #tpu.memory_space<vmem>>, vector<1x16xf32>,
        %get3A_526 = vector.shape_cast %get3A_525 : vector<1x16xf32> to vector<16xf32>
        %mul3A_527 = arith.mulf %gather3A_359, %get3A_526 : vector<16xf32>
        %add3A_528 = arith.addf %mul3A_522, %mul3A_527 : vector<16xf32>
        %swap3A_529 = arith.index_cast %scan3A_341 : i32 to index
        %swap3A_530 = arith.index_cast %mul3A_517 : i32 to index
        %swap3A_531 = tpu.vector_load %arg13[%swap3A_529, %swap3A_530] {strides = array<i32>} : memref<16x1024xf32, #tpu.memory_space<vmem>>, vector<1x16xf32>,
        %swap3A_532 = vector.shape_cast %swap3A_531 : vector<1x16xf32> to vector<16xf32>
        %swap3A_533 = vector.shape_cast %add3A_528 : vector<16xf32> to vector<1x16xf32>
        tpu.vector_store %arg13[%swap3A_529, %swap3A_530], %swap3A_533 {strides = array<i32>} : memref<16x1024xf32, #tpu.memory_space<vmem>>, vector<1x16xf32>,
        %scan3A_534 = arith.constant 0 : i32
        scf.yield %scan3A_534 : i32
      }
      %scan3A_366 = arith.constant 64 : i32
      %scan3A_367 = arith.constant 0 : i32
      scf.yield %scan3A_367 : i32
    }
    %scan3A_328 = arith.constant 16 : i32
    %mul3A_329 = arith.constant 128 : i32
    %mul3A_330 = arith.muli %add3A, %mul3A_329 : i32
    %add3A_331 = arith.constant 112 : i32
    %add3A_332 = arith.addi %mul3A_330, %add3A_331 : i32
    %dma_start3A_333 = arith.constant 0 : i32
    %dma_start3A_334 = tpu.memref_slice %arg7[%add3A_332, %dma_start3A_333] : memref<4096x1024xf32, #tpu.memory_space<hbm>> -> memref<16x1024xf32, #tpu.memory_space<hbm>>
    %dma_start3A_335 = arith.constant 0 : i32
    %dma_start3A_336 = tpu.memref_slice %arg7[%add3A_332, %dma_start3A_335] : memref<4096x1024xf32, #tpu.memory_space<hbm>> -> memref<16x1024xf32, #tpu.memory_space<hbm>>
    tpu.enqueue_dma source(%arg13 : memref<16x1024xf32, #tpu.memory_space<vmem>>) target(%dma_start3A_336 : memref<16x1024xf32, #tpu.memory_space<hbm>>) target_semaphore(%arg20 : memref<!tpu.dma_semaphore, #tpu.memory_space<semaphore_mem>>)
    %dma_wait3A_337 = arith.constant 0 : i32
    %dma_wait3A_338 = tpu.memref_slice %arg7[%add3A_332, %dma_wait3A_337] : memref<4096x1024xf32, #tpu.memory_space<hbm>> -> memref<16x1024xf32, #tpu.memory_space<hbm>>
    %dma_wait3A_339 = arith.constant 0 : i32
    %dma_wait3A_340 = tpu.memref_slice %arg7[%add3A_332, %dma_wait3A_339] : memref<4096x1024xf32, #tpu.memory_space<hbm>> -> memref<16x1024xf32, #tpu.memory_space<hbm>>
    tpu.wait_dma2 semaphore(%arg20 : memref<!tpu.dma_semaphore, #tpu.memory_space<semaphore_mem>>) src(%arg13 : memref<16x1024xf32, #tpu.memory_space<vmem>>) dst(%dma_wait3A_340 : memref<16x1024xf32, #tpu.memory_space<hbm>>)
    return
  }
}

#map = affine_map<(d0, d1) -> (0, 0)>
#map1 = affine_map<(d0, d1) -> (0, 0, 0)>
module attributes {stable_mosaic.version = 14 : i64} {
  func.func @_dispatch_body(%arg0: i32, %arg1: i32, %arg2: memref<4096x512xi32, #tpu.memory_space<hbm>>, %arg3: memref<32x2x64xi32, #tpu.memory_space<hbm>>, %arg4: memref<32x2x64xi32, #tpu.memory_space<hbm>>, %arg5: memref<12288x512xi32, #tpu.memory_space<hbm>>, %arg6: memref<64x512xi32, #tpu.memory_space<vmem>>, %arg7: memref<64x512xi32, #tpu.memory_space<vmem>>, %arg8: memref<2x64xi32, #tpu.memory_space<vmem>>, %arg9: memref<2x64xi32, #tpu.memory_space<vmem>>, %arg10: memref<!tpu.dma_semaphore, #tpu.memory_space<semaphore_mem>>, %arg11: memref<!tpu.dma_semaphore, #tpu.memory_space<semaphore_mem>>) attributes {dimension_semantics = [#tpu.dimension_semantics<core_parallel>, #tpu.dimension_semantics<subcore_parallel>], iteration_bounds = array<i64: 2, 16>, scalar_prefetch = 0 : i64, scratch_operands = 6 : i64, tpu.core_type = #tpu.core_type<sc_vector_subcore>, window_params = [{transform_indices = #map}, {transform_indices = #map1}, {transform_indices = #map1}, {transform_indices = #map}]} {
    %mul3A = arith.constant 2 : i32
    %mul3A_0 = arith.muli %arg1, %mul3A : i32
    %add3A = arith.addi %mul3A_0, %arg0 : i32
    "tpu.region"() ({
      %run_scoped3A = tpu.sem_alloc : memref<!tpu.dma_semaphore, #tpu.memory_space<semaphore_mem>>
      %dma_start3A_75 = arith.constant 0 : i32
      %dma_start3A_76 = arith.constant 0 : i32
      %dma_start3A_77 = tpu.memref_slice %arg3[%add3A, %dma_start3A_75, %dma_start3A_76] : memref<32x2x64xi32, #tpu.memory_space<hbm>> -> memref<1x2x64xi32, #tpu.memory_space<hbm>>
      %dma_start3A_78 = tpu.memref_squeeze %dma_start3A_77 : memref<1x2x64xi32, #tpu.memory_space<hbm>> -> memref<2x64xi32, #tpu.memory_space<hbm>>
      %dma_start3A_79 = arith.constant 0 : i32
      %dma_start3A_80 = arith.constant 0 : i32
      %dma_start3A_81 = tpu.memref_slice %arg3[%add3A, %dma_start3A_79, %dma_start3A_80] : memref<32x2x64xi32, #tpu.memory_space<hbm>> -> memref<1x2x64xi32, #tpu.memory_space<hbm>>
      %dma_start3A_82 = tpu.memref_squeeze %dma_start3A_81 : memref<1x2x64xi32, #tpu.memory_space<hbm>> -> memref<2x64xi32, #tpu.memory_space<hbm>>
      tpu.enqueue_dma source(%dma_start3A_82 : memref<2x64xi32, #tpu.memory_space<hbm>>) target(%arg8 : memref<2x64xi32, #tpu.memory_space<vmem>>) target_semaphore(%run_scoped3A : memref<!tpu.dma_semaphore, #tpu.memory_space<semaphore_mem>>)
      %dma_wait3A_83 = arith.constant 0 : i32
      %dma_wait3A_84 = arith.constant 0 : i32
      %dma_wait3A_85 = tpu.memref_slice %arg3[%add3A, %dma_wait3A_83, %dma_wait3A_84] : memref<32x2x64xi32, #tpu.memory_space<hbm>> -> memref<1x2x64xi32, #tpu.memory_space<hbm>>
      %dma_wait3A_86 = tpu.memref_squeeze %dma_wait3A_85 : memref<1x2x64xi32, #tpu.memory_space<hbm>> -> memref<2x64xi32, #tpu.memory_space<hbm>>
      %dma_wait3A_87 = arith.constant 0 : i32
      %dma_wait3A_88 = arith.constant 0 : i32
      %dma_wait3A_89 = tpu.memref_slice %arg3[%add3A, %dma_wait3A_87, %dma_wait3A_88] : memref<32x2x64xi32, #tpu.memory_space<hbm>> -> memref<1x2x64xi32, #tpu.memory_space<hbm>>
      %dma_wait3A_90 = tpu.memref_squeeze %dma_wait3A_89 : memref<1x2x64xi32, #tpu.memory_space<hbm>> -> memref<2x64xi32, #tpu.memory_space<hbm>>
      tpu.wait_dma2 semaphore(%run_scoped3A : memref<!tpu.dma_semaphore, #tpu.memory_space<semaphore_mem>>) src(%dma_wait3A_90 : memref<2x64xi32, #tpu.memory_space<hbm>>) dst(%arg8 : memref<2x64xi32, #tpu.memory_space<vmem>>)
      tpu.yield
    }) : () -> ()
    "tpu.region"() ({
      %run_scoped3A = tpu.sem_alloc : memref<!tpu.dma_semaphore, #tpu.memory_space<semaphore_mem>>
      %dma_start3A_75 = arith.constant 0 : i32
      %dma_start3A_76 = arith.constant 0 : i32
      %dma_start3A_77 = tpu.memref_slice %arg4[%add3A, %dma_start3A_75, %dma_start3A_76] : memref<32x2x64xi32, #tpu.memory_space<hbm>> -> memref<1x2x64xi32, #tpu.memory_space<hbm>>
      %dma_start3A_78 = tpu.memref_squeeze %dma_start3A_77 : memref<1x2x64xi32, #tpu.memory_space<hbm>> -> memref<2x64xi32, #tpu.memory_space<hbm>>
      %dma_start3A_79 = arith.constant 0 : i32
      %dma_start3A_80 = arith.constant 0 : i32
      %dma_start3A_81 = tpu.memref_slice %arg4[%add3A, %dma_start3A_79, %dma_start3A_80] : memref<32x2x64xi32, #tpu.memory_space<hbm>> -> memref<1x2x64xi32, #tpu.memory_space<hbm>>
      %dma_start3A_82 = tpu.memref_squeeze %dma_start3A_81 : memref<1x2x64xi32, #tpu.memory_space<hbm>> -> memref<2x64xi32, #tpu.memory_space<hbm>>
      tpu.enqueue_dma source(%dma_start3A_82 : memref<2x64xi32, #tpu.memory_space<hbm>>) target(%arg9 : memref<2x64xi32, #tpu.memory_space<vmem>>) target_semaphore(%run_scoped3A : memref<!tpu.dma_semaphore, #tpu.memory_space<semaphore_mem>>)
      %dma_wait3A_83 = arith.constant 0 : i32
      %dma_wait3A_84 = arith.constant 0 : i32
      %dma_wait3A_85 = tpu.memref_slice %arg4[%add3A, %dma_wait3A_83, %dma_wait3A_84] : memref<32x2x64xi32, #tpu.memory_space<hbm>> -> memref<1x2x64xi32, #tpu.memory_space<hbm>>
      %dma_wait3A_86 = tpu.memref_squeeze %dma_wait3A_85 : memref<1x2x64xi32, #tpu.memory_space<hbm>> -> memref<2x64xi32, #tpu.memory_space<hbm>>
      %dma_wait3A_87 = arith.constant 0 : i32
      %dma_wait3A_88 = arith.constant 0 : i32
      %dma_wait3A_89 = tpu.memref_slice %arg4[%add3A, %dma_wait3A_87, %dma_wait3A_88] : memref<32x2x64xi32, #tpu.memory_space<hbm>> -> memref<1x2x64xi32, #tpu.memory_space<hbm>>
      %dma_wait3A_90 = tpu.memref_squeeze %dma_wait3A_89 : memref<1x2x64xi32, #tpu.memory_space<hbm>> -> memref<2x64xi32, #tpu.memory_space<hbm>>
      tpu.wait_dma2 semaphore(%run_scoped3A : memref<!tpu.dma_semaphore, #tpu.memory_space<semaphore_mem>>) src(%dma_wait3A_90 : memref<2x64xi32, #tpu.memory_space<hbm>>) dst(%arg9 : memref<2x64xi32, #tpu.memory_space<vmem>>)
      tpu.yield
    }) : () -> ()
    %mul3A_1 = arith.constant 128 : i32
    %mul3A_2 = arith.muli %add3A, %mul3A_1 : i32
    %dma_start3A = arith.constant 0 : i32
    %dma_start3A_3 = tpu.memref_slice %arg2[%mul3A_2, %dma_start3A] : memref<4096x512xi32, #tpu.memory_space<hbm>> -> memref<64x512xi32, #tpu.memory_space<hbm>>
    %dma_start3A_4 = arith.constant 0 : i32
    %dma_start3A_5 = tpu.memref_slice %arg2[%mul3A_2, %dma_start3A_4] : memref<4096x512xi32, #tpu.memory_space<hbm>> -> memref<64x512xi32, #tpu.memory_space<hbm>>
    tpu.enqueue_dma source(%dma_start3A_5 : memref<64x512xi32, #tpu.memory_space<hbm>>) target(%arg6 : memref<64x512xi32, #tpu.memory_space<vmem>>) target_semaphore(%arg10 : memref<!tpu.dma_semaphore, #tpu.memory_space<semaphore_mem>>)
    %dma_wait3A = arith.constant 0 : i32
    %dma_wait3A_6 = tpu.memref_slice %arg2[%mul3A_2, %dma_wait3A] : memref<4096x512xi32, #tpu.memory_space<hbm>> -> memref<64x512xi32, #tpu.memory_space<hbm>>
    %dma_wait3A_7 = arith.constant 0 : i32
    %dma_wait3A_8 = tpu.memref_slice %arg2[%mul3A_2, %dma_wait3A_7] : memref<4096x512xi32, #tpu.memory_space<hbm>> -> memref<64x512xi32, #tpu.memory_space<hbm>>
    tpu.wait_dma2 semaphore(%arg10 : memref<!tpu.dma_semaphore, #tpu.memory_space<semaphore_mem>>) src(%dma_wait3A_8 : memref<64x512xi32, #tpu.memory_space<hbm>>) dst(%arg6 : memref<64x512xi32, #tpu.memory_space<vmem>>)
    %add3A_9 = arith.constant 64 : i32
    %add3A_10 = arith.addi %mul3A_2, %add3A_9 : i32
    %dma_start3A_11 = arith.constant 0 : i32
    %dma_start3A_12 = tpu.memref_slice %arg2[%add3A_10, %dma_start3A_11] : memref<4096x512xi32, #tpu.memory_space<hbm>> -> memref<64x512xi32, #tpu.memory_space<hbm>>
    %dma_start3A_13 = arith.constant 0 : i32
    %dma_start3A_14 = tpu.memref_slice %arg2[%add3A_10, %dma_start3A_13] : memref<4096x512xi32, #tpu.memory_space<hbm>> -> memref<64x512xi32, #tpu.memory_space<hbm>>
    tpu.enqueue_dma source(%dma_start3A_14 : memref<64x512xi32, #tpu.memory_space<hbm>>) target(%arg7 : memref<64x512xi32, #tpu.memory_space<vmem>>) target_semaphore(%arg10 : memref<!tpu.dma_semaphore, #tpu.memory_space<semaphore_mem>>)
    %dma_start3A_15 = arith.constant 0 : i32
    %dma_start3A_16 = arith.constant 0 : i32
    %dma_start3A_17 = tpu.memref_slice %arg8[%dma_start3A_15, %dma_start3A_16] : memref<2x64xi32, #tpu.memory_space<vmem>> -> memref<1x64xi32, #tpu.memory_space<vmem>>
    %dma_start3A_18 = tpu.memref_squeeze %dma_start3A_17 : memref<1x64xi32, #tpu.memory_space<vmem>> -> memref<64xi32, #tpu.memory_space<vmem>>
    %dma_start3A_19 = arith.constant 0 : i32
    %dma_start3A_20 = arith.constant 0 : i32
    %dma_start3A_21 = tpu.memref_slice %arg5[%dma_start3A_19, %dma_start3A_20] : memref<12288x512xi32, #tpu.memory_space<hbm>> -> memref<12288x512xi32, #tpu.memory_space<hbm>>
    tpu.enqueue_indirect_dma source(%arg6 : memref<64x512xi32, #tpu.memory_space<vmem>>) target(%dma_start3A_21 : memref<12288x512xi32, #tpu.memory_space<hbm>>) offsets(%dma_start3A_18 : memref<64xi32, #tpu.memory_space<vmem>>) semaphore(%arg11 : memref<!tpu.dma_semaphore, #tpu.memory_space<semaphore_mem>>)
    %dma_start3A_22 = arith.constant 0 : i32
    %dma_start3A_23 = arith.constant 0 : i32
    %dma_start3A_24 = tpu.memref_slice %arg9[%dma_start3A_22, %dma_start3A_23] : memref<2x64xi32, #tpu.memory_space<vmem>> -> memref<1x64xi32, #tpu.memory_space<vmem>>
    %dma_start3A_25 = tpu.memref_squeeze %dma_start3A_24 : memref<1x64xi32, #tpu.memory_space<vmem>> -> memref<64xi32, #tpu.memory_space<vmem>>
    %dma_start3A_26 = arith.constant 0 : i32
    %dma_start3A_27 = arith.constant 0 : i32
    %dma_start3A_28 = tpu.memref_slice %arg5[%dma_start3A_26, %dma_start3A_27] : memref<12288x512xi32, #tpu.memory_space<hbm>> -> memref<12288x512xi32, #tpu.memory_space<hbm>>
    tpu.enqueue_indirect_dma source(%arg6 : memref<64x512xi32, #tpu.memory_space<vmem>>) target(%dma_start3A_28 : memref<12288x512xi32, #tpu.memory_space<hbm>>) offsets(%dma_start3A_25 : memref<64xi32, #tpu.memory_space<vmem>>) semaphore(%arg11 : memref<!tpu.dma_semaphore, #tpu.memory_space<semaphore_mem>>)
    %dma_wait3A_29 = arith.constant 0 : i32
    %dma_wait3A_30 = arith.constant 0 : i32
    %dma_wait3A_31 = tpu.memref_slice %arg8[%dma_wait3A_29, %dma_wait3A_30] : memref<2x64xi32, #tpu.memory_space<vmem>> -> memref<1x64xi32, #tpu.memory_space<vmem>>
    %dma_wait3A_32 = tpu.memref_squeeze %dma_wait3A_31 : memref<1x64xi32, #tpu.memory_space<vmem>> -> memref<64xi32, #tpu.memory_space<vmem>>
    %dma_wait3A_33 = arith.constant 0 : i32
    %dma_wait3A_34 = arith.constant 0 : i32
    %dma_wait3A_35 = tpu.memref_slice %arg5[%dma_wait3A_33, %dma_wait3A_34] : memref<12288x512xi32, #tpu.memory_space<hbm>> -> memref<12288x512xi32, #tpu.memory_space<hbm>>
    tpu.wait_indirect_dma semaphore(%arg11 : memref<!tpu.dma_semaphore, #tpu.memory_space<semaphore_mem>>) src(%arg6 : memref<64x512xi32, #tpu.memory_space<vmem>>) dst(%dma_wait3A_35 : memref<12288x512xi32, #tpu.memory_space<hbm>>)
    %dma_wait3A_36 = arith.constant 0 : i32
    %dma_wait3A_37 = arith.constant 0 : i32
    %dma_wait3A_38 = tpu.memref_slice %arg9[%dma_wait3A_36, %dma_wait3A_37] : memref<2x64xi32, #tpu.memory_space<vmem>> -> memref<1x64xi32, #tpu.memory_space<vmem>>
    %dma_wait3A_39 = tpu.memref_squeeze %dma_wait3A_38 : memref<1x64xi32, #tpu.memory_space<vmem>> -> memref<64xi32, #tpu.memory_space<vmem>>
    %dma_wait3A_40 = arith.constant 0 : i32
    %dma_wait3A_41 = arith.constant 0 : i32
    %dma_wait3A_42 = tpu.memref_slice %arg5[%dma_wait3A_40, %dma_wait3A_41] : memref<12288x512xi32, #tpu.memory_space<hbm>> -> memref<12288x512xi32, #tpu.memory_space<hbm>>
    tpu.wait_indirect_dma semaphore(%arg11 : memref<!tpu.dma_semaphore, #tpu.memory_space<semaphore_mem>>) src(%arg6 : memref<64x512xi32, #tpu.memory_space<vmem>>) dst(%dma_wait3A_42 : memref<12288x512xi32, #tpu.memory_space<hbm>>)
    %dma_wait3A_43 = arith.constant 0 : i32
    %dma_wait3A_44 = tpu.memref_slice %arg2[%add3A_10, %dma_wait3A_43] : memref<4096x512xi32, #tpu.memory_space<hbm>> -> memref<64x512xi32, #tpu.memory_space<hbm>>
    %dma_wait3A_45 = arith.constant 0 : i32
    %dma_wait3A_46 = tpu.memref_slice %arg2[%add3A_10, %dma_wait3A_45] : memref<4096x512xi32, #tpu.memory_space<hbm>> -> memref<64x512xi32, #tpu.memory_space<hbm>>
    tpu.wait_dma2 semaphore(%arg10 : memref<!tpu.dma_semaphore, #tpu.memory_space<semaphore_mem>>) src(%dma_wait3A_46 : memref<64x512xi32, #tpu.memory_space<hbm>>) dst(%arg7 : memref<64x512xi32, #tpu.memory_space<vmem>>)
    %dma_start3A_47 = arith.constant 1 : i32
    %dma_start3A_48 = arith.constant 0 : i32
    %dma_start3A_49 = tpu.memref_slice %arg8[%dma_start3A_47, %dma_start3A_48] : memref<2x64xi32, #tpu.memory_space<vmem>> -> memref<1x64xi32, #tpu.memory_space<vmem>>
    %dma_start3A_50 = tpu.memref_squeeze %dma_start3A_49 : memref<1x64xi32, #tpu.memory_space<vmem>> -> memref<64xi32, #tpu.memory_space<vmem>>
    %dma_start3A_51 = arith.constant 0 : i32
    %dma_start3A_52 = arith.constant 0 : i32
    %dma_start3A_53 = tpu.memref_slice %arg5[%dma_start3A_51, %dma_start3A_52] : memref<12288x512xi32, #tpu.memory_space<hbm>> -> memref<12288x512xi32, #tpu.memory_space<hbm>>
    tpu.enqueue_indirect_dma source(%arg7 : memref<64x512xi32, #tpu.memory_space<vmem>>) target(%dma_start3A_53 : memref<12288x512xi32, #tpu.memory_space<hbm>>) offsets(%dma_start3A_50 : memref<64xi32, #tpu.memory_space<vmem>>) semaphore(%arg11 : memref<!tpu.dma_semaphore, #tpu.memory_space<semaphore_mem>>)
    %dma_start3A_54 = arith.constant 1 : i32
    %dma_start3A_55 = arith.constant 0 : i32
    %dma_start3A_56 = tpu.memref_slice %arg9[%dma_start3A_54, %dma_start3A_55] : memref<2x64xi32, #tpu.memory_space<vmem>> -> memref<1x64xi32, #tpu.memory_space<vmem>>
    %dma_start3A_57 = tpu.memref_squeeze %dma_start3A_56 : memref<1x64xi32, #tpu.memory_space<vmem>> -> memref<64xi32, #tpu.memory_space<vmem>>
    %dma_start3A_58 = arith.constant 0 : i32
    %dma_start3A_59 = arith.constant 0 : i32
    %dma_start3A_60 = tpu.memref_slice %arg5[%dma_start3A_58, %dma_start3A_59] : memref<12288x512xi32, #tpu.memory_space<hbm>> -> memref<12288x512xi32, #tpu.memory_space<hbm>>
    tpu.enqueue_indirect_dma source(%arg7 : memref<64x512xi32, #tpu.memory_space<vmem>>) target(%dma_start3A_60 : memref<12288x512xi32, #tpu.memory_space<hbm>>) offsets(%dma_start3A_57 : memref<64xi32, #tpu.memory_space<vmem>>) semaphore(%arg11 : memref<!tpu.dma_semaphore, #tpu.memory_space<semaphore_mem>>)
    %dma_wait3A_61 = arith.constant 1 : i32
    %dma_wait3A_62 = arith.constant 0 : i32
    %dma_wait3A_63 = tpu.memref_slice %arg8[%dma_wait3A_61, %dma_wait3A_62] : memref<2x64xi32, #tpu.memory_space<vmem>> -> memref<1x64xi32, #tpu.memory_space<vmem>>
    %dma_wait3A_64 = tpu.memref_squeeze %dma_wait3A_63 : memref<1x64xi32, #tpu.memory_space<vmem>> -> memref<64xi32, #tpu.memory_space<vmem>>
    %dma_wait3A_65 = arith.constant 0 : i32
    %dma_wait3A_66 = arith.constant 0 : i32
    %dma_wait3A_67 = tpu.memref_slice %arg5[%dma_wait3A_65, %dma_wait3A_66] : memref<12288x512xi32, #tpu.memory_space<hbm>> -> memref<12288x512xi32, #tpu.memory_space<hbm>>
    tpu.wait_indirect_dma semaphore(%arg11 : memref<!tpu.dma_semaphore, #tpu.memory_space<semaphore_mem>>) src(%arg7 : memref<64x512xi32, #tpu.memory_space<vmem>>) dst(%dma_wait3A_67 : memref<12288x512xi32, #tpu.memory_space<hbm>>)
    %dma_wait3A_68 = arith.constant 1 : i32
    %dma_wait3A_69 = arith.constant 0 : i32
    %dma_wait3A_70 = tpu.memref_slice %arg9[%dma_wait3A_68, %dma_wait3A_69] : memref<2x64xi32, #tpu.memory_space<vmem>> -> memref<1x64xi32, #tpu.memory_space<vmem>>
    %dma_wait3A_71 = tpu.memref_squeeze %dma_wait3A_70 : memref<1x64xi32, #tpu.memory_space<vmem>> -> memref<64xi32, #tpu.memory_space<vmem>>
    %dma_wait3A_72 = arith.constant 0 : i32
    %dma_wait3A_73 = arith.constant 0 : i32
    %dma_wait3A_74 = tpu.memref_slice %arg5[%dma_wait3A_72, %dma_wait3A_73] : memref<12288x512xi32, #tpu.memory_space<hbm>> -> memref<12288x512xi32, #tpu.memory_space<hbm>>
    tpu.wait_indirect_dma semaphore(%arg11 : memref<!tpu.dma_semaphore, #tpu.memory_space<semaphore_mem>>) src(%arg7 : memref<64x512xi32, #tpu.memory_space<vmem>>) dst(%dma_wait3A_74 : memref<12288x512xi32, #tpu.memory_space<hbm>>)
    return
  }
}

module attributes {stable_mosaic.version = 14 : i64} {
  func.func @_routing_body(%arg0: i32, %arg1: memref<1024x1024xf32, #tpu.memory_space<vmem>>, %arg2: memref<1024x16xf32, #tpu.memory_space<vmem>>, %arg3: memref<1x16xf32, #tpu.memory_space<vmem>>, %arg4: memref<1024x512xi32, #tpu.memory_space<vmem>>, %arg5: memref<4096x1xi32, #tpu.memory_space<vmem>>, %arg6: memref<4096x1xi32, #tpu.memory_space<vmem>>, %arg7: memref<4096x2xf32, #tpu.memory_space<vmem>>, %arg8: memref<48x1xi32, #tpu.memory_space<vmem>>, %arg9: memref<4096x16xf32, #tpu.memory_space<vmem>>, %arg10: memref<8192x16xf32, #tpu.memory_space<vmem>>, %arg11: memref<8192x16xf32, #tpu.memory_space<vmem>>, %arg12: memref<16x16xf32, #tpu.memory_space<vmem>>) attributes {dimension_semantics = [#tpu.dimension_semantics<arbitrary>], iteration_bounds = array<i64: 4>, scalar_prefetch = 0 : i64, scratch_operands = 4 : i64, tpu.core_type = #tpu.core_type<tc>, window_params = [{transform_indices = @transform_0, window_bounds = array<i64: 1024, 1024>}, {pipeline_mode = #tpu.pipeline_mode<synchronous>, transform_indices = @transform_1, window_bounds = array<i64: 1024, 16>}, {pipeline_mode = #tpu.pipeline_mode<synchronous>, transform_indices = @transform_2, window_bounds = array<i64: 1, 16>}, {transform_indices = @transform_3, window_bounds = array<i64: 1024, 512>}, {pipeline_mode = #tpu.pipeline_mode<synchronous>, transform_indices = @transform_4, window_bounds = array<i64: 4096, 1>}, {pipeline_mode = #tpu.pipeline_mode<synchronous>, transform_indices = @transform_5, window_bounds = array<i64: 4096, 1>}, {pipeline_mode = #tpu.pipeline_mode<synchronous>, transform_indices = @transform_6, window_bounds = array<i64: 4096, 2>}, {pipeline_mode = #tpu.pipeline_mode<synchronous>, transform_indices = @transform_7, window_bounds = array<i64: 48, 1>}]} {
    %get3A = arith.constant 0 : index
    %get3A_0 = arith.constant 0 : index
    %get3A_1 = vector.load %arg1[%get3A, %get3A_0] : memref<1024x1024xf32, #tpu.memory_space<vmem>>, vector<1024x1024xf32>
    %slice3A = vector.extract_strided_slice %get3A_1 {offsets = [0, 0], sizes = [1024, 512], strides = [1, 1]} : vector<1024x1024xf32> to vector<1024x512xf32>
    %bitcast_convert_type3A = tpu.bitcast %slice3A : vector<1024x512xf32> -> vector<1024x512xi32>
    %add3A = arith.constant 32767 : i32
    %add3A_2 = vector.broadcast %add3A : i32 to vector<1024x512xi32>
    %add3A_3 = arith.addi %bitcast_convert_type3A, %add3A_2 : vector<1024x512xi32>
    %shift_right_logical3A = arith.constant 16 : i32
    %shift_right_logical3A_4 = vector.broadcast %shift_right_logical3A : i32 to vector<1024x512xi32>
    %shift_right_logical3A_5 = arith.shrui %bitcast_convert_type3A, %shift_right_logical3A_4 : vector<1024x512xi32>
    %and3A = arith.constant 1 : i32
    %and3A_6 = vector.broadcast %and3A : i32 to vector<1024x512xi32>
    %and3A_7 = arith.andi %shift_right_logical3A_5, %and3A_6 : vector<1024x512xi32>
    %add3A_8 = arith.addi %add3A_3, %and3A_7 : vector<1024x512xi32>
    %and3A_9 = arith.constant -65536 : i32
    %and3A_10 = vector.broadcast %and3A_9 : i32 to vector<1024x512xi32>
    %and3A_11 = arith.andi %add3A_8, %and3A_10 : vector<1024x512xi32>
    %shift_right_logical3A_12 = arith.constant 16 : i32
    %shift_right_logical3A_13 = vector.broadcast %shift_right_logical3A_12 : i32 to vector<1024x512xi32>
    %shift_right_logical3A_14 = arith.shrui %and3A_11, %shift_right_logical3A_13 : vector<1024x512xi32>
    %slice3A_15 = vector.extract_strided_slice %get3A_1 {offsets = [0, 512], sizes = [1024, 512], strides = [1, 1]} : vector<1024x1024xf32> to vector<1024x512xf32>
    %bitcast_convert_type3A_16 = tpu.bitcast %slice3A_15 : vector<1024x512xf32> -> vector<1024x512xi32>
    %add3A_17 = arith.constant 32767 : i32
    %add3A_18 = vector.broadcast %add3A_17 : i32 to vector<1024x512xi32>
    %add3A_19 = arith.addi %bitcast_convert_type3A_16, %add3A_18 : vector<1024x512xi32>
    %shift_right_logical3A_20 = arith.constant 16 : i32
    %shift_right_logical3A_21 = vector.broadcast %shift_right_logical3A_20 : i32 to vector<1024x512xi32>
    %shift_right_logical3A_22 = arith.shrui %bitcast_convert_type3A_16, %shift_right_logical3A_21 : vector<1024x512xi32>
    %and3A_23 = arith.constant 1 : i32
    %and3A_24 = vector.broadcast %and3A_23 : i32 to vector<1024x512xi32>
    %and3A_25 = arith.andi %shift_right_logical3A_22, %and3A_24 : vector<1024x512xi32>
    %add3A_26 = arith.addi %add3A_19, %and3A_25 : vector<1024x512xi32>
    %and3A_27 = arith.constant -65536 : i32
    %and3A_28 = vector.broadcast %and3A_27 : i32 to vector<1024x512xi32>
    %and3A_29 = arith.andi %add3A_26, %and3A_28 : vector<1024x512xi32>
    %or3A = arith.ori %shift_right_logical3A_14, %and3A_29 : vector<1024x512xi32>
    %swap3A = arith.constant 0 : index
    %swap3A_30 = arith.constant 0 : index
    %swap3A_31 = vector.load %arg4[%swap3A, %swap3A_30] : memref<1024x512xi32, #tpu.memory_space<vmem>>, vector<1024x512xi32>
    tpu.vector_store %arg4[%swap3A, %swap3A_30], %or3A {strides = array<i32>} : memref<1024x512xi32, #tpu.memory_space<vmem>>, vector<1024x512xi32>,
    %get3A_32 = arith.constant 0 : index
    %get3A_33 = arith.constant 0 : index
    %get3A_34 = vector.load %arg2[%get3A_32, %get3A_33] : memref<1024x16xf32, #tpu.memory_space<vmem>>, vector<1024x16xf32>
    %dot_general3A = arith.constant dense<0.000000e+00> : vector<1024x16xf32>
    %dot_general3A_35 = tpu.matmul %get3A_1, %get3A_34, %dot_general3A {dimension_numbers = #tpu.dot_dimension_numbers<[1], [0], [0], [1], [0, 0, 1, 1], [], []>, transpose_lhs_hint = false} : vector<1024x1024xf32>, vector<1024x16xf32>, vector<1024x16xf32> -> vector<1024x16xf32>
    %get3A_36 = arith.constant 0 : index
    %get3A_37 = arith.constant 0 : index
    %get3A_38 = vector.load %arg3[%get3A_36, %get3A_37] : memref<1x16xf32, #tpu.memory_space<vmem>>, vector<1x16xf32>
    %add3A_39 = vector.broadcast %get3A_38 : vector<1x16xf32> to vector<1024x16xf32>
    %add3A_40 = arith.addf %dot_general3A_35, %add3A_39 : vector<1024x16xf32>
    %reduce_max3A = arith.constant dense<0xFF800000> : vector<1024xf32>
    %reduce_max3A_41 = vector.multi_reduction <maximumf>, %add3A_40, %reduce_max3A [1] : vector<1024x16xf32> to vector<1024xf32>
    %broadcast_in_dim3A = vector.shape_cast %reduce_max3A_41 : vector<1024xf32> to vector<1024x1xf32>
    %sub3A = vector.broadcast %broadcast_in_dim3A : vector<1024x1xf32> to vector<1024x16xf32>
    %sub3A_42 = arith.subf %add3A_40, %sub3A : vector<1024x16xf32>
    %exp3A = math.exp %sub3A_42 : vector<1024x16xf32>
    %reduce_sum3A = arith.constant dense<0.000000e+00> : vector<1024xf32>
    %reduce_sum3A_43 = vector.multi_reduction <add>, %exp3A, %reduce_sum3A [1] : vector<1024x16xf32> to vector<1024xf32>
    %broadcast_in_dim3A_44 = vector.shape_cast %reduce_sum3A_43 : vector<1024xf32> to vector<1024x1xf32>
    %div3A = vector.broadcast %broadcast_in_dim3A_44 : vector<1024x1xf32> to vector<1024x16xf32>
    %div3A_45 = arith.divf %exp3A, %div3A : vector<1024x16xf32>
    %mul3A = arith.constant 1024 : i32
    %mul3A_46 = arith.muli %arg0, %mul3A : i32
    %swap3A_47 = arith.index_cast %mul3A_46 : i32 to index
    %swap3A_48 = arith.constant 0 : index
    %swap3A_49 = vector.load %arg9[%swap3A_47, %swap3A_48] : memref<4096x16xf32, #tpu.memory_space<vmem>>, vector<1024x16xf32>
    tpu.vector_store %arg9[%swap3A_47, %swap3A_48], %div3A_45 {strides = array<i32>} : memref<4096x16xf32, #tpu.memory_space<vmem>>, vector<1024x16xf32>,
    %eq3A = arith.constant 3 : i32
    %eq3A_50 = arith.cmpi eq, %arg0, %eq3A : i32
    %convert_element_type3A = arith.extui %eq3A_50 : i1 to i32
    %cond3A = arith.constant 0 : i32
    %cond3A_51 = arith.cmpi ne, %convert_element_type3A, %cond3A : i32
    scf.if %cond3A_51 {
      %get3A_52 = arith.constant 0 : index
      %get3A_53 = arith.constant 0 : index
      %get3A_54 = vector.load %arg9[%get3A_52, %get3A_53] : memref<4096x16xf32, #tpu.memory_space<vmem>>, vector<4096x16xf32>
      %iota3A = tpu.iota {dimensions = array<i32: 1>} : vector<4096x16xi32>
      %reduce_max3A_55 = arith.constant dense<0xFF800000> : vector<4096xf32>
      %reduce_max3A_56 = vector.multi_reduction <maximumf>, %get3A_54, %reduce_max3A_55 [1] : vector<4096x16xf32> to vector<4096xf32>
      %broadcast_in_dim3A_57 = vector.shape_cast %reduce_max3A_56 : vector<4096xf32> to vector<4096x1xf32>
      %eq3A_58 = vector.broadcast %broadcast_in_dim3A_57 : vector<4096x1xf32> to vector<4096x16xf32>
      %eq3A_59 = arith.cmpf oeq, %get3A_54, %eq3A_58 : vector<4096x16xf32>
      %jit3A = arith.constant 16 : i32
      %broadcast_in_dim3A_60 = vector.broadcast %jit3A : i32 to vector<4096x16xi32>
      %select_n3A = arith.select %eq3A_59, %iota3A, %broadcast_in_dim3A_60 : vector<4096x16xi1>, vector<4096x16xi32>
      %reduce_min3A = arith.constant dense<2147483647> : vector<4096xi32>
      %reduce_min3A_61 = vector.multi_reduction <minsi>, %select_n3A, %reduce_min3A [1] : vector<4096x16xi32> to vector<4096xi32>
      %broadcast_in_dim3A_62 = vector.shape_cast %reduce_min3A_61 : vector<4096xi32> to vector<4096x1xi32>
      %eq3A_63 = vector.broadcast %broadcast_in_dim3A_62 : vector<4096x1xi32> to vector<4096x16xi32>
      %eq3A_64 = arith.cmpi eq, %iota3A, %eq3A_63 : vector<4096x16xi32>
      %jit3A_65 = arith.constant 0xFF800000 : f32
      %broadcast_in_dim3A_66 = vector.broadcast %jit3A_65 : f32 to vector<4096x16xf32>
      %select_n3A_67 = arith.select %eq3A_64, %broadcast_in_dim3A_66, %get3A_54 : vector<4096x16xi1>, vector<4096x16xf32>
      %reduce_max3A_68 = arith.constant dense<0xFF800000> : vector<4096xf32>
      %reduce_max3A_69 = vector.multi_reduction <maximumf>, %select_n3A_67, %reduce_max3A_68 [1] : vector<4096x16xf32> to vector<4096xf32>
      %broadcast_in_dim3A_70 = vector.shape_cast %reduce_max3A_69 : vector<4096xf32> to vector<4096x1xf32>
      %eq3A_71 = vector.broadcast %broadcast_in_dim3A_70 : vector<4096x1xf32> to vector<4096x16xf32>
      %eq3A_72 = arith.cmpf oeq, %select_n3A_67, %eq3A_71 : vector<4096x16xf32>
      %jit3A_73 = arith.constant 16 : i32
      %broadcast_in_dim3A_74 = vector.broadcast %jit3A_73 : i32 to vector<4096x16xi32>
      %select_n3A_75 = arith.select %eq3A_72, %iota3A, %broadcast_in_dim3A_74 : vector<4096x16xi1>, vector<4096x16xi32>
      %reduce_min3A_76 = arith.constant dense<2147483647> : vector<4096xi32>
      %reduce_min3A_77 = vector.multi_reduction <minsi>, %select_n3A_75, %reduce_min3A_76 [1] : vector<4096x16xi32> to vector<4096xi32>
      %broadcast_in_dim3A_78 = vector.shape_cast %reduce_min3A_77 : vector<4096xi32> to vector<4096x1xi32>
      %swap3A_79 = arith.constant 0 : index
      %swap3A_80 = arith.constant 0 : index
      %swap3A_81 = vector.load %arg7[%swap3A_79, %swap3A_80] : memref<4096x2xf32, #tpu.memory_space<vmem>>, vector<4096x1xf32>
      tpu.vector_store %arg7[%swap3A_79, %swap3A_80], %broadcast_in_dim3A_57 {strides = array<i32>} : memref<4096x2xf32, #tpu.memory_space<vmem>>, vector<4096x1xf32>,
      %swap3A_82 = arith.constant 0 : index
      %swap3A_83 = arith.constant 1 : index
      %swap3A_84 = vector.load %arg7[%swap3A_82, %swap3A_83] : memref<4096x2xf32, #tpu.memory_space<vmem>>, vector<4096x1xf32>
      tpu.vector_store %arg7[%swap3A_82, %swap3A_83], %broadcast_in_dim3A_70 {strides = array<i32>} : memref<4096x2xf32, #tpu.memory_space<vmem>>, vector<4096x1xf32>,
      %eq3A_85 = vector.broadcast %broadcast_in_dim3A_62 : vector<4096x1xi32> to vector<4096x16xi32>
      %eq3A_86 = arith.cmpi eq, %iota3A, %eq3A_85 : vector<4096x16xi32>
      %convert_element_type3A_87 = arith.extui %eq3A_86 : vector<4096x16xi1> to vector<4096x16xi32>
      %convert_element_type3A_88 = arith.sitofp %convert_element_type3A_87 : vector<4096x16xi32> to vector<4096x16xf32>
      %swap3A_89 = arith.constant 0 : index
      %swap3A_90 = arith.constant 0 : index
      %swap3A_91 = vector.load %arg10[%swap3A_89, %swap3A_90] : memref<8192x16xf32, #tpu.memory_space<vmem>>, vector<4096x16xf32>
      tpu.vector_store %arg10[%swap3A_89, %swap3A_90], %convert_element_type3A_88 {strides = array<i32>} : memref<8192x16xf32, #tpu.memory_space<vmem>>, vector<4096x16xf32>,
      %eq3A_92 = vector.broadcast %broadcast_in_dim3A_78 : vector<4096x1xi32> to vector<4096x16xi32>
      %eq3A_93 = arith.cmpi eq, %iota3A, %eq3A_92 : vector<4096x16xi32>
      %convert_element_type3A_94 = arith.extui %eq3A_93 : vector<4096x16xi1> to vector<4096x16xi32>
      %convert_element_type3A_95 = arith.sitofp %convert_element_type3A_94 : vector<4096x16xi32> to vector<4096x16xf32>
      %swap3A_96 = arith.constant 4096 : index
      %swap3A_97 = arith.constant 0 : index
      %swap3A_98 = vector.load %arg10[%swap3A_96, %swap3A_97] : memref<8192x16xf32, #tpu.memory_space<vmem>>, vector<4096x16xf32>
      tpu.vector_store %arg10[%swap3A_96, %swap3A_97], %convert_element_type3A_95 {strides = array<i32>} : memref<8192x16xf32, #tpu.memory_space<vmem>>, vector<4096x16xf32>,
      %iota3A_99 = tpu.iota {dimensions = array<i32: 0>} : vector<512x512xi32>
      %iota3A_100 = tpu.iota {dimensions = array<i32: 1>} : vector<512x512xi32>
      %ge3A = arith.cmpi sge, %iota3A_99, %iota3A_100 : vector<512x512xi32>
      %convert_element_type3A_101 = arith.extui %ge3A : vector<512x512xi1> to vector<512x512xi32>
      %convert_element_type3A_102 = arith.sitofp %convert_element_type3A_101 : vector<512x512xi32> to vector<512x512xf32>
      %scan3A = arith.constant 0 : i32
      %scan3A_103 = arith.constant 16 : i32
      %scan3A_104 = arith.addi %scan3A, %scan3A_103 : i32
      %scan3A_105 = arith.constant 1 : i32
      scf.for %scan3A_166 = %scan3A to %scan3A_104 step %scan3A_105  : i32 {
        %mul3A_167 = arith.constant 512 : i32
        %mul3A_168 = arith.muli %scan3A_166, %mul3A_167 : i32
        %get3A_169 = arith.index_cast %mul3A_168 : i32 to index
        %get3A_170 = arith.constant 0 : index
        %get3A_171 = vector.load %arg10[%get3A_169, %get3A_170] : memref<8192x16xf32, #tpu.memory_space<vmem>>, vector<512x16xf32>
        %dot_general3A_172 = arith.constant dense<0.000000e+00> : vector<512x16xf32>
        %dot_general3A_173 = tpu.matmul %convert_element_type3A_102, %get3A_171, %dot_general3A_172 {dimension_numbers = #tpu.dot_dimension_numbers<[1], [0], [0], [1], [0, 0, 1, 1], [], []>, transpose_lhs_hint = false} : vector<512x512xf32>, vector<512x16xf32>, vector<512x16xf32> -> vector<512x16xf32>
        %mul3A_174 = arith.constant 512 : i32
        %mul3A_175 = arith.muli %scan3A_166, %mul3A_174 : i32
        %swap3A_176 = arith.index_cast %mul3A_175 : i32 to index
        %swap3A_177 = arith.constant 0 : index
        %swap3A_178 = vector.load %arg11[%swap3A_176, %swap3A_177] : memref<8192x16xf32, #tpu.memory_space<vmem>>, vector<512x16xf32>
        tpu.vector_store %arg11[%swap3A_176, %swap3A_177], %dot_general3A_173 {strides = array<i32>} : memref<8192x16xf32, #tpu.memory_space<vmem>>, vector<512x16xf32>,
        %slice3A_179 = vector.extract_strided_slice %dot_general3A_173 {offsets = [511, 0], sizes = [1, 16], strides = [1, 1]} : vector<512x16xf32> to vector<1x16xf32>
        %swap3A_180 = arith.index_cast %scan3A_166 : i32 to index
        %swap3A_181 = arith.constant 0 : index
        %swap3A_182 = vector.load %arg12[%swap3A_180, %swap3A_181] : memref<16x16xf32, #tpu.memory_space<vmem>>, vector<1x16xf32>
        tpu.vector_store %arg12[%swap3A_180, %swap3A_181], %slice3A_179 {strides = array<i32>} : memref<16x16xf32, #tpu.memory_space<vmem>>, vector<1x16xf32>,
      }
      %scan3A_106 = arith.constant 16 : i32
      %iota3A_107 = tpu.iota {dimensions = array<i32: 0>} : vector<16x16xi32>
      %iota3A_108 = tpu.iota {dimensions = array<i32: 1>} : vector<16x16xi32>
      %gt3A = arith.cmpi sgt, %iota3A_107, %iota3A_108 : vector<16x16xi32>
      %convert_element_type3A_109 = arith.extui %gt3A : vector<16x16xi1> to vector<16x16xi32>
      %convert_element_type3A_110 = arith.sitofp %convert_element_type3A_109 : vector<16x16xi32> to vector<16x16xf32>
      %get3A_111 = arith.constant 0 : index
      %get3A_112 = arith.constant 0 : index
      %get3A_113 = vector.load %arg12[%get3A_111, %get3A_112] : memref<16x16xf32, #tpu.memory_space<vmem>>, vector<16x16xf32>
      %dot_general3A_114 = arith.constant dense<0.000000e+00> : vector<16x16xf32>
      %dot_general3A_115 = tpu.matmul %convert_element_type3A_110, %get3A_113, %dot_general3A_114 {dimension_numbers = #tpu.dot_dimension_numbers<[1], [0], [0], [1], [0, 0, 1, 1], [], []>, transpose_lhs_hint = false} : vector<16x16xf32>, vector<16x16xf32>, vector<16x16xf32> -> vector<16x16xf32>
      %slice3A_116 = vector.extract_strided_slice %dot_general3A_115 {offsets = [15, 0], sizes = [1, 16], strides = [1, 1]} : vector<16x16xf32> to vector<1x16xf32>
      %slice3A_117 = vector.extract_strided_slice %get3A_113 {offsets = [15, 0], sizes = [1, 16], strides = [1, 1]} : vector<16x16xf32> to vector<1x16xf32>
      %add3A_118 = arith.addf %slice3A_116, %slice3A_117 : vector<1x16xf32>
      %add3A_119 = arith.constant 2.550000e+02 : f32
      %add3A_120 = vector.broadcast %add3A_119 : f32 to vector<1x16xf32>
      %add3A_121 = arith.addf %add3A_118, %add3A_120 : vector<1x16xf32>
      %mul3A_122 = arith.constant 3.906250e-03 : f32
      %mul3A_123 = vector.broadcast %mul3A_122 : f32 to vector<1x16xf32>
      %mul3A_124 = arith.mulf %add3A_121, %mul3A_123 : vector<1x16xf32>
      %floor3A = math.floor %mul3A_124 : vector<1x16xf32>
      %iota3A_125 = tpu.iota {dimensions = array<i32: 0>} : vector<16x16xi32>
      %iota3A_126 = tpu.iota {dimensions = array<i32: 1>} : vector<16x16xi32>
      %lt3A = arith.cmpi slt, %iota3A_125, %iota3A_126 : vector<16x16xi32>
      %convert_element_type3A_127 = arith.extui %lt3A : vector<16x16xi1> to vector<16x16xi32>
      %convert_element_type3A_128 = arith.sitofp %convert_element_type3A_127 : vector<16x16xi32> to vector<16x16xf32>
      %le3A = arith.cmpi sle, %iota3A_125, %iota3A_126 : vector<16x16xi32>
      %convert_element_type3A_129 = arith.extui %le3A : vector<16x16xi1> to vector<16x16xi32>
      %convert_element_type3A_130 = arith.sitofp %convert_element_type3A_129 : vector<16x16xi32> to vector<16x16xf32>
      %dot_general3A_131 = arith.constant dense<0.000000e+00> : vector<1x16xf32>
      %dot_general3A_132 = tpu.matmul %floor3A, %convert_element_type3A_128, %dot_general3A_131 {dimension_numbers = #tpu.dot_dimension_numbers<[1], [0], [0], [1], [0, 0, 1, 1], [], []>, transpose_lhs_hint = false} : vector<1x16xf32>, vector<16x16xf32>, vector<1x16xf32> -> vector<1x16xf32>
      %mul3A_133 = arith.constant 2.560000e+02 : f32
      %mul3A_134 = vector.broadcast %mul3A_133 : f32 to vector<1x16xf32>
      %mul3A_135 = arith.mulf %mul3A_134, %dot_general3A_132 : vector<1x16xf32>
      %dot_general3A_136 = arith.constant dense<0.000000e+00> : vector<1x16xf32>
      %dot_general3A_137 = tpu.matmul %floor3A, %convert_element_type3A_130, %dot_general3A_136 {dimension_numbers = #tpu.dot_dimension_numbers<[1], [0], [0], [1], [0, 0, 1, 1], [], []>, transpose_lhs_hint = false} : vector<1x16xf32>, vector<16x16xf32>, vector<1x16xf32> -> vector<1x16xf32>
      %slice3A_138 = vector.extract_strided_slice %dot_general3A_137 {offsets = [0, 15], sizes = [1, 1], strides = [1, 1]} : vector<1x16xf32> to vector<1x1xf32>
      %iota3A_139 = tpu.iota {dimensions = array<i32: 0>} : vector<48x16xi32>
      %convert_element_type3A_140 = arith.sitofp %iota3A_139 : vector<48x16xi32> to vector<48x16xf32>
      %le3A_141 = vector.broadcast %dot_general3A_137 : vector<1x16xf32> to vector<48x16xf32>
      %le3A_142 = arith.cmpf ole, %le3A_141, %convert_element_type3A_140 : vector<48x16xf32>
      %convert_element_type3A_143 = arith.extui %le3A_142 : vector<48x16xi1> to vector<48x16xi32>
      %convert_element_type3A_144 = arith.sitofp %convert_element_type3A_143 : vector<48x16xi32> to vector<48x16xf32>
      %reduce_sum3A_145 = arith.constant dense<0.000000e+00> : vector<48xf32>
      %reduce_sum3A_146 = vector.multi_reduction <add>, %convert_element_type3A_144, %reduce_sum3A_145 [1] : vector<48x16xf32> to vector<48xf32>
      %broadcast_in_dim3A_147 = vector.shape_cast %reduce_sum3A_146 : vector<48xf32> to vector<48x1xf32>
      %slice3A_148 = vector.extract_strided_slice %convert_element_type3A_140 {offsets = [0, 0], sizes = [48, 1], strides = [1, 1]} : vector<48x16xf32> to vector<48x1xf32>
      %lt3A_149 = vector.broadcast %slice3A_138 : vector<1x1xf32> to vector<48x1xf32>
      %lt3A_150 = arith.cmpf olt, %slice3A_148, %lt3A_149 : vector<48x1xf32>
      %jit3A_151 = arith.constant 1.500000e+01 : f32
      %broadcast_in_dim3A_152 = vector.broadcast %jit3A_151 : f32 to vector<48x1xf32>
      %select_n3A_153 = arith.select %lt3A_150, %broadcast_in_dim3A_147, %broadcast_in_dim3A_152 : vector<48x1xi1>, vector<48x1xf32>
      %convert_element_type3A_154 = arith.fptosi %select_n3A_153 : vector<48x1xf32> to vector<48x1xi32>
      %swap3A_155 = arith.constant 0 : index
      %swap3A_156 = arith.constant 0 : index
      %swap3A_157 = vector.load %arg8[%swap3A_155, %swap3A_156] : memref<48x1xi32, #tpu.memory_space<vmem>>, vector<48x1xi32>
      tpu.vector_store %arg8[%swap3A_155, %swap3A_156], %convert_element_type3A_154 {strides = array<i32>} : memref<48x1xi32, #tpu.memory_space<vmem>>, vector<48x1xi32>,
      %swap3A_158 = arith.constant 0 : index
      %swap3A_159 = arith.constant 0 : index
      %swap3A_160 = vector.load %arg12[%swap3A_158, %swap3A_159] : memref<16x16xf32, #tpu.memory_space<vmem>>, vector<16x16xf32>
      tpu.vector_store %arg12[%swap3A_158, %swap3A_159], %dot_general3A_115 {strides = array<i32>} : memref<16x16xf32, #tpu.memory_space<vmem>>, vector<16x16xf32>,
      %scan3A_161 = arith.constant 0 : i32
      %scan3A_162 = arith.constant 16 : i32
      %scan3A_163 = arith.addi %scan3A_161, %scan3A_162 : i32
      %scan3A_164 = arith.constant 1 : i32
      scf.for %scan3A_166 = %scan3A_161 to %scan3A_163 step %scan3A_164  : i32 {
        %mul3A_167 = arith.constant 512 : i32
        %mul3A_168 = arith.muli %scan3A_166, %mul3A_167 : i32
        %get3A_169 = arith.index_cast %mul3A_168 : i32 to index
        %get3A_170 = arith.constant 0 : index
        %get3A_171 = vector.load %arg10[%get3A_169, %get3A_170] : memref<8192x16xf32, #tpu.memory_space<vmem>>, vector<512x16xf32>
        %mul3A_172 = arith.constant 512 : i32
        %mul3A_173 = arith.muli %scan3A_166, %mul3A_172 : i32
        %get3A_174 = arith.index_cast %mul3A_173 : i32 to index
        %get3A_175 = arith.constant 0 : index
        %get3A_176 = vector.load %arg11[%get3A_174, %get3A_175] : memref<8192x16xf32, #tpu.memory_space<vmem>>, vector<512x16xf32>
        %get3A_177 = arith.index_cast %scan3A_166 : i32 to index
        %get3A_178 = arith.constant 0 : index
        %get3A_179 = vector.load %arg12[%get3A_177, %get3A_178] : memref<16x16xf32, #tpu.memory_space<vmem>>, vector<1x16xf32>
        %add3A_180 = vector.broadcast %get3A_179 : vector<1x16xf32> to vector<512x16xf32>
        %add3A_181 = arith.addf %get3A_176, %add3A_180 : vector<512x16xf32>
        %sub3A_182 = arith.subf %add3A_181, %get3A_171 : vector<512x16xf32>
        %add3A_183 = vector.broadcast %mul3A_135 : vector<1x16xf32> to vector<512x16xf32>
        %add3A_184 = arith.addf %add3A_183, %sub3A_182 : vector<512x16xf32>
        %mul3A_185 = arith.mulf %add3A_184, %get3A_171 : vector<512x16xf32>
        %reduce_sum3A_186 = arith.constant dense<0.000000e+00> : vector<512xf32>
        %reduce_sum3A_187 = vector.multi_reduction <add>, %mul3A_185, %reduce_sum3A_186 [1] : vector<512x16xf32> to vector<512xf32>
        %broadcast_in_dim3A_188 = vector.shape_cast %reduce_sum3A_187 : vector<512xf32> to vector<512x1xf32>
        %lt3A_189 = arith.constant 8 : i32
        %lt3A_190 = arith.cmpi slt, %scan3A_166, %lt3A_189 : i32
        %convert_element_type3A_191 = arith.fptosi %broadcast_in_dim3A_188 : vector<512x1xf32> to vector<512x1xi32>
        %convert_element_type3A_192 = arith.extui %lt3A_190 : i1 to i32
        %cond3A_193 = arith.constant 0 : i32
        %cond3A_194 = arith.cmpi ne, %convert_element_type3A_192, %cond3A_193 : i32
        scf.if %cond3A_194 {
          %mul3A_199 = arith.constant 512 : i32
          %mul3A_200 = arith.muli %scan3A_166, %mul3A_199 : i32
          %swap3A_201 = arith.index_cast %mul3A_200 : i32 to index
          %swap3A_202 = arith.constant 0 : index
          %swap3A_203 = vector.load %arg5[%swap3A_201, %swap3A_202] : memref<4096x1xi32, #tpu.memory_space<vmem>>, vector<512x1xi32>
          tpu.vector_store %arg5[%swap3A_201, %swap3A_202], %convert_element_type3A_191 {strides = array<i32>} : memref<4096x1xi32, #tpu.memory_space<vmem>>, vector<512x1xi32>,
        } else {
        }
        %not3A = arith.constant true
        %not3A_195 = arith.xori %lt3A_190, %not3A : i1
        %convert_element_type3A_196 = arith.extui %not3A_195 : i1 to i32
        %cond3A_197 = arith.constant 0 : i32
        %cond3A_198 = arith.cmpi ne, %convert_element_type3A_196, %cond3A_197 : i32
        scf.if %cond3A_198 {
          %mul3A_199 = arith.constant 512 : i32
          %mul3A_200 = arith.muli %scan3A_166, %mul3A_199 : i32
          %sub3A_201 = arith.constant 4096 : i32
          %sub3A_202 = arith.subi %mul3A_200, %sub3A_201 : i32
          %swap3A_203 = arith.index_cast %sub3A_202 : i32 to index
          %swap3A_204 = arith.constant 0 : index
          %swap3A_205 = vector.load %arg6[%swap3A_203, %swap3A_204] : memref<4096x1xi32, #tpu.memory_space<vmem>>, vector<512x1xi32>
          tpu.vector_store %arg6[%swap3A_203, %swap3A_204], %convert_element_type3A_191 {strides = array<i32>} : memref<4096x1xi32, #tpu.memory_space<vmem>>, vector<512x1xi32>,
        } else {
        }
      }
      %scan3A_165 = arith.constant 16 : i32
    } else {
    }
    return
  }
  func.func @transform_0(%arg0: i32) -> (i32, i32) {
    %c0_i32 = arith.constant 0 : i32
    %c0_i32_0 = arith.constant 0 : i32
    return %arg0, %c0_i32 : i32, i32
  }
  func.func @transform_1(%arg0: i32) -> (i32, i32) {
    %c0_i32 = arith.constant 0 : i32
    %c0_i32_0 = arith.constant 0 : i32
    %c0_i32_1 = arith.constant 0 : i32
    return %c0_i32, %c0_i32_0 : i32, i32
  }
  func.func @transform_2(%arg0: i32) -> (i32, i32) {
    %c0_i32 = arith.constant 0 : i32
    %c0_i32_0 = arith.constant 0 : i32
    %c0_i32_1 = arith.constant 0 : i32
    return %c0_i32, %c0_i32_0 : i32, i32
  }
  func.func @transform_3(%arg0: i32) -> (i32, i32) {
    %c0_i32 = arith.constant 0 : i32
    %c0_i32_0 = arith.constant 0 : i32
    return %arg0, %c0_i32 : i32, i32
  }
  func.func @transform_4(%arg0: i32) -> (i32, i32) {
    %c0_i32 = arith.constant 0 : i32
    %c0_i32_0 = arith.constant 0 : i32
    %c0_i32_1 = arith.constant 0 : i32
    return %c0_i32, %c0_i32_0 : i32, i32
  }
  func.func @transform_5(%arg0: i32) -> (i32, i32) {
    %c0_i32 = arith.constant 0 : i32
    %c0_i32_0 = arith.constant 0 : i32
    %c0_i32_1 = arith.constant 0 : i32
    return %c0_i32, %c0_i32_0 : i32, i32
  }
  func.func @transform_6(%arg0: i32) -> (i32, i32) {
    %c0_i32 = arith.constant 0 : i32
    %c0_i32_0 = arith.constant 0 : i32
    %c0_i32_1 = arith.constant 0 : i32
    return %c0_i32, %c0_i32_0 : i32, i32
  }
  func.func @transform_7(%arg0: i32) -> (i32, i32) {
    %c0_i32 = arith.constant 0 : i32
    %c0_i32_0 = arith.constant 0 : i32
    %c0_i32_1 = arith.constant 0 : i32
    return %c0_i32, %c0_i32_0 : i32, i32
  }
}

module attributes {stable_mosaic.version = 14 : i64} {
  func.func @_gmm_body(%arg0: i32, %arg1: memref<48xi32, #tpu.memory_space<smem>>, %arg2: memref<256x512xi32, #tpu.memory_space<vmem>>, %arg3: memref<1x1024x1024xf32, #tpu.memory_space<vmem>>, %arg4: memref<1x1x1024xf32, #tpu.memory_space<vmem>>, %arg5: memref<256x1024xf32, #tpu.memory_space<vmem>>) attributes {dimension_semantics = [#tpu.dimension_semantics<arbitrary>], iteration_bounds = array<i64: 48>, scalar_prefetch = 1 : i64, scratch_operands = 0 : i64, tpu.core_type = #tpu.core_type<tc>, window_params = [{transform_indices = @transform_0, window_bounds = array<i64: 256, 512>}, {transform_indices = @transform_1, window_bounds = array<i64: 1, 1024, 1024>}, {transform_indices = @transform_2, window_bounds = array<i64: 1, 1, 1024>}, {transform_indices = @transform_3, window_bounds = array<i64: 256, 1024>}]} {
    %get3A = arith.constant 0 : index
    %get3A_0 = arith.constant 0 : index
    %get3A_1 = vector.load %arg2[%get3A, %get3A_0] : memref<256x512xi32, #tpu.memory_space<vmem>>, vector<256x512xi32>
    %shift_left3A = arith.constant 16 : i32
    %shift_left3A_2 = vector.broadcast %shift_left3A : i32 to vector<256x512xi32>
    %shift_left3A_3 = arith.shli %get3A_1, %shift_left3A_2 : vector<256x512xi32>
    %bitcast_convert_type3A = tpu.bitcast %shift_left3A_3 : vector<256x512xi32> -> vector<256x512xf32>
    %and3A = arith.constant -65536 : i32
    %and3A_4 = vector.broadcast %and3A : i32 to vector<256x512xi32>
    %and3A_5 = arith.andi %get3A_1, %and3A_4 : vector<256x512xi32>
    %bitcast_convert_type3A_6 = tpu.bitcast %and3A_5 : vector<256x512xi32> -> vector<256x512xf32>
    %get3A_7 = arith.constant 0 : index
    %get3A_8 = arith.constant 0 : index
    %get3A_9 = arith.constant 0 : index
    %get3A_10 = vector.load %arg3[%get3A_7, %get3A_8, %get3A_9] : memref<1x1024x1024xf32, #tpu.memory_space<vmem>>, vector<1x1024x1024xf32>
    %get3A_11 = vector.shape_cast %get3A_10 : vector<1x1024x1024xf32> to vector<1024x1024xf32>
    %slice3A = vector.extract_strided_slice %get3A_11 {offsets = [0, 0], sizes = [512, 1024], strides = [1, 1]} : vector<1024x1024xf32> to vector<512x1024xf32>
    %dot_general3A = arith.constant dense<0.000000e+00> : vector<256x1024xf32>
    %dot_general3A_12 = tpu.matmul %bitcast_convert_type3A, %slice3A, %dot_general3A {dimension_numbers = #tpu.dot_dimension_numbers<[1], [0], [0], [1], [0, 0, 1, 1], [], []>, transpose_lhs_hint = false} : vector<256x512xf32>, vector<512x1024xf32>, vector<256x1024xf32> -> vector<256x1024xf32>
    %slice3A_13 = vector.extract_strided_slice %get3A_11 {offsets = [512, 0], sizes = [512, 1024], strides = [1, 1]} : vector<1024x1024xf32> to vector<512x1024xf32>
    %dot_general3A_14 = arith.constant dense<0.000000e+00> : vector<256x1024xf32>
    %dot_general3A_15 = tpu.matmul %bitcast_convert_type3A_6, %slice3A_13, %dot_general3A_14 {dimension_numbers = #tpu.dot_dimension_numbers<[1], [0], [0], [1], [0, 0, 1, 1], [], []>, transpose_lhs_hint = false} : vector<256x512xf32>, vector<512x1024xf32>, vector<256x1024xf32> -> vector<256x1024xf32>
    %add3A = arith.addf %dot_general3A_12, %dot_general3A_15 : vector<256x1024xf32>
    %get3A_16 = arith.constant 0 : index
    %get3A_17 = arith.constant 0 : index
    %get3A_18 = arith.constant 0 : index
    %get3A_19 = vector.load %arg4[%get3A_16, %get3A_17, %get3A_18] : memref<1x1x1024xf32, #tpu.memory_space<vmem>>, vector<1x1x1024xf32>
    %get3A_20 = vector.shape_cast %get3A_19 : vector<1x1x1024xf32> to vector<1x1024xf32>
    %add3A_21 = vector.broadcast %get3A_20 : vector<1x1024xf32> to vector<256x1024xf32>
    %add3A_22 = arith.addf %add3A, %add3A_21 : vector<256x1024xf32>
    %max3A = arith.constant 0.000000e+00 : f32
    %max3A_23 = vector.broadcast %max3A : f32 to vector<256x1024xf32>
    %max3A_24 = arith.maximumf %add3A_22, %max3A_23 : vector<256x1024xf32>
    %swap3A = arith.constant 0 : index
    %swap3A_25 = arith.constant 0 : index
    %swap3A_26 = vector.load %arg5[%swap3A, %swap3A_25] : memref<256x1024xf32, #tpu.memory_space<vmem>>, vector<256x1024xf32>
    tpu.vector_store %arg5[%swap3A, %swap3A_25], %max3A_24 {strides = array<i32>} : memref<256x1024xf32, #tpu.memory_space<vmem>>, vector<256x1024xf32>,
    return
  }
  func.func @transform_0(%arg0: i32, %arg1: memref<48xi32, #tpu.memory_space<smem>>) -> (i32, i32) {
    %c0_i32 = arith.constant 0 : i32
    %c0_i32_0 = arith.constant 0 : i32
    return %arg0, %c0_i32 : i32, i32
  }
  func.func @transform_1(%arg0: i32, %arg1: memref<48xi32, #tpu.memory_space<smem>>) -> (i32, i32, i32) {
    %get3A = arith.index_cast %arg0 : i32 to index
    %get3A_0 = memref.load %arg1[%get3A] : memref<48xi32, #tpu.memory_space<smem>>
    %c0_i32 = arith.constant 0 : i32
    %c0_i32_1 = arith.constant 0 : i32
    %c0_i32_2 = arith.constant 0 : i32
    return %get3A_0, %c0_i32, %c0_i32_1 : i32, i32, i32
  }
  func.func @transform_2(%arg0: i32, %arg1: memref<48xi32, #tpu.memory_space<smem>>) -> (i32, i32, i32) {
    %get3A = arith.index_cast %arg0 : i32 to index
    %get3A_0 = memref.load %arg1[%get3A] : memref<48xi32, #tpu.memory_space<smem>>
    %c0_i32 = arith.constant 0 : i32
    %c0_i32_1 = arith.constant 0 : i32
    %c0_i32_2 = arith.constant 0 : i32
    return %get3A_0, %c0_i32, %c0_i32_1 : i32, i32, i32
  }
  func.func @transform_3(%arg0: i32, %arg1: memref<48xi32, #tpu.memory_space<smem>>) -> (i32, i32) {
    %c0_i32 = arith.constant 0 : i32
    %c0_i32_0 = arith.constant 0 : i32
    return %arg0, %c0_i32 : i32, i32
  }
}

</mosaic_0001>

<sc_bundles>
// kernel: kernel.6.cloned.1.call-start
scs
__scs_entry_jumppad:
0x0: {  	(pc) =	sbr.rel $0x88, $3  }
0x1: {  	(tag) =	ssettag $0x0;
	lr =	simm.s32 $0x1  }
0x2: {  	[smem:$0x3F9C] =	sst lr;
	_ =	strace $0xD0000000  }
0x3: {  	_ = 	snop  }
0x4: {  	_ = 	snop  }
0x5: {  	_ = 	snop  }
0x6: {  	_ = 	snop  }
0x7: {  	_ = 	snop  }
__scs_overlays_trampoline_lowered:
0x8: {  	[smem:$0x3FAB] =	sst s0  }
0x9: {  	[smem:$0x3FAC] =	sst s1  }
0xa: {  	[smem:$0x3FAD] =	sst s2  }
0xb: {  	[smem:$0x3FAE] =	sst s3  }
0xc: {  	[smem:$0x3FAF] =	sst s4  }
0xd: {  	[smem:$0x3FB0] =	sst s5  }
0xe: {  	[smem:$0x3FB1] =	sst s6  }
0xf: {  	[smem:$0x3FB2] =	sst s7  }
0x10: {  	[smem:$0x3FB3] =	sst s8  }
0x11: {  	[smem:$0x3FB4] =	sst s9;
	s0 =	simm.s32 @!p0 $0x0  }
0x12: {  	s1 =	sld [smem:$0x3F9A];
	s0 =	simm.s32 @p0 $0x1  }
0x13: {  	[smem:$0x3FB5] =	sst s0;
	s0 =	simm.s32 @!p1 $0x0  }
0x14: {  	s2 =	sld [smem:$0x3F99];
	s0 =	simm.s32 @p1 $0x1  }
0x15: {  	[smem:$0x3FB6] =	sst s0;
	s0 =	simm.s32 @!p2 $0x0  }
0x16: {  	s3 =	sld [smem:$0x3FDB];
	s0 =	simm.s32 @p2 $0x1  }
0x17: {  	s4 =	simm.s32 $0x1BF5;
	[smem:$0x3FB8] =	sst s0  }
0x18: {  	s0 =	sld [smem:$0x3F9B];
	_ =	swait.ge [sflag:s4], $0x0  }
0x19: {  	s7 =	sld [smem:$0x3F9C]  }
0x1a: {  	s8 =	sadd.s32 $0xFFFFE003, lr  }
0x1b: {  	s9 =	sadd.s32 $0xFFFFFEF7, lr;
	s5 =	simm.s32 $0xFFFFFFFF;
	p2 =	slt.u32 s8, $0xFFFFF086  }
0x1c: {  	p1 =	slt.u32 s9, $0xF7A;
	s5 =	simm.s32 @!p2 $0x0  }
0x1d: {  	s5 =	simm.s32 @p1 $0x1;
	p0 =	seq.s32 s7, s2  }
0x1e: {  	s7 =	smul.u32 @!p0 $0xF7A, s2;
	p2 =	seq.s32 @!p0 s5, $0x0  }
0x1f: {  	s9 =	smul.u32 $0xF7A, s1;
	s8 =	simm.s32 @!p0 $0x1BF5;
	p2 =	por !p2, p0  }
0x20: {  	[sflag:s8] =	ssyncset.s32 @!p0 $0xFFFFF086;
	s6 =	sadd.s32 @!p0 s3, s7;
	s7 =	simm.s32 @!p0 $0x108  }
0x21: {  	s3 =	sadd.s32 s3, s9;
	s6 =	sadd.s32 @!p0 $0x88, s6;
	s7 =	simm.s32 @p2 $0x1082  }
0x22: {  	[simem:s7], [sflag:s8] =	dma.local @!p0 [hbm:s6], $0xF7A  }
0x23: {  	s9 =	sor.u32 $0xD0000000, s2;
	s6 =	simm.s32 $0x108;
	_ =	swait.ge @!p0 [sflag:s8], $0x0  }
0x24: {  	s3 =	sadd.s32 $0x88, s3;
	s6 =	simm.s32 @!p1 $0x1082;
	[sflag:s4] =	ssyncset.s32 $0xFFFFF086  }
0x25: {  	[simem:s6], [sflag:s4] =	dma.local [hbm:s3], $0xF7A  }
0x26: {  	[smem:$0x3F9C] =	sst s1;
	(tag) =	ssettag s2;
	_ =	strace s9  }
0x27: {  	s1 =	sld [smem:$0x3FAC]  }
0x28: {  	s2 =	sld [smem:$0x3FAD]  }
0x29: {  	s4 =	sld [smem:$0x3FAF]  }
0x2a: {  	p0 =	seq.s32 s5, $0x0;
	s5 =	sld [smem:$0x3FB0]  }
0x2b: {  	s6 =	sld [smem:$0x3FB1]  }
0x2c: {  	s7 =	sld [smem:$0x3FB2]  }
0x2d: {  	s3 =	simm.s32 $0x108;
	s8 =	sld [smem:$0x3FB3]  }
0x2e: {  	s3 =	simm.s32 @!p0 $0x1082;
	s9 =	sld [smem:$0x3FB4]  }
0x2f: {  	lr =	sadd.s32 s0, s3;
	s0 =	sld [smem:$0x3FAB]  }
0x30: {  	s3 =	sld [smem:$0x3FAE]  }
0x31: {  	[smem:$0x3FB7] =	sst s10  }
0x32: {  	s10 =	sld [smem:$0x3FB5];
	_ =	sdelay $0x3  }
0x33: {  	p0 =	seq.s32 s10, $0x1;
	s10 =	sld [smem:$0x3FB7];
	_ =	sdelay $0x3  }
0x34: {  	[smem:$0x3FB7] =	sst s10  }
0x35: {  	s10 =	sld [smem:$0x3FB6];
	_ =	sdelay $0x3  }
0x36: {  	p1 =	seq.s32 s10, $0x1;
	s10 =	sld [smem:$0x3FB7];
	_ =	sdelay $0x3  }
0x37: {  	[smem:$0x3FB7] =	sst s10  }
0x38: {  	s10 =	sld [smem:$0x3FB8]  }
0x39: {  	_ = 	snop;
	(pc) =	sbr.ind lr, $3  }
0x3a: {  	_ = 	snop  }
0x3b: {  	_ = 	snop  }
0x3c: {  	p2 =	seq.s32 s10, $0x1;
	s10 =	sld [smem:$0x3FB7]  }
0x3d: {  	_ =	shalt  }
0x3e: {  	_ =	shalt  }
0x3f: {  	_ =	shalt  }
0x40: {  	_ =	shalt  }
0x41: {  	_ =	shalt  }
0x42: {  	_ =	shalt  }
0x43: {  	_ =	shalt  }
0x44: {  	_ =	shalt  }
0x45: {  	_ =	shalt  }
0x46: {  	_ =	shalt  }
0x47: {  	_ =	shalt  }
0x48: {  	_ =	shalt  }
0x49: {  	_ =	shalt  }
0x4a: {  	_ =	shalt  }
0x4b: {  	_ =	shalt  }
0x4c: {  	_ =	shalt  }
0x4d: {  	_ =	shalt  }
0x4e: {  	_ =	shalt  }
0x4f: {  	_ =	shalt  }
0x50: {  	_ =	shalt  }
0x51: {  	_ =	shalt  }
0x52: {  	_ =	shalt  }
0x53: {  	_ =	shalt  }
0x54: {  	_ =	shalt  }
0x55: {  	_ =	shalt  }
0x56: {  	_ =	shalt  }
0x57: {  	_ =	shalt  }
0x58: {  	_ =	shalt  }
0x59: {  	_ =	shalt  }
0x5a: {  	_ =	shalt  }
0x5b: {  	_ =	shalt  }
0x5c: {  	_ =	shalt  }
0x5d: {  	_ =	shalt  }
0x5e: {  	_ =	shalt  }
0x5f: {  	_ =	shalt  }
0x60: {  	_ =	shalt  }
0x61: {  	_ =	shalt  }
0x62: {  	_ =	shalt  }
0x63: {  	_ =	shalt  }
0x64: {  	_ =	shalt  }
0x65: {  	_ =	shalt  }
0x66: {  	_ =	shalt  }
0x67: {  	_ =	shalt  }
0x68: {  	_ =	shalt  }
0x69: {  	_ =	shalt  }
0x6a: {  	_ =	shalt  }
0x6b: {  	_ =	shalt  }
0x6c: {  	_ =	shalt  }
0x6d: {  	_ =	shalt  }
0x6e: {  	_ =	shalt  }
0x6f: {  	_ =	shalt  }
0x70: {  	_ =	shalt  }
0x71: {  	_ =	shalt  }
0x72: {  	_ =	shalt  }
0x73: {  	_ =	shalt  }
0x74: {  	_ =	shalt  }
0x75: {  	_ =	shalt  }
0x76: {  	_ =	shalt  }
0x77: {  	_ =	shalt  }
0x78: {  	_ =	shalt  }
0x79: {  	_ =	shalt  }
0x7a: {  	_ =	shalt  }
0x7b: {  	_ =	shalt  }
0x7c: {  	_ =	shalt  }
0x7d: {  	_ =	shalt  }
0x7e: {  	_ =	shalt  }
0x7f: {  	_ =	shalt  }
0x80: {  	_ =	shalt  }
0x81: {  	_ =	shalt  }
0x82: {  	_ =	shalt  }
0x83: {  	_ =	shalt  }
0x84: {  	_ =	shalt  }
0x85: {  	_ =	shalt  }
0x86: {  	_ =	shalt  }
0x87: {  	_ =	shalt  }
.Lfunc_end0:
.L_simem_size_0:
called_computation_lowered:
.L_overlay_start_0:
0x88: {  	s2 =	sld [smem:$0x3FD9]  }
0x89: {  	s3 =	sld [smem:$0x3FFE];
	_ =	sdelay $0x1  }
0x8a: {  	s1 =	srdreg.scid  }
0x8b: {  	s0 =	sand.u32 $0x1, s1  }
0x8c: {  	s17 =	sshll.u32 s0, $0xA;
	s2 =	sadd.s32 s3, s2  }
0x8d: {  	s2 =	sadd.s32 s2, s17  }
0x8e: {  	[smem:$0x3FC3] =	sst s2  }
0x8f: {  	_ = 	snop  }
0x90: {  	s2 =	sld [smem:$0x3FD0];
	(tm) =	ssettm $0x1  }
0x91: {  	s18 =	sld [smem:$0x3FFB];
	_ =	sdelay $0x3  }
0x92: {  	_ =	strace s18  }
0x93: {  	s3 =	sld [smem:$0x3FFC];
	_ =	sdelay $0x3  }
0x94: {  	_ =	strace s3  }
0x95: {  	s3 =	sld [smem:$0x3FFD];
	_ =	sdelay $0x3  }
0x96: {  	_ =	strace s3  }
0x97: {  	_ =	strace $0x8FFFFFFF  }
0x98: {  	s19 =	sld [smem:$0x3FDB];
	_ =	sdelay $0x1  }
0x99: {  	s4 =	simm.s32 $_scs_section_size  }
0x9a: {  	s5 =	simm.s32 $_size__tile_overlayer_lowered;
	s6 =	simm.s32 $_tile_overlayer_lowered  }
0x9b: {  	s22 =	simm.s32 $0x1BFF;
	s21 =	sshll.u32 s6, $0x1;
	s3 =	sadd.s32 s4, s19  }
0x9c: {  	s7 =	simm.s32 $0x0;
	s20 =	sshll.u32 s5, $0x1;
	s5 =	sadd.s32 s21, s3  }
0x9d: {  	[timem:s7], [sflag:s22] =	dma.local [hbm:s5], s20  }
0x9e: {  	_ =	swait.ge [sflag:s22], s20  }
0x9f: {  	s4 =	ssub.s32 $0x0, s20;
	[sflag:s22] =	ssyncset.done $0x0  }
0xa0: {  	[sflag:s22] =	ssyncadd.s32 s4;
	_ =	sdelay $0x1  }
0xa1: {  	s23 =	simm.s32 $0x1B8B  }
0xa2: {  	_ =	swait.ge [sflag:s23], $0x1  }
0xa3: {  	[sflag:s23] =	ssyncset.done $0x0  }
0xa4: {  	s25 =	simm.s32 $0x1B8E;
	s24 =	sld [smem:$0x3FFE];
	[sflag:s23] =	ssyncadd.s32 $0xFFFFFFFF  }
0xa5: {  	s26 =	simm.s32 $execute0_lowered;
	[smem:$0x3FD2] =	sst s25  }
0xa6: {  	s5 =	sshll.u32 s26, $0x1;
	_ =	strace $0x80000046;
	[dreg:$0x1] =	wrdreg $0xFFFFFFFF  }
0xa7: {  	s28 =	simm.s32 $_size_execute0_lowered;
	s3 =	sadd.s32 s3, s5;
	[dreg:$0x0] =	wrdreg $0x0  }
0xa8: {  	s5 =	sshll.u32 s28, $0x1;
	[dreg:$0x2] =	wrdreg s3  }
0xa9: {  	[dreg:$0x3] =	wrdreg s5  }
0xaa: {  	[dreg:$0x4] =	wrdreg $0xC0  }
0xab: {  	_ =	task [dreg:s7], $0x5FFFF  }
0xac: {  	[dreg:$0x1] =	wrdreg $0xFFFFFFFF  }
0xad: {  	[dreg:$0x0] =	wrdreg $0x60  }
0xae: {  	[dreg:$0x2] =	wrdreg s2  }
0xaf: {  	[dreg:$0x3] =	wrdreg s24  }
0xb0: {  	[dreg:$0x4] =	wrdreg $0x9  }
0xb1: {  	_ =	task.clear_ibuf [dreg:s7], $0x5FFFF;
	_ =	strace $0x90000046  }
0xb2: {  	s29 =	simm.s32 $0x9;
	_ =	strace $0x80000048  }
0xb3: {  	_ =	swait.ge [sflag:s29], $0x1  }
0xb4: {  	[sflag:s29] =	ssyncadd.s32 $0xFFFFFFFF  }
0xb5: {  	_ =	strace $0x90000048  }
0xb6: {  	_ =	sfence  }
0xb7: {  	s30 =	sld [smem:$0x0];
	_ =	sdelay $0x2  }
0xb8: {  	s31 =	sshll.u32 s1, $0xD;
	s1 =	sshrl.u32 s1, $0x2  }
0xb9: {  	s3 =	sand.u32 $0x4000, s31;
	s1 =	sadd.s32 s1, s30  }
0xba: {  	s0 =	sor.u32 s3, s0;
	s1 =	sshll.u32 s1, $0x11  }
0xbb: {  	s0 =	sor.u32 s1, s0  }
0xbc: {  	s0 =	sadd.s32 $0x8F2B, s0  }
0xbd: {  	[sflag:s0] =	ssyncadd.remote.s32 $0x1  }
0xbe: {  	_ =	sfence.sel $0xFFFF  }
0xbf: {  	[dreg:$0x0] =	wrdreg $0xFFFFFFFF;
	(pc) =	sbr.abs _section_cstart, $3  }
0xc0: {  	[dreg:$0x1] =	wrdreg $0xFFFFFFFF  }
0xc1: {  	_ =	task.clear_ibuf [dreg:s7], $0x2FFFF;
	_ =	strace $0x9FFFFFFF  }
0xc2: {  	(tm) =	ssettm $0x7FFFFFFF  }
0xc3: {  	_ =	shalt  }
tec
execute0_lowered:
.L_overlay_start_1:
0x0: {  	(tag) =	ssettag $0x1  }
0x1: {  	s0 =	rddreg [dreg:$0x0]  }
0x2: {  	s1 =	srdreg.scid;
	s2 =	stileid.u32  }
0x3: {  	s4 =	rddreg [dreg:$0x1];
	s25 =	simm.s32 $0x10000;
	s26 =	simm.s32 $0x10100  }
0x4: {  	s8 =	simm.s32 $0x1;
	s9 =	simm.s32 $0x8000;
	s10 =	simm.s32 $0xC800  }
0x5: {  	s11 =	simm.s32 $0xD000;
	s12 =	simm.s32 $0xD800;
	s13 =	simm.s32 $0xE000  }
0x6: {  	s14 =	simm.s32 $0xE800;
	s15 =	simm.s32 $0xF000;
	s16 =	simm.s32 $0xF800  }
0x7: {  	s22 =	simm.s32 $0x3000;
	s23 =	simm.s32 $0x3800;
	s28 =	simm.s32 $0x5000  }
0x8: {  	s29 =	simm.s32 $0x5800;
	s30 =	simm.s32 $0x6000;
	s31 =	simm.s32 $0x6800  }
0x9: {  	s1 =	sand.u32 $0x1, s1;
	s3 =	sshll.u32 s2, $0x1;
	s2 =	simm.s32 $0x0  }
0xa: {  	s5 =	sor.u32 s1, s3;
	[smem:$0x7FF] =	sst s2;
	s1 =	ssub.s32 $0x2, s1  }
0xb: {  	s3 =	sshll.u32 s5, $0x5;
	_ =	strace $0x80000047;
	[dreg:$0x6] =	wrdreg s25  }
0xc: {  	s5 =	sshll.u32 s5, $0xD;
	s24 =	sshrl.u32 s1, $0x1;
	[dreg:$0x7] =	wrdreg s26  }
0xd: {  	s25 =	simm.s32 $0x2;
	s6 =	sadd.s32 s3, s4;
	s5 =	sadd.s32 s0, s5  }
0xe: {  	s26 =	simm.s32 $0x4800;
	s7 =	sadd.s32 $0x800, s6;
	[dreg:$0x8] =	wrdreg s5  }
0xf: {  	s3 =	sadd.s32 $0xC00, s4;
	s6 =	sadd.s32 $0x400, s6;
	[dreg:$0x3] =	wrdreg s7  }
0x10: {  	v2 =	vlaneseq.u32;
	s0 =	ssub.s32 s1, s24;
	s5 =	sadd.s32 $0x1000, s5;
	[dreg:$0x4] =	wrdreg s6  }
0x11: {  	vm0 =	vmmov $0xffff;
	v1 =	vshrl.u32 v2, $0x3;
	s24 =	simm.s32 $0x4000;
	[dreg:$0x5] =	wrdreg s5;
	s5 =	sadd.s32 $0xD00, s4  }
0x12: {  	v0 =	vand.u32 $0x7, v2;
	v2 =	vor.u32 $0x8, v2;
	v1 =	vmul.u32 $0x8, v1;
	s6 =	smax.u32 s0, $0x1;
	s7 =	simm.s32 $0x3;
	s4 =	simm.s32 $0xC000  }
.LBB2_1:
0x13: {  	s17 =	rddreg [dreg:$0x3]  }
0x14: {  	s18 =	rddreg [dreg:$0x6]  }
0x15: {  	[tilespmem:s18], [sflag:$0x3] =	stream.linear.gather [hbm4b:s17+s2], $0x100, $0x38;
	[tilespmem:$0x10200] =	vst v63  }
0x16: {  	_ =	swait.ge [sflag:s7], $0x100  }
0x17: {  	s18 =	rddreg [dreg:$0x4];
	[sflag:s7] =	ssyncset.done $0x0  }
0x18: {  	s19 =	rddreg [dreg:$0x7];
	[sflag:s7] =	ssyncadd.s32 $0xFFFFFF00  }
0x19: {  	[tilespmem:s19], [sflag:$0x3] =	stream.linear.gather [hbm4b:s18+s2], $0x100, $0x38;
	[tilespmem:$0x10200] =	vst v63  }
0x1a: {  	_ =	swait.ge [sflag:s7], $0x100  }
0x1b: {  	[sflag:s7] =	ssyncset.done $0x0  }
0x1c: {  	s20 =	rddreg [dreg:$0x8];
	[sflag:s7] =	ssyncadd.s32 $0xFFFFFF00  }
0x1d: {  	[tilespmem:s2], [sflag:$0x1] =	stream.linear.gather [hbm4b:s20+s2], $0x8000, $0x38;
	[tilespmem:$0x10200] =	vst v63  }
0x1e: {  	_ =	swait.ge [sflag:s8], $0x8000  }
0x1f: {  	[sflag:s8] =	ssyncset.done $0x0  }
0x20: {  	s21 =	rddreg [dreg:$0x5];
	[sflag:s8] =	ssyncadd.s32 $0xFFFF8000  }
0x21: {  	[tilespmem:s9], [sflag:$0x1] =	stream.linear.gather [hbm4b:s21+s2], $0x8000, $0x38;
	[tilespmem:$0x10200] =	vst v63  }
0x22: {  	v3 =	vld [tilespmem:$0x10000];
	_ =	sdelay $0x4  }
0x23: {  	v4 =	vshll.u32 v3, $0x2  }
0x24: {  	v3 =	vand.u32 $0x7, v3;
	v4 =	vand.u32 $0xFFFFFFE0, v4  }
0x25: {  	v3 =	vor.u32 v3, v4  }
0x26: {  	v4 =	vperm.xlane v3, v0;
	_ =	sdelay $0x1  }
0x27: {  	v4 =	vadd.s32 v1, v4;
	_ =	sdelay $0x1  }
0x28: {  	v3 =	vperm.xlane v3, v2;
	_ =	sdelay $0x1  }
0x29: {  	v3 =	vadd.s32 v1, v3  }
0x2a: {  	[hbm4b:s3+s2] =	stream.indirect_vreg.scatter [tilespmem:s2], [sflag:$0x2], $0x80, v4, vm0, $0xb8;
	[tilespmem:$0x10200] =	vst v63  }
0x2b: {  	s17 =	simm.s32 $0x800  }
0x2c: {  	[hbm4b:s5+s2] =	stream.indirect_vreg.scatter [tilespmem:s17], [sflag:$0x2], $0x80, v4, vm0, $0xb8;
	[tilespmem:$0x10200] =	vst v63  }
0x2d: {  	s18 =	simm.s32 $0x1000  }
0x2e: {  	[hbm4b:s3+s2] =	stream.indirect_vreg.scatter [tilespmem:s18], [sflag:$0x2], $0x80, v3, vm0, $0xb8;
	[tilespmem:$0x10200] =	vst v63  }
0x2f: {  	s19 =	simm.s32 $0x1800  }
0x30: {  	[hbm4b:s5+s2] =	stream.indirect_vreg.scatter [tilespmem:s19], [sflag:$0x2], $0x80, v3, vm0, $0xb8;
	[tilespmem:$0x10200] =	vst v63  }
0x31: {  	v3 =	vld [tilespmem:$0x10010];
	_ =	sdelay $0x4  }
0x32: {  	v49 =	vshll.u32 v3, $0x2  }
0x33: {  	v3 =	vand.u32 $0x7, v3;
	v4 =	vand.u32 $0xFFFFFFE0, v49  }
0x34: {  	v3 =	vor.u32 v3, v4  }
0x35: {  	v4 =	vperm.xlane v3, v0;
	_ =	sdelay $0x1  }
0x36: {  	v4 =	vadd.s32 v1, v4;
	_ =	sdelay $0x1  }
0x37: {  	v3 =	vperm.xlane v3, v2;
	_ =	sdelay $0x1  }
0x38: {  	s20 =	simm.s32 $0x2000;
	v3 =	vadd.s32 v1, v3  }
0x39: {  	[hbm4b:s3+s2] =	stream.indirect_vreg.scatter [tilespmem:s20], [sflag:$0x2], $0x80, v4, vm0, $0xb8;
	[tilespmem:$0x10200] =	vst v63  }
0x3a: {  	s21 =	simm.s32 $0x2800  }
0x3b: {  	[hbm4b:s5+s2] =	stream.indirect_vreg.scatter [tilespmem:s21], [sflag:$0x2], $0x80, v4, vm0, $0xb8;
	[tilespmem:$0x10200] =	vst v63  }
0x3c: {  	_ = 	snop  }
0x3d: {  	[hbm4b:s3+s2] =	stream.indirect_vreg.scatter [tilespmem:s22], [sflag:$0x2], $0x80, v3, vm0, $0xb8;
	[tilespmem:$0x10200] =	vst v63  }
0x3e: {  	_ = 	snop  }
0x3f: {  	[hbm4b:s5+s2] =	stream.indirect_vreg.scatter [tilespmem:s23], [sflag:$0x2], $0x80, v3, vm0, $0xb8;
	[tilespmem:$0x10200] =	vst v63  }
0x40: {  	v3 =	vld [tilespmem:$0x10020];
	_ =	sdelay $0x4  }
0x41: {  	v50 =	vshll.u32 v3, $0x2  }
0x42: {  	v3 =	vand.u32 $0x7, v3;
	v4 =	vand.u32 $0xFFFFFFE0, v50  }
0x43: {  	v3 =	vor.u32 v3, v4  }
0x44: {  	v4 =	vperm.xlane v3, v0;
	_ =	sdelay $0x1  }
0x45: {  	v4 =	vadd.s32 v1, v4;
	_ =	sdelay $0x1  }
0x46: {  	v3 =	vperm.xlane v3, v2;
	_ =	sdelay $0x1  }
0x47: {  	v3 =	vadd.s32 v1, v3  }
0x48: {  	[hbm4b:s3+s2] =	stream.indirect_vreg.scatter [tilespmem:s24], [sflag:$0x2], $0x80, v4, vm0, $0xb8;
	[tilespmem:$0x10200] =	vst v63  }
0x49: {  	_ = 	snop  }
0x4a: {  	[hbm4b:s5+s2] =	stream.indirect_vreg.scatter [tilespmem:s26], [sflag:$0x2], $0x80, v4, vm0, $0xb8;
	[tilespmem:$0x10200] =	vst v63  }
0x4b: {  	_ = 	snop  }
0x4c: {  	[hbm4b:s3+s2] =	stream.indirect_vreg.scatter [tilespmem:s28], [sflag:$0x2], $0x80, v3, vm0, $0xb8;
	[tilespmem:$0x10200] =	vst v63  }
0x4d: {  	_ = 	snop  }
0x4e: {  	[hbm4b:s5+s2] =	stream.indirect_vreg.scatter [tilespmem:s29], [sflag:$0x2], $0x80, v3, vm0, $0xb8;
	[tilespmem:$0x10200] =	vst v63  }
0x4f: {  	v3 =	vld [tilespmem:$0x10030];
	_ =	sdelay $0x4  }
0x50: {  	v51 =	vshll.u32 v3, $0x2  }
0x51: {  	v3 =	vand.u32 $0x7, v3;
	v4 =	vand.u32 $0xFFFFFFE0, v51  }
0x52: {  	v3 =	vor.u32 v3, v4  }
0x53: {  	v4 =	vperm.xlane v3, v0;
	_ =	sdelay $0x1  }
0x54: {  	v4 =	vadd.s32 v1, v4;
	_ =	sdelay $0x1  }
0x55: {  	v3 =	vperm.xlane v3, v2;
	_ =	sdelay $0x1  }
0x56: {  	v3 =	vadd.s32 v1, v3  }
0x57: {  	[hbm4b:s3+s2] =	stream.indirect_vreg.scatter [tilespmem:s30], [sflag:$0x2], $0x80, v4, vm0, $0xb8;
	[tilespmem:$0x10200] =	vst v63  }
0x58: {  	_ = 	snop  }
0x59: {  	[hbm4b:s5+s2] =	stream.indirect_vreg.scatter [tilespmem:s31], [sflag:$0x2], $0x80, v4, vm0, $0xb8;
	[tilespmem:$0x10200] =	vst v63  }
0x5a: {  	s1 =	simm.s32 $0x7000  }
0x5b: {  	[hbm4b:s3+s2] =	stream.indirect_vreg.scatter [tilespmem:s1], [sflag:$0x2], $0x80, v3, vm0, $0xb8;
	[tilespmem:$0x10200] =	vst v63  }
0x5c: {  	s0 =	simm.s32 $0x7800  }
0x5d: {  	[hbm4b:s5+s2] =	stream.indirect_vreg.scatter [tilespmem:s0], [sflag:$0x2], $0x80, v3, vm0, $0xb8;
	[tilespmem:$0x10200] =	vst v63  }
0x5e: {  	v3 =	vld [tilespmem:$0x10100];
	_ =	sdelay $0x4  }
0x5f: {  	v52 =	vshll.u32 v3, $0x2  }
0x60: {  	v3 =	vand.u32 $0x7, v3;
	v4 =	vand.u32 $0xFFFFFFE0, v52  }
0x61: {  	v3 =	vor.u32 v3, v4  }
0x62: {  	v4 =	vperm.xlane v3, v0;
	_ =	sdelay $0x1  }
0x63: {  	v4 =	vadd.s32 v1, v4;
	_ =	sdelay $0x1  }
0x64: {  	v3 =	vperm.xlane v3, v2;
	_ =	sdelay $0x1  }
0x65: {  	v3 =	vadd.s32 v1, v3  }
0x66: {  	[hbm4b:s3+s2] =	stream.indirect_vreg.scatter [tilespmem:s2], [sflag:$0x2], $0x80, v4, vm0, $0xb8;
	[tilespmem:$0x10200] =	vst v63  }
0x67: {  	_ = 	snop  }
0x68: {  	[hbm4b:s5+s2] =	stream.indirect_vreg.scatter [tilespmem:s17], [sflag:$0x2], $0x80, v4, vm0, $0xb8;
	[tilespmem:$0x10200] =	vst v63  }
0x69: {  	_ = 	snop  }
0x6a: {  	[hbm4b:s3+s2] =	stream.indirect_vreg.scatter [tilespmem:s18], [sflag:$0x2], $0x80, v3, vm0, $0xb8;
	[tilespmem:$0x10200] =	vst v63  }
0x6b: {  	_ = 	snop  }
0x6c: {  	[hbm4b:s5+s2] =	stream.indirect_vreg.scatter [tilespmem:s19], [sflag:$0x2], $0x80, v3, vm0, $0xb8;
	[tilespmem:$0x10200] =	vst v63  }
0x6d: {  	v3 =	vld [tilespmem:$0x10110];
	_ =	sdelay $0x4  }
0x6e: {  	v53 =	vshll.u32 v3, $0x2  }
0x6f: {  	v3 =	vand.u32 $0x7, v3;
	v4 =	vand.u32 $0xFFFFFFE0, v53  }
0x70: {  	v3 =	vor.u32 v3, v4  }
0x71: {  	v4 =	vperm.xlane v3, v0;
	_ =	sdelay $0x1  }
0x72: {  	v4 =	vadd.s32 v1, v4;
	_ =	sdelay $0x1  }
0x73: {  	v3 =	vperm.xlane v3, v2;
	_ =	sdelay $0x1  }
0x74: {  	v3 =	vadd.s32 v1, v3  }
0x75: {  	[hbm4b:s3+s2] =	stream.indirect_vreg.scatter [tilespmem:s20], [sflag:$0x2], $0x80, v4, vm0, $0xb8;
	[tilespmem:$0x10200] =	vst v63  }
0x76: {  	_ = 	snop  }
0x77: {  	[hbm4b:s5+s2] =	stream.indirect_vreg.scatter [tilespmem:s21], [sflag:$0x2], $0x80, v4, vm0, $0xb8;
	[tilespmem:$0x10200] =	vst v63  }
0x78: {  	_ = 	snop  }
0x79: {  	[hbm4b:s3+s2] =	stream.indirect_vreg.scatter [tilespmem:s22], [sflag:$0x2], $0x80, v3, vm0, $0xb8;
	[tilespmem:$0x10200] =	vst v63  }
0x7a: {  	_ = 	snop  }
0x7b: {  	[hbm4b:s5+s2] =	stream.indirect_vreg.scatter [tilespmem:s23], [sflag:$0x2], $0x80, v3, vm0, $0xb8;
	[tilespmem:$0x10200] =	vst v63  }
0x7c: {  	v3 =	vld [tilespmem:$0x10120];
	_ =	sdelay $0x4  }
0x7d: {  	v54 =	vshll.u32 v3, $0x2  }
0x7e: {  	v3 =	vand.u32 $0x7, v3;
	v4 =	vand.u32 $0xFFFFFFE0, v54  }
0x7f: {  	v3 =	vor.u32 v3, v4  }
0x80: {  	v4 =	vperm.xlane v3, v0;
	_ =	sdelay $0x1  }
0x81: {  	v4 =	vadd.s32 v1, v4;
	_ =	sdelay $0x1  }
0x82: {  	v3 =	vperm.xlane v3, v2;
	_ =	sdelay $0x1  }
0x83: {  	v3 =	vadd.s32 v1, v3  }
0x84: {  	[hbm4b:s3+s2] =	stream.indirect_vreg.scatter [tilespmem:s24], [sflag:$0x2], $0x80, v4, vm0, $0xb8;
	[tilespmem:$0x10200] =	vst v63  }
0x85: {  	_ = 	snop  }
0x86: {  	[hbm4b:s5+s2] =	stream.indirect_vreg.scatter [tilespmem:s26], [sflag:$0x2], $0x80, v4, vm0, $0xb8;
	[tilespmem:$0x10200] =	vst v63  }
0x87: {  	_ = 	snop  }
0x88: {  	[hbm4b:s3+s2] =	stream.indirect_vreg.scatter [tilespmem:s28], [sflag:$0x2], $0x80, v3, vm0, $0xb8;
	[tilespmem:$0x10200] =	vst v63  }
0x89: {  	_ = 	snop  }
0x8a: {  	[hbm4b:s5+s2] =	stream.indirect_vreg.scatter [tilespmem:s29], [sflag:$0x2], $0x80, v3, vm0, $0xb8;
	[tilespmem:$0x10200] =	vst v63  }
0x8b: {  	v3 =	vld [tilespmem:$0x10130];
	_ =	sdelay $0x4  }
0x8c: {  	v55 =	vshll.u32 v3, $0x2  }
0x8d: {  	v3 =	vand.u32 $0x7, v3;
	v4 =	vand.u32 $0xFFFFFFE0, v55  }
0x8e: {  	v3 =	vor.u32 v3, v4  }
0x8f: {  	v4 =	vperm.xlane v3, v0;
	_ =	sdelay $0x1  }
0x90: {  	v4 =	vadd.s32 v1, v4;
	_ =	sdelay $0x1  }
0x91: {  	v3 =	vperm.xlane v3, v2;
	_ =	sdelay $0x1  }
0x92: {  	v3 =	vadd.s32 v1, v3  }
0x93: {  	[hbm4b:s3+s2] =	stream.indirect_vreg.scatter [tilespmem:s30], [sflag:$0x2], $0x80, v4, vm0, $0xb8;
	[tilespmem:$0x10200] =	vst v63  }
0x94: {  	_ = 	snop  }
0x95: {  	[hbm4b:s5+s2] =	stream.indirect_vreg.scatter [tilespmem:s31], [sflag:$0x2], $0x80, v4, vm0, $0xb8;
	[tilespmem:$0x10200] =	vst v63  }
0x96: {  	_ = 	snop  }
0x97: {  	[hbm4b:s3+s2] =	stream.indirect_vreg.scatter [tilespmem:s1], [sflag:$0x2], $0x80, v3, vm0, $0xb8;
	[tilespmem:$0x10200] =	vst v63  }
0x98: {  	_ = 	snop  }
0x99: {  	[hbm4b:s5+s2] =	stream.indirect_vreg.scatter [tilespmem:s0], [sflag:$0x2], $0x80, v3, vm0, $0xb8;
	[tilespmem:$0x10200] =	vst v63  }
0x9a: {  	_ =	swait.ge [sflag:s25], $0x8000  }
0x9b: {  	[sflag:s25] =	ssyncset.done $0x0  }
0x9c: {  	[sflag:s25] =	ssyncadd.s32 $0xFFFF8000  }
0x9d: {  	_ =	swait.ge [sflag:s25], $0x8000  }
0x9e: {  	[sflag:s25] =	ssyncset.done $0x0  }
0x9f: {  	[sflag:s25] =	ssyncadd.s32 $0xFFFF8000  }
0xa0: {  	_ =	swait.ge [sflag:s8], $0x8000  }
0xa1: {  	[sflag:s8] =	ssyncset.done $0x0  }
0xa2: {  	[sflag:s8] =	ssyncadd.s32 $0xFFFF8000  }
0xa3: {  	v3 =	vld [tilespmem:$0x10080];
	_ =	sdelay $0x4  }
0xa4: {  	v56 =	vshll.u32 v3, $0x2  }
0xa5: {  	v3 =	vand.u32 $0x7, v3;
	v4 =	vand.u32 $0xFFFFFFE0, v56  }
0xa6: {  	v3 =	vor.u32 v3, v4  }
0xa7: {  	v4 =	vperm.xlane v3, v0;
	_ =	sdelay $0x1  }
0xa8: {  	v4 =	vadd.s32 v1, v4;
	_ =	sdelay $0x1  }
0xa9: {  	v3 =	vperm.xlane v3, v2;
	_ =	sdelay $0x1  }
0xaa: {  	v3 =	vadd.s32 v1, v3  }
0xab: {  	[hbm4b:s3+s2] =	stream.indirect_vreg.scatter [tilespmem:s9], [sflag:$0x2], $0x80, v4, vm0, $0xb8;
	[tilespmem:$0x10200] =	vst v63  }
0xac: {  	s0 =	simm.s32 $0x8800  }
0xad: {  	[hbm4b:s5+s2] =	stream.indirect_vreg.scatter [tilespmem:s0], [sflag:$0x2], $0x80, v4, vm0, $0xb8;
	[tilespmem:$0x10200] =	vst v63  }
0xae: {  	s1 =	simm.s32 $0x9000  }
0xaf: {  	[hbm4b:s3+s2] =	stream.indirect_vreg.scatter [tilespmem:s1], [sflag:$0x2], $0x80, v3, vm0, $0xb8;
	[tilespmem:$0x10200] =	vst v63  }
0xb0: {  	s17 =	simm.s32 $0x9800  }
0xb1: {  	[hbm4b:s5+s2] =	stream.indirect_vreg.scatter [tilespmem:s17], [sflag:$0x2], $0x80, v3, vm0, $0xb8;
	[tilespmem:$0x10200] =	vst v63  }
0xb2: {  	v3 =	vld [tilespmem:$0x10090];
	_ =	sdelay $0x4  }
0xb3: {  	v57 =	vshll.u32 v3, $0x2  }
0xb4: {  	v3 =	vand.u32 $0x7, v3;
	v4 =	vand.u32 $0xFFFFFFE0, v57  }
0xb5: {  	v3 =	vor.u32 v3, v4  }
0xb6: {  	v4 =	vperm.xlane v3, v0;
	_ =	sdelay $0x1  }
0xb7: {  	v4 =	vadd.s32 v1, v4;
	_ =	sdelay $0x1  }
0xb8: {  	v3 =	vperm.xlane v3, v2;
	_ =	sdelay $0x1  }
0xb9: {  	s18 =	simm.s32 $0xA000;
	v3 =	vadd.s32 v1, v3  }
0xba: {  	[hbm4b:s3+s2] =	stream.indirect_vreg.scatter [tilespmem:s18], [sflag:$0x2], $0x80, v4, vm0, $0xb8;
	[tilespmem:$0x10200] =	vst v63  }
0xbb: {  	s19 =	simm.s32 $0xA800  }
0xbc: {  	[hbm4b:s5+s2] =	stream.indirect_vreg.scatter [tilespmem:s19], [sflag:$0x2], $0x80, v4, vm0, $0xb8;
	[tilespmem:$0x10200] =	vst v63  }
0xbd: {  	s20 =	simm.s32 $0xB000  }
0xbe: {  	[hbm4b:s3+s2] =	stream.indirect_vreg.scatter [tilespmem:s20], [sflag:$0x2], $0x80, v3, vm0, $0xb8;
	[tilespmem:$0x10200] =	vst v63  }
0xbf: {  	s21 =	simm.s32 $0xB800  }
0xc0: {  	[hbm4b:s5+s2] =	stream.indirect_vreg.scatter [tilespmem:s21], [sflag:$0x2], $0x80, v3, vm0, $0xb8;
	[tilespmem:$0x10200] =	vst v63  }
0xc1: {  	v3 =	vld [tilespmem:$0x100A0];
	_ =	sdelay $0x4  }
0xc2: {  	v58 =	vshll.u32 v3, $0x2  }
0xc3: {  	v3 =	vand.u32 $0x7, v3;
	v4 =	vand.u32 $0xFFFFFFE0, v58  }
0xc4: {  	v3 =	vor.u32 v3, v4  }
0xc5: {  	v4 =	vperm.xlane v3, v0;
	_ =	sdelay $0x1  }
0xc6: {  	v4 =	vadd.s32 v1, v4;
	_ =	sdelay $0x1  }
0xc7: {  	v3 =	vperm.xlane v3, v2;
	_ =	sdelay $0x1  }
0xc8: {  	v3 =	vadd.s32 v1, v3  }
0xc9: {  	[hbm4b:s3+s2] =	stream.indirect_vreg.scatter [tilespmem:s4], [sflag:$0x2], $0x80, v4, vm0, $0xb8;
	[tilespmem:$0x10200] =	vst v63  }
0xca: {  	_ = 	snop  }
0xcb: {  	[hbm4b:s5+s2] =	stream.indirect_vreg.scatter [tilespmem:s10], [sflag:$0x2], $0x80, v4, vm0, $0xb8;
	[tilespmem:$0x10200] =	vst v63  }
0xcc: {  	_ = 	snop  }
0xcd: {  	[hbm4b:s3+s2] =	stream.indirect_vreg.scatter [tilespmem:s11], [sflag:$0x2], $0x80, v3, vm0, $0xb8;
	[tilespmem:$0x10200] =	vst v63  }
0xce: {  	_ = 	snop  }
0xcf: {  	[hbm4b:s5+s2] =	stream.indirect_vreg.scatter [tilespmem:s12], [sflag:$0x2], $0x80, v3, vm0, $0xb8;
	[tilespmem:$0x10200] =	vst v63  }
0xd0: {  	v3 =	vld [tilespmem:$0x100B0];
	_ =	sdelay $0x4  }
0xd1: {  	v59 =	vshll.u32 v3, $0x2  }
0xd2: {  	v3 =	vand.u32 $0x7, v3;
	v4 =	vand.u32 $0xFFFFFFE0, v59  }
0xd3: {  	v3 =	vor.u32 v3, v4  }
0xd4: {  	v4 =	vperm.xlane v3, v0;
	_ =	sdelay $0x1  }
0xd5: {  	v4 =	vadd.s32 v1, v4;
	_ =	sdelay $0x1  }
0xd6: {  	v3 =	vperm.xlane v3, v2;
	_ =	sdelay $0x1  }
0xd7: {  	v3 =	vadd.s32 v1, v3  }
0xd8: {  	[hbm4b:s3+s2] =	stream.indirect_vreg.scatter [tilespmem:s13], [sflag:$0x2], $0x80, v4, vm0, $0xb8;
	[tilespmem:$0x10200] =	vst v63  }
0xd9: {  	_ = 	snop  }
0xda: {  	[hbm4b:s5+s2] =	stream.indirect_vreg.scatter [tilespmem:s14], [sflag:$0x2], $0x80, v4, vm0, $0xb8;
	[tilespmem:$0x10200] =	vst v63  }
0xdb: {  	_ = 	snop  }
0xdc: {  	[hbm4b:s3+s2] =	stream.indirect_vreg.scatter [tilespmem:s15], [sflag:$0x2], $0x80, v3, vm0, $0xb8;
	[tilespmem:$0x10200] =	vst v63  }
0xdd: {  	_ = 	snop  }
0xde: {  	[hbm4b:s5+s2] =	stream.indirect_vreg.scatter [tilespmem:s16], [sflag:$0x2], $0x80, v3, vm0, $0xb8;
	[tilespmem:$0x10200] =	vst v63  }
0xdf: {  	v3 =	vld [tilespmem:$0x10180];
	_ =	sdelay $0x4  }
0xe0: {  	v60 =	vshll.u32 v3, $0x2  }
0xe1: {  	v3 =	vand.u32 $0x7, v3;
	v4 =	vand.u32 $0xFFFFFFE0, v60  }
0xe2: {  	v3 =	vor.u32 v3, v4  }
0xe3: {  	v4 =	vperm.xlane v3, v0;
	_ =	sdelay $0x1  }
0xe4: {  	v4 =	vadd.s32 v1, v4;
	_ =	sdelay $0x1  }
0xe5: {  	v3 =	vperm.xlane v3, v2;
	_ =	sdelay $0x1  }
0xe6: {  	v3 =	vadd.s32 v1, v3  }
0xe7: {  	[hbm4b:s3+s2] =	stream.indirect_vreg.scatter [tilespmem:s9], [sflag:$0x2], $0x80, v4, vm0, $0xb8;
	[tilespmem:$0x10200] =	vst v63  }
0xe8: {  	_ = 	snop  }
0xe9: {  	[hbm4b:s5+s2] =	stream.indirect_vreg.scatter [tilespmem:s0], [sflag:$0x2], $0x80, v4, vm0, $0xb8;
	[tilespmem:$0x10200] =	vst v63  }
0xea: {  	_ = 	snop  }
0xeb: {  	[hbm4b:s3+s2] =	stream.indirect_vreg.scatter [tilespmem:s1], [sflag:$0x2], $0x80, v3, vm0, $0xb8;
	[tilespmem:$0x10200] =	vst v63  }
0xec: {  	_ = 	snop  }
0xed: {  	[hbm4b:s5+s2] =	stream.indirect_vreg.scatter [tilespmem:s17], [sflag:$0x2], $0x80, v3, vm0, $0xb8;
	[tilespmem:$0x10200] =	vst v63  }
0xee: {  	v3 =	vld [tilespmem:$0x10190];
	_ =	sdelay $0x4  }
0xef: {  	v61 =	vshll.u32 v3, $0x2  }
0xf0: {  	v3 =	vand.u32 $0x7, v3;
	v4 =	vand.u32 $0xFFFFFFE0, v61  }
0xf1: {  	v3 =	vor.u32 v3, v4  }
0xf2: {  	v4 =	vperm.xlane v3, v0;
	_ =	sdelay $0x1  }
0xf3: {  	v4 =	vadd.s32 v1, v4;
	_ =	sdelay $0x1  }
0xf4: {  	v3 =	vperm.xlane v3, v2;
	_ =	sdelay $0x1  }
0xf5: {  	v3 =	vadd.s32 v1, v3  }
0xf6: {  	[hbm4b:s3+s2] =	stream.indirect_vreg.scatter [tilespmem:s18], [sflag:$0x2], $0x80, v4, vm0, $0xb8;
	[tilespmem:$0x10200] =	vst v63  }
0xf7: {  	_ = 	snop  }
0xf8: {  	[hbm4b:s5+s2] =	stream.indirect_vreg.scatter [tilespmem:s19], [sflag:$0x2], $0x80, v4, vm0, $0xb8;
	[tilespmem:$0x10200] =	vst v63  }
0xf9: {  	_ = 	snop  }
0xfa: {  	[hbm4b:s3+s2] =	stream.indirect_vreg.scatter [tilespmem:s20], [sflag:$0x2], $0x80, v3, vm0, $0xb8;
	[tilespmem:$0x10200] =	vst v63  }
0xfb: {  	_ = 	snop  }
0xfc: {  	[hbm4b:s5+s2] =	stream.indirect_vreg.scatter [tilespmem:s21], [sflag:$0x2], $0x80, v3, vm0, $0xb8;
	[tilespmem:$0x10200] =	vst v63  }
0xfd: {  	v3 =	vld [tilespmem:$0x101A0];
	_ =	sdelay $0x4  }
0xfe: {  	v62 =	vshll.u32 v3, $0x2  }
0xff: {  	v3 =	vand.u32 $0x7, v3;
	v4 =	vand.u32 $0xFFFFFFE0, v62  }
0x100: {  	v3 =	vor.u32 v3, v4  }
0x101: {  	v4 =	vperm.xlane v3, v0;
	_ =	sdelay $0x1  }
0x102: {  	v4 =	vadd.s32 v1, v4;
	_ =	sdelay $0x1  }
0x103: {  	v3 =	vperm.xlane v3, v2;
	_ =	sdelay $0x1  }
0x104: {  	v3 =	vadd.s32 v1, v3  }
0x105: {  	[hbm4b:s3+s2] =	stream.indirect_vreg.scatter [tilespmem:s4], [sflag:$0x2], $0x80, v4, vm0, $0xb8;
	[tilespmem:$0x10200] =	vst v63  }
0x106: {  	_ = 	snop  }
0x107: {  	[hbm4b:s5+s2] =	stream.indirect_vreg.scatter [tilespmem:s10], [sflag:$0x2], $0x80, v4, vm0, $0xb8;
	[tilespmem:$0x10200] =	vst v63  }
0x108: {  	_ = 	snop  }
0x109: {  	[hbm4b:s3+s2] =	stream.indirect_vreg.scatter [tilespmem:s11], [sflag:$0x2], $0x80, v3, vm0, $0xb8;
	[tilespmem:$0x10200] =	vst v63  }
0x10a: {  	_ = 	snop  }
0x10b: {  	[hbm4b:s5+s2] =	stream.indirect_vreg.scatter [tilespmem:s12], [sflag:$0x2], $0x80, v3, vm0, $0xb8;
	[tilespmem:$0x10200] =	vst v63  }
0x10c: {  	v3 =	vld [tilespmem:$0x101B0];
	_ =	sdelay $0x4  }
0x10d: {  	v63 =	vshll.u32 v3, $0x2  }
0x10e: {  	v3 =	vand.u32 $0x7, v3;
	v4 =	vand.u32 $0xFFFFFFE0, v63  }
0x10f: {  	v3 =	vor.u32 v3, v4  }
0x110: {  	v4 =	vperm.xlane v3, v0;
	_ =	sdelay $0x1  }
0x111: {  	v4 =	vadd.s32 v1, v4;
	_ =	sdelay $0x1  }
0x112: {  	v3 =	vperm.xlane v3, v2;
	_ =	sdelay $0x1  }
0x113: {  	v3 =	vadd.s32 v1, v3  }
0x114: {  	[hbm4b:s3+s2] =	stream.indirect_vreg.scatter [tilespmem:s13], [sflag:$0x2], $0x80, v4, vm0, $0xb8;
	[tilespmem:$0x10200] =	vst v63  }
0x115: {  	_ = 	snop  }
0x116: {  	[hbm4b:s5+s2] =	stream.indirect_vreg.scatter [tilespmem:s14], [sflag:$0x2], $0x80, v4, vm0, $0xb8;
	[tilespmem:$0x10200] =	vst v63  }
0x117: {  	_ = 	snop  }
0x118: {  	[hbm4b:s3+s2] =	stream.indirect_vreg.scatter [tilespmem:s15], [sflag:$0x2], $0x80, v3, vm0, $0xb8;
	[tilespmem:$0x10200] =	vst v63  }
0x119: {  	_ = 	snop  }
0x11a: {  	[hbm4b:s5+s2] =	stream.indirect_vreg.scatter [tilespmem:s16], [sflag:$0x2], $0x80, v3, vm0, $0xb8;
	[tilespmem:$0x10200] =	vst v63  }
0x11b: {  	p0 =	sne.s32 s6, $0x1;
	_ =	swait.ge [sflag:s25], $0x8000  }
.Ltmp0:
0x11c: {  	[sflag:s25] =	ssyncset.done $0x0;
	(pc) =	sbr.rel @p0 .LBB2_1-.Ltmp0, $4  }
0x11d: {  	[sflag:s25] =	ssyncadd.s32 $0xFFFF8000  }
0x11e: {  	_ =	swait.ge [sflag:s25], $0x8000  }
0x11f: {  	[sflag:s25] =	ssyncset.done $0x0  }
0x120: {  	s6 =	sadd.s32 $0xFFFFFFFF, s6;
	[sflag:s25] =	ssyncadd.s32 $0xFFFF8000  }
0x121: {  	_ =	sfence.sel $0x180000  }
0x122: {  	[bflag:$0x0] =	sbarrier.arrive $0xFFFF  }
0x123: {  	_ =	strace $0x90000047  }
0x124: {  	s0 =	stileid.u32;
	[bflag:$0x2] =	sbarrier.arrive $0xFFFF  }
0x125: {  	p0 =	sne.s32 s0, $0x0;
	s0 =	rddreg [dreg:$0x2]  }
0x126: {  	s0 =	sadd.s32 @!p0 $0x100000, s0  }
0x127: {  	[sflag:s0] =	ssyncadd.tile.s32 @!p0 $0x1;
	_ =	shalt  }
.Lfunc_end2:
_tile_overlayer_lowered:
.L_overlay_start_2:
0x128: {  	(tag) =	ssettag $0x2  }
0x129: {  	s0 =	rddreg [dreg:$0x0];
	s2 =	stileid.u32  }
0x12a: {  	s1 =	rddreg [dreg:$0x1];
	p0 =	sne.s32 s2, $0x0  }
0x12b: {  	s3 =	rddreg [dreg:$0x2];
	[bflag:$0x3] =	sbarrier.arrive $0xFFFF;
	s2 =	simm.s32 @!p0 $0x1C03  }
0x12c: {  	[timem:s3], [sflag:s2] =	dma.local @!p0 [hbm:s0], s1  }
0x12d: {  	s0 =	simm.s32 @!p0 $0x3  }
0x12e: {  	_ =	swait.ge @!p0 [sflag:s0], s1  }
0x12f: {  	s1 =	ssub.s32 @!p0 $0x0, s1;
	[sflag:s0] =	ssyncset.done @!p0 $0x0  }
0x130: {  	[sflag:s0] =	ssyncadd.s32 @!p0 s1  }
0x131: {  	[bflag:$0x3] =	sbarrier.arrive $0xFFFF  }
0x132: {  	_ =	shalt  }

// kernel: kernel.9.cloned.1.call-start
scs
__scs_entry_jumppad:
0x0: {  	(pc) =	sbr.rel $0x88, $3  }
0x1: {  	(tag) =	ssettag $0x0;
	lr =	simm.s32 $0x1  }
0x2: {  	[smem:$0x3F9C] =	sst lr;
	_ =	strace $0xD0000000  }
0x3: {  	_ = 	snop  }
0x4: {  	_ = 	snop  }
0x5: {  	_ = 	snop  }
0x6: {  	_ = 	snop  }
0x7: {  	_ = 	snop  }
__scs_overlays_trampoline_lowered:
0x8: {  	[smem:$0x3FAB] =	sst s0  }
0x9: {  	[smem:$0x3FAC] =	sst s1  }
0xa: {  	[smem:$0x3FAD] =	sst s2  }
0xb: {  	[smem:$0x3FAE] =	sst s3  }
0xc: {  	[smem:$0x3FAF] =	sst s4  }
0xd: {  	[smem:$0x3FB0] =	sst s5  }
0xe: {  	[smem:$0x3FB1] =	sst s6  }
0xf: {  	[smem:$0x3FB2] =	sst s7  }
0x10: {  	[smem:$0x3FB3] =	sst s8  }
0x11: {  	[smem:$0x3FB4] =	sst s9;
	s0 =	simm.s32 @!p0 $0x0  }
0x12: {  	s1 =	sld [smem:$0x3F9A];
	s0 =	simm.s32 @p0 $0x1  }
0x13: {  	[smem:$0x3FB5] =	sst s0;
	s0 =	simm.s32 @!p1 $0x0  }
0x14: {  	s2 =	sld [smem:$0x3F99];
	s0 =	simm.s32 @p1 $0x1  }
0x15: {  	[smem:$0x3FB6] =	sst s0;
	s0 =	simm.s32 @!p2 $0x0  }
0x16: {  	s3 =	sld [smem:$0x3FDB];
	s0 =	simm.s32 @p2 $0x1  }
0x17: {  	s4 =	simm.s32 $0x1BF5;
	[smem:$0x3FB8] =	sst s0  }
0x18: {  	s0 =	sld [smem:$0x3F9B];
	_ =	swait.ge [sflag:s4], $0x0  }
0x19: {  	s7 =	sld [smem:$0x3F9C]  }
0x1a: {  	s8 =	sadd.s32 $0xFFFFE003, lr  }
0x1b: {  	s9 =	sadd.s32 $0xFFFFFEF7, lr;
	s5 =	simm.s32 $0xFFFFFFFF;
	p2 =	slt.u32 s8, $0xFFFFF086  }
0x1c: {  	p1 =	slt.u32 s9, $0xF7A;
	s5 =	simm.s32 @!p2 $0x0  }
0x1d: {  	s5 =	simm.s32 @p1 $0x1;
	p0 =	seq.s32 s7, s2  }
0x1e: {  	s7 =	smul.u32 @!p0 $0xF7A, s2;
	p2 =	seq.s32 @!p0 s5, $0x0  }
0x1f: {  	s9 =	smul.u32 $0xF7A, s1;
	s8 =	simm.s32 @!p0 $0x1BF5;
	p2 =	por !p2, p0  }
0x20: {  	[sflag:s8] =	ssyncset.s32 @!p0 $0xFFFFF086;
	s6 =	sadd.s32 @!p0 s3, s7;
	s7 =	simm.s32 @!p0 $0x108  }
0x21: {  	s3 =	sadd.s32 s3, s9;
	s6 =	sadd.s32 @!p0 $0x88, s6;
	s7 =	simm.s32 @p2 $0x1082  }
0x22: {  	[simem:s7], [sflag:s8] =	dma.local @!p0 [hbm:s6], $0xF7A  }
0x23: {  	s9 =	sor.u32 $0xD0000000, s2;
	s6 =	simm.s32 $0x108;
	_ =	swait.ge @!p0 [sflag:s8], $0x0  }
0x24: {  	s3 =	sadd.s32 $0x88, s3;
	s6 =	simm.s32 @!p1 $0x1082;
	[sflag:s4] =	ssyncset.s32 $0xFFFFF086  }
0x25: {  	[simem:s6], [sflag:s4] =	dma.local [hbm:s3], $0xF7A  }
0x26: {  	[smem:$0x3F9C] =	sst s1;
	(tag) =	ssettag s2;
	_ =	strace s9  }
0x27: {  	s1 =	sld [smem:$0x3FAC]  }
0x28: {  	s2 =	sld [smem:$0x3FAD]  }
0x29: {  	s4 =	sld [smem:$0x3FAF]  }
0x2a: {  	p0 =	seq.s32 s5, $0x0;
	s5 =	sld [smem:$0x3FB0]  }
0x2b: {  	s6 =	sld [smem:$0x3FB1]  }
0x2c: {  	s7 =	sld [smem:$0x3FB2]  }
0x2d: {  	s3 =	simm.s32 $0x108;
	s8 =	sld [smem:$0x3FB3]  }
0x2e: {  	s3 =	simm.s32 @!p0 $0x1082;
	s9 =	sld [smem:$0x3FB4]  }
0x2f: {  	lr =	sadd.s32 s0, s3;
	s0 =	sld [smem:$0x3FAB]  }
0x30: {  	s3 =	sld [smem:$0x3FAE]  }
0x31: {  	[smem:$0x3FB7] =	sst s10  }
0x32: {  	s10 =	sld [smem:$0x3FB5];
	_ =	sdelay $0x3  }
0x33: {  	p0 =	seq.s32 s10, $0x1;
	s10 =	sld [smem:$0x3FB7];
	_ =	sdelay $0x3  }
0x34: {  	[smem:$0x3FB7] =	sst s10  }
0x35: {  	s10 =	sld [smem:$0x3FB6];
	_ =	sdelay $0x3  }
0x36: {  	p1 =	seq.s32 s10, $0x1;
	s10 =	sld [smem:$0x3FB7];
	_ =	sdelay $0x3  }
0x37: {  	[smem:$0x3FB7] =	sst s10  }
0x38: {  	s10 =	sld [smem:$0x3FB8]  }
0x39: {  	_ = 	snop;
	(pc) =	sbr.ind lr, $3  }
0x3a: {  	_ = 	snop  }
0x3b: {  	_ = 	snop  }
0x3c: {  	p2 =	seq.s32 s10, $0x1;
	s10 =	sld [smem:$0x3FB7]  }
0x3d: {  	_ =	shalt  }
0x3e: {  	_ =	shalt  }
0x3f: {  	_ =	shalt  }
0x40: {  	_ =	shalt  }
0x41: {  	_ =	shalt  }
0x42: {  	_ =	shalt  }
0x43: {  	_ =	shalt  }
0x44: {  	_ =	shalt  }
0x45: {  	_ =	shalt  }
0x46: {  	_ =	shalt  }
0x47: {  	_ =	shalt  }
0x48: {  	_ =	shalt  }
0x49: {  	_ =	shalt  }
0x4a: {  	_ =	shalt  }
0x4b: {  	_ =	shalt  }
0x4c: {  	_ =	shalt  }
0x4d: {  	_ =	shalt  }
0x4e: {  	_ =	shalt  }
0x4f: {  	_ =	shalt  }
0x50: {  	_ =	shalt  }
0x51: {  	_ =	shalt  }
0x52: {  	_ =	shalt  }
0x53: {  	_ =	shalt  }
0x54: {  	_ =	shalt  }
0x55: {  	_ =	shalt  }
0x56: {  	_ =	shalt  }
0x57: {  	_ =	shalt  }
0x58: {  	_ =	shalt  }
0x59: {  	_ =	shalt  }
0x5a: {  	_ =	shalt  }
0x5b: {  	_ =	shalt  }
0x5c: {  	_ =	shalt  }
0x5d: {  	_ =	shalt  }
0x5e: {  	_ =	shalt  }
0x5f: {  	_ =	shalt  }
0x60: {  	_ =	shalt  }
0x61: {  	_ =	shalt  }
0x62: {  	_ =	shalt  }
0x63: {  	_ =	shalt  }
0x64: {  	_ =	shalt  }
0x65: {  	_ =	shalt  }
0x66: {  	_ =	shalt  }
0x67: {  	_ =	shalt  }
0x68: {  	_ =	shalt  }
0x69: {  	_ =	shalt  }
0x6a: {  	_ =	shalt  }
0x6b: {  	_ =	shalt  }
0x6c: {  	_ =	shalt  }
0x6d: {  	_ =	shalt  }
0x6e: {  	_ =	shalt  }
0x6f: {  	_ =	shalt  }
0x70: {  	_ =	shalt  }
0x71: {  	_ =	shalt  }
0x72: {  	_ =	shalt  }
0x73: {  	_ =	shalt  }
0x74: {  	_ =	shalt  }
0x75: {  	_ =	shalt  }
0x76: {  	_ =	shalt  }
0x77: {  	_ =	shalt  }
0x78: {  	_ =	shalt  }
0x79: {  	_ =	shalt  }
0x7a: {  	_ =	shalt  }
0x7b: {  	_ =	shalt  }
0x7c: {  	_ =	shalt  }
0x7d: {  	_ =	shalt  }
0x7e: {  	_ =	shalt  }
0x7f: {  	_ =	shalt  }
0x80: {  	_ =	shalt  }
0x81: {  	_ =	shalt  }
0x82: {  	_ =	shalt  }
0x83: {  	_ =	shalt  }
0x84: {  	_ =	shalt  }
0x85: {  	_ =	shalt  }
0x86: {  	_ =	shalt  }
0x87: {  	_ =	shalt  }
.Lfunc_end0:
.L_simem_size_0:
called_computation.1_lowered:
.L_overlay_start_0:
0x88: {  	s2 =	sld [smem:$0x3FD9]  }
0x89: {  	s3 =	sld [smem:$0x3FFE];
	_ =	sdelay $0x1  }
0x8a: {  	s1 =	srdreg.scid  }
0x8b: {  	s0 =	sand.u32 $0x1, s1  }
0x8c: {  	s17 =	sshll.u32 s0, $0xA;
	s2 =	sadd.s32 s3, s2  }
0x8d: {  	s2 =	sadd.s32 s2, s17  }
0x8e: {  	[smem:$0x3FC3] =	sst s2  }
0x8f: {  	_ = 	snop  }
0x90: {  	s2 =	sld [smem:$0x3FD0];
	(tm) =	ssettm $0x1  }
0x91: {  	s18 =	sld [smem:$0x3FFB];
	_ =	sdelay $0x3  }
0x92: {  	_ =	strace s18  }
0x93: {  	s3 =	sld [smem:$0x3FFC];
	_ =	sdelay $0x3  }
0x94: {  	_ =	strace s3  }
0x95: {  	s3 =	sld [smem:$0x3FFD];
	_ =	sdelay $0x3  }
0x96: {  	_ =	strace s3  }
0x97: {  	_ =	strace $0x8FFFFFFF  }
0x98: {  	s19 =	sld [smem:$0x3FDB];
	_ =	sdelay $0x1  }
0x99: {  	s4 =	simm.s32 $_scs_section_size  }
0x9a: {  	s5 =	simm.s32 $_size__tile_overlayer_lowered;
	s6 =	simm.s32 $_tile_overlayer_lowered  }
0x9b: {  	s22 =	simm.s32 $0x1BFF;
	s21 =	sshll.u32 s6, $0x1;
	s3 =	sadd.s32 s4, s19  }
0x9c: {  	s7 =	simm.s32 $0x0;
	s20 =	sshll.u32 s5, $0x1;
	s5 =	sadd.s32 s21, s3  }
0x9d: {  	[timem:s7], [sflag:s22] =	dma.local [hbm:s5], s20  }
0x9e: {  	_ =	swait.ge [sflag:s22], s20  }
0x9f: {  	s4 =	ssub.s32 $0x0, s20;
	[sflag:s22] =	ssyncset.done $0x0  }
0xa0: {  	[sflag:s22] =	ssyncadd.s32 s4;
	_ =	sdelay $0x1  }
0xa1: {  	s23 =	simm.s32 $0x1B8B  }
0xa2: {  	_ =	swait.ge [sflag:s23], $0x1  }
0xa3: {  	[sflag:s23] =	ssyncset.done $0x0  }
0xa4: {  	s25 =	simm.s32 $0x1B8E;
	s24 =	sld [smem:$0x3FFE];
	[sflag:s23] =	ssyncadd.s32 $0xFFFFFFFF  }
0xa5: {  	s26 =	simm.s32 $execute0_lowered;
	[smem:$0x3FD2] =	sst s25  }
0xa6: {  	s5 =	sshll.u32 s26, $0x1;
	_ =	strace $0x80000049;
	[dreg:$0x1] =	wrdreg $0xFFFFFFFF  }
0xa7: {  	s28 =	simm.s32 $_size_execute0_lowered;
	s3 =	sadd.s32 s3, s5;
	[dreg:$0x0] =	wrdreg $0x0  }
0xa8: {  	s5 =	sshll.u32 s28, $0x1;
	[dreg:$0x2] =	wrdreg s3  }
0xa9: {  	[dreg:$0x3] =	wrdreg s5  }
0xaa: {  	[dreg:$0x4] =	wrdreg $0xC0  }
0xab: {  	_ =	task [dreg:s7], $0x5FFFF  }
0xac: {  	[dreg:$0x1] =	wrdreg $0xFFFFFFFF  }
0xad: {  	[dreg:$0x0] =	wrdreg $0x60  }
0xae: {  	[dreg:$0x2] =	wrdreg s24  }
0xaf: {  	[dreg:$0x3] =	wrdreg s2  }
0xb0: {  	[dreg:$0x4] =	wrdreg $0x9  }
0xb1: {  	_ =	task.clear_ibuf [dreg:s7], $0x5FFFF;
	_ =	strace $0x90000049  }
0xb2: {  	s29 =	simm.s32 $0x9;
	_ =	strace $0x8000004B  }
0xb3: {  	_ =	swait.ge [sflag:s29], $0x1  }
0xb4: {  	[sflag:s29] =	ssyncadd.s32 $0xFFFFFFFF  }
0xb5: {  	_ =	strace $0x9000004B  }
0xb6: {  	_ =	sfence  }
0xb7: {  	s30 =	sld [smem:$0x0];
	_ =	sdelay $0x2  }
0xb8: {  	s31 =	sshll.u32 s1, $0xD;
	s1 =	sshrl.u32 s1, $0x2  }
0xb9: {  	s3 =	sand.u32 $0x4000, s31;
	s1 =	sadd.s32 s1, s30  }
0xba: {  	s0 =	sor.u32 s3, s0;
	s1 =	sshll.u32 s1, $0x11  }
0xbb: {  	s0 =	sor.u32 s1, s0  }
0xbc: {  	s0 =	sadd.s32 $0x8F2B, s0  }
0xbd: {  	[sflag:s0] =	ssyncadd.remote.s32 $0x1  }
0xbe: {  	_ =	sfence.sel $0xFFFF  }
0xbf: {  	[dreg:$0x0] =	wrdreg $0xFFFFFFFF;
	(pc) =	sbr.abs _section_cstart, $3  }
0xc0: {  	[dreg:$0x1] =	wrdreg $0xFFFFFFFF  }
0xc1: {  	_ =	task.clear_ibuf [dreg:s7], $0x2FFFF;
	_ =	strace $0x9FFFFFFF  }
0xc2: {  	(tm) =	ssettm $0x7FFFFFFF  }
0xc3: {  	_ =	shalt  }
tec
execute0_lowered:
.L_overlay_start_1:
0x0: {  	(tag) =	ssettag $0x1  }
0x1: {  	s0 =	rddreg [dreg:$0x0]  }
0x2: {  	s1 =	srdreg.scid;
	s2 =	stileid.u32  }
0x3: {  	s3 =	rddreg [dreg:$0x1];
	s1 =	sand.u32 $0x1, s1;
	s4 =	sshll.u32 s2, $0x1  }
0x4: {  	s12 =	simm.s32 $0x1;
	s10 =	simm.s32 $0x10000;
	s5 =	sor.u32 s1, s4  }
0x5: {  	s28 =	simm.s32 $0x11800;
	s2 =	simm.s32 $0x0;
	s4 =	sshll.u32 s5, $0x4  }
0x6: {  	[smem:$0x7FF] =	sst s2;
	s5 =	sshll.u32 s5, $0xE;
	s7 =	sadd.s32 s0, s4  }
0x7: {  	_ =	strace $0x8000004A;
	s3 =	sadd.s32 s3, s5;
	[dreg:$0x3] =	wrdreg s7  }
0x8: {  	s29 =	simm.s32 $0x12000;
	s16 =	sadd.s32 $0x200, s7;
	[dreg:$0x7] =	wrdreg s3  }
0x9: {  	s30 =	simm.s32 $0x12800;
	s17 =	sadd.s32 $0xC0E00, s7;
	[dreg:$0x4] =	wrdreg s16  }
0xa: {  	s31 =	simm.s32 $0x13000;
	s18 =	sadd.s32 $0xC0C00, s7;
	[dreg:$0x5] =	wrdreg s17  }
0xb: {  	s8 =	sadd.s32 $0xC1100, s0;
	s19 =	sadd.s32 $0x800, s3;
	[dreg:$0x6] =	wrdreg s18  }
0xc: {  	s9 =	sadd.s32 $0xC1200, s0;
	s20 =	sadd.s32 $0x1000, s3;
	[dreg:$0x8] =	wrdreg s19  }
0xd: {  	s11 =	sadd.s32 $0xC1300, s0;
	s21 =	sadd.s32 $0x1800, s3;
	[dreg:$0x9] =	wrdreg s20  }
0xe: {  	s1 =	ssub.s32 $0x2, s1;
	s22 =	sadd.s32 $0x2000, s3;
	[dreg:$0xa] =	wrdreg s21  }
0xf: {  	s6 =	sshrl.u32 s1, $0x1;
	s23 =	sadd.s32 $0x2800, s3;
	[dreg:$0xb] =	wrdreg s22  }
0x10: {  	s4 =	sadd.s32 $0xC1000, s0;
	s24 =	sadd.s32 $0x3000, s3;
	[dreg:$0xc] =	wrdreg s23  }
0x11: {  	s1 =	ssub.s32 s1, s6;
	s25 =	sadd.s32 $0x3800, s3;
	[dreg:$0xd] =	wrdreg s24  }
0x12: {  	s0 =	simm.s32 $0x8000;
	s26 =	smax.u32 s1, $0x1;
	[dreg:$0xe] =	wrdreg s25  }
0x13: {  	s3 =	simm.s32 $0xF800;
	s1 =	simm.s32 $0x13800;
	[dreg:$0xf] =	wrdreg s26  }
0x14: {  	v2 =	vlaneseq.u32;
	s21 =	simm.s32 $0x4;
	s18 =	simm.s32 $0xE800;
	s19 =	simm.s32 $0xF000  }
0x15: {  	vm0 =	vmmov $0xffff;
	v1 =	vshrl.u32 v2, $0x3;
	s25 =	simm.s32 $0x10800;
	s26 =	simm.s32 $0x11000;
	s20 =	simm.s32 $0x2  }
0x16: {  	v0 =	vand.u32 $0x7, v2;
	v2 =	vor.u32 $0x8, v2;
	v1 =	vmul.u32 $0x8, v1;
	s22 =	simm.s32 $0x3;
	s23 =	simm.s32 $0x14000;
	s24 =	simm.s32 $0x0  }
.LBB2_1:
0x17: {  	s5 =	rddreg [dreg:$0x3];
	s6 =	simm.s32 $0x18000  }
0x18: {  	[tilespmem:s6], [sflag:$0x4] =	stream.linear.gather [hbm4b:s5+s2], $0x80, $0x38;
	[tilespmem:$0x18200] =	vst v63  }
0x19: {  	_ =	swait.ge [sflag:s21], $0x80  }
0x1a: {  	[sflag:s21] =	ssyncset.done $0x0  }
0x1b: {  	s13 =	simm.s32 $0x18080;
	s7 =	rddreg [dreg:$0x4];
	[sflag:s21] =	ssyncadd.s32 $0xFFFFFF80  }
0x1c: {  	[tilespmem:s13], [sflag:$0x4] =	stream.linear.gather [hbm4b:s7+s2], $0x80, $0x38;
	[tilespmem:$0x18200] =	vst v63  }
0x1d: {  	_ =	swait.ge [sflag:s21], $0x80  }
0x1e: {  	[sflag:s21] =	ssyncset.done $0x0  }
0x1f: {  	s15 =	simm.s32 $0x18100;
	s14 =	rddreg [dreg:$0x5];
	[sflag:s21] =	ssyncadd.s32 $0xFFFFFF80  }
0x20: {  	[tilespmem:s15], [sflag:$0x4] =	stream.linear.gather [hbm4b:s14+s2], $0x80, $0x38;
	[tilespmem:$0x18200] =	vst v63  }
0x21: {  	_ =	swait.ge [sflag:s21], $0x80  }
0x22: {  	[sflag:s21] =	ssyncset.done $0x0  }
0x23: {  	s17 =	simm.s32 $0x18180;
	s16 =	rddreg [dreg:$0x6];
	[sflag:s21] =	ssyncadd.s32 $0xFFFFFF80  }
0x24: {  	[tilespmem:s17], [sflag:$0x4] =	stream.linear.gather [hbm4b:s16+s2], $0x80, $0x38;
	[tilespmem:$0x18200] =	vst v63  }
0x25: {  	_ =	swait.ge [sflag:s21], $0x80  }
0x26: {  	[sflag:s21] =	ssyncset.done $0x0  }
0x27: {  	[sflag:s21] =	ssyncadd.s32 $0xFFFFFF80  }
0x28: {  	v3 =	vld [tilespmem:$0x18000];
	_ =	sdelay $0x4  }
0x29: {  	v4 =	vshll.u32 v3, $0x3  }
0x2a: {  	v3 =	vand.u32 $0x7, v3;
	v4 =	vand.u32 $0xFFFFFFC0, v4  }
0x2b: {  	v3 =	vor.u32 v3, v4  }
0x2c: {  	v4 =	vperm.xlane v3, v0;
	_ =	sdelay $0x1  }
0x2d: {  	v4 =	vadd.s32 v1, v4;
	_ =	sdelay $0x4  }
0x2e: {  	v5 =	vld [tilespmem:$0x18080];
	[tilespmem:s2], [sflag:$0x1] =	stream.indirect_vreg.gather [hbm4b:s4+s2], $0x80, v4, vm0, $0xb8  }
0x2f: {  	s7 =	simm.s32 $0x800;
	v3 =	vperm.xlane v3, v2  }
0x30: {  	[tilespmem:s7], [sflag:$0x1] =	stream.indirect_vreg.gather [hbm4b:s8+s2], $0x80, v4, vm0, $0xb8;
	[tilespmem:$0x18200] =	vst v63  }
0x31: {  	s13 =	simm.s32 $0x1000;
	v3 =	vadd.s32 v1, v3  }
0x32: {  	[tilespmem:s13], [sflag:$0x1] =	stream.indirect_vreg.gather [hbm4b:s9+s2], $0x80, v4, vm0, $0xb8;
	[tilespmem:$0x18200] =	vst v63  }
0x33: {  	s14 =	simm.s32 $0x1800  }
0x34: {  	[tilespmem:s14], [sflag:$0x1] =	stream.indirect_vreg.gather [hbm4b:s11+s2], $0x80, v4, vm0, $0xb8;
	v4 =	vshll.u32 v5, $0x3;
	[tilespmem:$0x18200] =	vst v63  }
0x35: {  	s15 =	simm.s32 $0x2000;
	v5 =	vand.u32 $0x7, v5;
	v4 =	vand.u32 $0xFFFFFFC0, v4  }
0x36: {  	[tilespmem:s15], [sflag:$0x1] =	stream.indirect_vreg.gather [hbm4b:s4+s2], $0x80, v3, vm0, $0xb8;
	v4 =	vor.u32 v5, v4;
	[tilespmem:$0x18200] =	vst v63  }
0x37: {  	s16 =	simm.s32 $0x2800;
	v5 =	vperm.xlane v4, v0  }
0x38: {  	[tilespmem:s16], [sflag:$0x1] =	stream.indirect_vreg.gather [hbm4b:s8+s2], $0x80, v3, vm0, $0xb8;
	[tilespmem:$0x18200] =	vst v63  }
0x39: {  	s17 =	simm.s32 $0x3000;
	v5 =	vadd.s32 v1, v5  }
0x3a: {  	[tilespmem:s17], [sflag:$0x1] =	stream.indirect_vreg.gather [hbm4b:s9+s2], $0x80, v3, vm0, $0xb8;
	[tilespmem:$0x18200] =	vst v63  }
0x3b: {  	s6 =	simm.s32 $0x3800  }
0x3c: {  	[tilespmem:s6], [sflag:$0x1] =	stream.indirect_vreg.gather [hbm4b:s11+s2], $0x80, v3, vm0, $0xb8;
	[tilespmem:$0x18200] =	vst v63  }
0x3d: {  	s7 =	simm.s32 $0x4000  }
0x3e: {  	[tilespmem:s7], [sflag:$0x1] =	stream.indirect_vreg.gather [hbm4b:s4+s2], $0x80, v5, vm0, $0xb8;
	[tilespmem:$0x18200] =	vst v63  }
0x3f: {  	s13 =	simm.s32 $0x4800;
	v3 =	vperm.xlane v4, v2  }
0x40: {  	[tilespmem:s13], [sflag:$0x1] =	stream.indirect_vreg.gather [hbm4b:s8+s2], $0x80, v5, vm0, $0xb8;
	[tilespmem:$0x18200] =	vst v63  }
0x41: {  	s14 =	simm.s32 $0x5000;
	v3 =	vadd.s32 v1, v3  }
0x42: {  	[tilespmem:s14], [sflag:$0x1] =	stream.indirect_vreg.gather [hbm4b:s9+s2], $0x80, v5, vm0, $0xb8;
	[tilespmem:$0x18200] =	vst v63  }
0x43: {  	s15 =	simm.s32 $0x5800  }
0x44: {  	[tilespmem:s15], [sflag:$0x1] =	stream.indirect_vreg.gather [hbm4b:s11+s2], $0x80, v5, vm0, $0xb8;
	[tilespmem:$0x18200] =	vst v63  }
0x45: {  	s16 =	simm.s32 $0x6000  }
0x46: {  	[tilespmem:s16], [sflag:$0x1] =	stream.indirect_vreg.gather [hbm4b:s4+s2], $0x80, v3, vm0, $0xb8;
	[tilespmem:$0x18200] =	vst v63  }
0x47: {  	s17 =	simm.s32 $0x6800  }
0x48: {  	[tilespmem:s17], [sflag:$0x1] =	stream.indirect_vreg.gather [hbm4b:s8+s2], $0x80, v3, vm0, $0xb8;
	[tilespmem:$0x18200] =	vst v63  }
0x49: {  	s6 =	simm.s32 $0x7000  }
0x4a: {  	[tilespmem:s6], [sflag:$0x1] =	stream.indirect_vreg.gather [hbm4b:s9+s2], $0x80, v3, vm0, $0xb8;
	[tilespmem:$0x18200] =	vst v63  }
0x4b: {  	s7 =	simm.s32 $0x7800  }
0x4c: {  	[tilespmem:s7], [sflag:$0x1] =	stream.indirect_vreg.gather [hbm4b:s11+s2], $0x80, v3, vm0, $0xb8;
	[tilespmem:$0x18200] =	vst v63  }
0x4d: {  	_ =	swait.ge [sflag:s12], $0x4000  }
0x4e: {  	[sflag:s12] =	ssyncset.done $0x0  }
0x4f: {  	[sflag:s12] =	ssyncadd.s32 $0xFFFFC000  }
0x50: {  	_ =	swait.ge [sflag:s12], $0x4000  }
0x51: {  	[sflag:s12] =	ssyncset.done $0x0  }
0x52: {  	[sflag:s12] =	ssyncadd.s32 $0xFFFFC000  }
0x53: {  	v3 =	vld [tilespmem:$0x18010];
	_ =	sdelay $0x4  }
0x54: {  	v4 =	vshll.u32 v3, $0x3  }
0x55: {  	v3 =	vand.u32 $0x7, v3;
	v4 =	vand.u32 $0xFFFFFFC0, v4  }
0x56: {  	v3 =	vor.u32 v3, v4  }
0x57: {  	v4 =	vperm.xlane v3, v0;
	_ =	sdelay $0x1  }
0x58: {  	v4 =	vadd.s32 v1, v4;
	_ =	sdelay $0x3  }
0x59: {  	s13 =	simm.s32 $0xC000  }
0x5a: {  	v5 =	vld [tilespmem:$0x18090];
	[tilespmem:s13], [sflag:$0x2] =	stream.indirect_vreg.gather [hbm4b:s4+s2], $0x80, v4, vm0, $0xb8  }
0x5b: {  	s14 =	simm.s32 $0xC800;
	v3 =	vperm.xlane v3, v2  }
0x5c: {  	[tilespmem:s14], [sflag:$0x2] =	stream.indirect_vreg.gather [hbm4b:s8+s2], $0x80, v4, vm0, $0xb8;
	[tilespmem:$0x18200] =	vst v63  }
0x5d: {  	s15 =	simm.s32 $0xD000;
	v3 =	vadd.s32 v1, v3  }
0x5e: {  	[tilespmem:s15], [sflag:$0x2] =	stream.indirect_vreg.gather [hbm4b:s9+s2], $0x80, v4, vm0, $0xb8;
	[tilespmem:$0x18200] =	vst v63  }
0x5f: {  	s16 =	simm.s32 $0xD800  }
0x60: {  	[tilespmem:s16], [sflag:$0x2] =	stream.indirect_vreg.gather [hbm4b:s11+s2], $0x80, v4, vm0, $0xb8;
	v4 =	vshll.u32 v5, $0x3;
	[tilespmem:$0x18200] =	vst v63  }
0x61: {  	s17 =	simm.s32 $0xE000;
	v5 =	vand.u32 $0x7, v5;
	v4 =	vand.u32 $0xFFFFFFC0, v4  }
0x62: {  	[tilespmem:s17], [sflag:$0x2] =	stream.indirect_vreg.gather [hbm4b:s4+s2], $0x80, v3, vm0, $0xb8;
	v4 =	vor.u32 v5, v4;
	[tilespmem:$0x18200] =	vst v63  }
0x63: {  	v5 =	vperm.xlane v4, v0  }
0x64: {  	[tilespmem:s18], [sflag:$0x2] =	stream.indirect_vreg.gather [hbm4b:s8+s2], $0x80, v3, vm0, $0xb8;
	[tilespmem:$0x18200] =	vst v63  }
0x65: {  	v5 =	vadd.s32 v1, v5  }
0x66: {  	[tilespmem:s19], [sflag:$0x2] =	stream.indirect_vreg.gather [hbm4b:s9+s2], $0x80, v3, vm0, $0xb8;
	[tilespmem:$0x18200] =	vst v63  }
0x67: {  	_ = 	snop  }
0x68: {  	[tilespmem:s3], [sflag:$0x2] =	stream.indirect_vreg.gather [hbm4b:s11+s2], $0x80, v3, vm0, $0xb8;
	[tilespmem:$0x18200] =	vst v63  }
0x69: {  	_ = 	snop  }
0x6a: {  	[tilespmem:s10], [sflag:$0x2] =	stream.indirect_vreg.gather [hbm4b:s4+s2], $0x80, v5, vm0, $0xb8;
	[tilespmem:$0x18200] =	vst v63  }
0x6b: {  	v3 =	vperm.xlane v4, v2  }
0x6c: {  	[tilespmem:s25], [sflag:$0x2] =	stream.indirect_vreg.gather [hbm4b:s8+s2], $0x80, v5, vm0, $0xb8;
	[tilespmem:$0x18200] =	vst v63  }
0x6d: {  	v3 =	vadd.s32 v1, v3  }
0x6e: {  	[tilespmem:s26], [sflag:$0x2] =	stream.indirect_vreg.gather [hbm4b:s9+s2], $0x80, v5, vm0, $0xb8;
	[tilespmem:$0x18200] =	vst v63  }
0x6f: {  	_ = 	snop  }
0x70: {  	[tilespmem:s28], [sflag:$0x2] =	stream.indirect_vreg.gather [hbm4b:s11+s2], $0x80, v5, vm0, $0xb8;
	[tilespmem:$0x18200] =	vst v63  }
0x71: {  	_ = 	snop  }
0x72: {  	[tilespmem:s29], [sflag:$0x2] =	stream.indirect_vreg.gather [hbm4b:s4+s2], $0x80, v3, vm0, $0xb8;
	[tilespmem:$0x18200] =	vst v63  }
0x73: {  	_ = 	snop  }
0x74: {  	[tilespmem:s30], [sflag:$0x2] =	stream.indirect_vreg.gather [hbm4b:s8+s2], $0x80, v3, vm0, $0xb8;
	[tilespmem:$0x18200] =	vst v63  }
0x75: {  	_ = 	snop  }
0x76: {  	[tilespmem:s31], [sflag:$0x2] =	stream.indirect_vreg.gather [hbm4b:s9+s2], $0x80, v3, vm0, $0xb8;
	[tilespmem:$0x18200] =	vst v63  }
0x77: {  	_ = 	snop  }
0x78: {  	[tilespmem:s1], [sflag:$0x2] =	stream.indirect_vreg.gather [hbm4b:s11+s2], $0x80, v3, vm0, $0xb8;
	[tilespmem:$0x18200] =	vst v63  }
0x79: {  	v3 =	vld [tilespmem:$0x18100]  }
0x7a: {  	s5 =	simm.s32 $0x0;
	s6 =	simm.s32 $0x0;
	s7 =	simm.s32 $0x0;
	v4 =	vld [tilespmem:$0x18180]  }
.LBB2_2:
0x7b: {  	s13 =	sshll.u32 s6, $0x2;
	s14 =	sand.u32 $0x7, s5  }
0x7c: {  	s13 =	sand.u32 $0xFFFF8000, s13;
	s14 =	sshll.u32 s14, $0x9  }
0x7d: {  	s13 =	sor.u32 s14, s13  }
0x7e: {  	s15 =	sshrl.u32 s13, $0x2  }
0x7f: {  	s13 =	sor.u32 $0x40, s15  }
0x80: {  	v5 =	vmov s7;
	s14 =	sadd.s32 $0x4040, s15;
	v7 =	vld [tilespmem:s13+$0xFFFFFFC0]  }
0x81: {  	v5 =	vand.u32 $0xF, v5;
	v8 =	vld [tilespmem:s14+$0xFFFFFFC0]  }
0x82: {  	v6 =	vbroadcast v5, $0x0;
	_ =	sdelay $0x1  }
0x83: {  	v5 =	vperm.xlane v3, v6;
	v6 =	vperm.xlane v4, v6;
	_ =	sdelay $0x1  }
0x84: {  	v7 =	vmul.f32 v7, v5;
	v8 =	vmul.f32 v8, v6;
	_ =	sdelay $0x1  }
0x85: {  	v7 =	vadd.f32 v8, v7  }
0x86: {  	s15 =	sadd.s32 $0x8040, s15  }
0x87: {  	[tilespmem:s15+$0xFFFFFFC0] =	vst v7  }
0x88: {  	v7 =	vld [tilespmem:s13+$0xFFFFFFD0]  }
0x89: {  	v8 =	vld [tilespmem:s14+$0xFFFFFFD0];
	_ =	sdelay $0x4  }
0x8a: {  	v7 =	vmul.f32 v7, v5;
	v8 =	vmul.f32 v8, v6;
	_ =	sdelay $0x1  }
0x8b: {  	v7 =	vadd.f32 v8, v7;
	_ =	sdelay $0x1  }
0x8c: {  	[tilespmem:s15+$0xFFFFFFD0] =	vst v7  }
0x8d: {  	v7 =	vld [tilespmem:s13+$0xFFFFFFE0]  }
0x8e: {  	v8 =	vld [tilespmem:s14+$0xFFFFFFE0];
	_ =	sdelay $0x4  }
0x8f: {  	v7 =	vmul.f32 v7, v5;
	v8 =	vmul.f32 v8, v6;
	_ =	sdelay $0x1  }
0x90: {  	v7 =	vadd.f32 v8, v7;
	_ =	sdelay $0x1  }
0x91: {  	[tilespmem:s15+$0xFFFFFFE0] =	vst v7  }
0x92: {  	v7 =	vld [tilespmem:s13+$0xFFFFFFF0]  }
0x93: {  	v8 =	vld [tilespmem:s14+$0xFFFFFFF0];
	_ =	sdelay $0x4  }
0x94: {  	v7 =	vmul.f32 v7, v5;
	v8 =	vmul.f32 v8, v6;
	_ =	sdelay $0x1  }
0x95: {  	v7 =	vadd.f32 v8, v7;
	_ =	sdelay $0x1  }
0x96: {  	[tilespmem:s15+$0xFFFFFFF0] =	vst v7  }
0x97: {  	v7 =	vld [tilespmem:s13+$0x0]  }
0x98: {  	v8 =	vld [tilespmem:s14+$0x0];
	_ =	sdelay $0x4  }
0x99: {  	v7 =	vmul.f32 v7, v5;
	v8 =	vmul.f32 v8, v6;
	_ =	sdelay $0x1  }
0x9a: {  	v7 =	vadd.f32 v8, v7;
	_ =	sdelay $0x1  }
0x9b: {  	[tilespmem:s15+$0x0] =	vst v7  }
0x9c: {  	v7 =	vld [tilespmem:s13+$0x10]  }
0x9d: {  	v8 =	vld [tilespmem:s14+$0x10];
	_ =	sdelay $0x4  }
0x9e: {  	v7 =	vmul.f32 v7, v5;
	v8 =	vmul.f32 v8, v6;
	_ =	sdelay $0x1  }
0x9f: {  	v7 =	vadd.f32 v8, v7;
	_ =	sdelay $0x1  }
0xa0: {  	[tilespmem:s15+$0x10] =	vst v7  }
0xa1: {  	v7 =	vld [tilespmem:s13+$0x20]  }
0xa2: {  	v8 =	vld [tilespmem:s14+$0x20];
	_ =	sdelay $0x4  }
0xa3: {  	v7 =	vmul.f32 v7, v5;
	v8 =	vmul.f32 v8, v6;
	_ =	sdelay $0x1  }
0xa4: {  	v7 =	vadd.f32 v8, v7;
	_ =	sdelay $0x1  }
0xa5: {  	[tilespmem:s15+$0x20] =	vst v7  }
0xa6: {  	v7 =	vld [tilespmem:s13+$0x30]  }
0xa7: {  	v8 =	vld [tilespmem:s14+$0x30]  }
0xa8: {  	s16 =	simm.s32 $0x0;
	s17 =	sadd.s32 $0x400, s15  }
.LBB2_3:
0xa9: {  	s16 =	sadd.s32 $0x8, s16;
	s13 =	sadd.s32 $0x400, s13;
	s14 =	sadd.s32 $0x400, s14  }
0xaa: {  	p0 =	slt.u32 s16, $0x38  }
0xab: {  	v7 =	vmul.f32 v7, v5  }
0xac: {  	v8 =	vmul.f32 v8, v6;
	_ =	sdelay $0x1  }
0xad: {  	v7 =	vadd.f32 v8, v7;
	_ =	sdelay $0x1  }
0xae: {  	[tilespmem:s15+$0x30] =	vst v7;
	s15 =	smov.u32 s17  }
0xaf: {  	v7 =	vld [tilespmem:s13+$0xFFFFFFC0]  }
0xb0: {  	v8 =	vld [tilespmem:s14+$0xFFFFFFC0];
	_ =	sdelay $0x4  }
0xb1: {  	v7 =	vmul.f32 v7, v5;
	v8 =	vmul.f32 v8, v6;
	_ =	sdelay $0x1  }
0xb2: {  	v7 =	vadd.f32 v8, v7;
	_ =	sdelay $0x1  }
0xb3: {  	[tilespmem:s17+$0xFFFFFFC0] =	vst v7  }
0xb4: {  	v7 =	vld [tilespmem:s13+$0xFFFFFFD0]  }
0xb5: {  	v8 =	vld [tilespmem:s14+$0xFFFFFFD0];
	_ =	sdelay $0x3  }
0xb6: {  	v7 =	vmul.f32 v7, v5  }
0xb7: {  	v8 =	vmul.f32 v8, v6;
	_ =	sdelay $0x1  }
0xb8: {  	v7 =	vadd.f32 v8, v7;
	_ =	sdelay $0x1  }
0xb9: {  	[tilespmem:s17+$0xFFFFFFD0] =	vst v7  }
0xba: {  	v7 =	vld [tilespmem:s13+$0xFFFFFFE0]  }
0xbb: {  	v8 =	vld [tilespmem:s14+$0xFFFFFFE0];
	_ =	sdelay $0x3  }
0xbc: {  	v7 =	vmul.f32 v7, v5  }
0xbd: {  	v8 =	vmul.f32 v8, v6;
	_ =	sdelay $0x1  }
0xbe: {  	v7 =	vadd.f32 v8, v7;
	_ =	sdelay $0x1  }
0xbf: {  	[tilespmem:s17+$0xFFFFFFE0] =	vst v7  }
0xc0: {  	v7 =	vld [tilespmem:s13+$0xFFFFFFF0]  }
0xc1: {  	v8 =	vld [tilespmem:s14+$0xFFFFFFF0];
	_ =	sdelay $0x3  }
0xc2: {  	v7 =	vmul.f32 v7, v5  }
0xc3: {  	v8 =	vmul.f32 v8, v6;
	_ =	sdelay $0x1  }
0xc4: {  	v7 =	vadd.f32 v8, v7;
	_ =	sdelay $0x1  }
0xc5: {  	[tilespmem:s17+$0xFFFFFFF0] =	vst v7  }
0xc6: {  	v7 =	vld [tilespmem:s13+$0x0]  }
0xc7: {  	v8 =	vld [tilespmem:s14+$0x0];
	_ =	sdelay $0x3  }
0xc8: {  	v7 =	vmul.f32 v7, v5  }
0xc9: {  	v8 =	vmul.f32 v8, v6;
	_ =	sdelay $0x1  }
0xca: {  	v7 =	vadd.f32 v8, v7;
	_ =	sdelay $0x1  }
0xcb: {  	[tilespmem:s17+$0x0] =	vst v7  }
0xcc: {  	v7 =	vld [tilespmem:s13+$0x10]  }
0xcd: {  	v8 =	vld [tilespmem:s14+$0x10];
	_ =	sdelay $0x3  }
0xce: {  	v7 =	vmul.f32 v7, v5  }
0xcf: {  	v8 =	vmul.f32 v8, v6;
	_ =	sdelay $0x1  }
0xd0: {  	v7 =	vadd.f32 v8, v7;
	_ =	sdelay $0x1  }
0xd1: {  	[tilespmem:s17+$0x10] =	vst v7  }
0xd2: {  	v7 =	vld [tilespmem:s13+$0x20]  }
0xd3: {  	v8 =	vld [tilespmem:s14+$0x20];
	_ =	sdelay $0x3  }
0xd4: {  	v7 =	vmul.f32 v7, v5  }
0xd5: {  	v8 =	vmul.f32 v8, v6;
	_ =	sdelay $0x1  }
0xd6: {  	v7 =	vadd.f32 v8, v7  }
.Ltmp0:
0xd7: {  	(pc) =	sbr.rel @p0 .LBB2_3-.Ltmp0, $4  }
0xd8: {  	[tilespmem:s17+$0x20] =	vst v7  }
0xd9: {  	v7 =	vld [tilespmem:s13+$0x30]  }
0xda: {  	v8 =	vld [tilespmem:s14+$0x30]  }
0xdb: {  	s17 =	sadd.s32 $0x400, s17  }
0xdc: {  	_ = 	snop  }
0xdd: {  	s7 =	sadd.s32 $0x1, s7  }
0xde: {  	p0 =	sne.s32 s7, $0x10  }
.Ltmp1:
0xdf: {  	v5 =	vmul.f32 v7, v5;
	v6 =	vmul.f32 v8, v6;
	(pc) =	sbr.rel @p0 .LBB2_2-.Ltmp1, $3  }
0xe0: {  	_ = 	snop  }
0xe1: {  	v5 =	vadd.f32 v6, v5;
	_ =	sdelay $0x1  }
0xe2: {  	s6 =	sadd.s32 $0x400, s6;
	s5 =	sadd.s32 $0x1, s5;
	[tilespmem:s15+$0x30] =	vst v5  }
0xe3: {  	s5 =	simm.s32 $0x0;
	s6 =	rddreg [dreg:$0x7]  }
0xe4: {  	[hbm4b:s6+s5] =	stream.linear.scatter [tilespmem:s0], [sflag:$0x3], $0x4000, $0x38;
	[tilespmem:$0x18200] =	vst v63  }
0xe5: {  	_ =	swait.ge [sflag:s20], $0x4000  }
0xe6: {  	[sflag:s20] =	ssyncset.done $0x0  }
0xe7: {  	[sflag:s20] =	ssyncadd.s32 $0xFFFFC000  }
0xe8: {  	_ =	swait.ge [sflag:s20], $0x4000  }
0xe9: {  	[sflag:s20] =	ssyncset.done $0x0  }
0xea: {  	[sflag:s20] =	ssyncadd.s32 $0xFFFFC000  }
0xeb: {  	v3 =	vld [tilespmem:$0x18020];
	_ =	sdelay $0x4  }
0xec: {  	v4 =	vshll.u32 v3, $0x3  }
0xed: {  	v3 =	vand.u32 $0x7, v3;
	v4 =	vand.u32 $0xFFFFFFC0, v4  }
0xee: {  	v3 =	vor.u32 v3, v4  }
0xef: {  	v4 =	vperm.xlane v3, v0;
	_ =	sdelay $0x1  }
0xf0: {  	v4 =	vadd.s32 v1, v4;
	_ =	sdelay $0x4  }
0xf1: {  	v5 =	vld [tilespmem:$0x180A0];
	[tilespmem:s5], [sflag:$0x1] =	stream.indirect_vreg.gather [hbm4b:s4+s5], $0x80, v4, vm0, $0xb8  }
0xf2: {  	s15 =	simm.s32 $0x800;
	v3 =	vperm.xlane v3, v2  }
0xf3: {  	[tilespmem:s15], [sflag:$0x1] =	stream.indirect_vreg.gather [hbm4b:s8+s5], $0x80, v4, vm0, $0xb8;
	[tilespmem:$0x18200] =	vst v63  }
0xf4: {  	s16 =	simm.s32 $0x1000;
	v3 =	vadd.s32 v1, v3  }
0xf5: {  	[tilespmem:s16], [sflag:$0x1] =	stream.indirect_vreg.gather [hbm4b:s9+s5], $0x80, v4, vm0, $0xb8;
	[tilespmem:$0x18200] =	vst v63  }
0xf6: {  	s17 =	simm.s32 $0x1800  }
0xf7: {  	[tilespmem:s17], [sflag:$0x1] =	stream.indirect_vreg.gather [hbm4b:s11+s5], $0x80, v4, vm0, $0xb8;
	v4 =	vshll.u32 v5, $0x3;
	[tilespmem:$0x18200] =	vst v63  }
0xf8: {  	s7 =	simm.s32 $0x2000;
	v5 =	vand.u32 $0x7, v5;
	v4 =	vand.u32 $0xFFFFFFC0, v4  }
0xf9: {  	[tilespmem:s7], [sflag:$0x1] =	stream.indirect_vreg.gather [hbm4b:s4+s5], $0x80, v3, vm0, $0xb8;
	v4 =	vor.u32 v5, v4;
	[tilespmem:$0x18200] =	vst v63  }
0xfa: {  	s13 =	simm.s32 $0x2800;
	v5 =	vperm.xlane v4, v0  }
0xfb: {  	[tilespmem:s13], [sflag:$0x1] =	stream.indirect_vreg.gather [hbm4b:s8+s5], $0x80, v3, vm0, $0xb8;
	[tilespmem:$0x18200] =	vst v63  }
0xfc: {  	s14 =	simm.s32 $0x3000;
	v5 =	vadd.s32 v1, v5  }
0xfd: {  	[tilespmem:s14], [sflag:$0x1] =	stream.indirect_vreg.gather [hbm4b:s9+s5], $0x80, v3, vm0, $0xb8;
	[tilespmem:$0x18200] =	vst v63  }
0xfe: {  	s15 =	simm.s32 $0x3800  }
0xff: {  	[tilespmem:s15], [sflag:$0x1] =	stream.indirect_vreg.gather [hbm4b:s11+s5], $0x80, v3, vm0, $0xb8;
	[tilespmem:$0x18200] =	vst v63  }
0x100: {  	s16 =	simm.s32 $0x4000  }
0x101: {  	[tilespmem:s16], [sflag:$0x1] =	stream.indirect_vreg.gather [hbm4b:s4+s5], $0x80, v5, vm0, $0xb8;
	[tilespmem:$0x18200] =	vst v63  }
0x102: {  	s17 =	simm.s32 $0x4800;
	v3 =	vperm.xlane v4, v2  }
0x103: {  	[tilespmem:s17], [sflag:$0x1] =	stream.indirect_vreg.gather [hbm4b:s8+s5], $0x80, v5, vm0, $0xb8;
	[tilespmem:$0x18200] =	vst v63  }
0x104: {  	s7 =	simm.s32 $0x5000;
	v3 =	vadd.s32 v1, v3  }
0x105: {  	[tilespmem:s7], [sflag:$0x1] =	stream.indirect_vreg.gather [hbm4b:s9+s5], $0x80, v5, vm0, $0xb8;
	[tilespmem:$0x18200] =	vst v63  }
0x106: {  	s13 =	simm.s32 $0x5800  }
0x107: {  	[tilespmem:s13], [sflag:$0x1] =	stream.indirect_vreg.gather [hbm4b:s11+s5], $0x80, v5, vm0, $0xb8;
	[tilespmem:$0x18200] =	vst v63  }
0x108: {  	s14 =	simm.s32 $0x6000  }
0x109: {  	[tilespmem:s14], [sflag:$0x1] =	stream.indirect_vreg.gather [hbm4b:s4+s5], $0x80, v3, vm0, $0xb8;
	[tilespmem:$0x18200] =	vst v63  }
0x10a: {  	s15 =	simm.s32 $0x6800  }
0x10b: {  	[tilespmem:s15], [sflag:$0x1] =	stream.indirect_vreg.gather [hbm4b:s8+s5], $0x80, v3, vm0, $0xb8;
	[tilespmem:$0x18200] =	vst v63  }
0x10c: {  	s16 =	simm.s32 $0x7000  }
0x10d: {  	[tilespmem:s16], [sflag:$0x1] =	stream.indirect_vreg.gather [hbm4b:s9+s5], $0x80, v3, vm0, $0xb8;
	[tilespmem:$0x18200] =	vst v63  }
0x10e: {  	s17 =	simm.s32 $0x7800  }
0x10f: {  	[tilespmem:s17], [sflag:$0x1] =	stream.indirect_vreg.gather [hbm4b:s11+s5], $0x80, v3, vm0, $0xb8;
	[tilespmem:$0x18200] =	vst v63  }
0x110: {  	_ =	swait.ge [sflag:s22], $0x4000  }
0x111: {  	[sflag:s22] =	ssyncset.done $0x0  }
0x112: {  	[sflag:s22] =	ssyncadd.s32 $0xFFFFC000  }
0x113: {  	v3 =	vld [tilespmem:$0x18110]  }
0x114: {  	s6 =	simm.s32 $0x0;
	s7 =	simm.s32 $0x0;
	v4 =	vld [tilespmem:$0x18190]  }
.LBB2_6:
0x115: {  	s13 =	sshll.u32 s6, $0x2;
	s14 =	sand.u32 $0x7, s5  }
0x116: {  	s13 =	sand.u32 $0xFFFF8000, s13;
	s14 =	sshll.u32 s14, $0x9  }
0x117: {  	s13 =	sor.u32 s14, s13  }
0x118: {  	s15 =	sshrl.u32 s13, $0x2  }
0x119: {  	s13 =	sadd.s32 $0xC040, s15  }
0x11a: {  	v5 =	vmov s7;
	s14 =	sadd.s32 $0x10040, s15;
	v7 =	vld [tilespmem:s13+$0xFFFFFFC0]  }
0x11b: {  	v5 =	vand.u32 $0xF, v5;
	v8 =	vld [tilespmem:s14+$0xFFFFFFC0]  }
0x11c: {  	v6 =	vbroadcast v5, $0x0;
	_ =	sdelay $0x1  }
0x11d: {  	v5 =	vperm.xlane v3, v6;
	v6 =	vperm.xlane v4, v6;
	_ =	sdelay $0x1  }
0x11e: {  	v7 =	vmul.f32 v7, v5;
	v8 =	vmul.f32 v8, v6;
	_ =	sdelay $0x1  }
0x11f: {  	v7 =	vadd.f32 v8, v7  }
0x120: {  	s15 =	sadd.s32 $0x14040, s15  }
0x121: {  	[tilespmem:s15+$0xFFFFFFC0] =	vst v7  }
0x122: {  	v7 =	vld [tilespmem:s13+$0xFFFFFFD0]  }
0x123: {  	v8 =	vld [tilespmem:s14+$0xFFFFFFD0];
	_ =	sdelay $0x4  }
0x124: {  	v7 =	vmul.f32 v7, v5;
	v8 =	vmul.f32 v8, v6;
	_ =	sdelay $0x1  }
0x125: {  	v7 =	vadd.f32 v8, v7;
	_ =	sdelay $0x1  }
0x126: {  	[tilespmem:s15+$0xFFFFFFD0] =	vst v7  }
0x127: {  	v7 =	vld [tilespmem:s13+$0xFFFFFFE0]  }
0x128: {  	v8 =	vld [tilespmem:s14+$0xFFFFFFE0];
	_ =	sdelay $0x4  }
0x129: {  	v7 =	vmul.f32 v7, v5;
	v8 =	vmul.f32 v8, v6;
	_ =	sdelay $0x1  }
0x12a: {  	v7 =	vadd.f32 v8, v7;
	_ =	sdelay $0x1  }
0x12b: {  	[tilespmem:s15+$0xFFFFFFE0] =	vst v7  }
0x12c: {  	v7 =	vld [tilespmem:s13+$0xFFFFFFF0]  }
0x12d: {  	v8 =	vld [tilespmem:s14+$0xFFFFFFF0];
	_ =	sdelay $0x4  }
0x12e: {  	v7 =	vmul.f32 v7, v5;
	v8 =	vmul.f32 v8, v6;
	_ =	sdelay $0x1  }
0x12f: {  	v7 =	vadd.f32 v8, v7;
	_ =	sdelay $0x1  }
0x130: {  	[tilespmem:s15+$0xFFFFFFF0] =	vst v7  }
0x131: {  	v7 =	vld [tilespmem:s13+$0x0]  }
0x132: {  	v8 =	vld [tilespmem:s14+$0x0];
	_ =	sdelay $0x4  }
0x133: {  	v7 =	vmul.f32 v7, v5;
	v8 =	vmul.f32 v8, v6;
	_ =	sdelay $0x1  }
0x134: {  	v7 =	vadd.f32 v8, v7;
	_ =	sdelay $0x1  }
0x135: {  	[tilespmem:s15+$0x0] =	vst v7  }
0x136: {  	v7 =	vld [tilespmem:s13+$0x10]  }
0x137: {  	v8 =	vld [tilespmem:s14+$0x10];
	_ =	sdelay $0x4  }
0x138: {  	v7 =	vmul.f32 v7, v5;
	v8 =	vmul.f32 v8, v6;
	_ =	sdelay $0x1  }
0x139: {  	v7 =	vadd.f32 v8, v7;
	_ =	sdelay $0x1  }
0x13a: {  	[tilespmem:s15+$0x10] =	vst v7  }
0x13b: {  	v7 =	vld [tilespmem:s13+$0x20]  }
0x13c: {  	v8 =	vld [tilespmem:s14+$0x20];
	_ =	sdelay $0x4  }
0x13d: {  	v7 =	vmul.f32 v7, v5;
	v8 =	vmul.f32 v8, v6;
	_ =	sdelay $0x1  }
0x13e: {  	v7 =	vadd.f32 v8, v7;
	_ =	sdelay $0x1  }
0x13f: {  	[tilespmem:s15+$0x20] =	vst v7  }
0x140: {  	v7 =	vld [tilespmem:s13+$0x30]  }
0x141: {  	v8 =	vld [tilespmem:s14+$0x30]  }
0x142: {  	s16 =	simm.s32 $0x0;
	s17 =	sadd.s32 $0x400, s15  }
.LBB2_7:
0x143: {  	s16 =	sadd.s32 $0x8, s16;
	s13 =	sadd.s32 $0x400, s13;
	s14 =	sadd.s32 $0x400, s14  }
0x144: {  	p0 =	slt.u32 s16, $0x38  }
0x145: {  	v7 =	vmul.f32 v7, v5  }
0x146: {  	v8 =	vmul.f32 v8, v6;
	_ =	sdelay $0x1  }
0x147: {  	v7 =	vadd.f32 v8, v7;
	_ =	sdelay $0x1  }
0x148: {  	[tilespmem:s15+$0x30] =	vst v7;
	s15 =	smov.u32 s17  }
0x149: {  	v7 =	vld [tilespmem:s13+$0xFFFFFFC0]  }
0x14a: {  	v8 =	vld [tilespmem:s14+$0xFFFFFFC0];
	_ =	sdelay $0x4  }
0x14b: {  	v7 =	vmul.f32 v7, v5;
	v8 =	vmul.f32 v8, v6;
	_ =	sdelay $0x1  }
0x14c: {  	v7 =	vadd.f32 v8, v7;
	_ =	sdelay $0x1  }
0x14d: {  	[tilespmem:s17+$0xFFFFFFC0] =	vst v7  }
0x14e: {  	v7 =	vld [tilespmem:s13+$0xFFFFFFD0]  }
0x14f: {  	v8 =	vld [tilespmem:s14+$0xFFFFFFD0];
	_ =	sdelay $0x3  }
0x150: {  	v7 =	vmul.f32 v7, v5  }
0x151: {  	v8 =	vmul.f32 v8, v6;
	_ =	sdelay $0x1  }
0x152: {  	v7 =	vadd.f32 v8, v7;
	_ =	sdelay $0x1  }
0x153: {  	[tilespmem:s17+$0xFFFFFFD0] =	vst v7  }
0x154: {  	v7 =	vld [tilespmem:s13+$0xFFFFFFE0]  }
0x155: {  	v8 =	vld [tilespmem:s14+$0xFFFFFFE0];
	_ =	sdelay $0x3  }
0x156: {  	v7 =	vmul.f32 v7, v5  }
0x157: {  	v8 =	vmul.f32 v8, v6;
	_ =	sdelay $0x1  }
0x158: {  	v7 =	vadd.f32 v8, v7;
	_ =	sdelay $0x1  }
0x159: {  	[tilespmem:s17+$0xFFFFFFE0] =	vst v7  }
0x15a: {  	v7 =	vld [tilespmem:s13+$0xFFFFFFF0]  }
0x15b: {  	v8 =	vld [tilespmem:s14+$0xFFFFFFF0];
	_ =	sdelay $0x3  }
0x15c: {  	v7 =	vmul.f32 v7, v5  }
0x15d: {  	v8 =	vmul.f32 v8, v6;
	_ =	sdelay $0x1  }
0x15e: {  	v7 =	vadd.f32 v8, v7;
	_ =	sdelay $0x1  }
0x15f: {  	[tilespmem:s17+$0xFFFFFFF0] =	vst v7  }
0x160: {  	v7 =	vld [tilespmem:s13+$0x0]  }
0x161: {  	v8 =	vld [tilespmem:s14+$0x0];
	_ =	sdelay $0x3  }
0x162: {  	v7 =	vmul.f32 v7, v5  }
0x163: {  	v8 =	vmul.f32 v8, v6;
	_ =	sdelay $0x1  }
0x164: {  	v7 =	vadd.f32 v8, v7;
	_ =	sdelay $0x1  }
0x165: {  	[tilespmem:s17+$0x0] =	vst v7  }
0x166: {  	v7 =	vld [tilespmem:s13+$0x10]  }
0x167: {  	v8 =	vld [tilespmem:s14+$0x10];
	_ =	sdelay $0x3  }
0x168: {  	v7 =	vmul.f32 v7, v5  }
0x169: {  	v8 =	vmul.f32 v8, v6;
	_ =	sdelay $0x1  }
0x16a: {  	v7 =	vadd.f32 v8, v7;
	_ =	sdelay $0x1  }
0x16b: {  	[tilespmem:s17+$0x10] =	vst v7  }
0x16c: {  	v7 =	vld [tilespmem:s13+$0x20]  }
0x16d: {  	v8 =	vld [tilespmem:s14+$0x20];
	_ =	sdelay $0x3  }
0x16e: {  	v7 =	vmul.f32 v7, v5  }
0x16f: {  	v8 =	vmul.f32 v8, v6;
	_ =	sdelay $0x1  }
0x170: {  	v7 =	vadd.f32 v8, v7  }
.Ltmp2:
0x171: {  	(pc) =	sbr.rel @p0 .LBB2_7-.Ltmp2, $4  }
0x172: {  	[tilespmem:s17+$0x20] =	vst v7  }
0x173: {  	v7 =	vld [tilespmem:s13+$0x30]  }
0x174: {  	v8 =	vld [tilespmem:s14+$0x30]  }
0x175: {  	s17 =	sadd.s32 $0x400, s17  }
0x176: {  	_ = 	snop  }
0x177: {  	s7 =	sadd.s32 $0x1, s7  }
0x178: {  	p0 =	sne.s32 s7, $0x10  }
.Ltmp3:
0x179: {  	v5 =	vmul.f32 v7, v5;
	v6 =	vmul.f32 v8, v6;
	(pc) =	sbr.rel @p0 .LBB2_6-.Ltmp3, $3  }
0x17a: {  	_ = 	snop  }
0x17b: {  	v5 =	vadd.f32 v6, v5;
	_ =	sdelay $0x1  }
0x17c: {  	s6 =	sadd.s32 $0x400, s6;
	s5 =	sadd.s32 $0x1, s5;
	[tilespmem:s15+$0x30] =	vst v5  }
0x17d: {  	s5 =	simm.s32 $0x0;
	s6 =	rddreg [dreg:$0x8]  }
0x17e: {  	[hbm4b:s6+s5] =	stream.linear.scatter [tilespmem:s23], [sflag:$0x3], $0x4000, $0x38;
	[tilespmem:$0x18200] =	vst v63  }
0x17f: {  	_ =	swait.ge [sflag:s12], $0x4000  }
0x180: {  	[sflag:s12] =	ssyncset.done $0x0  }
0x181: {  	[sflag:s12] =	ssyncadd.s32 $0xFFFFC000  }
0x182: {  	_ =	swait.ge [sflag:s12], $0x4000  }
0x183: {  	[sflag:s12] =	ssyncset.done $0x0  }
0x184: {  	[sflag:s12] =	ssyncadd.s32 $0xFFFFC000  }
0x185: {  	v3 =	vld [tilespmem:$0x18030];
	_ =	sdelay $0x4  }
0x186: {  	v4 =	vshll.u32 v3, $0x3  }
0x187: {  	v3 =	vand.u32 $0x7, v3;
	v4 =	vand.u32 $0xFFFFFFC0, v4  }
0x188: {  	v3 =	vor.u32 v3, v4  }
0x189: {  	v4 =	vperm.xlane v3, v0;
	_ =	sdelay $0x1  }
0x18a: {  	v4 =	vadd.s32 v1, v4;
	_ =	sdelay $0x3  }
0x18b: {  	s13 =	simm.s32 $0xC000  }
0x18c: {  	v5 =	vld [tilespmem:$0x180B0];
	[tilespmem:s13], [sflag:$0x2] =	stream.indirect_vreg.gather [hbm4b:s4+s5], $0x80, v4, vm0, $0xb8  }
0x18d: {  	s14 =	simm.s32 $0xC800;
	v3 =	vperm.xlane v3, v2  }
0x18e: {  	[tilespmem:s14], [sflag:$0x2] =	stream.indirect_vreg.gather [hbm4b:s8+s5], $0x80, v4, vm0, $0xb8;
	[tilespmem:$0x18200] =	vst v63  }
0x18f: {  	s15 =	simm.s32 $0xD000;
	v3 =	vadd.s32 v1, v3  }
0x190: {  	[tilespmem:s15], [sflag:$0x2] =	stream.indirect_vreg.gather [hbm4b:s9+s5], $0x80, v4, vm0, $0xb8;
	[tilespmem:$0x18200] =	vst v63  }
0x191: {  	s16 =	simm.s32 $0xD800  }
0x192: {  	[tilespmem:s16], [sflag:$0x2] =	stream.indirect_vreg.gather [hbm4b:s11+s5], $0x80, v4, vm0, $0xb8;
	v4 =	vshll.u32 v5, $0x3;
	[tilespmem:$0x18200] =	vst v63  }
0x193: {  	s17 =	simm.s32 $0xE000;
	v5 =	vand.u32 $0x7, v5;
	v4 =	vand.u32 $0xFFFFFFC0, v4  }
0x194: {  	[tilespmem:s17], [sflag:$0x2] =	stream.indirect_vreg.gather [hbm4b:s4+s5], $0x80, v3, vm0, $0xb8;
	v4 =	vor.u32 v5, v4;
	[tilespmem:$0x18200] =	vst v63  }
0x195: {  	v5 =	vperm.xlane v4, v0  }
0x196: {  	[tilespmem:s18], [sflag:$0x2] =	stream.indirect_vreg.gather [hbm4b:s8+s5], $0x80, v3, vm0, $0xb8;
	[tilespmem:$0x18200] =	vst v63  }
0x197: {  	v5 =	vadd.s32 v1, v5  }
0x198: {  	[tilespmem:s19], [sflag:$0x2] =	stream.indirect_vreg.gather [hbm4b:s9+s5], $0x80, v3, vm0, $0xb8;
	[tilespmem:$0x18200] =	vst v63  }
0x199: {  	_ = 	snop  }
0x19a: {  	[tilespmem:s3], [sflag:$0x2] =	stream.indirect_vreg.gather [hbm4b:s11+s5], $0x80, v3, vm0, $0xb8;
	[tilespmem:$0x18200] =	vst v63  }
0x19b: {  	_ = 	snop  }
0x19c: {  	[tilespmem:s10], [sflag:$0x2] =	stream.indirect_vreg.gather [hbm4b:s4+s5], $0x80, v5, vm0, $0xb8;
	[tilespmem:$0x18200] =	vst v63  }
0x19d: {  	v3 =	vperm.xlane v4, v2  }
0x19e: {  	[tilespmem:s25], [sflag:$0x2] =	stream.indirect_vreg.gather [hbm4b:s8+s5], $0x80, v5, vm0, $0xb8;
	[tilespmem:$0x18200] =	vst v63  }
0x19f: {  	v3 =	vadd.s32 v1, v3  }
0x1a0: {  	[tilespmem:s26], [sflag:$0x2] =	stream.indirect_vreg.gather [hbm4b:s9+s5], $0x80, v5, vm0, $0xb8;
	[tilespmem:$0x18200] =	vst v63  }
0x1a1: {  	_ = 	snop  }
0x1a2: {  	[tilespmem:s28], [sflag:$0x2] =	stream.indirect_vreg.gather [hbm4b:s11+s5], $0x80, v5, vm0, $0xb8;
	[tilespmem:$0x18200] =	vst v63  }
0x1a3: {  	_ = 	snop  }
0x1a4: {  	[tilespmem:s29], [sflag:$0x2] =	stream.indirect_vreg.gather [hbm4b:s4+s5], $0x80, v3, vm0, $0xb8;
	[tilespmem:$0x18200] =	vst v63  }
0x1a5: {  	_ = 	snop  }
0x1a6: {  	[tilespmem:s30], [sflag:$0x2] =	stream.indirect_vreg.gather [hbm4b:s8+s5], $0x80, v3, vm0, $0xb8;
	[tilespmem:$0x18200] =	vst v63  }
0x1a7: {  	_ = 	snop  }
0x1a8: {  	[tilespmem:s31], [sflag:$0x2] =	stream.indirect_vreg.gather [hbm4b:s9+s5], $0x80, v3, vm0, $0xb8;
	[tilespmem:$0x18200] =	vst v63  }
0x1a9: {  	_ = 	snop  }
0x1aa: {  	[tilespmem:s1], [sflag:$0x2] =	stream.indirect_vreg.gather [hbm4b:s11+s5], $0x80, v3, vm0, $0xb8;
	[tilespmem:$0x18200] =	vst v63  }
0x1ab: {  	_ =	swait.ge [sflag:s22], $0x4000  }
0x1ac: {  	[sflag:s22] =	ssyncset.done $0x0  }
0x1ad: {  	[sflag:s22] =	ssyncadd.s32 $0xFFFFC000  }
0x1ae: {  	v3 =	vld [tilespmem:$0x18120]  }
0x1af: {  	s7 =	simm.s32 $0x0;
	s6 =	simm.s32 $0x0;
	v4 =	vld [tilespmem:$0x181A0]  }
.LBB2_10:
0x1b0: {  	s13 =	sshll.u32 s6, $0x2;
	s14 =	sand.u32 $0x7, s5  }
0x1b1: {  	s13 =	sand.u32 $0xFFFF8000, s13;
	s14 =	sshll.u32 s14, $0x9  }
0x1b2: {  	s13 =	sor.u32 s14, s13  }
0x1b3: {  	s15 =	sshrl.u32 s13, $0x2  }
0x1b4: {  	s13 =	sor.u32 $0x40, s15  }
0x1b5: {  	v5 =	vmov s7;
	s14 =	sadd.s32 $0x4040, s15;
	v7 =	vld [tilespmem:s13+$0xFFFFFFC0]  }
0x1b6: {  	v5 =	vand.u32 $0xF, v5;
	v8 =	vld [tilespmem:s14+$0xFFFFFFC0]  }
0x1b7: {  	v6 =	vbroadcast v5, $0x0;
	_ =	sdelay $0x1  }
0x1b8: {  	v5 =	vperm.xlane v3, v6;
	v6 =	vperm.xlane v4, v6;
	_ =	sdelay $0x1  }
0x1b9: {  	v7 =	vmul.f32 v7, v5;
	v8 =	vmul.f32 v8, v6;
	_ =	sdelay $0x1  }
0x1ba: {  	v7 =	vadd.f32 v8, v7  }
0x1bb: {  	s15 =	sadd.s32 $0x8040, s15  }
0x1bc: {  	[tilespmem:s15+$0xFFFFFFC0] =	vst v7  }
0x1bd: {  	v7 =	vld [tilespmem:s13+$0xFFFFFFD0]  }
0x1be: {  	v8 =	vld [tilespmem:s14+$0xFFFFFFD0];
	_ =	sdelay $0x4  }
0x1bf: {  	v7 =	vmul.f32 v7, v5;
	v8 =	vmul.f32 v8, v6;
	_ =	sdelay $0x1  }
0x1c0: {  	v7 =	vadd.f32 v8, v7;
	_ =	sdelay $0x1  }
0x1c1: {  	[tilespmem:s15+$0xFFFFFFD0] =	vst v7  }
0x1c2: {  	v7 =	vld [tilespmem:s13+$0xFFFFFFE0]  }
0x1c3: {  	v8 =	vld [tilespmem:s14+$0xFFFFFFE0];
	_ =	sdelay $0x4  }
0x1c4: {  	v7 =	vmul.f32 v7, v5;
	v8 =	vmul.f32 v8, v6;
	_ =	sdelay $0x1  }
0x1c5: {  	v7 =	vadd.f32 v8, v7;
	_ =	sdelay $0x1  }
0x1c6: {  	[tilespmem:s15+$0xFFFFFFE0] =	vst v7  }
0x1c7: {  	v7 =	vld [tilespmem:s13+$0xFFFFFFF0]  }
0x1c8: {  	v8 =	vld [tilespmem:s14+$0xFFFFFFF0];
	_ =	sdelay $0x4  }
0x1c9: {  	v7 =	vmul.f32 v7, v5;
	v8 =	vmul.f32 v8, v6;
	_ =	sdelay $0x1  }
0x1ca: {  	v7 =	vadd.f32 v8, v7;
	_ =	sdelay $0x1  }
0x1cb: {  	[tilespmem:s15+$0xFFFFFFF0] =	vst v7  }
0x1cc: {  	v7 =	vld [tilespmem:s13+$0x0]  }
0x1cd: {  	v8 =	vld [tilespmem:s14+$0x0];
	_ =	sdelay $0x4  }
0x1ce: {  	v7 =	vmul.f32 v7, v5;
	v8 =	vmul.f32 v8, v6;
	_ =	sdelay $0x1  }
0x1cf: {  	v7 =	vadd.f32 v8, v7;
	_ =	sdelay $0x1  }
0x1d0: {  	[tilespmem:s15+$0x0] =	vst v7  }
0x1d1: {  	v7 =	vld [tilespmem:s13+$0x10]  }
0x1d2: {  	v8 =	vld [tilespmem:s14+$0x10];
	_ =	sdelay $0x4  }
0x1d3: {  	v7 =	vmul.f32 v7, v5;
	v8 =	vmul.f32 v8, v6;
	_ =	sdelay $0x1  }
0x1d4: {  	v7 =	vadd.f32 v8, v7;
	_ =	sdelay $0x1  }
0x1d5: {  	[tilespmem:s15+$0x10] =	vst v7  }
0x1d6: {  	v7 =	vld [tilespmem:s13+$0x20]  }
0x1d7: {  	v8 =	vld [tilespmem:s14+$0x20];
	_ =	sdelay $0x4  }
0x1d8: {  	v7 =	vmul.f32 v7, v5;
	v8 =	vmul.f32 v8, v6;
	_ =	sdelay $0x1  }
0x1d9: {  	v7 =	vadd.f32 v8, v7;
	_ =	sdelay $0x1  }
0x1da: {  	[tilespmem:s15+$0x20] =	vst v7  }
0x1db: {  	v7 =	vld [tilespmem:s13+$0x30]  }
0x1dc: {  	v8 =	vld [tilespmem:s14+$0x30]  }
0x1dd: {  	s16 =	simm.s32 $0x0;
	s17 =	sadd.s32 $0x400, s15  }
.LBB2_11:
0x1de: {  	s16 =	sadd.s32 $0x8, s16;
	s13 =	sadd.s32 $0x400, s13;
	s14 =	sadd.s32 $0x400, s14  }
0x1df: {  	p0 =	slt.u32 s16, $0x38  }
0x1e0: {  	v7 =	vmul.f32 v7, v5  }
0x1e1: {  	v8 =	vmul.f32 v8, v6;
	_ =	sdelay $0x1  }
0x1e2: {  	v7 =	vadd.f32 v8, v7;
	_ =	sdelay $0x1  }
0x1e3: {  	[tilespmem:s15+$0x30] =	vst v7;
	s15 =	smov.u32 s17  }
0x1e4: {  	v7 =	vld [tilespmem:s13+$0xFFFFFFC0]  }
0x1e5: {  	v8 =	vld [tilespmem:s14+$0xFFFFFFC0];
	_ =	sdelay $0x4  }
0x1e6: {  	v7 =	vmul.f32 v7, v5;
	v8 =	vmul.f32 v8, v6;
	_ =	sdelay $0x1  }
0x1e7: {  	v7 =	vadd.f32 v8, v7;
	_ =	sdelay $0x1  }
0x1e8: {  	[tilespmem:s17+$0xFFFFFFC0] =	vst v7  }
0x1e9: {  	v7 =	vld [tilespmem:s13+$0xFFFFFFD0]  }
0x1ea: {  	v8 =	vld [tilespmem:s14+$0xFFFFFFD0];
	_ =	sdelay $0x3  }
0x1eb: {  	v7 =	vmul.f32 v7, v5  }
0x1ec: {  	v8 =	vmul.f32 v8, v6;
	_ =	sdelay $0x1  }
0x1ed: {  	v7 =	vadd.f32 v8, v7;
	_ =	sdelay $0x1  }
0x1ee: {  	[tilespmem:s17+$0xFFFFFFD0] =	vst v7  }
0x1ef: {  	v7 =	vld [tilespmem:s13+$0xFFFFFFE0]  }
0x1f0: {  	v8 =	vld [tilespmem:s14+$0xFFFFFFE0];
	_ =	sdelay $0x3  }
0x1f1: {  	v7 =	vmul.f32 v7, v5  }
0x1f2: {  	v8 =	vmul.f32 v8, v6;
	_ =	sdelay $0x1  }
0x1f3: {  	v7 =	vadd.f32 v8, v7;
	_ =	sdelay $0x1  }
0x1f4: {  	[tilespmem:s17+$0xFFFFFFE0] =	vst v7  }
0x1f5: {  	v7 =	vld [tilespmem:s13+$0xFFFFFFF0]  }
0x1f6: {  	v8 =	vld [tilespmem:s14+$0xFFFFFFF0];
	_ =	sdelay $0x3  }
0x1f7: {  	v7 =	vmul.f32 v7, v5  }
0x1f8: {  	v8 =	vmul.f32 v8, v6;
	_ =	sdelay $0x1  }
0x1f9: {  	v7 =	vadd.f32 v8, v7;
	_ =	sdelay $0x1  }
0x1fa: {  	[tilespmem:s17+$0xFFFFFFF0] =	vst v7  }
0x1fb: {  	v7 =	vld [tilespmem:s13+$0x0]  }
0x1fc: {  	v8 =	vld [tilespmem:s14+$0x0];
	_ =	sdelay $0x3  }
0x1fd: {  	v7 =	vmul.f32 v7, v5  }
0x1fe: {  	v8 =	vmul.f32 v8, v6;
	_ =	sdelay $0x1  }
0x1ff: {  	v7 =	vadd.f32 v8, v7;
	_ =	sdelay $0x1  }
0x200: {  	[tilespmem:s17+$0x0] =	vst v7  }
0x201: {  	v7 =	vld [tilespmem:s13+$0x10]  }
0x202: {  	v8 =	vld [tilespmem:s14+$0x10];
	_ =	sdelay $0x3  }
0x203: {  	v7 =	vmul.f32 v7, v5  }
0x204: {  	v8 =	vmul.f32 v8, v6;
	_ =	sdelay $0x1  }
0x205: {  	v7 =	vadd.f32 v8, v7;
	_ =	sdelay $0x1  }
0x206: {  	[tilespmem:s17+$0x10] =	vst v7  }
0x207: {  	v7 =	vld [tilespmem:s13+$0x20]  }
0x208: {  	v8 =	vld [tilespmem:s14+$0x20];
	_ =	sdelay $0x3  }
0x209: {  	v7 =	vmul.f32 v7, v5  }
0x20a: {  	v8 =	vmul.f32 v8, v6;
	_ =	sdelay $0x1  }
0x20b: {  	v7 =	vadd.f32 v8, v7  }
.Ltmp4:
0x20c: {  	(pc) =	sbr.rel @p0 .LBB2_11-.Ltmp4, $4  }
0x20d: {  	[tilespmem:s17+$0x20] =	vst v7  }
0x20e: {  	v7 =	vld [tilespmem:s13+$0x30]  }
0x20f: {  	v8 =	vld [tilespmem:s14+$0x30]  }
0x210: {  	s17 =	sadd.s32 $0x400, s17  }
0x211: {  	_ = 	snop  }
0x212: {  	s7 =	sadd.s32 $0x1, s7  }
0x213: {  	p0 =	sne.s32 s7, $0x10  }
.Ltmp5:
0x214: {  	v5 =	vmul.f32 v7, v5;
	v6 =	vmul.f32 v8, v6;
	(pc) =	sbr.rel @p0 .LBB2_10-.Ltmp5, $3  }
0x215: {  	_ = 	snop  }
0x216: {  	v5 =	vadd.f32 v6, v5;
	_ =	sdelay $0x1  }
0x217: {  	s6 =	sadd.s32 $0x400, s6;
	s5 =	sadd.s32 $0x1, s5;
	[tilespmem:s15+$0x30] =	vst v5  }
0x218: {  	s5 =	simm.s32 $0x0;
	s6 =	rddreg [dreg:$0x9]  }
0x219: {  	[hbm4b:s6+s5] =	stream.linear.scatter [tilespmem:s0], [sflag:$0x3], $0x4000, $0x38;
	[tilespmem:$0x18200] =	vst v63  }
0x21a: {  	_ =	swait.ge [sflag:s20], $0x4000  }
0x21b: {  	[sflag:s20] =	ssyncset.done $0x0  }
0x21c: {  	[sflag:s20] =	ssyncadd.s32 $0xFFFFC000  }
0x21d: {  	_ =	swait.ge [sflag:s20], $0x4000  }
0x21e: {  	[sflag:s20] =	ssyncset.done $0x0  }
0x21f: {  	[sflag:s20] =	ssyncadd.s32 $0xFFFFC000  }
0x220: {  	v3 =	vld [tilespmem:$0x18040];
	_ =	sdelay $0x4  }
0x221: {  	v4 =	vshll.u32 v3, $0x3  }
0x222: {  	v3 =	vand.u32 $0x7, v3;
	v4 =	vand.u32 $0xFFFFFFC0, v4  }
0x223: {  	v3 =	vor.u32 v3, v4  }
0x224: {  	v4 =	vperm.xlane v3, v0;
	_ =	sdelay $0x1  }
0x225: {  	v4 =	vadd.s32 v1, v4;
	_ =	sdelay $0x4  }
0x226: {  	v5 =	vld [tilespmem:$0x180C0];
	[tilespmem:s5], [sflag:$0x1] =	stream.indirect_vreg.gather [hbm4b:s4+s5], $0x80, v4, vm0, $0xb8  }
0x227: {  	s15 =	simm.s32 $0x800;
	v3 =	vperm.xlane v3, v2  }
0x228: {  	[tilespmem:s15], [sflag:$0x1] =	stream.indirect_vreg.gather [hbm4b:s8+s5], $0x80, v4, vm0, $0xb8;
	[tilespmem:$0x18200] =	vst v63  }
0x229: {  	s16 =	simm.s32 $0x1000;
	v3 =	vadd.s32 v1, v3  }
0x22a: {  	[tilespmem:s16], [sflag:$0x1] =	stream.indirect_vreg.gather [hbm4b:s9+s5], $0x80, v4, vm0, $0xb8;
	[tilespmem:$0x18200] =	vst v63  }
0x22b: {  	s17 =	simm.s32 $0x1800  }
0x22c: {  	[tilespmem:s17], [sflag:$0x1] =	stream.indirect_vreg.gather [hbm4b:s11+s5], $0x80, v4, vm0, $0xb8;
	v4 =	vshll.u32 v5, $0x3;
	[tilespmem:$0x18200] =	vst v63  }
0x22d: {  	s7 =	simm.s32 $0x2000;
	v5 =	vand.u32 $0x7, v5;
	v4 =	vand.u32 $0xFFFFFFC0, v4  }
0x22e: {  	[tilespmem:s7], [sflag:$0x1] =	stream.indirect_vreg.gather [hbm4b:s4+s5], $0x80, v3, vm0, $0xb8;
	v4 =	vor.u32 v5, v4;
	[tilespmem:$0x18200] =	vst v63  }
0x22f: {  	s13 =	simm.s32 $0x2800;
	v5 =	vperm.xlane v4, v0  }
0x230: {  	[tilespmem:s13], [sflag:$0x1] =	stream.indirect_vreg.gather [hbm4b:s8+s5], $0x80, v3, vm0, $0xb8;
	[tilespmem:$0x18200] =	vst v63  }
0x231: {  	s14 =	simm.s32 $0x3000;
	v5 =	vadd.s32 v1, v5  }
0x232: {  	[tilespmem:s14], [sflag:$0x1] =	stream.indirect_vreg.gather [hbm4b:s9+s5], $0x80, v3, vm0, $0xb8;
	[tilespmem:$0x18200] =	vst v63  }
0x233: {  	s15 =	simm.s32 $0x3800  }
0x234: {  	[tilespmem:s15], [sflag:$0x1] =	stream.indirect_vreg.gather [hbm4b:s11+s5], $0x80, v3, vm0, $0xb8;
	[tilespmem:$0x18200] =	vst v63  }
0x235: {  	s16 =	simm.s32 $0x4000  }
0x236: {  	[tilespmem:s16], [sflag:$0x1] =	stream.indirect_vreg.gather [hbm4b:s4+s5], $0x80, v5, vm0, $0xb8;
	[tilespmem:$0x18200] =	vst v63  }
0x237: {  	s17 =	simm.s32 $0x4800;
	v3 =	vperm.xlane v4, v2  }
0x238: {  	[tilespmem:s17], [sflag:$0x1] =	stream.indirect_vreg.gather [hbm4b:s8+s5], $0x80, v5, vm0, $0xb8;
	[tilespmem:$0x18200] =	vst v63  }
0x239: {  	s7 =	simm.s32 $0x5000;
	v3 =	vadd.s32 v1, v3  }
0x23a: {  	[tilespmem:s7], [sflag:$0x1] =	stream.indirect_vreg.gather [hbm4b:s9+s5], $0x80, v5, vm0, $0xb8;
	[tilespmem:$0x18200] =	vst v63  }
0x23b: {  	s13 =	simm.s32 $0x5800  }
0x23c: {  	[tilespmem:s13], [sflag:$0x1] =	stream.indirect_vreg.gather [hbm4b:s11+s5], $0x80, v5, vm0, $0xb8;
	[tilespmem:$0x18200] =	vst v63  }
0x23d: {  	s14 =	simm.s32 $0x6000  }
0x23e: {  	[tilespmem:s14], [sflag:$0x1] =	stream.indirect_vreg.gather [hbm4b:s4+s5], $0x80, v3, vm0, $0xb8;
	[tilespmem:$0x18200] =	vst v63  }
0x23f: {  	s15 =	simm.s32 $0x6800  }
0x240: {  	[tilespmem:s15], [sflag:$0x1] =	stream.indirect_vreg.gather [hbm4b:s8+s5], $0x80, v3, vm0, $0xb8;
	[tilespmem:$0x18200] =	vst v63  }
0x241: {  	s16 =	simm.s32 $0x7000  }
0x242: {  	[tilespmem:s16], [sflag:$0x1] =	stream.indirect_vreg.gather [hbm4b:s9+s5], $0x80, v3, vm0, $0xb8;
	[tilespmem:$0x18200] =	vst v63  }
0x243: {  	s17 =	simm.s32 $0x7800  }
0x244: {  	[tilespmem:s17], [sflag:$0x1] =	stream.indirect_vreg.gather [hbm4b:s11+s5], $0x80, v3, vm0, $0xb8;
	[tilespmem:$0x18200] =	vst v63  }
0x245: {  	_ =	swait.ge [sflag:s22], $0x4000  }
0x246: {  	[sflag:s22] =	ssyncset.done $0x0  }
0x247: {  	[sflag:s22] =	ssyncadd.s32 $0xFFFFC000  }
0x248: {  	v3 =	vld [tilespmem:$0x18130]  }
0x249: {  	s6 =	simm.s32 $0x0;
	s7 =	simm.s32 $0x0;
	v4 =	vld [tilespmem:$0x181B0]  }
.LBB2_14:
0x24a: {  	s13 =	sshll.u32 s6, $0x2;
	s14 =	sand.u32 $0x7, s5  }
0x24b: {  	s13 =	sand.u32 $0xFFFF8000, s13;
	s14 =	sshll.u32 s14, $0x9  }
0x24c: {  	s13 =	sor.u32 s14, s13  }
0x24d: {  	s15 =	sshrl.u32 s13, $0x2  }
0x24e: {  	s13 =	sadd.s32 $0xC040, s15  }
0x24f: {  	v5 =	vmov s7;
	s14 =	sadd.s32 $0x10040, s15;
	v7 =	vld [tilespmem:s13+$0xFFFFFFC0]  }
0x250: {  	v5 =	vand.u32 $0xF, v5;
	v8 =	vld [tilespmem:s14+$0xFFFFFFC0]  }
0x251: {  	v6 =	vbroadcast v5, $0x0;
	_ =	sdelay $0x1  }
0x252: {  	v5 =	vperm.xlane v3, v6;
	v6 =	vperm.xlane v4, v6;
	_ =	sdelay $0x1  }
0x253: {  	v7 =	vmul.f32 v7, v5;
	v8 =	vmul.f32 v8, v6;
	_ =	sdelay $0x1  }
0x254: {  	v7 =	vadd.f32 v8, v7  }
0x255: {  	s15 =	sadd.s32 $0x14040, s15  }
0x256: {  	[tilespmem:s15+$0xFFFFFFC0] =	vst v7  }
0x257: {  	v7 =	vld [tilespmem:s13+$0xFFFFFFD0]  }
0x258: {  	v8 =	vld [tilespmem:s14+$0xFFFFFFD0];
	_ =	sdelay $0x4  }
0x259: {  	v7 =	vmul.f32 v7, v5;
	v8 =	vmul.f32 v8, v6;
	_ =	sdelay $0x1  }
0x25a: {  	v7 =	vadd.f32 v8, v7;
	_ =	sdelay $0x1  }
0x25b: {  	[tilespmem:s15+$0xFFFFFFD0] =	vst v7  }
0x25c: {  	v7 =	vld [tilespmem:s13+$0xFFFFFFE0]  }
0x25d: {  	v8 =	vld [tilespmem:s14+$0xFFFFFFE0];
	_ =	sdelay $0x4  }
0x25e: {  	v7 =	vmul.f32 v7, v5;
	v8 =	vmul.f32 v8, v6;
	_ =	sdelay $0x1  }
0x25f: {  	v7 =	vadd.f32 v8, v7;
	_ =	sdelay $0x1  }
0x260: {  	[tilespmem:s15+$0xFFFFFFE0] =	vst v7  }
0x261: {  	v7 =	vld [tilespmem:s13+$0xFFFFFFF0]  }
0x262: {  	v8 =	vld [tilespmem:s14+$0xFFFFFFF0];
	_ =	sdelay $0x4  }
0x263: {  	v7 =	vmul.f32 v7, v5;
	v8 =	vmul.f32 v8, v6;
	_ =	sdelay $0x1  }
0x264: {  	v7 =	vadd.f32 v8, v7;
	_ =	sdelay $0x1  }
0x265: {  	[tilespmem:s15+$0xFFFFFFF0] =	vst v7  }
0x266: {  	v7 =	vld [tilespmem:s13+$0x0]  }
0x267: {  	v8 =	vld [tilespmem:s14+$0x0];
	_ =	sdelay $0x4  }
0x268: {  	v7 =	vmul.f32 v7, v5;
	v8 =	vmul.f32 v8, v6;
	_ =	sdelay $0x1  }
0x269: {  	v7 =	vadd.f32 v8, v7;
	_ =	sdelay $0x1  }
0x26a: {  	[tilespmem:s15+$0x0] =	vst v7  }
0x26b: {  	v7 =	vld [tilespmem:s13+$0x10]  }
0x26c: {  	v8 =	vld [tilespmem:s14+$0x10];
	_ =	sdelay $0x4  }
0x26d: {  	v7 =	vmul.f32 v7, v5;
	v8 =	vmul.f32 v8, v6;
	_ =	sdelay $0x1  }
0x26e: {  	v7 =	vadd.f32 v8, v7;
	_ =	sdelay $0x1  }
0x26f: {  	[tilespmem:s15+$0x10] =	vst v7  }
0x270: {  	v7 =	vld [tilespmem:s13+$0x20]  }
0x271: {  	v8 =	vld [tilespmem:s14+$0x20];
	_ =	sdelay $0x4  }
0x272: {  	v7 =	vmul.f32 v7, v5;
	v8 =	vmul.f32 v8, v6;
	_ =	sdelay $0x1  }
0x273: {  	v7 =	vadd.f32 v8, v7;
	_ =	sdelay $0x1  }
0x274: {  	[tilespmem:s15+$0x20] =	vst v7  }
0x275: {  	v7 =	vld [tilespmem:s13+$0x30]  }
0x276: {  	v8 =	vld [tilespmem:s14+$0x30]  }
0x277: {  	s16 =	simm.s32 $0x0;
	s17 =	sadd.s32 $0x400, s15  }
.LBB2_15:
0x278: {  	s16 =	sadd.s32 $0x8, s16;
	s13 =	sadd.s32 $0x400, s13;
	s14 =	sadd.s32 $0x400, s14  }
0x279: {  	p0 =	slt.u32 s16, $0x38  }
0x27a: {  	v7 =	vmul.f32 v7, v5  }
0x27b: {  	v8 =	vmul.f32 v8, v6;
	_ =	sdelay $0x1  }
0x27c: {  	v7 =	vadd.f32 v8, v7;
	_ =	sdelay $0x1  }
0x27d: {  	[tilespmem:s15+$0x30] =	vst v7;
	s15 =	smov.u32 s17  }
0x27e: {  	v7 =	vld [tilespmem:s13+$0xFFFFFFC0]  }
0x27f: {  	v8 =	vld [tilespmem:s14+$0xFFFFFFC0];
	_ =	sdelay $0x4  }
0x280: {  	v7 =	vmul.f32 v7, v5;
	v8 =	vmul.f32 v8, v6;
	_ =	sdelay $0x1  }
0x281: {  	v7 =	vadd.f32 v8, v7;
	_ =	sdelay $0x1  }
0x282: {  	[tilespmem:s17+$0xFFFFFFC0] =	vst v7  }
0x283: {  	v7 =	vld [tilespmem:s13+$0xFFFFFFD0]  }
0x284: {  	v8 =	vld [tilespmem:s14+$0xFFFFFFD0];
	_ =	sdelay $0x3  }
0x285: {  	v7 =	vmul.f32 v7, v5  }
0x286: {  	v8 =	vmul.f32 v8, v6;
	_ =	sdelay $0x1  }
0x287: {  	v7 =	vadd.f32 v8, v7;
	_ =	sdelay $0x1  }
0x288: {  	[tilespmem:s17+$0xFFFFFFD0] =	vst v7  }
0x289: {  	v7 =	vld [tilespmem:s13+$0xFFFFFFE0]  }
0x28a: {  	v8 =	vld [tilespmem:s14+$0xFFFFFFE0];
	_ =	sdelay $0x3  }
0x28b: {  	v7 =	vmul.f32 v7, v5  }
0x28c: {  	v8 =	vmul.f32 v8, v6;
	_ =	sdelay $0x1  }
0x28d: {  	v7 =	vadd.f32 v8, v7;
	_ =	sdelay $0x1  }
0x28e: {  	[tilespmem:s17+$0xFFFFFFE0] =	vst v7  }
0x28f: {  	v7 =	vld [tilespmem:s13+$0xFFFFFFF0]  }
0x290: {  	v8 =	vld [tilespmem:s14+$0xFFFFFFF0];
	_ =	sdelay $0x3  }
0x291: {  	v7 =	vmul.f32 v7, v5  }
0x292: {  	v8 =	vmul.f32 v8, v6;
	_ =	sdelay $0x1  }
0x293: {  	v7 =	vadd.f32 v8, v7;
	_ =	sdelay $0x1  }
0x294: {  	[tilespmem:s17+$0xFFFFFFF0] =	vst v7  }
0x295: {  	v7 =	vld [tilespmem:s13+$0x0]  }
0x296: {  	v8 =	vld [tilespmem:s14+$0x0];
	_ =	sdelay $0x3  }
0x297: {  	v7 =	vmul.f32 v7, v5  }
0x298: {  	v8 =	vmul.f32 v8, v6;
	_ =	sdelay $0x1  }
0x299: {  	v7 =	vadd.f32 v8, v7;
	_ =	sdelay $0x1  }
0x29a: {  	[tilespmem:s17+$0x0] =	vst v7  }
0x29b: {  	v7 =	vld [tilespmem:s13+$0x10]  }
0x29c: {  	v8 =	vld [tilespmem:s14+$0x10];
	_ =	sdelay $0x3  }
0x29d: {  	v7 =	vmul.f32 v7, v5  }
0x29e: {  	v8 =	vmul.f32 v8, v6;
	_ =	sdelay $0x1  }
0x29f: {  	v7 =	vadd.f32 v8, v7;
	_ =	sdelay $0x1  }
0x2a0: {  	[tilespmem:s17+$0x10] =	vst v7  }
0x2a1: {  	v7 =	vld [tilespmem:s13+$0x20]  }
0x2a2: {  	v8 =	vld [tilespmem:s14+$0x20];
	_ =	sdelay $0x3  }
0x2a3: {  	v7 =	vmul.f32 v7, v5  }
0x2a4: {  	v8 =	vmul.f32 v8, v6;
	_ =	sdelay $0x1  }
0x2a5: {  	v7 =	vadd.f32 v8, v7  }
.Ltmp6:
0x2a6: {  	(pc) =	sbr.rel @p0 .LBB2_15-.Ltmp6, $4  }
0x2a7: {  	[tilespmem:s17+$0x20] =	vst v7  }
0x2a8: {  	v7 =	vld [tilespmem:s13+$0x30]  }
0x2a9: {  	v8 =	vld [tilespmem:s14+$0x30]  }
0x2aa: {  	s17 =	sadd.s32 $0x400, s17  }
0x2ab: {  	_ = 	snop  }
0x2ac: {  	s7 =	sadd.s32 $0x1, s7  }
0x2ad: {  	p0 =	sne.s32 s7, $0x10  }
.Ltmp7:
0x2ae: {  	v5 =	vmul.f32 v7, v5;
	v6 =	vmul.f32 v8, v6;
	(pc) =	sbr.rel @p0 .LBB2_14-.Ltmp7, $3  }
0x2af: {  	_ = 	snop  }
0x2b0: {  	v5 =	vadd.f32 v6, v5;
	_ =	sdelay $0x1  }
0x2b1: {  	s6 =	sadd.s32 $0x400, s6;
	s5 =	sadd.s32 $0x1, s5;
	[tilespmem:s15+$0x30] =	vst v5  }
0x2b2: {  	s5 =	simm.s32 $0x0;
	s6 =	rddreg [dreg:$0xa]  }
0x2b3: {  	[hbm4b:s6+s5] =	stream.linear.scatter [tilespmem:s23], [sflag:$0x3], $0x4000, $0x38;
	[tilespmem:$0x18200] =	vst v63  }
0x2b4: {  	_ =	swait.ge [sflag:s12], $0x4000  }
0x2b5: {  	[sflag:s12] =	ssyncset.done $0x0  }
0x2b6: {  	[sflag:s12] =	ssyncadd.s32 $0xFFFFC000  }
0x2b7: {  	_ =	swait.ge [sflag:s12], $0x4000  }
0x2b8: {  	[sflag:s12] =	ssyncset.done $0x0  }
0x2b9: {  	[sflag:s12] =	ssyncadd.s32 $0xFFFFC000  }
0x2ba: {  	v3 =	vld [tilespmem:$0x18050];
	_ =	sdelay $0x4  }
0x2bb: {  	v4 =	vshll.u32 v3, $0x3  }
0x2bc: {  	v3 =	vand.u32 $0x7, v3;
	v4 =	vand.u32 $0xFFFFFFC0, v4  }
0x2bd: {  	v3 =	vor.u32 v3, v4  }
0x2be: {  	v4 =	vperm.xlane v3, v0;
	_ =	sdelay $0x1  }
0x2bf: {  	v4 =	vadd.s32 v1, v4;
	_ =	sdelay $0x3  }
0x2c0: {  	s13 =	simm.s32 $0xC000  }
0x2c1: {  	v5 =	vld [tilespmem:$0x180D0];
	[tilespmem:s13], [sflag:$0x2] =	stream.indirect_vreg.gather [hbm4b:s4+s5], $0x80, v4, vm0, $0xb8  }
0x2c2: {  	s14 =	simm.s32 $0xC800;
	v3 =	vperm.xlane v3, v2  }
0x2c3: {  	[tilespmem:s14], [sflag:$0x2] =	stream.indirect_vreg.gather [hbm4b:s8+s5], $0x80, v4, vm0, $0xb8;
	[tilespmem:$0x18200] =	vst v63  }
0x2c4: {  	s15 =	simm.s32 $0xD000;
	v3 =	vadd.s32 v1, v3  }
0x2c5: {  	[tilespmem:s15], [sflag:$0x2] =	stream.indirect_vreg.gather [hbm4b:s9+s5], $0x80, v4, vm0, $0xb8;
	[tilespmem:$0x18200] =	vst v63  }
0x2c6: {  	s16 =	simm.s32 $0xD800  }
0x2c7: {  	[tilespmem:s16], [sflag:$0x2] =	stream.indirect_vreg.gather [hbm4b:s11+s5], $0x80, v4, vm0, $0xb8;
	v4 =	vshll.u32 v5, $0x3;
	[tilespmem:$0x18200] =	vst v63  }
0x2c8: {  	s17 =	simm.s32 $0xE000;
	v5 =	vand.u32 $0x7, v5;
	v4 =	vand.u32 $0xFFFFFFC0, v4  }
0x2c9: {  	[tilespmem:s17], [sflag:$0x2] =	stream.indirect_vreg.gather [hbm4b:s4+s5], $0x80, v3, vm0, $0xb8;
	v4 =	vor.u32 v5, v4;
	[tilespmem:$0x18200] =	vst v63  }
0x2ca: {  	v5 =	vperm.xlane v4, v0  }
0x2cb: {  	[tilespmem:s18], [sflag:$0x2] =	stream.indirect_vreg.gather [hbm4b:s8+s5], $0x80, v3, vm0, $0xb8;
	[tilespmem:$0x18200] =	vst v63  }
0x2cc: {  	v5 =	vadd.s32 v1, v5  }
0x2cd: {  	[tilespmem:s19], [sflag:$0x2] =	stream.indirect_vreg.gather [hbm4b:s9+s5], $0x80, v3, vm0, $0xb8;
	[tilespmem:$0x18200] =	vst v63  }
0x2ce: {  	_ = 	snop  }
0x2cf: {  	[tilespmem:s3], [sflag:$0x2] =	stream.indirect_vreg.gather [hbm4b:s11+s5], $0x80, v3, vm0, $0xb8;
	[tilespmem:$0x18200] =	vst v63  }
0x2d0: {  	_ = 	snop  }
0x2d1: {  	[tilespmem:s10], [sflag:$0x2] =	stream.indirect_vreg.gather [hbm4b:s4+s5], $0x80, v5, vm0, $0xb8;
	[tilespmem:$0x18200] =	vst v63  }
0x2d2: {  	v3 =	vperm.xlane v4, v2  }
0x2d3: {  	[tilespmem:s25], [sflag:$0x2] =	stream.indirect_vreg.gather [hbm4b:s8+s5], $0x80, v5, vm0, $0xb8;
	[tilespmem:$0x18200] =	vst v63  }
0x2d4: {  	v3 =	vadd.s32 v1, v3  }
0x2d5: {  	[tilespmem:s26], [sflag:$0x2] =	stream.indirect_vreg.gather [hbm4b:s9+s5], $0x80, v5, vm0, $0xb8;
	[tilespmem:$0x18200] =	vst v63  }
0x2d6: {  	_ = 	snop  }
0x2d7: {  	[tilespmem:s28], [sflag:$0x2] =	stream.indirect_vreg.gather [hbm4b:s11+s5], $0x80, v5, vm0, $0xb8;
	[tilespmem:$0x18200] =	vst v63  }
0x2d8: {  	_ = 	snop  }
0x2d9: {  	[tilespmem:s29], [sflag:$0x2] =	stream.indirect_vreg.gather [hbm4b:s4+s5], $0x80, v3, vm0, $0xb8;
	[tilespmem:$0x18200] =	vst v63  }
0x2da: {  	_ = 	snop  }
0x2db: {  	[tilespmem:s30], [sflag:$0x2] =	stream.indirect_vreg.gather [hbm4b:s8+s5], $0x80, v3, vm0, $0xb8;
	[tilespmem:$0x18200] =	vst v63  }
0x2dc: {  	_ = 	snop  }
0x2dd: {  	[tilespmem:s31], [sflag:$0x2] =	stream.indirect_vreg.gather [hbm4b:s9+s5], $0x80, v3, vm0, $0xb8;
	[tilespmem:$0x18200] =	vst v63  }
0x2de: {  	_ = 	snop  }
0x2df: {  	[tilespmem:s1], [sflag:$0x2] =	stream.indirect_vreg.gather [hbm4b:s11+s5], $0x80, v3, vm0, $0xb8;
	[tilespmem:$0x18200] =	vst v63  }
0x2e0: {  	_ =	swait.ge [sflag:s22], $0x4000  }
0x2e1: {  	[sflag:s22] =	ssyncset.done $0x0  }
0x2e2: {  	[sflag:s22] =	ssyncadd.s32 $0xFFFFC000  }
0x2e3: {  	v3 =	vld [tilespmem:$0x18140]  }
0x2e4: {  	s7 =	simm.s32 $0x0;
	s6 =	simm.s32 $0x0;
	v4 =	vld [tilespmem:$0x181C0]  }
.LBB2_18:
0x2e5: {  	s13 =	sshll.u32 s6, $0x2;
	s14 =	sand.u32 $0x7, s5  }
0x2e6: {  	s13 =	sand.u32 $0xFFFF8000, s13;
	s14 =	sshll.u32 s14, $0x9  }
0x2e7: {  	s13 =	sor.u32 s14, s13  }
0x2e8: {  	s15 =	sshrl.u32 s13, $0x2  }
0x2e9: {  	s13 =	sor.u32 $0x40, s15  }
0x2ea: {  	v5 =	vmov s7;
	s14 =	sadd.s32 $0x4040, s15;
	v7 =	vld [tilespmem:s13+$0xFFFFFFC0]  }
0x2eb: {  	v5 =	vand.u32 $0xF, v5;
	v8 =	vld [tilespmem:s14+$0xFFFFFFC0]  }
0x2ec: {  	v6 =	vbroadcast v5, $0x0;
	_ =	sdelay $0x1  }
0x2ed: {  	v5 =	vperm.xlane v3, v6;
	v6 =	vperm.xlane v4, v6;
	_ =	sdelay $0x1  }
0x2ee: {  	v7 =	vmul.f32 v7, v5;
	v8 =	vmul.f32 v8, v6;
	_ =	sdelay $0x1  }
0x2ef: {  	v7 =	vadd.f32 v8, v7  }
0x2f0: {  	s15 =	sadd.s32 $0x8040, s15  }
0x2f1: {  	[tilespmem:s15+$0xFFFFFFC0] =	vst v7  }
0x2f2: {  	v7 =	vld [tilespmem:s13+$0xFFFFFFD0]  }
0x2f3: {  	v8 =	vld [tilespmem:s14+$0xFFFFFFD0];
	_ =	sdelay $0x4  }
0x2f4: {  	v7 =	vmul.f32 v7, v5;
	v8 =	vmul.f32 v8, v6;
	_ =	sdelay $0x1  }
0x2f5: {  	v7 =	vadd.f32 v8, v7;
	_ =	sdelay $0x1  }
0x2f6: {  	[tilespmem:s15+$0xFFFFFFD0] =	vst v7  }
0x2f7: {  	v7 =	vld [tilespmem:s13+$0xFFFFFFE0]  }
0x2f8: {  	v8 =	vld [tilespmem:s14+$0xFFFFFFE0];
	_ =	sdelay $0x4  }
0x2f9: {  	v7 =	vmul.f32 v7, v5;
	v8 =	vmul.f32 v8, v6;
	_ =	sdelay $0x1  }
0x2fa: {  	v7 =	vadd.f32 v8, v7;
	_ =	sdelay $0x1  }
0x2fb: {  	[tilespmem:s15+$0xFFFFFFE0] =	vst v7  }
0x2fc: {  	v7 =	vld [tilespmem:s13+$0xFFFFFFF0]  }
0x2fd: {  	v8 =	vld [tilespmem:s14+$0xFFFFFFF0];
	_ =	sdelay $0x4  }
0x2fe: {  	v7 =	vmul.f32 v7, v5;
	v8 =	vmul.f32 v8, v6;
	_ =	sdelay $0x1  }
0x2ff: {  	v7 =	vadd.f32 v8, v7;
	_ =	sdelay $0x1  }
0x300: {  	[tilespmem:s15+$0xFFFFFFF0] =	vst v7  }
0x301: {  	v7 =	vld [tilespmem:s13+$0x0]  }
0x302: {  	v8 =	vld [tilespmem:s14+$0x0];
	_ =	sdelay $0x4  }
0x303: {  	v7 =	vmul.f32 v7, v5;
	v8 =	vmul.f32 v8, v6;
	_ =	sdelay $0x1  }
0x304: {  	v7 =	vadd.f32 v8, v7;
	_ =	sdelay $0x1  }
0x305: {  	[tilespmem:s15+$0x0] =	vst v7  }
0x306: {  	v7 =	vld [tilespmem:s13+$0x10]  }
0x307: {  	v8 =	vld [tilespmem:s14+$0x10];
	_ =	sdelay $0x4  }
0x308: {  	v7 =	vmul.f32 v7, v5;
	v8 =	vmul.f32 v8, v6;
	_ =	sdelay $0x1  }
0x309: {  	v7 =	vadd.f32 v8, v7;
	_ =	sdelay $0x1  }
0x30a: {  	[tilespmem:s15+$0x10] =	vst v7  }
0x30b: {  	v7 =	vld [tilespmem:s13+$0x20]  }
0x30c: {  	v8 =	vld [tilespmem:s14+$0x20];
	_ =	sdelay $0x4  }
0x30d: {  	v7 =	vmul.f32 v7, v5;
	v8 =	vmul.f32 v8, v6;
	_ =	sdelay $0x1  }
0x30e: {  	v7 =	vadd.f32 v8, v7;
	_ =	sdelay $0x1  }
0x30f: {  	[tilespmem:s15+$0x20] =	vst v7  }
0x310: {  	v7 =	vld [tilespmem:s13+$0x30]  }
0x311: {  	v8 =	vld [tilespmem:s14+$0x30]  }
0x312: {  	s16 =	simm.s32 $0x0;
	s17 =	sadd.s32 $0x400, s15  }
.LBB2_19:
0x313: {  	s16 =	sadd.s32 $0x8, s16;
	s13 =	sadd.s32 $0x400, s13;
	s14 =	sadd.s32 $0x400, s14  }
0x314: {  	p0 =	slt.u32 s16, $0x38  }
0x315: {  	v7 =	vmul.f32 v7, v5  }
0x316: {  	v8 =	vmul.f32 v8, v6;
	_ =	sdelay $0x1  }
0x317: {  	v7 =	vadd.f32 v8, v7;
	_ =	sdelay $0x1  }
0x318: {  	[tilespmem:s15+$0x30] =	vst v7;
	s15 =	smov.u32 s17  }
0x319: {  	v7 =	vld [tilespmem:s13+$0xFFFFFFC0]  }
0x31a: {  	v8 =	vld [tilespmem:s14+$0xFFFFFFC0];
	_ =	sdelay $0x4  }
0x31b: {  	v7 =	vmul.f32 v7, v5;
	v8 =	vmul.f32 v8, v6;
	_ =	sdelay $0x1  }
0x31c: {  	v7 =	vadd.f32 v8, v7;
	_ =	sdelay $0x1  }
0x31d: {  	[tilespmem:s17+$0xFFFFFFC0] =	vst v7  }
0x31e: {  	v7 =	vld [tilespmem:s13+$0xFFFFFFD0]  }
0x31f: {  	v8 =	vld [tilespmem:s14+$0xFFFFFFD0];
	_ =	sdelay $0x3  }
0x320: {  	v7 =	vmul.f32 v7, v5  }
0x321: {  	v8 =	vmul.f32 v8, v6;
	_ =	sdelay $0x1  }
0x322: {  	v7 =	vadd.f32 v8, v7;
	_ =	sdelay $0x1  }
0x323: {  	[tilespmem:s17+$0xFFFFFFD0] =	vst v7  }
0x324: {  	v7 =	vld [tilespmem:s13+$0xFFFFFFE0]  }
0x325: {  	v8 =	vld [tilespmem:s14+$0xFFFFFFE0];
	_ =	sdelay $0x3  }
0x326: {  	v7 =	vmul.f32 v7, v5  }
0x327: {  	v8 =	vmul.f32 v8, v6;
	_ =	sdelay $0x1  }
0x328: {  	v7 =	vadd.f32 v8, v7;
	_ =	sdelay $0x1  }
0x329: {  	[tilespmem:s17+$0xFFFFFFE0] =	vst v7  }
0x32a: {  	v7 =	vld [tilespmem:s13+$0xFFFFFFF0]  }
0x32b: {  	v8 =	vld [tilespmem:s14+$0xFFFFFFF0];
	_ =	sdelay $0x3  }
0x32c: {  	v7 =	vmul.f32 v7, v5  }
0x32d: {  	v8 =	vmul.f32 v8, v6;
	_ =	sdelay $0x1  }
0x32e: {  	v7 =	vadd.f32 v8, v7;
	_ =	sdelay $0x1  }
0x32f: {  	[tilespmem:s17+$0xFFFFFFF0] =	vst v7  }
0x330: {  	v7 =	vld [tilespmem:s13+$0x0]  }
0x331: {  	v8 =	vld [tilespmem:s14+$0x0];
	_ =	sdelay $0x3  }
0x332: {  	v7 =	vmul.f32 v7, v5  }
0x333: {  	v8 =	vmul.f32 v8, v6;
	_ =	sdelay $0x1  }
0x334: {  	v7 =	vadd.f32 v8, v7;
	_ =	sdelay $0x1  }
0x335: {  	[tilespmem:s17+$0x0] =	vst v7  }
0x336: {  	v7 =	vld [tilespmem:s13+$0x10]  }
0x337: {  	v8 =	vld [tilespmem:s14+$0x10];
	_ =	sdelay $0x3  }
0x338: {  	v7 =	vmul.f32 v7, v5  }
0x339: {  	v8 =	vmul.f32 v8, v6;
	_ =	sdelay $0x1  }
0x33a: {  	v7 =	vadd.f32 v8, v7;
	_ =	sdelay $0x1  }
0x33b: {  	[tilespmem:s17+$0x10] =	vst v7  }
0x33c: {  	v7 =	vld [tilespmem:s13+$0x20]  }
0x33d: {  	v8 =	vld [tilespmem:s14+$0x20];
	_ =	sdelay $0x3  }
0x33e: {  	v7 =	vmul.f32 v7, v5  }
0x33f: {  	v8 =	vmul.f32 v8, v6;
	_ =	sdelay $0x1  }
0x340: {  	v7 =	vadd.f32 v8, v7  }
.Ltmp8:
0x341: {  	(pc) =	sbr.rel @p0 .LBB2_19-.Ltmp8, $4  }
0x342: {  	[tilespmem:s17+$0x20] =	vst v7  }
0x343: {  	v7 =	vld [tilespmem:s13+$0x30]  }
0x344: {  	v8 =	vld [tilespmem:s14+$0x30]  }
0x345: {  	s17 =	sadd.s32 $0x400, s17  }
0x346: {  	_ = 	snop  }
0x347: {  	s7 =	sadd.s32 $0x1, s7  }
0x348: {  	p0 =	sne.s32 s7, $0x10  }
.Ltmp9:
0x349: {  	v5 =	vmul.f32 v7, v5;
	v6 =	vmul.f32 v8, v6;
	(pc) =	sbr.rel @p0 .LBB2_18-.Ltmp9, $3  }
0x34a: {  	_ = 	snop  }
0x34b: {  	v5 =	vadd.f32 v6, v5;
	_ =	sdelay $0x1  }
0x34c: {  	s6 =	sadd.s32 $0x400, s6;
	s5 =	sadd.s32 $0x1, s5;
	[tilespmem:s15+$0x30] =	vst v5  }
0x34d: {  	s5 =	simm.s32 $0x0;
	s6 =	rddreg [dreg:$0xb]  }
0x34e: {  	[hbm4b:s6+s5] =	stream.linear.scatter [tilespmem:s0], [sflag:$0x3], $0x4000, $0x38;
	[tilespmem:$0x18200] =	vst v63  }
0x34f: {  	_ =	swait.ge [sflag:s20], $0x4000  }
0x350: {  	[sflag:s20] =	ssyncset.done $0x0  }
0x351: {  	[sflag:s20] =	ssyncadd.s32 $0xFFFFC000  }
0x352: {  	_ =	swait.ge [sflag:s20], $0x4000  }
0x353: {  	[sflag:s20] =	ssyncset.done $0x0  }
0x354: {  	[sflag:s20] =	ssyncadd.s32 $0xFFFFC000  }
0x355: {  	v3 =	vld [tilespmem:$0x18060];
	_ =	sdelay $0x4  }
0x356: {  	v4 =	vshll.u32 v3, $0x3  }
0x357: {  	v3 =	vand.u32 $0x7, v3;
	v4 =	vand.u32 $0xFFFFFFC0, v4  }
0x358: {  	v3 =	vor.u32 v3, v4  }
0x359: {  	v4 =	vperm.xlane v3, v0;
	_ =	sdelay $0x1  }
0x35a: {  	v4 =	vadd.s32 v1, v4;
	_ =	sdelay $0x4  }
0x35b: {  	v5 =	vld [tilespmem:$0x180E0];
	[tilespmem:s5], [sflag:$0x1] =	stream.indirect_vreg.gather [hbm4b:s4+s5], $0x80, v4, vm0, $0xb8  }
0x35c: {  	s15 =	simm.s32 $0x800;
	v3 =	vperm.xlane v3, v2  }
0x35d: {  	[tilespmem:s15], [sflag:$0x1] =	stream.indirect_vreg.gather [hbm4b:s8+s5], $0x80, v4, vm0, $0xb8;
	[tilespmem:$0x18200] =	vst v63  }
0x35e: {  	s16 =	simm.s32 $0x1000;
	v3 =	vadd.s32 v1, v3  }
0x35f: {  	[tilespmem:s16], [sflag:$0x1] =	stream.indirect_vreg.gather [hbm4b:s9+s5], $0x80, v4, vm0, $0xb8;
	[tilespmem:$0x18200] =	vst v63  }
0x360: {  	s17 =	simm.s32 $0x1800  }
0x361: {  	[tilespmem:s17], [sflag:$0x1] =	stream.indirect_vreg.gather [hbm4b:s11+s5], $0x80, v4, vm0, $0xb8;
	v4 =	vshll.u32 v5, $0x3;
	[tilespmem:$0x18200] =	vst v63  }
0x362: {  	s7 =	simm.s32 $0x2000;
	v5 =	vand.u32 $0x7, v5;
	v4 =	vand.u32 $0xFFFFFFC0, v4  }
0x363: {  	[tilespmem:s7], [sflag:$0x1] =	stream.indirect_vreg.gather [hbm4b:s4+s5], $0x80, v3, vm0, $0xb8;
	v4 =	vor.u32 v5, v4;
	[tilespmem:$0x18200] =	vst v63  }
0x364: {  	s13 =	simm.s32 $0x2800;
	v5 =	vperm.xlane v4, v0  }
0x365: {  	[tilespmem:s13], [sflag:$0x1] =	stream.indirect_vreg.gather [hbm4b:s8+s5], $0x80, v3, vm0, $0xb8;
	[tilespmem:$0x18200] =	vst v63  }
0x366: {  	s14 =	simm.s32 $0x3000;
	v5 =	vadd.s32 v1, v5  }
0x367: {  	[tilespmem:s14], [sflag:$0x1] =	stream.indirect_vreg.gather [hbm4b:s9+s5], $0x80, v3, vm0, $0xb8;
	[tilespmem:$0x18200] =	vst v63  }
0x368: {  	s15 =	simm.s32 $0x3800  }
0x369: {  	[tilespmem:s15], [sflag:$0x1] =	stream.indirect_vreg.gather [hbm4b:s11+s5], $0x80, v3, vm0, $0xb8;
	[tilespmem:$0x18200] =	vst v63  }
0x36a: {  	s16 =	simm.s32 $0x4000  }
0x36b: {  	[tilespmem:s16], [sflag:$0x1] =	stream.indirect_vreg.gather [hbm4b:s4+s5], $0x80, v5, vm0, $0xb8;
	[tilespmem:$0x18200] =	vst v63  }
0x36c: {  	s17 =	simm.s32 $0x4800;
	v3 =	vperm.xlane v4, v2  }
0x36d: {  	[tilespmem:s17], [sflag:$0x1] =	stream.indirect_vreg.gather [hbm4b:s8+s5], $0x80, v5, vm0, $0xb8;
	[tilespmem:$0x18200] =	vst v63  }
0x36e: {  	s7 =	simm.s32 $0x5000;
	v3 =	vadd.s32 v1, v3  }
0x36f: {  	[tilespmem:s7], [sflag:$0x1] =	stream.indirect_vreg.gather [hbm4b:s9+s5], $0x80, v5, vm0, $0xb8;
	[tilespmem:$0x18200] =	vst v63  }
0x370: {  	s13 =	simm.s32 $0x5800  }
0x371: {  	[tilespmem:s13], [sflag:$0x1] =	stream.indirect_vreg.gather [hbm4b:s11+s5], $0x80, v5, vm0, $0xb8;
	[tilespmem:$0x18200] =	vst v63  }
0x372: {  	s14 =	simm.s32 $0x6000  }
0x373: {  	[tilespmem:s14], [sflag:$0x1] =	stream.indirect_vreg.gather [hbm4b:s4+s5], $0x80, v3, vm0, $0xb8;
	[tilespmem:$0x18200] =	vst v63  }
0x374: {  	s15 =	simm.s32 $0x6800  }
0x375: {  	[tilespmem:s15], [sflag:$0x1] =	stream.indirect_vreg.gather [hbm4b:s8+s5], $0x80, v3, vm0, $0xb8;
	[tilespmem:$0x18200] =	vst v63  }
0x376: {  	s16 =	simm.s32 $0x7000  }
0x377: {  	[tilespmem:s16], [sflag:$0x1] =	stream.indirect_vreg.gather [hbm4b:s9+s5], $0x80, v3, vm0, $0xb8;
	[tilespmem:$0x18200] =	vst v63  }
0x378: {  	s17 =	simm.s32 $0x7800  }
0x379: {  	[tilespmem:s17], [sflag:$0x1] =	stream.indirect_vreg.gather [hbm4b:s11+s5], $0x80, v3, vm0, $0xb8;
	[tilespmem:$0x18200] =	vst v63  }
0x37a: {  	_ =	swait.ge [sflag:s22], $0x4000  }
0x37b: {  	[sflag:s22] =	ssyncset.done $0x0  }
0x37c: {  	[sflag:s22] =	ssyncadd.s32 $0xFFFFC000  }
0x37d: {  	v3 =	vld [tilespmem:$0x18150]  }
0x37e: {  	s6 =	simm.s32 $0x0;
	s7 =	simm.s32 $0x0;
	v4 =	vld [tilespmem:$0x181D0]  }
.LBB2_22:
0x37f: {  	s13 =	sshll.u32 s6, $0x2;
	s14 =	sand.u32 $0x7, s5  }
0x380: {  	s13 =	sand.u32 $0xFFFF8000, s13;
	s14 =	sshll.u32 s14, $0x9  }
0x381: {  	s13 =	sor.u32 s14, s13  }
0x382: {  	s15 =	sshrl.u32 s13, $0x2  }
0x383: {  	s13 =	sadd.s32 $0xC040, s15  }
0x384: {  	v5 =	vmov s7;
	s14 =	sadd.s32 $0x10040, s15;
	v7 =	vld [tilespmem:s13+$0xFFFFFFC0]  }
0x385: {  	v5 =	vand.u32 $0xF, v5;
	v8 =	vld [tilespmem:s14+$0xFFFFFFC0]  }
0x386: {  	v6 =	vbroadcast v5, $0x0;
	_ =	sdelay $0x1  }
0x387: {  	v5 =	vperm.xlane v3, v6;
	v6 =	vperm.xlane v4, v6;
	_ =	sdelay $0x1  }
0x388: {  	v7 =	vmul.f32 v7, v5;
	v8 =	vmul.f32 v8, v6;
	_ =	sdelay $0x1  }
0x389: {  	v7 =	vadd.f32 v8, v7  }
0x38a: {  	s15 =	sadd.s32 $0x14040, s15  }
0x38b: {  	[tilespmem:s15+$0xFFFFFFC0] =	vst v7  }
0x38c: {  	v7 =	vld [tilespmem:s13+$0xFFFFFFD0]  }
0x38d: {  	v8 =	vld [tilespmem:s14+$0xFFFFFFD0];
	_ =	sdelay $0x4  }
0x38e: {  	v7 =	vmul.f32 v7, v5;
	v8 =	vmul.f32 v8, v6;
	_ =	sdelay $0x1  }
0x38f: {  	v7 =	vadd.f32 v8, v7;
	_ =	sdelay $0x1  }
0x390: {  	[tilespmem:s15+$0xFFFFFFD0] =	vst v7  }
0x391: {  	v7 =	vld [tilespmem:s13+$0xFFFFFFE0]  }
0x392: {  	v8 =	vld [tilespmem:s14+$0xFFFFFFE0];
	_ =	sdelay $0x4  }
0x393: {  	v7 =	vmul.f32 v7, v5;
	v8 =	vmul.f32 v8, v6;
	_ =	sdelay $0x1  }
0x394: {  	v7 =	vadd.f32 v8, v7;
	_ =	sdelay $0x1  }
0x395: {  	[tilespmem:s15+$0xFFFFFFE0] =	vst v7  }
0x396: {  	v7 =	vld [tilespmem:s13+$0xFFFFFFF0]  }
0x397: {  	v8 =	vld [tilespmem:s14+$0xFFFFFFF0];
	_ =	sdelay $0x4  }
0x398: {  	v7 =	vmul.f32 v7, v5;
	v8 =	vmul.f32 v8, v6;
	_ =	sdelay $0x1  }
0x399: {  	v7 =	vadd.f32 v8, v7;
	_ =	sdelay $0x1  }
0x39a: {  	[tilespmem:s15+$0xFFFFFFF0] =	vst v7  }
0x39b: {  	v7 =	vld [tilespmem:s13+$0x0]  }
0x39c: {  	v8 =	vld [tilespmem:s14+$0x0];
	_ =	sdelay $0x4  }
0x39d: {  	v7 =	vmul.f32 v7, v5;
	v8 =	vmul.f32 v8, v6;
	_ =	sdelay $0x1  }
0x39e: {  	v7 =	vadd.f32 v8, v7;
	_ =	sdelay $0x1  }
0x39f: {  	[tilespmem:s15+$0x0] =	vst v7  }
0x3a0: {  	v7 =	vld [tilespmem:s13+$0x10]  }
0x3a1: {  	v8 =	vld [tilespmem:s14+$0x10];
	_ =	sdelay $0x4  }
0x3a2: {  	v7 =	vmul.f32 v7, v5;
	v8 =	vmul.f32 v8, v6;
	_ =	sdelay $0x1  }
0x3a3: {  	v7 =	vadd.f32 v8, v7;
	_ =	sdelay $0x1  }
0x3a4: {  	[tilespmem:s15+$0x10] =	vst v7  }
0x3a5: {  	v7 =	vld [tilespmem:s13+$0x20]  }
0x3a6: {  	v8 =	vld [tilespmem:s14+$0x20];
	_ =	sdelay $0x4  }
0x3a7: {  	v7 =	vmul.f32 v7, v5;
	v8 =	vmul.f32 v8, v6;
	_ =	sdelay $0x1  }
0x3a8: {  	v7 =	vadd.f32 v8, v7;
	_ =	sdelay $0x1  }
0x3a9: {  	[tilespmem:s15+$0x20] =	vst v7  }
0x3aa: {  	v7 =	vld [tilespmem:s13+$0x30]  }
0x3ab: {  	v8 =	vld [tilespmem:s14+$0x30]  }
0x3ac: {  	s16 =	simm.s32 $0x0;
	s17 =	sadd.s32 $0x400, s15  }
.LBB2_23:
0x3ad: {  	s16 =	sadd.s32 $0x8, s16;
	s13 =	sadd.s32 $0x400, s13;
	s14 =	sadd.s32 $0x400, s14  }
0x3ae: {  	p0 =	slt.u32 s16, $0x38  }
0x3af: {  	v7 =	vmul.f32 v7, v5  }
0x3b0: {  	v8 =	vmul.f32 v8, v6;
	_ =	sdelay $0x1  }
0x3b1: {  	v7 =	vadd.f32 v8, v7;
	_ =	sdelay $0x1  }
0x3b2: {  	[tilespmem:s15+$0x30] =	vst v7;
	s15 =	smov.u32 s17  }
0x3b3: {  	v7 =	vld [tilespmem:s13+$0xFFFFFFC0]  }
0x3b4: {  	v8 =	vld [tilespmem:s14+$0xFFFFFFC0];
	_ =	sdelay $0x4  }
0x3b5: {  	v7 =	vmul.f32 v7, v5;
	v8 =	vmul.f32 v8, v6;
	_ =	sdelay $0x1  }
0x3b6: {  	v7 =	vadd.f32 v8, v7;
	_ =	sdelay $0x1  }
0x3b7: {  	[tilespmem:s17+$0xFFFFFFC0] =	vst v7  }
0x3b8: {  	v7 =	vld [tilespmem:s13+$0xFFFFFFD0]  }
0x3b9: {  	v8 =	vld [tilespmem:s14+$0xFFFFFFD0];
	_ =	sdelay $0x3  }
0x3ba: {  	v7 =	vmul.f32 v7, v5  }
0x3bb: {  	v8 =	vmul.f32 v8, v6;
	_ =	sdelay $0x1  }
0x3bc: {  	v7 =	vadd.f32 v8, v7;
	_ =	sdelay $0x1  }
0x3bd: {  	[tilespmem:s17+$0xFFFFFFD0] =	vst v7  }
0x3be: {  	v7 =	vld [tilespmem:s13+$0xFFFFFFE0]  }
0x3bf: {  	v8 =	vld [tilespmem:s14+$0xFFFFFFE0];
	_ =	sdelay $0x3  }
0x3c0: {  	v7 =	vmul.f32 v7, v5  }
0x3c1: {  	v8 =	vmul.f32 v8, v6;
	_ =	sdelay $0x1  }
0x3c2: {  	v7 =	vadd.f32 v8, v7;
	_ =	sdelay $0x1  }
0x3c3: {  	[tilespmem:s17+$0xFFFFFFE0] =	vst v7  }
0x3c4: {  	v7 =	vld [tilespmem:s13+$0xFFFFFFF0]  }
0x3c5: {  	v8 =	vld [tilespmem:s14+$0xFFFFFFF0];
	_ =	sdelay $0x3  }
0x3c6: {  	v7 =	vmul.f32 v7, v5  }
0x3c7: {  	v8 =	vmul.f32 v8, v6;
	_ =	sdelay $0x1  }
0x3c8: {  	v7 =	vadd.f32 v8, v7;
	_ =	sdelay $0x1  }
0x3c9: {  	[tilespmem:s17+$0xFFFFFFF0] =	vst v7  }
0x3ca: {  	v7 =	vld [tilespmem:s13+$0x0]  }
0x3cb: {  	v8 =	vld [tilespmem:s14+$0x0];
	_ =	sdelay $0x3  }
0x3cc: {  	v7 =	vmul.f32 v7, v5  }
0x3cd: {  	v8 =	vmul.f32 v8, v6;
	_ =	sdelay $0x1  }
0x3ce: {  	v7 =	vadd.f32 v8, v7;
	_ =	sdelay $0x1  }
0x3cf: {  	[tilespmem:s17+$0x0] =	vst v7  }
0x3d0: {  	v7 =	vld [tilespmem:s13+$0x10]  }
0x3d1: {  	v8 =	vld [tilespmem:s14+$0x10];
	_ =	sdelay $0x3  }
0x3d2: {  	v7 =	vmul.f32 v7, v5  }
0x3d3: {  	v8 =	vmul.f32 v8, v6;
	_ =	sdelay $0x1  }
0x3d4: {  	v7 =	vadd.f32 v8, v7;
	_ =	sdelay $0x1  }
0x3d5: {  	[tilespmem:s17+$0x10] =	vst v7  }
0x3d6: {  	v7 =	vld [tilespmem:s13+$0x20]  }
0x3d7: {  	v8 =	vld [tilespmem:s14+$0x20];
	_ =	sdelay $0x3  }
0x3d8: {  	v7 =	vmul.f32 v7, v5  }
0x3d9: {  	v8 =	vmul.f32 v8, v6;
	_ =	sdelay $0x1  }
0x3da: {  	v7 =	vadd.f32 v8, v7  }
.Ltmp10:
0x3db: {  	(pc) =	sbr.rel @p0 .LBB2_23-.Ltmp10, $4  }
0x3dc: {  	[tilespmem:s17+$0x20] =	vst v7  }
0x3dd: {  	v7 =	vld [tilespmem:s13+$0x30]  }
0x3de: {  	v8 =	vld [tilespmem:s14+$0x30]  }
0x3df: {  	s17 =	sadd.s32 $0x400, s17  }
0x3e0: {  	_ = 	snop  }
0x3e1: {  	s7 =	sadd.s32 $0x1, s7  }
0x3e2: {  	p0 =	sne.s32 s7, $0x10  }
.Ltmp11:
0x3e3: {  	v5 =	vmul.f32 v7, v5;
	v6 =	vmul.f32 v8, v6;
	(pc) =	sbr.rel @p0 .LBB2_22-.Ltmp11, $3  }
0x3e4: {  	_ = 	snop  }
0x3e5: {  	v5 =	vadd.f32 v6, v5;
	_ =	sdelay $0x1  }
0x3e6: {  	s6 =	sadd.s32 $0x400, s6;
	s5 =	sadd.s32 $0x1, s5;
	[tilespmem:s15+$0x30] =	vst v5  }
0x3e7: {  	s5 =	simm.s32 $0x0;
	s6 =	rddreg [dreg:$0xc]  }
0x3e8: {  	[hbm4b:s6+s5] =	stream.linear.scatter [tilespmem:s23], [sflag:$0x3], $0x4000, $0x38;
	[tilespmem:$0x18200] =	vst v63  }
0x3e9: {  	_ =	swait.ge [sflag:s12], $0x4000  }
0x3ea: {  	[sflag:s12] =	ssyncset.done $0x0  }
0x3eb: {  	[sflag:s12] =	ssyncadd.s32 $0xFFFFC000  }
0x3ec: {  	_ =	swait.ge [sflag:s12], $0x4000  }
0x3ed: {  	[sflag:s12] =	ssyncset.done $0x0  }
0x3ee: {  	[sflag:s12] =	ssyncadd.s32 $0xFFFFC000  }
0x3ef: {  	v3 =	vld [tilespmem:$0x18070];
	_ =	sdelay $0x4  }
0x3f0: {  	v4 =	vshll.u32 v3, $0x3  }
0x3f1: {  	v3 =	vand.u32 $0x7, v3;
	v4 =	vand.u32 $0xFFFFFFC0, v4  }
0x3f2: {  	v3 =	vor.u32 v3, v4  }
0x3f3: {  	v4 =	vperm.xlane v3, v0;
	_ =	sdelay $0x1  }
0x3f4: {  	v4 =	vadd.s32 v1, v4;
	_ =	sdelay $0x3  }
0x3f5: {  	s13 =	simm.s32 $0xC000  }
0x3f6: {  	v5 =	vld [tilespmem:$0x180F0];
	[tilespmem:s13], [sflag:$0x2] =	stream.indirect_vreg.gather [hbm4b:s4+s5], $0x80, v4, vm0, $0xb8  }
0x3f7: {  	s14 =	simm.s32 $0xC800;
	v3 =	vperm.xlane v3, v2  }
0x3f8: {  	[tilespmem:s14], [sflag:$0x2] =	stream.indirect_vreg.gather [hbm4b:s8+s5], $0x80, v4, vm0, $0xb8;
	[tilespmem:$0x18200] =	vst v63  }
0x3f9: {  	s15 =	simm.s32 $0xD000;
	v3 =	vadd.s32 v1, v3  }
0x3fa: {  	[tilespmem:s15], [sflag:$0x2] =	stream.indirect_vreg.gather [hbm4b:s9+s5], $0x80, v4, vm0, $0xb8;
	[tilespmem:$0x18200] =	vst v63  }
0x3fb: {  	s16 =	simm.s32 $0xD800  }
0x3fc: {  	[tilespmem:s16], [sflag:$0x2] =	stream.indirect_vreg.gather [hbm4b:s11+s5], $0x80, v4, vm0, $0xb8;
	v4 =	vshll.u32 v5, $0x3;
	[tilespmem:$0x18200] =	vst v63  }
0x3fd: {  	s17 =	simm.s32 $0xE000;
	v5 =	vand.u32 $0x7, v5;
	v4 =	vand.u32 $0xFFFFFFC0, v4  }
0x3fe: {  	[tilespmem:s17], [sflag:$0x2] =	stream.indirect_vreg.gather [hbm4b:s4+s5], $0x80, v3, vm0, $0xb8;
	v4 =	vor.u32 v5, v4;
	[tilespmem:$0x18200] =	vst v63  }
0x3ff: {  	v5 =	vperm.xlane v4, v0  }
0x400: {  	[tilespmem:s18], [sflag:$0x2] =	stream.indirect_vreg.gather [hbm4b:s8+s5], $0x80, v3, vm0, $0xb8;
	[tilespmem:$0x18200] =	vst v63  }
0x401: {  	v5 =	vadd.s32 v1, v5  }
0x402: {  	[tilespmem:s19], [sflag:$0x2] =	stream.indirect_vreg.gather [hbm4b:s9+s5], $0x80, v3, vm0, $0xb8;
	[tilespmem:$0x18200] =	vst v63  }
0x403: {  	_ = 	snop  }
0x404: {  	[tilespmem:s3], [sflag:$0x2] =	stream.indirect_vreg.gather [hbm4b:s11+s5], $0x80, v3, vm0, $0xb8;
	[tilespmem:$0x18200] =	vst v63  }
0x405: {  	_ = 	snop  }
0x406: {  	[tilespmem:s10], [sflag:$0x2] =	stream.indirect_vreg.gather [hbm4b:s4+s5], $0x80, v5, vm0, $0xb8;
	[tilespmem:$0x18200] =	vst v63  }
0x407: {  	v3 =	vperm.xlane v4, v2  }
0x408: {  	[tilespmem:s25], [sflag:$0x2] =	stream.indirect_vreg.gather [hbm4b:s8+s5], $0x80, v5, vm0, $0xb8;
	[tilespmem:$0x18200] =	vst v63  }
0x409: {  	v3 =	vadd.s32 v1, v3  }
0x40a: {  	[tilespmem:s26], [sflag:$0x2] =	stream.indirect_vreg.gather [hbm4b:s9+s5], $0x80, v5, vm0, $0xb8;
	[tilespmem:$0x18200] =	vst v63  }
0x40b: {  	_ = 	snop  }
0x40c: {  	[tilespmem:s28], [sflag:$0x2] =	stream.indirect_vreg.gather [hbm4b:s11+s5], $0x80, v5, vm0, $0xb8;
	[tilespmem:$0x18200] =	vst v63  }
0x40d: {  	_ = 	snop  }
0x40e: {  	[tilespmem:s29], [sflag:$0x2] =	stream.indirect_vreg.gather [hbm4b:s4+s5], $0x80, v3, vm0, $0xb8;
	[tilespmem:$0x18200] =	vst v63  }
0x40f: {  	_ = 	snop  }
0x410: {  	[tilespmem:s30], [sflag:$0x2] =	stream.indirect_vreg.gather [hbm4b:s8+s5], $0x80, v3, vm0, $0xb8;
	[tilespmem:$0x18200] =	vst v63  }
0x411: {  	_ = 	snop  }
0x412: {  	[tilespmem:s31], [sflag:$0x2] =	stream.indirect_vreg.gather [hbm4b:s9+s5], $0x80, v3, vm0, $0xb8;
	[tilespmem:$0x18200] =	vst v63  }
0x413: {  	_ = 	snop  }
0x414: {  	[tilespmem:s1], [sflag:$0x2] =	stream.indirect_vreg.gather [hbm4b:s11+s5], $0x80, v3, vm0, $0xb8;
	[tilespmem:$0x18200] =	vst v63  }
0x415: {  	_ =	swait.ge [sflag:s22], $0x4000  }
0x416: {  	[sflag:s22] =	ssyncset.done $0x0  }
0x417: {  	[sflag:s22] =	ssyncadd.s32 $0xFFFFC000  }
0x418: {  	v3 =	vld [tilespmem:$0x18160]  }
0x419: {  	s7 =	simm.s32 $0x0;
	s6 =	simm.s32 $0x0;
	v4 =	vld [tilespmem:$0x181E0]  }
.LBB2_26:
0x41a: {  	s13 =	sshll.u32 s6, $0x2;
	s14 =	sand.u32 $0x7, s5  }
0x41b: {  	s13 =	sand.u32 $0xFFFF8000, s13;
	s14 =	sshll.u32 s14, $0x9  }
0x41c: {  	s13 =	sor.u32 s14, s13  }
0x41d: {  	s15 =	sshrl.u32 s13, $0x2  }
0x41e: {  	s13 =	sor.u32 $0x40, s15  }
0x41f: {  	v5 =	vmov s7;
	s14 =	sadd.s32 $0x4040, s15;
	v7 =	vld [tilespmem:s13+$0xFFFFFFC0]  }
0x420: {  	v5 =	vand.u32 $0xF, v5;
	v8 =	vld [tilespmem:s14+$0xFFFFFFC0]  }
0x421: {  	v6 =	vbroadcast v5, $0x0;
	_ =	sdelay $0x1  }
0x422: {  	v5 =	vperm.xlane v3, v6;
	v6 =	vperm.xlane v4, v6;
	_ =	sdelay $0x1  }
0x423: {  	v7 =	vmul.f32 v7, v5;
	v8 =	vmul.f32 v8, v6;
	_ =	sdelay $0x1  }
0x424: {  	v7 =	vadd.f32 v8, v7  }
0x425: {  	s15 =	sadd.s32 $0x8040, s15  }
0x426: {  	[tilespmem:s15+$0xFFFFFFC0] =	vst v7  }
0x427: {  	v7 =	vld [tilespmem:s13+$0xFFFFFFD0]  }
0x428: {  	v8 =	vld [tilespmem:s14+$0xFFFFFFD0];
	_ =	sdelay $0x4  }
0x429: {  	v7 =	vmul.f32 v7, v5;
	v8 =	vmul.f32 v8, v6;
	_ =	sdelay $0x1  }
0x42a: {  	v7 =	vadd.f32 v8, v7;
	_ =	sdelay $0x1  }
0x42b: {  	[tilespmem:s15+$0xFFFFFFD0] =	vst v7  }
0x42c: {  	v7 =	vld [tilespmem:s13+$0xFFFFFFE0]  }
0x42d: {  	v8 =	vld [tilespmem:s14+$0xFFFFFFE0];
	_ =	sdelay $0x4  }
0x42e: {  	v7 =	vmul.f32 v7, v5;
	v8 =	vmul.f32 v8, v6;
	_ =	sdelay $0x1  }
0x42f: {  	v7 =	vadd.f32 v8, v7;
	_ =	sdelay $0x1  }
0x430: {  	[tilespmem:s15+$0xFFFFFFE0] =	vst v7  }
0x431: {  	v7 =	vld [tilespmem:s13+$0xFFFFFFF0]  }
0x432: {  	v8 =	vld [tilespmem:s14+$0xFFFFFFF0];
	_ =	sdelay $0x4  }
0x433: {  	v7 =	vmul.f32 v7, v5;
	v8 =	vmul.f32 v8, v6;
	_ =	sdelay $0x1  }
0x434: {  	v7 =	vadd.f32 v8, v7;
	_ =	sdelay $0x1  }
0x435: {  	[tilespmem:s15+$0xFFFFFFF0] =	vst v7  }
0x436: {  	v7 =	vld [tilespmem:s13+$0x0]  }
0x437: {  	v8 =	vld [tilespmem:s14+$0x0];
	_ =	sdelay $0x4  }
0x438: {  	v7 =	vmul.f32 v7, v5;
	v8 =	vmul.f32 v8, v6;
	_ =	sdelay $0x1  }
0x439: {  	v7 =	vadd.f32 v8, v7;
	_ =	sdelay $0x1  }
0x43a: {  	[tilespmem:s15+$0x0] =	vst v7  }
0x43b: {  	v7 =	vld [tilespmem:s13+$0x10]  }
0x43c: {  	v8 =	vld [tilespmem:s14+$0x10];
	_ =	sdelay $0x4  }
0x43d: {  	v7 =	vmul.f32 v7, v5;
	v8 =	vmul.f32 v8, v6;
	_ =	sdelay $0x1  }
0x43e: {  	v7 =	vadd.f32 v8, v7;
	_ =	sdelay $0x1  }
0x43f: {  	[tilespmem:s15+$0x10] =	vst v7  }
0x440: {  	v7 =	vld [tilespmem:s13+$0x20]  }
0x441: {  	v8 =	vld [tilespmem:s14+$0x20];
	_ =	sdelay $0x4  }
0x442: {  	v7 =	vmul.f32 v7, v5;
	v8 =	vmul.f32 v8, v6;
	_ =	sdelay $0x1  }
0x443: {  	v7 =	vadd.f32 v8, v7;
	_ =	sdelay $0x1  }
0x444: {  	[tilespmem:s15+$0x20] =	vst v7  }
0x445: {  	v7 =	vld [tilespmem:s13+$0x30]  }
0x446: {  	v8 =	vld [tilespmem:s14+$0x30]  }
0x447: {  	s16 =	simm.s32 $0x0;
	s17 =	sadd.s32 $0x400, s15  }
.LBB2_27:
0x448: {  	s16 =	sadd.s32 $0x8, s16;
	s13 =	sadd.s32 $0x400, s13;
	s14 =	sadd.s32 $0x400, s14  }
0x449: {  	p0 =	slt.u32 s16, $0x38  }
0x44a: {  	v7 =	vmul.f32 v7, v5  }
0x44b: {  	v8 =	vmul.f32 v8, v6;
	_ =	sdelay $0x1  }
0x44c: {  	v7 =	vadd.f32 v8, v7;
	_ =	sdelay $0x1  }
0x44d: {  	[tilespmem:s15+$0x30] =	vst v7;
	s15 =	smov.u32 s17  }
0x44e: {  	v7 =	vld [tilespmem:s13+$0xFFFFFFC0]  }
0x44f: {  	v8 =	vld [tilespmem:s14+$0xFFFFFFC0];
	_ =	sdelay $0x4  }
0x450: {  	v7 =	vmul.f32 v7, v5;
	v8 =	vmul.f32 v8, v6;
	_ =	sdelay $0x1  }
0x451: {  	v7 =	vadd.f32 v8, v7;
	_ =	sdelay $0x1  }
0x452: {  	[tilespmem:s17+$0xFFFFFFC0] =	vst v7  }
0x453: {  	v7 =	vld [tilespmem:s13+$0xFFFFFFD0]  }
0x454: {  	v8 =	vld [tilespmem:s14+$0xFFFFFFD0];
	_ =	sdelay $0x3  }
0x455: {  	v7 =	vmul.f32 v7, v5  }
0x456: {  	v8 =	vmul.f32 v8, v6;
	_ =	sdelay $0x1  }
0x457: {  	v7 =	vadd.f32 v8, v7;
	_ =	sdelay $0x1  }
0x458: {  	[tilespmem:s17+$0xFFFFFFD0] =	vst v7  }
0x459: {  	v7 =	vld [tilespmem:s13+$0xFFFFFFE0]  }
0x45a: {  	v8 =	vld [tilespmem:s14+$0xFFFFFFE0];
	_ =	sdelay $0x3  }
0x45b: {  	v7 =	vmul.f32 v7, v5  }
0x45c: {  	v8 =	vmul.f32 v8, v6;
	_ =	sdelay $0x1  }
0x45d: {  	v7 =	vadd.f32 v8, v7;
	_ =	sdelay $0x1  }
0x45e: {  	[tilespmem:s17+$0xFFFFFFE0] =	vst v7  }
0x45f: {  	v7 =	vld [tilespmem:s13+$0xFFFFFFF0]  }
0x460: {  	v8 =	vld [tilespmem:s14+$0xFFFFFFF0];
	_ =	sdelay $0x3  }
0x461: {  	v7 =	vmul.f32 v7, v5  }
0x462: {  	v8 =	vmul.f32 v8, v6;
	_ =	sdelay $0x1  }
0x463: {  	v7 =	vadd.f32 v8, v7;
	_ =	sdelay $0x1  }
0x464: {  	[tilespmem:s17+$0xFFFFFFF0] =	vst v7  }
0x465: {  	v7 =	vld [tilespmem:s13+$0x0]  }
0x466: {  	v8 =	vld [tilespmem:s14+$0x0];
	_ =	sdelay $0x3  }
0x467: {  	v7 =	vmul.f32 v7, v5  }
0x468: {  	v8 =	vmul.f32 v8, v6;
	_ =	sdelay $0x1  }
0x469: {  	v7 =	vadd.f32 v8, v7;
	_ =	sdelay $0x1  }
0x46a: {  	[tilespmem:s17+$0x0] =	vst v7  }
0x46b: {  	v7 =	vld [tilespmem:s13+$0x10]  }
0x46c: {  	v8 =	vld [tilespmem:s14+$0x10];
	_ =	sdelay $0x3  }
0x46d: {  	v7 =	vmul.f32 v7, v5  }
0x46e: {  	v8 =	vmul.f32 v8, v6;
	_ =	sdelay $0x1  }
0x46f: {  	v7 =	vadd.f32 v8, v7;
	_ =	sdelay $0x1  }
0x470: {  	[tilespmem:s17+$0x10] =	vst v7  }
0x471: {  	v7 =	vld [tilespmem:s13+$0x20]  }
0x472: {  	v8 =	vld [tilespmem:s14+$0x20];
	_ =	sdelay $0x3  }
0x473: {  	v7 =	vmul.f32 v7, v5  }
0x474: {  	v8 =	vmul.f32 v8, v6;
	_ =	sdelay $0x1  }
0x475: {  	v7 =	vadd.f32 v8, v7  }
.Ltmp12:
0x476: {  	(pc) =	sbr.rel @p0 .LBB2_27-.Ltmp12, $4  }
0x477: {  	[tilespmem:s17+$0x20] =	vst v7  }
0x478: {  	v7 =	vld [tilespmem:s13+$0x30]  }
0x479: {  	v8 =	vld [tilespmem:s14+$0x30]  }
0x47a: {  	s17 =	sadd.s32 $0x400, s17  }
0x47b: {  	_ = 	snop  }
0x47c: {  	s7 =	sadd.s32 $0x1, s7  }
0x47d: {  	p0 =	sne.s32 s7, $0x10  }
.Ltmp13:
0x47e: {  	v5 =	vmul.f32 v7, v5;
	v6 =	vmul.f32 v8, v6;
	(pc) =	sbr.rel @p0 .LBB2_26-.Ltmp13, $3  }
0x47f: {  	_ = 	snop  }
0x480: {  	v5 =	vadd.f32 v6, v5;
	_ =	sdelay $0x1  }
0x481: {  	s6 =	sadd.s32 $0x400, s6;
	s5 =	sadd.s32 $0x1, s5;
	[tilespmem:s15+$0x30] =	vst v5  }
0x482: {  	s5 =	simm.s32 $0x0;
	s6 =	rddreg [dreg:$0xd]  }
0x483: {  	[hbm4b:s6+s5] =	stream.linear.scatter [tilespmem:s0], [sflag:$0x3], $0x4000, $0x38;
	[tilespmem:$0x18200] =	vst v63  }
0x484: {  	_ =	swait.ge [sflag:s20], $0x4000  }
0x485: {  	[sflag:s20] =	ssyncset.done $0x0  }
0x486: {  	[sflag:s20] =	ssyncadd.s32 $0xFFFFC000  }
0x487: {  	_ =	swait.ge [sflag:s20], $0x4000  }
0x488: {  	[sflag:s20] =	ssyncset.done $0x0  }
0x489: {  	[sflag:s20] =	ssyncadd.s32 $0xFFFFC000  }
0x48a: {  	_ =	swait.ge [sflag:s22], $0x4000  }
0x48b: {  	[sflag:s22] =	ssyncset.done $0x0  }
0x48c: {  	[sflag:s22] =	ssyncadd.s32 $0xFFFFC000  }
0x48d: {  	v3 =	vld [tilespmem:$0x18170]  }
0x48e: {  	s7 =	simm.s32 $0x0;
	s6 =	simm.s32 $0x0;
	v4 =	vld [tilespmem:$0x181F0]  }
.LBB2_30:
0x48f: {  	s13 =	sshll.u32 s6, $0x2;
	s14 =	sand.u32 $0x7, s5  }
0x490: {  	s13 =	sand.u32 $0xFFFF8000, s13;
	s14 =	sshll.u32 s14, $0x9  }
0x491: {  	s13 =	sor.u32 s14, s13  }
0x492: {  	s15 =	sshrl.u32 s13, $0x2  }
0x493: {  	s13 =	sadd.s32 $0xC040, s15  }
0x494: {  	v5 =	vmov s7;
	s14 =	sadd.s32 $0x10040, s15;
	v7 =	vld [tilespmem:s13+$0xFFFFFFC0]  }
0x495: {  	v5 =	vand.u32 $0xF, v5;
	v8 =	vld [tilespmem:s14+$0xFFFFFFC0]  }
0x496: {  	v6 =	vbroadcast v5, $0x0;
	_ =	sdelay $0x1  }
0x497: {  	v5 =	vperm.xlane v3, v6;
	v6 =	vperm.xlane v4, v6;
	_ =	sdelay $0x1  }
0x498: {  	v7 =	vmul.f32 v7, v5;
	v8 =	vmul.f32 v8, v6;
	_ =	sdelay $0x1  }
0x499: {  	v7 =	vadd.f32 v8, v7  }
0x49a: {  	s15 =	sadd.s32 $0x14040, s15  }
0x49b: {  	[tilespmem:s15+$0xFFFFFFC0] =	vst v7  }
0x49c: {  	v7 =	vld [tilespmem:s13+$0xFFFFFFD0]  }
0x49d: {  	v8 =	vld [tilespmem:s14+$0xFFFFFFD0];
	_ =	sdelay $0x4  }
0x49e: {  	v7 =	vmul.f32 v7, v5;
	v8 =	vmul.f32 v8, v6;
	_ =	sdelay $0x1  }
0x49f: {  	v7 =	vadd.f32 v8, v7;
	_ =	sdelay $0x1  }
0x4a0: {  	[tilespmem:s15+$0xFFFFFFD0] =	vst v7  }
0x4a1: {  	v7 =	vld [tilespmem:s13+$0xFFFFFFE0]  }
0x4a2: {  	v8 =	vld [tilespmem:s14+$0xFFFFFFE0];
	_ =	sdelay $0x4  }
0x4a3: {  	v7 =	vmul.f32 v7, v5;
	v8 =	vmul.f32 v8, v6;
	_ =	sdelay $0x1  }
0x4a4: {  	v7 =	vadd.f32 v8, v7;
	_ =	sdelay $0x1  }
0x4a5: {  	[tilespmem:s15+$0xFFFFFFE0] =	vst v7  }
0x4a6: {  	v7 =	vld [tilespmem:s13+$0xFFFFFFF0]  }
0x4a7: {  	v8 =	vld [tilespmem:s14+$0xFFFFFFF0];
	_ =	sdelay $0x4  }
0x4a8: {  	v7 =	vmul.f32 v7, v5;
	v8 =	vmul.f32 v8, v6;
	_ =	sdelay $0x1  }
0x4a9: {  	v7 =	vadd.f32 v8, v7;
	_ =	sdelay $0x1  }
0x4aa: {  	[tilespmem:s15+$0xFFFFFFF0] =	vst v7  }
0x4ab: {  	v7 =	vld [tilespmem:s13+$0x0]  }
0x4ac: {  	v8 =	vld [tilespmem:s14+$0x0];
	_ =	sdelay $0x4  }
0x4ad: {  	v7 =	vmul.f32 v7, v5;
	v8 =	vmul.f32 v8, v6;
	_ =	sdelay $0x1  }
0x4ae: {  	v7 =	vadd.f32 v8, v7;
	_ =	sdelay $0x1  }
0x4af: {  	[tilespmem:s15+$0x0] =	vst v7  }
0x4b0: {  	v7 =	vld [tilespmem:s13+$0x10]  }
0x4b1: {  	v8 =	vld [tilespmem:s14+$0x10];
	_ =	sdelay $0x4  }
0x4b2: {  	v7 =	vmul.f32 v7, v5;
	v8 =	vmul.f32 v8, v6;
	_ =	sdelay $0x1  }
0x4b3: {  	v7 =	vadd.f32 v8, v7;
	_ =	sdelay $0x1  }
0x4b4: {  	[tilespmem:s15+$0x10] =	vst v7  }
0x4b5: {  	v7 =	vld [tilespmem:s13+$0x20]  }
0x4b6: {  	v8 =	vld [tilespmem:s14+$0x20];
	_ =	sdelay $0x4  }
0x4b7: {  	v7 =	vmul.f32 v7, v5;
	v8 =	vmul.f32 v8, v6;
	_ =	sdelay $0x1  }
0x4b8: {  	v7 =	vadd.f32 v8, v7;
	_ =	sdelay $0x1  }
0x4b9: {  	[tilespmem:s15+$0x20] =	vst v7  }
0x4ba: {  	v7 =	vld [tilespmem:s13+$0x30]  }
0x4bb: {  	v8 =	vld [tilespmem:s14+$0x30]  }
0x4bc: {  	s16 =	simm.s32 $0x0;
	s17 =	sadd.s32 $0x400, s15  }
.LBB2_31:
0x4bd: {  	s16 =	sadd.s32 $0x8, s16;
	s13 =	sadd.s32 $0x400, s13;
	s14 =	sadd.s32 $0x400, s14  }
0x4be: {  	p0 =	slt.u32 s16, $0x38  }
0x4bf: {  	v7 =	vmul.f32 v7, v5  }
0x4c0: {  	v8 =	vmul.f32 v8, v6;
	_ =	sdelay $0x1  }
0x4c1: {  	v7 =	vadd.f32 v8, v7;
	_ =	sdelay $0x1  }
0x4c2: {  	[tilespmem:s15+$0x30] =	vst v7;
	s15 =	smov.u32 s17  }
0x4c3: {  	v7 =	vld [tilespmem:s13+$0xFFFFFFC0]  }
0x4c4: {  	v8 =	vld [tilespmem:s14+$0xFFFFFFC0];
	_ =	sdelay $0x4  }
0x4c5: {  	v7 =	vmul.f32 v7, v5;
	v8 =	vmul.f32 v8, v6;
	_ =	sdelay $0x1  }
0x4c6: {  	v7 =	vadd.f32 v8, v7;
	_ =	sdelay $0x1  }
0x4c7: {  	[tilespmem:s17+$0xFFFFFFC0] =	vst v7  }
0x4c8: {  	v7 =	vld [tilespmem:s13+$0xFFFFFFD0]  }
0x4c9: {  	v8 =	vld [tilespmem:s14+$0xFFFFFFD0];
	_ =	sdelay $0x3  }
0x4ca: {  	v7 =	vmul.f32 v7, v5  }
0x4cb: {  	v8 =	vmul.f32 v8, v6;
	_ =	sdelay $0x1  }
0x4cc: {  	v7 =	vadd.f32 v8, v7;
	_ =	sdelay $0x1  }
0x4cd: {  	[tilespmem:s17+$0xFFFFFFD0] =	vst v7  }
0x4ce: {  	v7 =	vld [tilespmem:s13+$0xFFFFFFE0]  }
0x4cf: {  	v8 =	vld [tilespmem:s14+$0xFFFFFFE0];
	_ =	sdelay $0x3  }
0x4d0: {  	v7 =	vmul.f32 v7, v5  }
0x4d1: {  	v8 =	vmul.f32 v8, v6;
	_ =	sdelay $0x1  }
0x4d2: {  	v7 =	vadd.f32 v8, v7;
	_ =	sdelay $0x1  }
0x4d3: {  	[tilespmem:s17+$0xFFFFFFE0] =	vst v7  }
0x4d4: {  	v7 =	vld [tilespmem:s13+$0xFFFFFFF0]  }
0x4d5: {  	v8 =	vld [tilespmem:s14+$0xFFFFFFF0];
	_ =	sdelay $0x3  }
0x4d6: {  	v7 =	vmul.f32 v7, v5  }
0x4d7: {  	v8 =	vmul.f32 v8, v6;
	_ =	sdelay $0x1  }
0x4d8: {  	v7 =	vadd.f32 v8, v7;
	_ =	sdelay $0x1  }
0x4d9: {  	[tilespmem:s17+$0xFFFFFFF0] =	vst v7  }
0x4da: {  	v7 =	vld [tilespmem:s13+$0x0]  }
0x4db: {  	v8 =	vld [tilespmem:s14+$0x0];
	_ =	sdelay $0x3  }
0x4dc: {  	v7 =	vmul.f32 v7, v5  }
0x4dd: {  	v8 =	vmul.f32 v8, v6;
	_ =	sdelay $0x1  }
0x4de: {  	v7 =	vadd.f32 v8, v7;
	_ =	sdelay $0x1  }
0x4df: {  	[tilespmem:s17+$0x0] =	vst v7  }
0x4e0: {  	v7 =	vld [tilespmem:s13+$0x10]  }
0x4e1: {  	v8 =	vld [tilespmem:s14+$0x10];
	_ =	sdelay $0x3  }
0x4e2: {  	v7 =	vmul.f32 v7, v5  }
0x4e3: {  	v8 =	vmul.f32 v8, v6;
	_ =	sdelay $0x1  }
0x4e4: {  	v7 =	vadd.f32 v8, v7;
	_ =	sdelay $0x1  }
0x4e5: {  	[tilespmem:s17+$0x10] =	vst v7  }
0x4e6: {  	v7 =	vld [tilespmem:s13+$0x20]  }
0x4e7: {  	v8 =	vld [tilespmem:s14+$0x20];
	_ =	sdelay $0x3  }
0x4e8: {  	v7 =	vmul.f32 v7, v5  }
0x4e9: {  	v8 =	vmul.f32 v8, v6;
	_ =	sdelay $0x1  }
0x4ea: {  	v7 =	vadd.f32 v8, v7  }
.Ltmp14:
0x4eb: {  	(pc) =	sbr.rel @p0 .LBB2_31-.Ltmp14, $4  }
0x4ec: {  	[tilespmem:s17+$0x20] =	vst v7  }
0x4ed: {  	v7 =	vld [tilespmem:s13+$0x30]  }
0x4ee: {  	v8 =	vld [tilespmem:s14+$0x30]  }
0x4ef: {  	s17 =	sadd.s32 $0x400, s17  }
0x4f0: {  	_ = 	snop  }
0x4f1: {  	s7 =	sadd.s32 $0x1, s7  }
0x4f2: {  	p0 =	sne.s32 s7, $0x10  }
.Ltmp15:
0x4f3: {  	v5 =	vmul.f32 v7, v5;
	v6 =	vmul.f32 v8, v6;
	(pc) =	sbr.rel @p0 .LBB2_30-.Ltmp15, $3  }
0x4f4: {  	_ = 	snop  }
0x4f5: {  	v5 =	vadd.f32 v6, v5;
	_ =	sdelay $0x1  }
0x4f6: {  	s6 =	sadd.s32 $0x400, s6;
	s5 =	sadd.s32 $0x1, s5;
	[tilespmem:s15+$0x30] =	vst v5  }
0x4f7: {  	s5 =	rddreg [dreg:$0xe]  }
0x4f8: {  	[hbm4b:s5+s2] =	stream.linear.scatter [tilespmem:s23], [sflag:$0x3], $0x4000, $0x38;
	[tilespmem:$0x18200] =	vst v63  }
0x4f9: {  	_ =	swait.ge [sflag:s22], $0x4000  }
0x4fa: {  	s24 =	sadd.s32 $0x1, s24;
	s17 =	rddreg [dreg:$0xf]  }
0x4fb: {  	p0 =	sne.s32 s24, s17  }
.Ltmp16:
0x4fc: {  	_ = 	snop;
	(pc) =	sbr.rel @p0 .LBB2_1-.Ltmp16, $3  }
0x4fd: {  	_ =	sdelay $0x1  }
0x4fe: {  	[sflag:s22] =	ssyncset.done $0x0  }
0x4ff: {  	[sflag:s22] =	ssyncadd.s32 $0xFFFFC000  }
0x500: {  	_ =	sfence.sel $0x180000  }
0x501: {  	[bflag:$0x0] =	sbarrier.arrive $0xFFFF  }
0x502: {  	_ =	strace $0x9000004A  }
0x503: {  	s0 =	stileid.u32;
	[bflag:$0x2] =	sbarrier.arrive $0xFFFF  }
0x504: {  	p0 =	sne.s32 s0, $0x0;
	s0 =	rddreg [dreg:$0x2]  }
0x505: {  	s0 =	sadd.s32 @!p0 $0x100000, s0  }
0x506: {  	[sflag:s0] =	ssyncadd.tile.s32 @!p0 $0x1;
	_ =	shalt  }
.Lfunc_end2:
_tile_overlayer_lowered:
.L_overlay_start_2:
0x507: {  	(tag) =	ssettag $0x2  }
0x508: {  	s0 =	rddreg [dreg:$0x0];
	s2 =	stileid.u32  }
0x509: {  	s1 =	rddreg [dreg:$0x1];
	p0 =	sne.s32 s2, $0x0  }
0x50a: {  	s3 =	rddreg [dreg:$0x2];
	[bflag:$0x3] =	sbarrier.arrive $0xFFFF;
	s2 =	simm.s32 @!p0 $0x1C04  }
0x50b: {  	[timem:s3], [sflag:s2] =	dma.local @!p0 [hbm:s0], s1  }
0x50c: {  	s0 =	simm.s32 @!p0 $0x4  }
0x50d: {  	_ =	swait.ge @!p0 [sflag:s0], s1  }
0x50e: {  	s1 =	ssub.s32 @!p0 $0x0, s1;
	[sflag:s0] =	ssyncset.done @!p0 $0x0  }
0x50f: {  	[sflag:s0] =	ssyncadd.s32 @!p0 s1  }
0x510: {  	[bflag:$0x3] =	sbarrier.arrive $0xFFFF  }
0x511: {  	_ =	shalt  }

</sc_bundles>
